<compile_context>
chip_gen: v7x
topology: tpu7x:2x2x1
jax: 0.10.2.dev20260603
libtpu: 0.0.44.dev20260713+nightly
codegen_flags: <defaults>
</compile_context>

<pallas_src>
import functools

import jax
import jax.numpy as jnp
from jax import lax
from jax.experimental import pallas as pl
from jax.experimental.pallas import tpu as pltpu
from jax.experimental.pallas import tpu_sc as plsc

_K = 1024
_D = 64
_CCOST = 0.25


def _vq_idx_block(x_ref, cb_ref, idx_ref, loss_ref):
    x = x_ref[0]
    cb = cb_ref[...]
    csq = jnp.sum(cb * cb, axis=1, keepdims=True)
    xsq = jnp.sum(x * x, axis=0)
    prod = jax.lax.dot_general(
        cb, x, (((1,), (0,)), ((), ())),
        preferred_element_type=jnp.float32)
    score = (xsq[None, :] + csq) - 2.0 * prod
    m = jnp.min(score, axis=0)
    kiota = jax.lax.broadcasted_iota(jnp.int32, score.shape, 0)
    idx = jnp.min(jnp.where(score == m[None, :], kiota, _K), axis=0)
    idx_ref[0, 0] = idx
    loss_ref[0, 0] = jnp.broadcast_to(jnp.sum(m), (128,))


def _make_sc_gather(B, C, T):
    mesh = plsc.VectorSubcoreMesh(core_axis_name="c", subcore_axis_name="s")
    nparts = 4
    part = T // nparts

    @functools.partial(
        pl.kernel,
        out_type=jax.ShapeDtypeStruct((B, C, T), jnp.float32),
        mesh=mesh,
        scratch_types=[
            pltpu.VMEM((_K, _D), jnp.float32),
            pltpu.VMEM((T,), jnp.int32),
            pltpu.VMEM((C, part), jnp.float32),
        ],
        compiler_params=pltpu.CompilerParams(
            needs_layout_passes=False, use_tc_tiling_on_sc=False),
    )
    def sc_gather(cb_hbm, idx_hbm, out_hbm, cb_v, idx_v, buf_v):
        ncores = lax.axis_index("c")
        wid = lax.axis_index("s") * 2 + ncores

        @pl.when(wid < B)
        def _():
            pltpu.sync_copy(cb_hbm, cb_v)
            pltpu.sync_copy(idx_hbm.at[wid], idx_v)
            for h in range(nparts):
                def chunk(tc, carry):
                    t0 = h * part + tc * 16
                    rows = idx_v[pl.ds(t0, 16)]
                    for c in range(C):
                        col = jnp.full((16,), c, jnp.int32)
                        vals = plsc.load_gather(cb_v, [rows, col])
                        buf_v[c, pl.ds(tc * 16, 16)] = vals
                    return carry
                lax.fori_loop(0, part // 16, chunk, 0, unroll=False)
                pltpu.sync_copy(
                    buf_v, out_hbm.at[wid, :, pl.ds(h * part, part)])

    return sc_gather


def kernel(inputs, codebook):
    B, C, H, W = inputs.shape
    T = H * W
    x3 = inputs.reshape(B, C, T)
    idx, loss = pl.pallas_call(
        _vq_idx_block,
        grid=(B,),
        in_specs=[
            pl.BlockSpec((1, C, T), lambda b: (b, 0, 0)),
            pl.BlockSpec((_K, _D), lambda b: (0, 0)),
        ],
        out_specs=[
            pl.BlockSpec((1, 1, T), lambda b: (b, 0, 0)),
            pl.BlockSpec((1, 1, 128), lambda b: (b, 0, 0)),
        ],
        out_shape=[
            jax.ShapeDtypeStruct((B, 1, T), jnp.int32),
            jax.ShapeDtypeStruct((B, 1, 128), jnp.float32),
        ],
        compiler_params=pltpu.CompilerParams(
            dimension_semantics=("parallel",)),
    )(x3, codebook)
    idx2 = idx.reshape(B, T)
    quant = _make_sc_gather(B, C, T)(codebook, idx2)
    quantized_out = quant.reshape(B, C, H, W)
    encoding_indices = idx.reshape(B * T)
    vq_loss = (1.0 + _CCOST) * jnp.sum(loss[:, 0, 0]) / (B * C * T)
    return quantized_out, vq_loss, encoding_indices

# --- scband reference (transcript-rebuilt; emitter-appended) ---
"""Pipeline reference for scband-world-model-11802570130400 (READ-ONLY COPY).

The authoritative reference and input builder live on the scoring server;
editing this copy changes nothing except your own understanding.
"""

import jax, jax.numpy as jnp
import numpy as np

NUM_EMBEDDINGS = 1024
EMBEDDING_DIM = 64
COMMITMENT_COST = 0.25


def setup_inputs(seed: int = 0) -> dict:
    key = jax.random.key(seed)
    k1, k2 = jax.random.split(key)
    inputs = jax.random.normal(k1, (32, 64, 32, 32), dtype=jnp.float32)
    codebook = jax.random.uniform(
        k2, (NUM_EMBEDDINGS, EMBEDDING_DIM), dtype=jnp.float32,
        minval=-1.0 / NUM_EMBEDDINGS, maxval=1.0 / NUM_EMBEDDINGS)
    return {"inputs": inputs, "codebook": codebook}


def reference(inputs, codebook):
    # inputs: [B, C, H, W] -> [B, H, W, C]
    x = jnp.transpose(inputs, (0, 2, 3, 1))
    input_shape = x.shape
    flat = x.reshape(-1, EMBEDDING_DIM)
    # squared L2 distances to each codebook entry
    distances = (jnp.sum(flat ** 2, axis=1, keepdims=True)
                 + jnp.sum(codebook ** 2, axis=1)
                 - 2.0 * jnp.matmul(flat, codebook.T))
    encoding_indices = jnp.argmin(distances, axis=1)
    encodings = jax.nn.one_hot(encoding_indices, NUM_EMBEDDINGS, dtype=jnp.float32)
    quantized = jnp.matmul(encodings, codebook)
    quantized = quantized.reshape(input_shape)
    # VQ losses
    e_latent_loss = jnp.mean((jax.lax.stop_gradient(quantized) - x) ** 2)
    q_latent_loss = jnp.mean((quantized - jax.lax.stop_gradient(x)) ** 2)
    vq_loss = q_latent_loss + COMMITMENT_COST * e_latent_loss
    # straight-through estimator
    quantized_st = x + jax.lax.stop_gradient(quantized - x)
    quantized_out = jnp.transpose(quantized_st, (0, 3, 1, 2))
    return quantized_out, vq_loss, encoding_indices

if __name__ == "__main__":
    import jax
    _d = setup_inputs()
    print(jax.jit(kernel)(*tuple(_d.values())))

</pallas_src>

<mosaic_0001>
#map = affine_map<(d0, d1) -> (0, 0)>
#map1 = affine_map<(d0, d1) -> (0, 0, 0)>
module attributes {stable_mosaic.version = 14 : i64} {
  func.func @sc_gather(%arg0: i32, %arg1: i32, %arg2: memref<1024x64xf32, #tpu.memory_space<hbm>>, %arg3: memref<32x1024xi32, #tpu.memory_space<hbm>>, %arg4: memref<32x64x1024xf32, #tpu.memory_space<hbm>>, %arg5: memref<1024x64xf32, #tpu.memory_space<vmem>>, %arg6: memref<1024xi32, #tpu.memory_space<vmem>>, %arg7: memref<64x256xf32, #tpu.memory_space<vmem>>) attributes {dimension_semantics = [#tpu.dimension_semantics<core_parallel>, #tpu.dimension_semantics<subcore_parallel>], iteration_bounds = array<i64: 2, 16>, scalar_prefetch = 0 : i64, scratch_operands = 3 : i64, tpu.core_type = #tpu.core_type<sc_vector_subcore>, window_params = [{transform_indices = #map}, {transform_indices = #map}, {transform_indices = #map1}]} {
    %mul3A = arith.constant 2 : i32
    %mul3A_0 = arith.muli %arg1, %mul3A : i32
    %add3A = arith.addi %mul3A_0, %arg0 : i32
    %lt3A = arith.constant 32 : i32
    %lt3A_1 = arith.cmpi slt, %add3A, %lt3A : i32
    %convert_element_type3A = arith.extui %lt3A_1 : i1 to i32
    %cond3A = arith.constant 0 : i32
    %cond3A_2 = arith.cmpi ne, %convert_element_type3A, %cond3A : i32
    scf.if %cond3A_2 {
      "tpu.region"() ({
        %run_scoped3A = tpu.sem_alloc : memref<!tpu.dma_semaphore, #tpu.memory_space<semaphore_mem>>
        tpu.enqueue_dma source(%arg2 : memref<1024x64xf32, #tpu.memory_space<hbm>>) target(%arg5 : memref<1024x64xf32, #tpu.memory_space<vmem>>) target_semaphore(%run_scoped3A : memref<!tpu.dma_semaphore, #tpu.memory_space<semaphore_mem>>)
        tpu.wait_dma2 semaphore(%run_scoped3A : memref<!tpu.dma_semaphore, #tpu.memory_space<semaphore_mem>>) src(%arg2 : memref<1024x64xf32, #tpu.memory_space<hbm>>) dst(%arg5 : memref<1024x64xf32, #tpu.memory_space<vmem>>)
        tpu.yield
      }) : () -> ()
      "tpu.region"() ({
        %run_scoped3A = tpu.sem_alloc : memref<!tpu.dma_semaphore, #tpu.memory_space<semaphore_mem>>
        %dma_start3A = arith.constant 0 : i32
        %dma_start3A_26 = tpu.memref_slice %arg3[%add3A, %dma_start3A] : memref<32x1024xi32, #tpu.memory_space<hbm>> -> memref<1x1024xi32, #tpu.memory_space<hbm>>
        %dma_start3A_27 = tpu.memref_squeeze %dma_start3A_26 : memref<1x1024xi32, #tpu.memory_space<hbm>> -> memref<1024xi32, #tpu.memory_space<hbm>>
        %dma_start3A_28 = arith.constant 0 : i32
        %dma_start3A_29 = tpu.memref_slice %arg3[%add3A, %dma_start3A_28] : memref<32x1024xi32, #tpu.memory_space<hbm>> -> memref<1x1024xi32, #tpu.memory_space<hbm>>
        %dma_start3A_30 = tpu.memref_squeeze %dma_start3A_29 : memref<1x1024xi32, #tpu.memory_space<hbm>> -> memref<1024xi32, #tpu.memory_space<hbm>>
        tpu.enqueue_dma source(%dma_start3A_30 : memref<1024xi32, #tpu.memory_space<hbm>>) target(%arg6 : memref<1024xi32, #tpu.memory_space<vmem>>) target_semaphore(%run_scoped3A : memref<!tpu.dma_semaphore, #tpu.memory_space<semaphore_mem>>)
        %dma_wait3A = arith.constant 0 : i32
        %dma_wait3A_31 = tpu.memref_slice %arg3[%add3A, %dma_wait3A] : memref<32x1024xi32, #tpu.memory_space<hbm>> -> memref<1x1024xi32, #tpu.memory_space<hbm>>
        %dma_wait3A_32 = tpu.memref_squeeze %dma_wait3A_31 : memref<1x1024xi32, #tpu.memory_space<hbm>> -> memref<1024xi32, #tpu.memory_space<hbm>>
        %dma_wait3A_33 = arith.constant 0 : i32
        %dma_wait3A_34 = tpu.memref_slice %arg3[%add3A, %dma_wait3A_33] : memref<32x1024xi32, #tpu.memory_space<hbm>> -> memref<1x1024xi32, #tpu.memory_space<hbm>>
        %dma_wait3A_35 = tpu.memref_squeeze %dma_wait3A_34 : memref<1x1024xi32, #tpu.memory_space<hbm>> -> memref<1024xi32, #tpu.memory_space<hbm>>
        tpu.wait_dma2 semaphore(%run_scoped3A : memref<!tpu.dma_semaphore, #tpu.memory_space<semaphore_mem>>) src(%dma_wait3A_35 : memref<1024xi32, #tpu.memory_space<hbm>>) dst(%arg6 : memref<1024xi32, #tpu.memory_space<vmem>>)
        tpu.yield
      }) : () -> ()
      %scan3A = arith.constant 0 : i32
      %scan3A_3 = arith.constant 0 : i32
      %scan3A_4 = arith.constant 16 : i32
      %scan3A_5 = arith.addi %scan3A_3, %scan3A_4 : i32
      %scan3A_6 = arith.constant 1 : i32
      scf.for %scan3A_26 = %scan3A_3 to %scan3A_5 step %scan3A_6  : i32 {
        %mul3A_27 = arith.constant 16 : i32
        %mul3A_28 = arith.muli %scan3A_26, %mul3A_27 : i32
        %add3A_29 = arith.constant 0 : i32
        %add3A_30 = arith.addi %add3A_29, %mul3A_28 : i32
        %get3A = arith.index_cast %add3A_30 : i32 to index
        %get3A_31 = tpu.vector_load %arg6[%get3A] {strides = array<i32>} : memref<1024xi32, #tpu.memory_space<vmem>>, vector<16xi32>,
        %broadcast_in_dim3A = arith.constant 0 : i32
        %broadcast_in_dim3A_32 = vector.broadcast %broadcast_in_dim3A : i32 to vector<16xi32>
        %gather3A = tpu.vector_load_idx %arg5[%get3A_31, %broadcast_in_dim3A_32] : memref<1024x64xf32, #tpu.memory_space<vmem>>[vector<16xi32>, vector<16xi32>], vector<16xf32>,
        %mul3A_33 = arith.constant 16 : i32
        %mul3A_34 = arith.muli %scan3A_26, %mul3A_33 : i32
        %swap3A = arith.constant 0 : i32
        %swap3A_35 = arith.index_cast %swap3A : i32 to index
        %swap3A_36 = arith.index_cast %mul3A_34 : i32 to index
        %swap3A_37 = tpu.vector_load %arg7[%swap3A_35, %swap3A_36] {strides = array<i32>} : memref<64x256xf32, #tpu.memory_space<vmem>>, vector<16xf32>,
        tpu.vector_store %arg7[%swap3A_35, %swap3A_36], %gather3A {strides = array<i32>} : memref<64x256xf32, #tpu.memory_space<vmem>>, vector<16xf32>,
        %broadcast_in_dim3A_38 = arith.constant 1 : i32
        %broadcast_in_dim3A_39 = vector.broadcast %broadcast_in_dim3A_38 : i32 to vector<16xi32>
        %gather3A_40 = tpu.vector_load_idx %arg5[%get3A_31, %broadcast_in_dim3A_39] : memref<1024x64xf32, #tpu.memory_space<vmem>>[vector<16xi32>, vector<16xi32>], vector<16xf32>,
        %mul3A_41 = arith.constant 16 : i32
        %mul3A_42 = arith.muli %scan3A_26, %mul3A_41 : i32
        %swap3A_43 = arith.constant 1 : i32
        %swap3A_44 = arith.index_cast %swap3A_43 : i32 to index
        %swap3A_45 = arith.index_cast %mul3A_42 : i32 to index
        %swap3A_46 = tpu.vector_load %arg7[%swap3A_44, %swap3A_45] {strides = array<i32>} : memref<64x256xf32, #tpu.memory_space<vmem>>, vector<16xf32>,
        tpu.vector_store %arg7[%swap3A_44, %swap3A_45], %gather3A_40 {strides = array<i32>} : memref<64x256xf32, #tpu.memory_space<vmem>>, vector<16xf32>,
        %broadcast_in_dim3A_47 = arith.constant 2 : i32
        %broadcast_in_dim3A_48 = vector.broadcast %broadcast_in_dim3A_47 : i32 to vector<16xi32>
        %gather3A_49 = tpu.vector_load_idx %arg5[%get3A_31, %broadcast_in_dim3A_48] : memref<1024x64xf32, #tpu.memory_space<vmem>>[vector<16xi32>, vector<16xi32>], vector<16xf32>,
        %mul3A_50 = arith.constant 16 : i32
        %mul3A_51 = arith.muli %scan3A_26, %mul3A_50 : i32
        %swap3A_52 = arith.constant 2 : i32
        %swap3A_53 = arith.index_cast %swap3A_52 : i32 to index
        %swap3A_54 = arith.index_cast %mul3A_51 : i32 to index
        %swap3A_55 = tpu.vector_load %arg7[%swap3A_53, %swap3A_54] {strides = array<i32>} : memref<64x256xf32, #tpu.memory_space<vmem>>, vector<16xf32>,
        tpu.vector_store %arg7[%swap3A_53, %swap3A_54], %gather3A_49 {strides = array<i32>} : memref<64x256xf32, #tpu.memory_space<vmem>>, vector<16xf32>,
        %broadcast_in_dim3A_56 = arith.constant 3 : i32
        %broadcast_in_dim3A_57 = vector.broadcast %broadcast_in_dim3A_56 : i32 to vector<16xi32>
        %gather3A_58 = tpu.vector_load_idx %arg5[%get3A_31, %broadcast_in_dim3A_57] : memref<1024x64xf32, #tpu.memory_space<vmem>>[vector<16xi32>, vector<16xi32>], vector<16xf32>,
        %mul3A_59 = arith.constant 16 : i32
        %mul3A_60 = arith.muli %scan3A_26, %mul3A_59 : i32
        %swap3A_61 = arith.constant 3 : i32
        %swap3A_62 = arith.index_cast %swap3A_61 : i32 to index
        %swap3A_63 = arith.index_cast %mul3A_60 : i32 to index
        %swap3A_64 = tpu.vector_load %arg7[%swap3A_62, %swap3A_63] {strides = array<i32>} : memref<64x256xf32, #tpu.memory_space<vmem>>, vector<16xf32>,
        tpu.vector_store %arg7[%swap3A_62, %swap3A_63], %gather3A_58 {strides = array<i32>} : memref<64x256xf32, #tpu.memory_space<vmem>>, vector<16xf32>,
        %broadcast_in_dim3A_65 = arith.constant 4 : i32
        %broadcast_in_dim3A_66 = vector.broadcast %broadcast_in_dim3A_65 : i32 to vector<16xi32>
        %gather3A_67 = tpu.vector_load_idx %arg5[%get3A_31, %broadcast_in_dim3A_66] : memref<1024x64xf32, #tpu.memory_space<vmem>>[vector<16xi32>, vector<16xi32>], vector<16xf32>,
        %mul3A_68 = arith.constant 16 : i32
        %mul3A_69 = arith.muli %scan3A_26, %mul3A_68 : i32
        %swap3A_70 = arith.constant 4 : i32
        %swap3A_71 = arith.index_cast %swap3A_70 : i32 to index
        %swap3A_72 = arith.index_cast %mul3A_69 : i32 to index
        %swap3A_73 = tpu.vector_load %arg7[%swap3A_71, %swap3A_72] {strides = array<i32>} : memref<64x256xf32, #tpu.memory_space<vmem>>, vector<16xf32>,
        tpu.vector_store %arg7[%swap3A_71, %swap3A_72], %gather3A_67 {strides = array<i32>} : memref<64x256xf32, #tpu.memory_space<vmem>>, vector<16xf32>,
        %broadcast_in_dim3A_74 = arith.constant 5 : i32
        %broadcast_in_dim3A_75 = vector.broadcast %broadcast_in_dim3A_74 : i32 to vector<16xi32>
        %gather3A_76 = tpu.vector_load_idx %arg5[%get3A_31, %broadcast_in_dim3A_75] : memref<1024x64xf32, #tpu.memory_space<vmem>>[vector<16xi32>, vector<16xi32>], vector<16xf32>,
        %mul3A_77 = arith.constant 16 : i32
        %mul3A_78 = arith.muli %scan3A_26, %mul3A_77 : i32
        %swap3A_79 = arith.constant 5 : i32
        %swap3A_80 = arith.index_cast %swap3A_79 : i32 to index
        %swap3A_81 = arith.index_cast %mul3A_78 : i32 to index
        %swap3A_82 = tpu.vector_load %arg7[%swap3A_80, %swap3A_81] {strides = array<i32>} : memref<64x256xf32, #tpu.memory_space<vmem>>, vector<16xf32>,
        tpu.vector_store %arg7[%swap3A_80, %swap3A_81], %gather3A_76 {strides = array<i32>} : memref<64x256xf32, #tpu.memory_space<vmem>>, vector<16xf32>,
        %broadcast_in_dim3A_83 = arith.constant 6 : i32
        %broadcast_in_dim3A_84 = vector.broadcast %broadcast_in_dim3A_83 : i32 to vector<16xi32>
        %gather3A_85 = tpu.vector_load_idx %arg5[%get3A_31, %broadcast_in_dim3A_84] : memref<1024x64xf32, #tpu.memory_space<vmem>>[vector<16xi32>, vector<16xi32>], vector<16xf32>,
        %mul3A_86 = arith.constant 16 : i32
        %mul3A_87 = arith.muli %scan3A_26, %mul3A_86 : i32
        %swap3A_88 = arith.constant 6 : i32
        %swap3A_89 = arith.index_cast %swap3A_88 : i32 to index
        %swap3A_90 = arith.index_cast %mul3A_87 : i32 to index
        %swap3A_91 = tpu.vector_load %arg7[%swap3A_89, %swap3A_90] {strides = array<i32>} : memref<64x256xf32, #tpu.memory_space<vmem>>, vector<16xf32>,
        tpu.vector_store %arg7[%swap3A_89, %swap3A_90], %gather3A_85 {strides = array<i32>} : memref<64x256xf32, #tpu.memory_space<vmem>>, vector<16xf32>,
        %broadcast_in_dim3A_92 = arith.constant 7 : i32
        %broadcast_in_dim3A_93 = vector.broadcast %broadcast_in_dim3A_92 : i32 to vector<16xi32>
        %gather3A_94 = tpu.vector_load_idx %arg5[%get3A_31, %broadcast_in_dim3A_93] : memref<1024x64xf32, #tpu.memory_space<vmem>>[vector<16xi32>, vector<16xi32>], vector<16xf32>,
        %mul3A_95 = arith.constant 16 : i32
        %mul3A_96 = arith.muli %scan3A_26, %mul3A_95 : i32
        %swap3A_97 = arith.constant 7 : i32
        %swap3A_98 = arith.index_cast %swap3A_97 : i32 to index
        %swap3A_99 = arith.index_cast %mul3A_96 : i32 to index
        %swap3A_100 = tpu.vector_load %arg7[%swap3A_98, %swap3A_99] {strides = array<i32>} : memref<64x256xf32, #tpu.memory_space<vmem>>, vector<16xf32>,
        tpu.vector_store %arg7[%swap3A_98, %swap3A_99], %gather3A_94 {strides = array<i32>} : memref<64x256xf32, #tpu.memory_space<vmem>>, vector<16xf32>,
        %broadcast_in_dim3A_101 = arith.constant 8 : i32
        %broadcast_in_dim3A_102 = vector.broadcast %broadcast_in_dim3A_101 : i32 to vector<16xi32>
        %gather3A_103 = tpu.vector_load_idx %arg5[%get3A_31, %broadcast_in_dim3A_102] : memref<1024x64xf32, #tpu.memory_space<vmem>>[vector<16xi32>, vector<16xi32>], vector<16xf32>,
        %mul3A_104 = arith.constant 16 : i32
        %mul3A_105 = arith.muli %scan3A_26, %mul3A_104 : i32
        %swap3A_106 = arith.constant 8 : i32
        %swap3A_107 = arith.index_cast %swap3A_106 : i32 to index
        %swap3A_108 = arith.index_cast %mul3A_105 : i32 to index
        %swap3A_109 = tpu.vector_load %arg7[%swap3A_107, %swap3A_108] {strides = array<i32>} : memref<64x256xf32, #tpu.memory_space<vmem>>, vector<16xf32>,
        tpu.vector_store %arg7[%swap3A_107, %swap3A_108], %gather3A_103 {strides = array<i32>} : memref<64x256xf32, #tpu.memory_space<vmem>>, vector<16xf32>,
        %broadcast_in_dim3A_110 = arith.constant 9 : i32
        %broadcast_in_dim3A_111 = vector.broadcast %broadcast_in_dim3A_110 : i32 to vector<16xi32>
        %gather3A_112 = tpu.vector_load_idx %arg5[%get3A_31, %broadcast_in_dim3A_111] : memref<1024x64xf32, #tpu.memory_space<vmem>>[vector<16xi32>, vector<16xi32>], vector<16xf32>,
        %mul3A_113 = arith.constant 16 : i32
        %mul3A_114 = arith.muli %scan3A_26, %mul3A_113 : i32
        %swap3A_115 = arith.constant 9 : i32
        %swap3A_116 = arith.index_cast %swap3A_115 : i32 to index
        %swap3A_117 = arith.index_cast %mul3A_114 : i32 to index
        %swap3A_118 = tpu.vector_load %arg7[%swap3A_116, %swap3A_117] {strides = array<i32>} : memref<64x256xf32, #tpu.memory_space<vmem>>, vector<16xf32>,
        tpu.vector_store %arg7[%swap3A_116, %swap3A_117], %gather3A_112 {strides = array<i32>} : memref<64x256xf32, #tpu.memory_space<vmem>>, vector<16xf32>,
        %broadcast_in_dim3A_119 = arith.constant 10 : i32
        %broadcast_in_dim3A_120 = vector.broadcast %broadcast_in_dim3A_119 : i32 to vector<16xi32>
        %gather3A_121 = tpu.vector_load_idx %arg5[%get3A_31, %broadcast_in_dim3A_120] : memref<1024x64xf32, #tpu.memory_space<vmem>>[vector<16xi32>, vector<16xi32>], vector<16xf32>,
        %mul3A_122 = arith.constant 16 : i32
        %mul3A_123 = arith.muli %scan3A_26, %mul3A_122 : i32
        %swap3A_124 = arith.constant 10 : i32
        %swap3A_125 = arith.index_cast %swap3A_124 : i32 to index
        %swap3A_126 = arith.index_cast %mul3A_123 : i32 to index
        %swap3A_127 = tpu.vector_load %arg7[%swap3A_125, %swap3A_126] {strides = array<i32>} : memref<64x256xf32, #tpu.memory_space<vmem>>, vector<16xf32>,
        tpu.vector_store %arg7[%swap3A_125, %swap3A_126], %gather3A_121 {strides = array<i32>} : memref<64x256xf32, #tpu.memory_space<vmem>>, vector<16xf32>,
        %broadcast_in_dim3A_128 = arith.constant 11 : i32
        %broadcast_in_dim3A_129 = vector.broadcast %broadcast_in_dim3A_128 : i32 to vector<16xi32>
        %gather3A_130 = tpu.vector_load_idx %arg5[%get3A_31, %broadcast_in_dim3A_129] : memref<1024x64xf32, #tpu.memory_space<vmem>>[vector<16xi32>, vector<16xi32>], vector<16xf32>,
        %mul3A_131 = arith.constant 16 : i32
        %mul3A_132 = arith.muli %scan3A_26, %mul3A_131 : i32
        %swap3A_133 = arith.constant 11 : i32
        %swap3A_134 = arith.index_cast %swap3A_133 : i32 to index
        %swap3A_135 = arith.index_cast %mul3A_132 : i32 to index
        %swap3A_136 = tpu.vector_load %arg7[%swap3A_134, %swap3A_135] {strides = array<i32>} : memref<64x256xf32, #tpu.memory_space<vmem>>, vector<16xf32>,
        tpu.vector_store %arg7[%swap3A_134, %swap3A_135], %gather3A_130 {strides = array<i32>} : memref<64x256xf32, #tpu.memory_space<vmem>>, vector<16xf32>,
        %broadcast_in_dim3A_137 = arith.constant 12 : i32
        %broadcast_in_dim3A_138 = vector.broadcast %broadcast_in_dim3A_137 : i32 to vector<16xi32>
        %gather3A_139 = tpu.vector_load_idx %arg5[%get3A_31, %broadcast_in_dim3A_138] : memref<1024x64xf32, #tpu.memory_space<vmem>>[vector<16xi32>, vector<16xi32>], vector<16xf32>,
        %mul3A_140 = arith.constant 16 : i32
        %mul3A_141 = arith.muli %scan3A_26, %mul3A_140 : i32
        %swap3A_142 = arith.constant 12 : i32
        %swap3A_143 = arith.index_cast %swap3A_142 : i32 to index
        %swap3A_144 = arith.index_cast %mul3A_141 : i32 to index
        %swap3A_145 = tpu.vector_load %arg7[%swap3A_143, %swap3A_144] {strides = array<i32>} : memref<64x256xf32, #tpu.memory_space<vmem>>, vector<16xf32>,
        tpu.vector_store %arg7[%swap3A_143, %swap3A_144], %gather3A_139 {strides = array<i32>} : memref<64x256xf32, #tpu.memory_space<vmem>>, vector<16xf32>,
        %broadcast_in_dim3A_146 = arith.constant 13 : i32
        %broadcast_in_dim3A_147 = vector.broadcast %broadcast_in_dim3A_146 : i32 to vector<16xi32>
        %gather3A_148 = tpu.vector_load_idx %arg5[%get3A_31, %broadcast_in_dim3A_147] : memref<1024x64xf32, #tpu.memory_space<vmem>>[vector<16xi32>, vector<16xi32>], vector<16xf32>,
        %mul3A_149 = arith.constant 16 : i32
        %mul3A_150 = arith.muli %scan3A_26, %mul3A_149 : i32
        %swap3A_151 = arith.constant 13 : i32
        %swap3A_152 = arith.index_cast %swap3A_151 : i32 to index
        %swap3A_153 = arith.index_cast %mul3A_150 : i32 to index
        %swap3A_154 = tpu.vector_load %arg7[%swap3A_152, %swap3A_153] {strides = array<i32>} : memref<64x256xf32, #tpu.memory_space<vmem>>, vector<16xf32>,
        tpu.vector_store %arg7[%swap3A_152, %swap3A_153], %gather3A_148 {strides = array<i32>} : memref<64x256xf32, #tpu.memory_space<vmem>>, vector<16xf32>,
        %broadcast_in_dim3A_155 = arith.constant 14 : i32
        %broadcast_in_dim3A_156 = vector.broadcast %broadcast_in_dim3A_155 : i32 to vector<16xi32>
        %gather3A_157 = tpu.vector_load_idx %arg5[%get3A_31, %broadcast_in_dim3A_156] : memref<1024x64xf32, #tpu.memory_space<vmem>>[vector<16xi32>, vector<16xi32>], vector<16xf32>,
        %mul3A_158 = arith.constant 16 : i32
        %mul3A_159 = arith.muli %scan3A_26, %mul3A_158 : i32
        %swap3A_160 = arith.constant 14 : i32
        %swap3A_161 = arith.index_cast %swap3A_160 : i32 to index
        %swap3A_162 = arith.index_cast %mul3A_159 : i32 to index
        %swap3A_163 = tpu.vector_load %arg7[%swap3A_161, %swap3A_162] {strides = array<i32>} : memref<64x256xf32, #tpu.memory_space<vmem>>, vector<16xf32>,
        tpu.vector_store %arg7[%swap3A_161, %swap3A_162], %gather3A_157 {strides = array<i32>} : memref<64x256xf32, #tpu.memory_space<vmem>>, vector<16xf32>,
        %broadcast_in_dim3A_164 = arith.constant 15 : i32
        %broadcast_in_dim3A_165 = vector.broadcast %broadcast_in_dim3A_164 : i32 to vector<16xi32>
        %gather3A_166 = tpu.vector_load_idx %arg5[%get3A_31, %broadcast_in_dim3A_165] : memref<1024x64xf32, #tpu.memory_space<vmem>>[vector<16xi32>, vector<16xi32>], vector<16xf32>,
        %mul3A_167 = arith.constant 16 : i32
        %mul3A_168 = arith.muli %scan3A_26, %mul3A_167 : i32
        %swap3A_169 = arith.constant 15 : i32
        %swap3A_170 = arith.index_cast %swap3A_169 : i32 to index
        %swap3A_171 = arith.index_cast %mul3A_168 : i32 to index
        %swap3A_172 = tpu.vector_load %arg7[%swap3A_170, %swap3A_171] {strides = array<i32>} : memref<64x256xf32, #tpu.memory_space<vmem>>, vector<16xf32>,
        tpu.vector_store %arg7[%swap3A_170, %swap3A_171], %gather3A_166 {strides = array<i32>} : memref<64x256xf32, #tpu.memory_space<vmem>>, vector<16xf32>,
        %broadcast_in_dim3A_173 = arith.constant 16 : i32
        %broadcast_in_dim3A_174 = vector.broadcast %broadcast_in_dim3A_173 : i32 to vector<16xi32>
        %gather3A_175 = tpu.vector_load_idx %arg5[%get3A_31, %broadcast_in_dim3A_174] : memref<1024x64xf32, #tpu.memory_space<vmem>>[vector<16xi32>, vector<16xi32>], vector<16xf32>,
        %mul3A_176 = arith.constant 16 : i32
        %mul3A_177 = arith.muli %scan3A_26, %mul3A_176 : i32
        %swap3A_178 = arith.constant 16 : i32
        %swap3A_179 = arith.index_cast %swap3A_178 : i32 to index
        %swap3A_180 = arith.index_cast %mul3A_177 : i32 to index
        %swap3A_181 = tpu.vector_load %arg7[%swap3A_179, %swap3A_180] {strides = array<i32>} : memref<64x256xf32, #tpu.memory_space<vmem>>, vector<16xf32>,
        tpu.vector_store %arg7[%swap3A_179, %swap3A_180], %gather3A_175 {strides = array<i32>} : memref<64x256xf32, #tpu.memory_space<vmem>>, vector<16xf32>,
        %broadcast_in_dim3A_182 = arith.constant 17 : i32
        %broadcast_in_dim3A_183 = vector.broadcast %broadcast_in_dim3A_182 : i32 to vector<16xi32>
        %gather3A_184 = tpu.vector_load_idx %arg5[%get3A_31, %broadcast_in_dim3A_183] : memref<1024x64xf32, #tpu.memory_space<vmem>>[vector<16xi32>, vector<16xi32>], vector<16xf32>,
        %mul3A_185 = arith.constant 16 : i32
        %mul3A_186 = arith.muli %scan3A_26, %mul3A_185 : i32
        %swap3A_187 = arith.constant 17 : i32
        %swap3A_188 = arith.index_cast %swap3A_187 : i32 to index
        %swap3A_189 = arith.index_cast %mul3A_186 : i32 to index
        %swap3A_190 = tpu.vector_load %arg7[%swap3A_188, %swap3A_189] {strides = array<i32>} : memref<64x256xf32, #tpu.memory_space<vmem>>, vector<16xf32>,
        tpu.vector_store %arg7[%swap3A_188, %swap3A_189], %gather3A_184 {strides = array<i32>} : memref<64x256xf32, #tpu.memory_space<vmem>>, vector<16xf32>,
        %broadcast_in_dim3A_191 = arith.constant 18 : i32
        %broadcast_in_dim3A_192 = vector.broadcast %broadcast_in_dim3A_191 : i32 to vector<16xi32>
        %gather3A_193 = tpu.vector_load_idx %arg5[%get3A_31, %broadcast_in_dim3A_192] : memref<1024x64xf32, #tpu.memory_space<vmem>>[vector<16xi32>, vector<16xi32>], vector<16xf32>,
        %mul3A_194 = arith.constant 16 : i32
        %mul3A_195 = arith.muli %scan3A_26, %mul3A_194 : i32
        %swap3A_196 = arith.constant 18 : i32
        %swap3A_197 = arith.index_cast %swap3A_196 : i32 to index
        %swap3A_198 = arith.index_cast %mul3A_195 : i32 to index
        %swap3A_199 = tpu.vector_load %arg7[%swap3A_197, %swap3A_198] {strides = array<i32>} : memref<64x256xf32, #tpu.memory_space<vmem>>, vector<16xf32>,
        tpu.vector_store %arg7[%swap3A_197, %swap3A_198], %gather3A_193 {strides = array<i32>} : memref<64x256xf32, #tpu.memory_space<vmem>>, vector<16xf32>,
        %broadcast_in_dim3A_200 = arith.constant 19 : i32
        %broadcast_in_dim3A_201 = vector.broadcast %broadcast_in_dim3A_200 : i32 to vector<16xi32>
        %gather3A_202 = tpu.vector_load_idx %arg5[%get3A_31, %broadcast_in_dim3A_201] : memref<1024x64xf32, #tpu.memory_space<vmem>>[vector<16xi32>, vector<16xi32>], vector<16xf32>,
        %mul3A_203 = arith.constant 16 : i32
        %mul3A_204 = arith.muli %scan3A_26, %mul3A_203 : i32
        %swap3A_205 = arith.constant 19 : i32
        %swap3A_206 = arith.index_cast %swap3A_205 : i32 to index
        %swap3A_207 = arith.index_cast %mul3A_204 : i32 to index
        %swap3A_208 = tpu.vector_load %arg7[%swap3A_206, %swap3A_207] {strides = array<i32>} : memref<64x256xf32, #tpu.memory_space<vmem>>, vector<16xf32>,
        tpu.vector_store %arg7[%swap3A_206, %swap3A_207], %gather3A_202 {strides = array<i32>} : memref<64x256xf32, #tpu.memory_space<vmem>>, vector<16xf32>,
        %broadcast_in_dim3A_209 = arith.constant 20 : i32
        %broadcast_in_dim3A_210 = vector.broadcast %broadcast_in_dim3A_209 : i32 to vector<16xi32>
        %gather3A_211 = tpu.vector_load_idx %arg5[%get3A_31, %broadcast_in_dim3A_210] : memref<1024x64xf32, #tpu.memory_space<vmem>>[vector<16xi32>, vector<16xi32>], vector<16xf32>,
        %mul3A_212 = arith.constant 16 : i32
        %mul3A_213 = arith.muli %scan3A_26, %mul3A_212 : i32
        %swap3A_214 = arith.constant 20 : i32
        %swap3A_215 = arith.index_cast %swap3A_214 : i32 to index
        %swap3A_216 = arith.index_cast %mul3A_213 : i32 to index
        %swap3A_217 = tpu.vector_load %arg7[%swap3A_215, %swap3A_216] {strides = array<i32>} : memref<64x256xf32, #tpu.memory_space<vmem>>, vector<16xf32>,
        tpu.vector_store %arg7[%swap3A_215, %swap3A_216], %gather3A_211 {strides = array<i32>} : memref<64x256xf32, #tpu.memory_space<vmem>>, vector<16xf32>,
        %broadcast_in_dim3A_218 = arith.constant 21 : i32
        %broadcast_in_dim3A_219 = vector.broadcast %broadcast_in_dim3A_218 : i32 to vector<16xi32>
        %gather3A_220 = tpu.vector_load_idx %arg5[%get3A_31, %broadcast_in_dim3A_219] : memref<1024x64xf32, #tpu.memory_space<vmem>>[vector<16xi32>, vector<16xi32>], vector<16xf32>,
        %mul3A_221 = arith.constant 16 : i32
        %mul3A_222 = arith.muli %scan3A_26, %mul3A_221 : i32
        %swap3A_223 = arith.constant 21 : i32
        %swap3A_224 = arith.index_cast %swap3A_223 : i32 to index
        %swap3A_225 = arith.index_cast %mul3A_222 : i32 to index
        %swap3A_226 = tpu.vector_load %arg7[%swap3A_224, %swap3A_225] {strides = array<i32>} : memref<64x256xf32, #tpu.memory_space<vmem>>, vector<16xf32>,
        tpu.vector_store %arg7[%swap3A_224, %swap3A_225], %gather3A_220 {strides = array<i32>} : memref<64x256xf32, #tpu.memory_space<vmem>>, vector<16xf32>,
        %broadcast_in_dim3A_227 = arith.constant 22 : i32
        %broadcast_in_dim3A_228 = vector.broadcast %broadcast_in_dim3A_227 : i32 to vector<16xi32>
        %gather3A_229 = tpu.vector_load_idx %arg5[%get3A_31, %broadcast_in_dim3A_228] : memref<1024x64xf32, #tpu.memory_space<vmem>>[vector<16xi32>, vector<16xi32>], vector<16xf32>,
        %mul3A_230 = arith.constant 16 : i32
        %mul3A_231 = arith.muli %scan3A_26, %mul3A_230 : i32
        %swap3A_232 = arith.constant 22 : i32
        %swap3A_233 = arith.index_cast %swap3A_232 : i32 to index
        %swap3A_234 = arith.index_cast %mul3A_231 : i32 to index
        %swap3A_235 = tpu.vector_load %arg7[%swap3A_233, %swap3A_234] {strides = array<i32>} : memref<64x256xf32, #tpu.memory_space<vmem>>, vector<16xf32>,
        tpu.vector_store %arg7[%swap3A_233, %swap3A_234], %gather3A_229 {strides = array<i32>} : memref<64x256xf32, #tpu.memory_space<vmem>>, vector<16xf32>,
        %broadcast_in_dim3A_236 = arith.constant 23 : i32
        %broadcast_in_dim3A_237 = vector.broadcast %broadcast_in_dim3A_236 : i32 to vector<16xi32>
        %gather3A_238 = tpu.vector_load_idx %arg5[%get3A_31, %broadcast_in_dim3A_237] : memref<1024x64xf32, #tpu.memory_space<vmem>>[vector<16xi32>, vector<16xi32>], vector<16xf32>,
        %mul3A_239 = arith.constant 16 : i32
        %mul3A_240 = arith.muli %scan3A_26, %mul3A_239 : i32
        %swap3A_241 = arith.constant 23 : i32
        %swap3A_242 = arith.index_cast %swap3A_241 : i32 to index
        %swap3A_243 = arith.index_cast %mul3A_240 : i32 to index
        %swap3A_244 = tpu.vector_load %arg7[%swap3A_242, %swap3A_243] {strides = array<i32>} : memref<64x256xf32, #tpu.memory_space<vmem>>, vector<16xf32>,
        tpu.vector_store %arg7[%swap3A_242, %swap3A_243], %gather3A_238 {strides = array<i32>} : memref<64x256xf32, #tpu.memory_space<vmem>>, vector<16xf32>,
        %broadcast_in_dim3A_245 = arith.constant 24 : i32
        %broadcast_in_dim3A_246 = vector.broadcast %broadcast_in_dim3A_245 : i32 to vector<16xi32>
        %gather3A_247 = tpu.vector_load_idx %arg5[%get3A_31, %broadcast_in_dim3A_246] : memref<1024x64xf32, #tpu.memory_space<vmem>>[vector<16xi32>, vector<16xi32>], vector<16xf32>,
        %mul3A_248 = arith.constant 16 : i32
        %mul3A_249 = arith.muli %scan3A_26, %mul3A_248 : i32
        %swap3A_250 = arith.constant 24 : i32
        %swap3A_251 = arith.index_cast %swap3A_250 : i32 to index
        %swap3A_252 = arith.index_cast %mul3A_249 : i32 to index
        %swap3A_253 = tpu.vector_load %arg7[%swap3A_251, %swap3A_252] {strides = array<i32>} : memref<64x256xf32, #tpu.memory_space<vmem>>, vector<16xf32>,
        tpu.vector_store %arg7[%swap3A_251, %swap3A_252], %gather3A_247 {strides = array<i32>} : memref<64x256xf32, #tpu.memory_space<vmem>>, vector<16xf32>,
        %broadcast_in_dim3A_254 = arith.constant 25 : i32
        %broadcast_in_dim3A_255 = vector.broadcast %broadcast_in_dim3A_254 : i32 to vector<16xi32>
        %gather3A_256 = tpu.vector_load_idx %arg5[%get3A_31, %broadcast_in_dim3A_255] : memref<1024x64xf32, #tpu.memory_space<vmem>>[vector<16xi32>, vector<16xi32>], vector<16xf32>,
        %mul3A_257 = arith.constant 16 : i32
        %mul3A_258 = arith.muli %scan3A_26, %mul3A_257 : i32
        %swap3A_259 = arith.constant 25 : i32
        %swap3A_260 = arith.index_cast %swap3A_259 : i32 to index
        %swap3A_261 = arith.index_cast %mul3A_258 : i32 to index
        %swap3A_262 = tpu.vector_load %arg7[%swap3A_260, %swap3A_261] {strides = array<i32>} : memref<64x256xf32, #tpu.memory_space<vmem>>, vector<16xf32>,
        tpu.vector_store %arg7[%swap3A_260, %swap3A_261], %gather3A_256 {strides = array<i32>} : memref<64x256xf32, #tpu.memory_space<vmem>>, vector<16xf32>,
        %broadcast_in_dim3A_263 = arith.constant 26 : i32
        %broadcast_in_dim3A_264 = vector.broadcast %broadcast_in_dim3A_263 : i32 to vector<16xi32>
        %gather3A_265 = tpu.vector_load_idx %arg5[%get3A_31, %broadcast_in_dim3A_264] : memref<1024x64xf32, #tpu.memory_space<vmem>>[vector<16xi32>, vector<16xi32>], vector<16xf32>,
        %mul3A_266 = arith.constant 16 : i32
        %mul3A_267 = arith.muli %scan3A_26, %mul3A_266 : i32
        %swap3A_268 = arith.constant 26 : i32
        %swap3A_269 = arith.index_cast %swap3A_268 : i32 to index
        %swap3A_270 = arith.index_cast %mul3A_267 : i32 to index
        %swap3A_271 = tpu.vector_load %arg7[%swap3A_269, %swap3A_270] {strides = array<i32>} : memref<64x256xf32, #tpu.memory_space<vmem>>, vector<16xf32>,
        tpu.vector_store %arg7[%swap3A_269, %swap3A_270], %gather3A_265 {strides = array<i32>} : memref<64x256xf32, #tpu.memory_space<vmem>>, vector<16xf32>,
        %broadcast_in_dim3A_272 = arith.constant 27 : i32
        %broadcast_in_dim3A_273 = vector.broadcast %broadcast_in_dim3A_272 : i32 to vector<16xi32>
        %gather3A_274 = tpu.vector_load_idx %arg5[%get3A_31, %broadcast_in_dim3A_273] : memref<1024x64xf32, #tpu.memory_space<vmem>>[vector<16xi32>, vector<16xi32>], vector<16xf32>,
        %mul3A_275 = arith.constant 16 : i32
        %mul3A_276 = arith.muli %scan3A_26, %mul3A_275 : i32
        %swap3A_277 = arith.constant 27 : i32
        %swap3A_278 = arith.index_cast %swap3A_277 : i32 to index
        %swap3A_279 = arith.index_cast %mul3A_276 : i32 to index
        %swap3A_280 = tpu.vector_load %arg7[%swap3A_278, %swap3A_279] {strides = array<i32>} : memref<64x256xf32, #tpu.memory_space<vmem>>, vector<16xf32>,
        tpu.vector_store %arg7[%swap3A_278, %swap3A_279], %gather3A_274 {strides = array<i32>} : memref<64x256xf32, #tpu.memory_space<vmem>>, vector<16xf32>,
        %broadcast_in_dim3A_281 = arith.constant 28 : i32
        %broadcast_in_dim3A_282 = vector.broadcast %broadcast_in_dim3A_281 : i32 to vector<16xi32>
        %gather3A_283 = tpu.vector_load_idx %arg5[%get3A_31, %broadcast_in_dim3A_282] : memref<1024x64xf32, #tpu.memory_space<vmem>>[vector<16xi32>, vector<16xi32>], vector<16xf32>,
        %mul3A_284 = arith.constant 16 : i32
        %mul3A_285 = arith.muli %scan3A_26, %mul3A_284 : i32
        %swap3A_286 = arith.constant 28 : i32
        %swap3A_287 = arith.index_cast %swap3A_286 : i32 to index
        %swap3A_288 = arith.index_cast %mul3A_285 : i32 to index
        %swap3A_289 = tpu.vector_load %arg7[%swap3A_287, %swap3A_288] {strides = array<i32>} : memref<64x256xf32, #tpu.memory_space<vmem>>, vector<16xf32>,
        tpu.vector_store %arg7[%swap3A_287, %swap3A_288], %gather3A_283 {strides = array<i32>} : memref<64x256xf32, #tpu.memory_space<vmem>>, vector<16xf32>,
        %broadcast_in_dim3A_290 = arith.constant 29 : i32
        %broadcast_in_dim3A_291 = vector.broadcast %broadcast_in_dim3A_290 : i32 to vector<16xi32>
        %gather3A_292 = tpu.vector_load_idx %arg5[%get3A_31, %broadcast_in_dim3A_291] : memref<1024x64xf32, #tpu.memory_space<vmem>>[vector<16xi32>, vector<16xi32>], vector<16xf32>,
        %mul3A_293 = arith.constant 16 : i32
        %mul3A_294 = arith.muli %scan3A_26, %mul3A_293 : i32
        %swap3A_295 = arith.constant 29 : i32
        %swap3A_296 = arith.index_cast %swap3A_295 : i32 to index
        %swap3A_297 = arith.index_cast %mul3A_294 : i32 to index
        %swap3A_298 = tpu.vector_load %arg7[%swap3A_296, %swap3A_297] {strides = array<i32>} : memref<64x256xf32, #tpu.memory_space<vmem>>, vector<16xf32>,
        tpu.vector_store %arg7[%swap3A_296, %swap3A_297], %gather3A_292 {strides = array<i32>} : memref<64x256xf32, #tpu.memory_space<vmem>>, vector<16xf32>,
        %broadcast_in_dim3A_299 = arith.constant 30 : i32
        %broadcast_in_dim3A_300 = vector.broadcast %broadcast_in_dim3A_299 : i32 to vector<16xi32>
        %gather3A_301 = tpu.vector_load_idx %arg5[%get3A_31, %broadcast_in_dim3A_300] : memref<1024x64xf32, #tpu.memory_space<vmem>>[vector<16xi32>, vector<16xi32>], vector<16xf32>,
        %mul3A_302 = arith.constant 16 : i32
        %mul3A_303 = arith.muli %scan3A_26, %mul3A_302 : i32
        %swap3A_304 = arith.constant 30 : i32
        %swap3A_305 = arith.index_cast %swap3A_304 : i32 to index
        %swap3A_306 = arith.index_cast %mul3A_303 : i32 to index
        %swap3A_307 = tpu.vector_load %arg7[%swap3A_305, %swap3A_306] {strides = array<i32>} : memref<64x256xf32, #tpu.memory_space<vmem>>, vector<16xf32>,
        tpu.vector_store %arg7[%swap3A_305, %swap3A_306], %gather3A_301 {strides = array<i32>} : memref<64x256xf32, #tpu.memory_space<vmem>>, vector<16xf32>,
        %broadcast_in_dim3A_308 = arith.constant 31 : i32
        %broadcast_in_dim3A_309 = vector.broadcast %broadcast_in_dim3A_308 : i32 to vector<16xi32>
        %gather3A_310 = tpu.vector_load_idx %arg5[%get3A_31, %broadcast_in_dim3A_309] : memref<1024x64xf32, #tpu.memory_space<vmem>>[vector<16xi32>, vector<16xi32>], vector<16xf32>,
        %mul3A_311 = arith.constant 16 : i32
        %mul3A_312 = arith.muli %scan3A_26, %mul3A_311 : i32
        %swap3A_313 = arith.constant 31 : i32
        %swap3A_314 = arith.index_cast %swap3A_313 : i32 to index
        %swap3A_315 = arith.index_cast %mul3A_312 : i32 to index
        %swap3A_316 = tpu.vector_load %arg7[%swap3A_314, %swap3A_315] {strides = array<i32>} : memref<64x256xf32, #tpu.memory_space<vmem>>, vector<16xf32>,
        tpu.vector_store %arg7[%swap3A_314, %swap3A_315], %gather3A_310 {strides = array<i32>} : memref<64x256xf32, #tpu.memory_space<vmem>>, vector<16xf32>,
        %broadcast_in_dim3A_317 = arith.constant 32 : i32
        %broadcast_in_dim3A_318 = vector.broadcast %broadcast_in_dim3A_317 : i32 to vector<16xi32>
        %gather3A_319 = tpu.vector_load_idx %arg5[%get3A_31, %broadcast_in_dim3A_318] : memref<1024x64xf32, #tpu.memory_space<vmem>>[vector<16xi32>, vector<16xi32>], vector<16xf32>,
        %mul3A_320 = arith.constant 16 : i32
        %mul3A_321 = arith.muli %scan3A_26, %mul3A_320 : i32
        %swap3A_322 = arith.constant 32 : i32
        %swap3A_323 = arith.index_cast %swap3A_322 : i32 to index
        %swap3A_324 = arith.index_cast %mul3A_321 : i32 to index
        %swap3A_325 = tpu.vector_load %arg7[%swap3A_323, %swap3A_324] {strides = array<i32>} : memref<64x256xf32, #tpu.memory_space<vmem>>, vector<16xf32>,
        tpu.vector_store %arg7[%swap3A_323, %swap3A_324], %gather3A_319 {strides = array<i32>} : memref<64x256xf32, #tpu.memory_space<vmem>>, vector<16xf32>,
        %broadcast_in_dim3A_326 = arith.constant 33 : i32
        %broadcast_in_dim3A_327 = vector.broadcast %broadcast_in_dim3A_326 : i32 to vector<16xi32>
        %gather3A_328 = tpu.vector_load_idx %arg5[%get3A_31, %broadcast_in_dim3A_327] : memref<1024x64xf32, #tpu.memory_space<vmem>>[vector<16xi32>, vector<16xi32>], vector<16xf32>,
        %mul3A_329 = arith.constant 16 : i32
        %mul3A_330 = arith.muli %scan3A_26, %mul3A_329 : i32
        %swap3A_331 = arith.constant 33 : i32
        %swap3A_332 = arith.index_cast %swap3A_331 : i32 to index
        %swap3A_333 = arith.index_cast %mul3A_330 : i32 to index
        %swap3A_334 = tpu.vector_load %arg7[%swap3A_332, %swap3A_333] {strides = array<i32>} : memref<64x256xf32, #tpu.memory_space<vmem>>, vector<16xf32>,
        tpu.vector_store %arg7[%swap3A_332, %swap3A_333], %gather3A_328 {strides = array<i32>} : memref<64x256xf32, #tpu.memory_space<vmem>>, vector<16xf32>,
        %broadcast_in_dim3A_335 = arith.constant 34 : i32
        %broadcast_in_dim3A_336 = vector.broadcast %broadcast_in_dim3A_335 : i32 to vector<16xi32>
        %gather3A_337 = tpu.vector_load_idx %arg5[%get3A_31, %broadcast_in_dim3A_336] : memref<1024x64xf32, #tpu.memory_space<vmem>>[vector<16xi32>, vector<16xi32>], vector<16xf32>,
        %mul3A_338 = arith.constant 16 : i32
        %mul3A_339 = arith.muli %scan3A_26, %mul3A_338 : i32
        %swap3A_340 = arith.constant 34 : i32
        %swap3A_341 = arith.index_cast %swap3A_340 : i32 to index
        %swap3A_342 = arith.index_cast %mul3A_339 : i32 to index
        %swap3A_343 = tpu.vector_load %arg7[%swap3A_341, %swap3A_342] {strides = array<i32>} : memref<64x256xf32, #tpu.memory_space<vmem>>, vector<16xf32>,
        tpu.vector_store %arg7[%swap3A_341, %swap3A_342], %gather3A_337 {strides = array<i32>} : memref<64x256xf32, #tpu.memory_space<vmem>>, vector<16xf32>,
        %broadcast_in_dim3A_344 = arith.constant 35 : i32
        %broadcast_in_dim3A_345 = vector.broadcast %broadcast_in_dim3A_344 : i32 to vector<16xi32>
        %gather3A_346 = tpu.vector_load_idx %arg5[%get3A_31, %broadcast_in_dim3A_345] : memref<1024x64xf32, #tpu.memory_space<vmem>>[vector<16xi32>, vector<16xi32>], vector<16xf32>,
        %mul3A_347 = arith.constant 16 : i32
        %mul3A_348 = arith.muli %scan3A_26, %mul3A_347 : i32
        %swap3A_349 = arith.constant 35 : i32
        %swap3A_350 = arith.index_cast %swap3A_349 : i32 to index
        %swap3A_351 = arith.index_cast %mul3A_348 : i32 to index
        %swap3A_352 = tpu.vector_load %arg7[%swap3A_350, %swap3A_351] {strides = array<i32>} : memref<64x256xf32, #tpu.memory_space<vmem>>, vector<16xf32>,
        tpu.vector_store %arg7[%swap3A_350, %swap3A_351], %gather3A_346 {strides = array<i32>} : memref<64x256xf32, #tpu.memory_space<vmem>>, vector<16xf32>,
        %broadcast_in_dim3A_353 = arith.constant 36 : i32
        %broadcast_in_dim3A_354 = vector.broadcast %broadcast_in_dim3A_353 : i32 to vector<16xi32>
        %gather3A_355 = tpu.vector_load_idx %arg5[%get3A_31, %broadcast_in_dim3A_354] : memref<1024x64xf32, #tpu.memory_space<vmem>>[vector<16xi32>, vector<16xi32>], vector<16xf32>,
        %mul3A_356 = arith.constant 16 : i32
        %mul3A_357 = arith.muli %scan3A_26, %mul3A_356 : i32
        %swap3A_358 = arith.constant 36 : i32
        %swap3A_359 = arith.index_cast %swap3A_358 : i32 to index
        %swap3A_360 = arith.index_cast %mul3A_357 : i32 to index
        %swap3A_361 = tpu.vector_load %arg7[%swap3A_359, %swap3A_360] {strides = array<i32>} : memref<64x256xf32, #tpu.memory_space<vmem>>, vector<16xf32>,
        tpu.vector_store %arg7[%swap3A_359, %swap3A_360], %gather3A_355 {strides = array<i32>} : memref<64x256xf32, #tpu.memory_space<vmem>>, vector<16xf32>,
        %broadcast_in_dim3A_362 = arith.constant 37 : i32
        %broadcast_in_dim3A_363 = vector.broadcast %broadcast_in_dim3A_362 : i32 to vector<16xi32>
        %gather3A_364 = tpu.vector_load_idx %arg5[%get3A_31, %broadcast_in_dim3A_363] : memref<1024x64xf32, #tpu.memory_space<vmem>>[vector<16xi32>, vector<16xi32>], vector<16xf32>,
        %mul3A_365 = arith.constant 16 : i32
        %mul3A_366 = arith.muli %scan3A_26, %mul3A_365 : i32
        %swap3A_367 = arith.constant 37 : i32
        %swap3A_368 = arith.index_cast %swap3A_367 : i32 to index
        %swap3A_369 = arith.index_cast %mul3A_366 : i32 to index
        %swap3A_370 = tpu.vector_load %arg7[%swap3A_368, %swap3A_369] {strides = array<i32>} : memref<64x256xf32, #tpu.memory_space<vmem>>, vector<16xf32>,
        tpu.vector_store %arg7[%swap3A_368, %swap3A_369], %gather3A_364 {strides = array<i32>} : memref<64x256xf32, #tpu.memory_space<vmem>>, vector<16xf32>,
        %broadcast_in_dim3A_371 = arith.constant 38 : i32
        %broadcast_in_dim3A_372 = vector.broadcast %broadcast_in_dim3A_371 : i32 to vector<16xi32>
        %gather3A_373 = tpu.vector_load_idx %arg5[%get3A_31, %broadcast_in_dim3A_372] : memref<1024x64xf32, #tpu.memory_space<vmem>>[vector<16xi32>, vector<16xi32>], vector<16xf32>,
        %mul3A_374 = arith.constant 16 : i32
        %mul3A_375 = arith.muli %scan3A_26, %mul3A_374 : i32
        %swap3A_376 = arith.constant 38 : i32
        %swap3A_377 = arith.index_cast %swap3A_376 : i32 to index
        %swap3A_378 = arith.index_cast %mul3A_375 : i32 to index
        %swap3A_379 = tpu.vector_load %arg7[%swap3A_377, %swap3A_378] {strides = array<i32>} : memref<64x256xf32, #tpu.memory_space<vmem>>, vector<16xf32>,
        tpu.vector_store %arg7[%swap3A_377, %swap3A_378], %gather3A_373 {strides = array<i32>} : memref<64x256xf32, #tpu.memory_space<vmem>>, vector<16xf32>,
        %broadcast_in_dim3A_380 = arith.constant 39 : i32
        %broadcast_in_dim3A_381 = vector.broadcast %broadcast_in_dim3A_380 : i32 to vector<16xi32>
        %gather3A_382 = tpu.vector_load_idx %arg5[%get3A_31, %broadcast_in_dim3A_381] : memref<1024x64xf32, #tpu.memory_space<vmem>>[vector<16xi32>, vector<16xi32>], vector<16xf32>,
        %mul3A_383 = arith.constant 16 : i32
        %mul3A_384 = arith.muli %scan3A_26, %mul3A_383 : i32
        %swap3A_385 = arith.constant 39 : i32
        %swap3A_386 = arith.index_cast %swap3A_385 : i32 to index
        %swap3A_387 = arith.index_cast %mul3A_384 : i32 to index
        %swap3A_388 = tpu.vector_load %arg7[%swap3A_386, %swap3A_387] {strides = array<i32>} : memref<64x256xf32, #tpu.memory_space<vmem>>, vector<16xf32>,
        tpu.vector_store %arg7[%swap3A_386, %swap3A_387], %gather3A_382 {strides = array<i32>} : memref<64x256xf32, #tpu.memory_space<vmem>>, vector<16xf32>,
        %broadcast_in_dim3A_389 = arith.constant 40 : i32
        %broadcast_in_dim3A_390 = vector.broadcast %broadcast_in_dim3A_389 : i32 to vector<16xi32>
        %gather3A_391 = tpu.vector_load_idx %arg5[%get3A_31, %broadcast_in_dim3A_390] : memref<1024x64xf32, #tpu.memory_space<vmem>>[vector<16xi32>, vector<16xi32>], vector<16xf32>,
        %mul3A_392 = arith.constant 16 : i32
        %mul3A_393 = arith.muli %scan3A_26, %mul3A_392 : i32
        %swap3A_394 = arith.constant 40 : i32
        %swap3A_395 = arith.index_cast %swap3A_394 : i32 to index
        %swap3A_396 = arith.index_cast %mul3A_393 : i32 to index
        %swap3A_397 = tpu.vector_load %arg7[%swap3A_395, %swap3A_396] {strides = array<i32>} : memref<64x256xf32, #tpu.memory_space<vmem>>, vector<16xf32>,
        tpu.vector_store %arg7[%swap3A_395, %swap3A_396], %gather3A_391 {strides = array<i32>} : memref<64x256xf32, #tpu.memory_space<vmem>>, vector<16xf32>,
        %broadcast_in_dim3A_398 = arith.constant 41 : i32
        %broadcast_in_dim3A_399 = vector.broadcast %broadcast_in_dim3A_398 : i32 to vector<16xi32>
        %gather3A_400 = tpu.vector_load_idx %arg5[%get3A_31, %broadcast_in_dim3A_399] : memref<1024x64xf32, #tpu.memory_space<vmem>>[vector<16xi32>, vector<16xi32>], vector<16xf32>,
        %mul3A_401 = arith.constant 16 : i32
        %mul3A_402 = arith.muli %scan3A_26, %mul3A_401 : i32
        %swap3A_403 = arith.constant 41 : i32
        %swap3A_404 = arith.index_cast %swap3A_403 : i32 to index
        %swap3A_405 = arith.index_cast %mul3A_402 : i32 to index
        %swap3A_406 = tpu.vector_load %arg7[%swap3A_404, %swap3A_405] {strides = array<i32>} : memref<64x256xf32, #tpu.memory_space<vmem>>, vector<16xf32>,
        tpu.vector_store %arg7[%swap3A_404, %swap3A_405], %gather3A_400 {strides = array<i32>} : memref<64x256xf32, #tpu.memory_space<vmem>>, vector<16xf32>,
        %broadcast_in_dim3A_407 = arith.constant 42 : i32
        %broadcast_in_dim3A_408 = vector.broadcast %broadcast_in_dim3A_407 : i32 to vector<16xi32>
        %gather3A_409 = tpu.vector_load_idx %arg5[%get3A_31, %broadcast_in_dim3A_408] : memref<1024x64xf32, #tpu.memory_space<vmem>>[vector<16xi32>, vector<16xi32>], vector<16xf32>,
        %mul3A_410 = arith.constant 16 : i32
        %mul3A_411 = arith.muli %scan3A_26, %mul3A_410 : i32
        %swap3A_412 = arith.constant 42 : i32
        %swap3A_413 = arith.index_cast %swap3A_412 : i32 to index
        %swap3A_414 = arith.index_cast %mul3A_411 : i32 to index
        %swap3A_415 = tpu.vector_load %arg7[%swap3A_413, %swap3A_414] {strides = array<i32>} : memref<64x256xf32, #tpu.memory_space<vmem>>, vector<16xf32>,
        tpu.vector_store %arg7[%swap3A_413, %swap3A_414], %gather3A_409 {strides = array<i32>} : memref<64x256xf32, #tpu.memory_space<vmem>>, vector<16xf32>,
        %broadcast_in_dim3A_416 = arith.constant 43 : i32
        %broadcast_in_dim3A_417 = vector.broadcast %broadcast_in_dim3A_416 : i32 to vector<16xi32>
        %gather3A_418 = tpu.vector_load_idx %arg5[%get3A_31, %broadcast_in_dim3A_417] : memref<1024x64xf32, #tpu.memory_space<vmem>>[vector<16xi32>, vector<16xi32>], vector<16xf32>,
        %mul3A_419 = arith.constant 16 : i32
        %mul3A_420 = arith.muli %scan3A_26, %mul3A_419 : i32
        %swap3A_421 = arith.constant 43 : i32
        %swap3A_422 = arith.index_cast %swap3A_421 : i32 to index
        %swap3A_423 = arith.index_cast %mul3A_420 : i32 to index
        %swap3A_424 = tpu.vector_load %arg7[%swap3A_422, %swap3A_423] {strides = array<i32>} : memref<64x256xf32, #tpu.memory_space<vmem>>, vector<16xf32>,
        tpu.vector_store %arg7[%swap3A_422, %swap3A_423], %gather3A_418 {strides = array<i32>} : memref<64x256xf32, #tpu.memory_space<vmem>>, vector<16xf32>,
        %broadcast_in_dim3A_425 = arith.constant 44 : i32
        %broadcast_in_dim3A_426 = vector.broadcast %broadcast_in_dim3A_425 : i32 to vector<16xi32>
        %gather3A_427 = tpu.vector_load_idx %arg5[%get3A_31, %broadcast_in_dim3A_426] : memref<1024x64xf32, #tpu.memory_space<vmem>>[vector<16xi32>, vector<16xi32>], vector<16xf32>,
        %mul3A_428 = arith.constant 16 : i32
        %mul3A_429 = arith.muli %scan3A_26, %mul3A_428 : i32
        %swap3A_430 = arith.constant 44 : i32
        %swap3A_431 = arith.index_cast %swap3A_430 : i32 to index
        %swap3A_432 = arith.index_cast %mul3A_429 : i32 to index
        %swap3A_433 = tpu.vector_load %arg7[%swap3A_431, %swap3A_432] {strides = array<i32>} : memref<64x256xf32, #tpu.memory_space<vmem>>, vector<16xf32>,
        tpu.vector_store %arg7[%swap3A_431, %swap3A_432], %gather3A_427 {strides = array<i32>} : memref<64x256xf32, #tpu.memory_space<vmem>>, vector<16xf32>,
        %broadcast_in_dim3A_434 = arith.constant 45 : i32
        %broadcast_in_dim3A_435 = vector.broadcast %broadcast_in_dim3A_434 : i32 to vector<16xi32>
        %gather3A_436 = tpu.vector_load_idx %arg5[%get3A_31, %broadcast_in_dim3A_435] : memref<1024x64xf32, #tpu.memory_space<vmem>>[vector<16xi32>, vector<16xi32>], vector<16xf32>,
        %mul3A_437 = arith.constant 16 : i32
        %mul3A_438 = arith.muli %scan3A_26, %mul3A_437 : i32
        %swap3A_439 = arith.constant 45 : i32
        %swap3A_440 = arith.index_cast %swap3A_439 : i32 to index
        %swap3A_441 = arith.index_cast %mul3A_438 : i32 to index
        %swap3A_442 = tpu.vector_load %arg7[%swap3A_440, %swap3A_441] {strides = array<i32>} : memref<64x256xf32, #tpu.memory_space<vmem>>, vector<16xf32>,
        tpu.vector_store %arg7[%swap3A_440, %swap3A_441], %gather3A_436 {strides = array<i32>} : memref<64x256xf32, #tpu.memory_space<vmem>>, vector<16xf32>,
        %broadcast_in_dim3A_443 = arith.constant 46 : i32
        %broadcast_in_dim3A_444 = vector.broadcast %broadcast_in_dim3A_443 : i32 to vector<16xi32>
        %gather3A_445 = tpu.vector_load_idx %arg5[%get3A_31, %broadcast_in_dim3A_444] : memref<1024x64xf32, #tpu.memory_space<vmem>>[vector<16xi32>, vector<16xi32>], vector<16xf32>,
        %mul3A_446 = arith.constant 16 : i32
        %mul3A_447 = arith.muli %scan3A_26, %mul3A_446 : i32
        %swap3A_448 = arith.constant 46 : i32
        %swap3A_449 = arith.index_cast %swap3A_448 : i32 to index
        %swap3A_450 = arith.index_cast %mul3A_447 : i32 to index
        %swap3A_451 = tpu.vector_load %arg7[%swap3A_449, %swap3A_450] {strides = array<i32>} : memref<64x256xf32, #tpu.memory_space<vmem>>, vector<16xf32>,
        tpu.vector_store %arg7[%swap3A_449, %swap3A_450], %gather3A_445 {strides = array<i32>} : memref<64x256xf32, #tpu.memory_space<vmem>>, vector<16xf32>,
        %broadcast_in_dim3A_452 = arith.constant 47 : i32
        %broadcast_in_dim3A_453 = vector.broadcast %broadcast_in_dim3A_452 : i32 to vector<16xi32>
        %gather3A_454 = tpu.vector_load_idx %arg5[%get3A_31, %broadcast_in_dim3A_453] : memref<1024x64xf32, #tpu.memory_space<vmem>>[vector<16xi32>, vector<16xi32>], vector<16xf32>,
        %mul3A_455 = arith.constant 16 : i32
        %mul3A_456 = arith.muli %scan3A_26, %mul3A_455 : i32
        %swap3A_457 = arith.constant 47 : i32
        %swap3A_458 = arith.index_cast %swap3A_457 : i32 to index
        %swap3A_459 = arith.index_cast %mul3A_456 : i32 to index
        %swap3A_460 = tpu.vector_load %arg7[%swap3A_458, %swap3A_459] {strides = array<i32>} : memref<64x256xf32, #tpu.memory_space<vmem>>, vector<16xf32>,
        tpu.vector_store %arg7[%swap3A_458, %swap3A_459], %gather3A_454 {strides = array<i32>} : memref<64x256xf32, #tpu.memory_space<vmem>>, vector<16xf32>,
        %broadcast_in_dim3A_461 = arith.constant 48 : i32
        %broadcast_in_dim3A_462 = vector.broadcast %broadcast_in_dim3A_461 : i32 to vector<16xi32>
        %gather3A_463 = tpu.vector_load_idx %arg5[%get3A_31, %broadcast_in_dim3A_462] : memref<1024x64xf32, #tpu.memory_space<vmem>>[vector<16xi32>, vector<16xi32>], vector<16xf32>,
        %mul3A_464 = arith.constant 16 : i32
        %mul3A_465 = arith.muli %scan3A_26, %mul3A_464 : i32
        %swap3A_466 = arith.constant 48 : i32
        %swap3A_467 = arith.index_cast %swap3A_466 : i32 to index
        %swap3A_468 = arith.index_cast %mul3A_465 : i32 to index
        %swap3A_469 = tpu.vector_load %arg7[%swap3A_467, %swap3A_468] {strides = array<i32>} : memref<64x256xf32, #tpu.memory_space<vmem>>, vector<16xf32>,
        tpu.vector_store %arg7[%swap3A_467, %swap3A_468], %gather3A_463 {strides = array<i32>} : memref<64x256xf32, #tpu.memory_space<vmem>>, vector<16xf32>,
        %broadcast_in_dim3A_470 = arith.constant 49 : i32
        %broadcast_in_dim3A_471 = vector.broadcast %broadcast_in_dim3A_470 : i32 to vector<16xi32>
        %gather3A_472 = tpu.vector_load_idx %arg5[%get3A_31, %broadcast_in_dim3A_471] : memref<1024x64xf32, #tpu.memory_space<vmem>>[vector<16xi32>, vector<16xi32>], vector<16xf32>,
        %mul3A_473 = arith.constant 16 : i32
        %mul3A_474 = arith.muli %scan3A_26, %mul3A_473 : i32
        %swap3A_475 = arith.constant 49 : i32
        %swap3A_476 = arith.index_cast %swap3A_475 : i32 to index
        %swap3A_477 = arith.index_cast %mul3A_474 : i32 to index
        %swap3A_478 = tpu.vector_load %arg7[%swap3A_476, %swap3A_477] {strides = array<i32>} : memref<64x256xf32, #tpu.memory_space<vmem>>, vector<16xf32>,
        tpu.vector_store %arg7[%swap3A_476, %swap3A_477], %gather3A_472 {strides = array<i32>} : memref<64x256xf32, #tpu.memory_space<vmem>>, vector<16xf32>,
        %broadcast_in_dim3A_479 = arith.constant 50 : i32
        %broadcast_in_dim3A_480 = vector.broadcast %broadcast_in_dim3A_479 : i32 to vector<16xi32>
        %gather3A_481 = tpu.vector_load_idx %arg5[%get3A_31, %broadcast_in_dim3A_480] : memref<1024x64xf32, #tpu.memory_space<vmem>>[vector<16xi32>, vector<16xi32>], vector<16xf32>,
        %mul3A_482 = arith.constant 16 : i32
        %mul3A_483 = arith.muli %scan3A_26, %mul3A_482 : i32
        %swap3A_484 = arith.constant 50 : i32
        %swap3A_485 = arith.index_cast %swap3A_484 : i32 to index
        %swap3A_486 = arith.index_cast %mul3A_483 : i32 to index
        %swap3A_487 = tpu.vector_load %arg7[%swap3A_485, %swap3A_486] {strides = array<i32>} : memref<64x256xf32, #tpu.memory_space<vmem>>, vector<16xf32>,
        tpu.vector_store %arg7[%swap3A_485, %swap3A_486], %gather3A_481 {strides = array<i32>} : memref<64x256xf32, #tpu.memory_space<vmem>>, vector<16xf32>,
        %broadcast_in_dim3A_488 = arith.constant 51 : i32
        %broadcast_in_dim3A_489 = vector.broadcast %broadcast_in_dim3A_488 : i32 to vector<16xi32>
        %gather3A_490 = tpu.vector_load_idx %arg5[%get3A_31, %broadcast_in_dim3A_489] : memref<1024x64xf32, #tpu.memory_space<vmem>>[vector<16xi32>, vector<16xi32>], vector<16xf32>,
        %mul3A_491 = arith.constant 16 : i32
        %mul3A_492 = arith.muli %scan3A_26, %mul3A_491 : i32
        %swap3A_493 = arith.constant 51 : i32
        %swap3A_494 = arith.index_cast %swap3A_493 : i32 to index
        %swap3A_495 = arith.index_cast %mul3A_492 : i32 to index
        %swap3A_496 = tpu.vector_load %arg7[%swap3A_494, %swap3A_495] {strides = array<i32>} : memref<64x256xf32, #tpu.memory_space<vmem>>, vector<16xf32>,
        tpu.vector_store %arg7[%swap3A_494, %swap3A_495], %gather3A_490 {strides = array<i32>} : memref<64x256xf32, #tpu.memory_space<vmem>>, vector<16xf32>,
        %broadcast_in_dim3A_497 = arith.constant 52 : i32
        %broadcast_in_dim3A_498 = vector.broadcast %broadcast_in_dim3A_497 : i32 to vector<16xi32>
        %gather3A_499 = tpu.vector_load_idx %arg5[%get3A_31, %broadcast_in_dim3A_498] : memref<1024x64xf32, #tpu.memory_space<vmem>>[vector<16xi32>, vector<16xi32>], vector<16xf32>,
        %mul3A_500 = arith.constant 16 : i32
        %mul3A_501 = arith.muli %scan3A_26, %mul3A_500 : i32
        %swap3A_502 = arith.constant 52 : i32
        %swap3A_503 = arith.index_cast %swap3A_502 : i32 to index
        %swap3A_504 = arith.index_cast %mul3A_501 : i32 to index
        %swap3A_505 = tpu.vector_load %arg7[%swap3A_503, %swap3A_504] {strides = array<i32>} : memref<64x256xf32, #tpu.memory_space<vmem>>, vector<16xf32>,
        tpu.vector_store %arg7[%swap3A_503, %swap3A_504], %gather3A_499 {strides = array<i32>} : memref<64x256xf32, #tpu.memory_space<vmem>>, vector<16xf32>,
        %broadcast_in_dim3A_506 = arith.constant 53 : i32
        %broadcast_in_dim3A_507 = vector.broadcast %broadcast_in_dim3A_506 : i32 to vector<16xi32>
        %gather3A_508 = tpu.vector_load_idx %arg5[%get3A_31, %broadcast_in_dim3A_507] : memref<1024x64xf32, #tpu.memory_space<vmem>>[vector<16xi32>, vector<16xi32>], vector<16xf32>,
        %mul3A_509 = arith.constant 16 : i32
        %mul3A_510 = arith.muli %scan3A_26, %mul3A_509 : i32
        %swap3A_511 = arith.constant 53 : i32
        %swap3A_512 = arith.index_cast %swap3A_511 : i32 to index
        %swap3A_513 = arith.index_cast %mul3A_510 : i32 to index
        %swap3A_514 = tpu.vector_load %arg7[%swap3A_512, %swap3A_513] {strides = array<i32>} : memref<64x256xf32, #tpu.memory_space<vmem>>, vector<16xf32>,
        tpu.vector_store %arg7[%swap3A_512, %swap3A_513], %gather3A_508 {strides = array<i32>} : memref<64x256xf32, #tpu.memory_space<vmem>>, vector<16xf32>,
        %broadcast_in_dim3A_515 = arith.constant 54 : i32
        %broadcast_in_dim3A_516 = vector.broadcast %broadcast_in_dim3A_515 : i32 to vector<16xi32>
        %gather3A_517 = tpu.vector_load_idx %arg5[%get3A_31, %broadcast_in_dim3A_516] : memref<1024x64xf32, #tpu.memory_space<vmem>>[vector<16xi32>, vector<16xi32>], vector<16xf32>,
        %mul3A_518 = arith.constant 16 : i32
        %mul3A_519 = arith.muli %scan3A_26, %mul3A_518 : i32
        %swap3A_520 = arith.constant 54 : i32
        %swap3A_521 = arith.index_cast %swap3A_520 : i32 to index
        %swap3A_522 = arith.index_cast %mul3A_519 : i32 to index
        %swap3A_523 = tpu.vector_load %arg7[%swap3A_521, %swap3A_522] {strides = array<i32>} : memref<64x256xf32, #tpu.memory_space<vmem>>, vector<16xf32>,
        tpu.vector_store %arg7[%swap3A_521, %swap3A_522], %gather3A_517 {strides = array<i32>} : memref<64x256xf32, #tpu.memory_space<vmem>>, vector<16xf32>,
        %broadcast_in_dim3A_524 = arith.constant 55 : i32
        %broadcast_in_dim3A_525 = vector.broadcast %broadcast_in_dim3A_524 : i32 to vector<16xi32>
        %gather3A_526 = tpu.vector_load_idx %arg5[%get3A_31, %broadcast_in_dim3A_525] : memref<1024x64xf32, #tpu.memory_space<vmem>>[vector<16xi32>, vector<16xi32>], vector<16xf32>,
        %mul3A_527 = arith.constant 16 : i32
        %mul3A_528 = arith.muli %scan3A_26, %mul3A_527 : i32
        %swap3A_529 = arith.constant 55 : i32
        %swap3A_530 = arith.index_cast %swap3A_529 : i32 to index
        %swap3A_531 = arith.index_cast %mul3A_528 : i32 to index
        %swap3A_532 = tpu.vector_load %arg7[%swap3A_530, %swap3A_531] {strides = array<i32>} : memref<64x256xf32, #tpu.memory_space<vmem>>, vector<16xf32>,
        tpu.vector_store %arg7[%swap3A_530, %swap3A_531], %gather3A_526 {strides = array<i32>} : memref<64x256xf32, #tpu.memory_space<vmem>>, vector<16xf32>,
        %broadcast_in_dim3A_533 = arith.constant 56 : i32
        %broadcast_in_dim3A_534 = vector.broadcast %broadcast_in_dim3A_533 : i32 to vector<16xi32>
        %gather3A_535 = tpu.vector_load_idx %arg5[%get3A_31, %broadcast_in_dim3A_534] : memref<1024x64xf32, #tpu.memory_space<vmem>>[vector<16xi32>, vector<16xi32>], vector<16xf32>,
        %mul3A_536 = arith.constant 16 : i32
        %mul3A_537 = arith.muli %scan3A_26, %mul3A_536 : i32
        %swap3A_538 = arith.constant 56 : i32
        %swap3A_539 = arith.index_cast %swap3A_538 : i32 to index
        %swap3A_540 = arith.index_cast %mul3A_537 : i32 to index
        %swap3A_541 = tpu.vector_load %arg7[%swap3A_539, %swap3A_540] {strides = array<i32>} : memref<64x256xf32, #tpu.memory_space<vmem>>, vector<16xf32>,
        tpu.vector_store %arg7[%swap3A_539, %swap3A_540], %gather3A_535 {strides = array<i32>} : memref<64x256xf32, #tpu.memory_space<vmem>>, vector<16xf32>,
        %broadcast_in_dim3A_542 = arith.constant 57 : i32
        %broadcast_in_dim3A_543 = vector.broadcast %broadcast_in_dim3A_542 : i32 to vector<16xi32>
        %gather3A_544 = tpu.vector_load_idx %arg5[%get3A_31, %broadcast_in_dim3A_543] : memref<1024x64xf32, #tpu.memory_space<vmem>>[vector<16xi32>, vector<16xi32>], vector<16xf32>,
        %mul3A_545 = arith.constant 16 : i32
        %mul3A_546 = arith.muli %scan3A_26, %mul3A_545 : i32
        %swap3A_547 = arith.constant 57 : i32
        %swap3A_548 = arith.index_cast %swap3A_547 : i32 to index
        %swap3A_549 = arith.index_cast %mul3A_546 : i32 to index
        %swap3A_550 = tpu.vector_load %arg7[%swap3A_548, %swap3A_549] {strides = array<i32>} : memref<64x256xf32, #tpu.memory_space<vmem>>, vector<16xf32>,
        tpu.vector_store %arg7[%swap3A_548, %swap3A_549], %gather3A_544 {strides = array<i32>} : memref<64x256xf32, #tpu.memory_space<vmem>>, vector<16xf32>,
        %broadcast_in_dim3A_551 = arith.constant 58 : i32
        %broadcast_in_dim3A_552 = vector.broadcast %broadcast_in_dim3A_551 : i32 to vector<16xi32>
        %gather3A_553 = tpu.vector_load_idx %arg5[%get3A_31, %broadcast_in_dim3A_552] : memref<1024x64xf32, #tpu.memory_space<vmem>>[vector<16xi32>, vector<16xi32>], vector<16xf32>,
        %mul3A_554 = arith.constant 16 : i32
        %mul3A_555 = arith.muli %scan3A_26, %mul3A_554 : i32
        %swap3A_556 = arith.constant 58 : i32
        %swap3A_557 = arith.index_cast %swap3A_556 : i32 to index
        %swap3A_558 = arith.index_cast %mul3A_555 : i32 to index
        %swap3A_559 = tpu.vector_load %arg7[%swap3A_557, %swap3A_558] {strides = array<i32>} : memref<64x256xf32, #tpu.memory_space<vmem>>, vector<16xf32>,
        tpu.vector_store %arg7[%swap3A_557, %swap3A_558], %gather3A_553 {strides = array<i32>} : memref<64x256xf32, #tpu.memory_space<vmem>>, vector<16xf32>,
        %broadcast_in_dim3A_560 = arith.constant 59 : i32
        %broadcast_in_dim3A_561 = vector.broadcast %broadcast_in_dim3A_560 : i32 to vector<16xi32>
        %gather3A_562 = tpu.vector_load_idx %arg5[%get3A_31, %broadcast_in_dim3A_561] : memref<1024x64xf32, #tpu.memory_space<vmem>>[vector<16xi32>, vector<16xi32>], vector<16xf32>,
        %mul3A_563 = arith.constant 16 : i32
        %mul3A_564 = arith.muli %scan3A_26, %mul3A_563 : i32
        %swap3A_565 = arith.constant 59 : i32
        %swap3A_566 = arith.index_cast %swap3A_565 : i32 to index
        %swap3A_567 = arith.index_cast %mul3A_564 : i32 to index
        %swap3A_568 = tpu.vector_load %arg7[%swap3A_566, %swap3A_567] {strides = array<i32>} : memref<64x256xf32, #tpu.memory_space<vmem>>, vector<16xf32>,
        tpu.vector_store %arg7[%swap3A_566, %swap3A_567], %gather3A_562 {strides = array<i32>} : memref<64x256xf32, #tpu.memory_space<vmem>>, vector<16xf32>,
        %broadcast_in_dim3A_569 = arith.constant 60 : i32
        %broadcast_in_dim3A_570 = vector.broadcast %broadcast_in_dim3A_569 : i32 to vector<16xi32>
        %gather3A_571 = tpu.vector_load_idx %arg5[%get3A_31, %broadcast_in_dim3A_570] : memref<1024x64xf32, #tpu.memory_space<vmem>>[vector<16xi32>, vector<16xi32>], vector<16xf32>,
        %mul3A_572 = arith.constant 16 : i32
        %mul3A_573 = arith.muli %scan3A_26, %mul3A_572 : i32
        %swap3A_574 = arith.constant 60 : i32
        %swap3A_575 = arith.index_cast %swap3A_574 : i32 to index
        %swap3A_576 = arith.index_cast %mul3A_573 : i32 to index
        %swap3A_577 = tpu.vector_load %arg7[%swap3A_575, %swap3A_576] {strides = array<i32>} : memref<64x256xf32, #tpu.memory_space<vmem>>, vector<16xf32>,
        tpu.vector_store %arg7[%swap3A_575, %swap3A_576], %gather3A_571 {strides = array<i32>} : memref<64x256xf32, #tpu.memory_space<vmem>>, vector<16xf32>,
        %broadcast_in_dim3A_578 = arith.constant 61 : i32
        %broadcast_in_dim3A_579 = vector.broadcast %broadcast_in_dim3A_578 : i32 to vector<16xi32>
        %gather3A_580 = tpu.vector_load_idx %arg5[%get3A_31, %broadcast_in_dim3A_579] : memref<1024x64xf32, #tpu.memory_space<vmem>>[vector<16xi32>, vector<16xi32>], vector<16xf32>,
        %mul3A_581 = arith.constant 16 : i32
        %mul3A_582 = arith.muli %scan3A_26, %mul3A_581 : i32
        %swap3A_583 = arith.constant 61 : i32
        %swap3A_584 = arith.index_cast %swap3A_583 : i32 to index
        %swap3A_585 = arith.index_cast %mul3A_582 : i32 to index
        %swap3A_586 = tpu.vector_load %arg7[%swap3A_584, %swap3A_585] {strides = array<i32>} : memref<64x256xf32, #tpu.memory_space<vmem>>, vector<16xf32>,
        tpu.vector_store %arg7[%swap3A_584, %swap3A_585], %gather3A_580 {strides = array<i32>} : memref<64x256xf32, #tpu.memory_space<vmem>>, vector<16xf32>,
        %broadcast_in_dim3A_587 = arith.constant 62 : i32
        %broadcast_in_dim3A_588 = vector.broadcast %broadcast_in_dim3A_587 : i32 to vector<16xi32>
        %gather3A_589 = tpu.vector_load_idx %arg5[%get3A_31, %broadcast_in_dim3A_588] : memref<1024x64xf32, #tpu.memory_space<vmem>>[vector<16xi32>, vector<16xi32>], vector<16xf32>,
        %mul3A_590 = arith.constant 16 : i32
        %mul3A_591 = arith.muli %scan3A_26, %mul3A_590 : i32
        %swap3A_592 = arith.constant 62 : i32
        %swap3A_593 = arith.index_cast %swap3A_592 : i32 to index
        %swap3A_594 = arith.index_cast %mul3A_591 : i32 to index
        %swap3A_595 = tpu.vector_load %arg7[%swap3A_593, %swap3A_594] {strides = array<i32>} : memref<64x256xf32, #tpu.memory_space<vmem>>, vector<16xf32>,
        tpu.vector_store %arg7[%swap3A_593, %swap3A_594], %gather3A_589 {strides = array<i32>} : memref<64x256xf32, #tpu.memory_space<vmem>>, vector<16xf32>,
        %broadcast_in_dim3A_596 = arith.constant 63 : i32
        %broadcast_in_dim3A_597 = vector.broadcast %broadcast_in_dim3A_596 : i32 to vector<16xi32>
        %gather3A_598 = tpu.vector_load_idx %arg5[%get3A_31, %broadcast_in_dim3A_597] : memref<1024x64xf32, #tpu.memory_space<vmem>>[vector<16xi32>, vector<16xi32>], vector<16xf32>,
        %mul3A_599 = arith.constant 16 : i32
        %mul3A_600 = arith.muli %scan3A_26, %mul3A_599 : i32
        %swap3A_601 = arith.constant 63 : i32
        %swap3A_602 = arith.index_cast %swap3A_601 : i32 to index
        %swap3A_603 = arith.index_cast %mul3A_600 : i32 to index
        %swap3A_604 = tpu.vector_load %arg7[%swap3A_602, %swap3A_603] {strides = array<i32>} : memref<64x256xf32, #tpu.memory_space<vmem>>, vector<16xf32>,
        tpu.vector_store %arg7[%swap3A_602, %swap3A_603], %gather3A_598 {strides = array<i32>} : memref<64x256xf32, #tpu.memory_space<vmem>>, vector<16xf32>,
      }
      %scan3A_7 = arith.constant 16 : i32
      "tpu.region"() ({
        %run_scoped3A = tpu.sem_alloc : memref<!tpu.dma_semaphore, #tpu.memory_space<semaphore_mem>>
        %dma_start3A = arith.constant 0 : i32
        %dma_start3A_26 = arith.constant 0 : i32
        %dma_start3A_27 = tpu.memref_slice %arg4[%add3A, %dma_start3A, %dma_start3A_26] : memref<32x64x1024xf32, #tpu.memory_space<hbm>> -> memref<1x64x256xf32, #tpu.memory_space<hbm>>
        %dma_start3A_28 = tpu.memref_squeeze %dma_start3A_27 : memref<1x64x256xf32, #tpu.memory_space<hbm>> -> memref<64x256xf32, #tpu.memory_space<hbm>>
        %dma_start3A_29 = arith.constant 0 : i32
        %dma_start3A_30 = arith.constant 0 : i32
        %dma_start3A_31 = tpu.memref_slice %arg4[%add3A, %dma_start3A_29, %dma_start3A_30] : memref<32x64x1024xf32, #tpu.memory_space<hbm>> -> memref<1x64x256xf32, #tpu.memory_space<hbm>>
        %dma_start3A_32 = tpu.memref_squeeze %dma_start3A_31 : memref<1x64x256xf32, #tpu.memory_space<hbm>> -> memref<64x256xf32, #tpu.memory_space<hbm>>
        tpu.enqueue_dma source(%arg7 : memref<64x256xf32, #tpu.memory_space<vmem>>) target(%dma_start3A_32 : memref<64x256xf32, #tpu.memory_space<hbm>>) target_semaphore(%run_scoped3A : memref<!tpu.dma_semaphore, #tpu.memory_space<semaphore_mem>>)
        %dma_wait3A = arith.constant 0 : i32
        %dma_wait3A_33 = arith.constant 0 : i32
        %dma_wait3A_34 = tpu.memref_slice %arg4[%add3A, %dma_wait3A, %dma_wait3A_33] : memref<32x64x1024xf32, #tpu.memory_space<hbm>> -> memref<1x64x256xf32, #tpu.memory_space<hbm>>
        %dma_wait3A_35 = tpu.memref_squeeze %dma_wait3A_34 : memref<1x64x256xf32, #tpu.memory_space<hbm>> -> memref<64x256xf32, #tpu.memory_space<hbm>>
        %dma_wait3A_36 = arith.constant 0 : i32
        %dma_wait3A_37 = arith.constant 0 : i32
        %dma_wait3A_38 = tpu.memref_slice %arg4[%add3A, %dma_wait3A_36, %dma_wait3A_37] : memref<32x64x1024xf32, #tpu.memory_space<hbm>> -> memref<1x64x256xf32, #tpu.memory_space<hbm>>
        %dma_wait3A_39 = tpu.memref_squeeze %dma_wait3A_38 : memref<1x64x256xf32, #tpu.memory_space<hbm>> -> memref<64x256xf32, #tpu.memory_space<hbm>>
        tpu.wait_dma2 semaphore(%run_scoped3A : memref<!tpu.dma_semaphore, #tpu.memory_space<semaphore_mem>>) src(%arg7 : memref<64x256xf32, #tpu.memory_space<vmem>>) dst(%dma_wait3A_39 : memref<64x256xf32, #tpu.memory_space<hbm>>)
        tpu.yield
      }) : () -> ()
      %scan3A_8 = arith.constant 0 : i32
      %scan3A_9 = arith.constant 0 : i32
      %scan3A_10 = arith.constant 16 : i32
      %scan3A_11 = arith.addi %scan3A_9, %scan3A_10 : i32
      %scan3A_12 = arith.constant 1 : i32
      scf.for %scan3A_26 = %scan3A_9 to %scan3A_11 step %scan3A_12  : i32 {
        %mul3A_27 = arith.constant 16 : i32
        %mul3A_28 = arith.muli %scan3A_26, %mul3A_27 : i32
        %add3A_29 = arith.constant 256 : i32
        %add3A_30 = arith.addi %add3A_29, %mul3A_28 : i32
        %get3A = arith.index_cast %add3A_30 : i32 to index
        %get3A_31 = tpu.vector_load %arg6[%get3A] {strides = array<i32>} : memref<1024xi32, #tpu.memory_space<vmem>>, vector<16xi32>,
        %broadcast_in_dim3A = arith.constant 0 : i32
        %broadcast_in_dim3A_32 = vector.broadcast %broadcast_in_dim3A : i32 to vector<16xi32>
        %gather3A = tpu.vector_load_idx %arg5[%get3A_31, %broadcast_in_dim3A_32] : memref<1024x64xf32, #tpu.memory_space<vmem>>[vector<16xi32>, vector<16xi32>], vector<16xf32>,
        %mul3A_33 = arith.constant 16 : i32
        %mul3A_34 = arith.muli %scan3A_26, %mul3A_33 : i32
        %swap3A = arith.constant 0 : i32
        %swap3A_35 = arith.index_cast %swap3A : i32 to index
        %swap3A_36 = arith.index_cast %mul3A_34 : i32 to index
        %swap3A_37 = tpu.vector_load %arg7[%swap3A_35, %swap3A_36] {strides = array<i32>} : memref<64x256xf32, #tpu.memory_space<vmem>>, vector<16xf32>,
        tpu.vector_store %arg7[%swap3A_35, %swap3A_36], %gather3A {strides = array<i32>} : memref<64x256xf32, #tpu.memory_space<vmem>>, vector<16xf32>,
        %broadcast_in_dim3A_38 = arith.constant 1 : i32
        %broadcast_in_dim3A_39 = vector.broadcast %broadcast_in_dim3A_38 : i32 to vector<16xi32>
        %gather3A_40 = tpu.vector_load_idx %arg5[%get3A_31, %broadcast_in_dim3A_39] : memref<1024x64xf32, #tpu.memory_space<vmem>>[vector<16xi32>, vector<16xi32>], vector<16xf32>,
        %mul3A_41 = arith.constant 16 : i32
        %mul3A_42 = arith.muli %scan3A_26, %mul3A_41 : i32
        %swap3A_43 = arith.constant 1 : i32
        %swap3A_44 = arith.index_cast %swap3A_43 : i32 to index
        %swap3A_45 = arith.index_cast %mul3A_42 : i32 to index
        %swap3A_46 = tpu.vector_load %arg7[%swap3A_44, %swap3A_45] {strides = array<i32>} : memref<64x256xf32, #tpu.memory_space<vmem>>, vector<16xf32>,
        tpu.vector_store %arg7[%swap3A_44, %swap3A_45], %gather3A_40 {strides = array<i32>} : memref<64x256xf32, #tpu.memory_space<vmem>>, vector<16xf32>,
        %broadcast_in_dim3A_47 = arith.constant 2 : i32
        %broadcast_in_dim3A_48 = vector.broadcast %broadcast_in_dim3A_47 : i32 to vector<16xi32>
        %gather3A_49 = tpu.vector_load_idx %arg5[%get3A_31, %broadcast_in_dim3A_48] : memref<1024x64xf32, #tpu.memory_space<vmem>>[vector<16xi32>, vector<16xi32>], vector<16xf32>,
        %mul3A_50 = arith.constant 16 : i32
        %mul3A_51 = arith.muli %scan3A_26, %mul3A_50 : i32
        %swap3A_52 = arith.constant 2 : i32
        %swap3A_53 = arith.index_cast %swap3A_52 : i32 to index
        %swap3A_54 = arith.index_cast %mul3A_51 : i32 to index
        %swap3A_55 = tpu.vector_load %arg7[%swap3A_53, %swap3A_54] {strides = array<i32>} : memref<64x256xf32, #tpu.memory_space<vmem>>, vector<16xf32>,
        tpu.vector_store %arg7[%swap3A_53, %swap3A_54], %gather3A_49 {strides = array<i32>} : memref<64x256xf32, #tpu.memory_space<vmem>>, vector<16xf32>,
        %broadcast_in_dim3A_56 = arith.constant 3 : i32
        %broadcast_in_dim3A_57 = vector.broadcast %broadcast_in_dim3A_56 : i32 to vector<16xi32>
        %gather3A_58 = tpu.vector_load_idx %arg5[%get3A_31, %broadcast_in_dim3A_57] : memref<1024x64xf32, #tpu.memory_space<vmem>>[vector<16xi32>, vector<16xi32>], vector<16xf32>,
        %mul3A_59 = arith.constant 16 : i32
        %mul3A_60 = arith.muli %scan3A_26, %mul3A_59 : i32
        %swap3A_61 = arith.constant 3 : i32
        %swap3A_62 = arith.index_cast %swap3A_61 : i32 to index
        %swap3A_63 = arith.index_cast %mul3A_60 : i32 to index
        %swap3A_64 = tpu.vector_load %arg7[%swap3A_62, %swap3A_63] {strides = array<i32>} : memref<64x256xf32, #tpu.memory_space<vmem>>, vector<16xf32>,
        tpu.vector_store %arg7[%swap3A_62, %swap3A_63], %gather3A_58 {strides = array<i32>} : memref<64x256xf32, #tpu.memory_space<vmem>>, vector<16xf32>,
        %broadcast_in_dim3A_65 = arith.constant 4 : i32
        %broadcast_in_dim3A_66 = vector.broadcast %broadcast_in_dim3A_65 : i32 to vector<16xi32>
        %gather3A_67 = tpu.vector_load_idx %arg5[%get3A_31, %broadcast_in_dim3A_66] : memref<1024x64xf32, #tpu.memory_space<vmem>>[vector<16xi32>, vector<16xi32>], vector<16xf32>,
        %mul3A_68 = arith.constant 16 : i32
        %mul3A_69 = arith.muli %scan3A_26, %mul3A_68 : i32
        %swap3A_70 = arith.constant 4 : i32
        %swap3A_71 = arith.index_cast %swap3A_70 : i32 to index
        %swap3A_72 = arith.index_cast %mul3A_69 : i32 to index
        %swap3A_73 = tpu.vector_load %arg7[%swap3A_71, %swap3A_72] {strides = array<i32>} : memref<64x256xf32, #tpu.memory_space<vmem>>, vector<16xf32>,
        tpu.vector_store %arg7[%swap3A_71, %swap3A_72], %gather3A_67 {strides = array<i32>} : memref<64x256xf32, #tpu.memory_space<vmem>>, vector<16xf32>,
        %broadcast_in_dim3A_74 = arith.constant 5 : i32
        %broadcast_in_dim3A_75 = vector.broadcast %broadcast_in_dim3A_74 : i32 to vector<16xi32>
        %gather3A_76 = tpu.vector_load_idx %arg5[%get3A_31, %broadcast_in_dim3A_75] : memref<1024x64xf32, #tpu.memory_space<vmem>>[vector<16xi32>, vector<16xi32>], vector<16xf32>,
        %mul3A_77 = arith.constant 16 : i32
        %mul3A_78 = arith.muli %scan3A_26, %mul3A_77 : i32
        %swap3A_79 = arith.constant 5 : i32
        %swap3A_80 = arith.index_cast %swap3A_79 : i32 to index
        %swap3A_81 = arith.index_cast %mul3A_78 : i32 to index
        %swap3A_82 = tpu.vector_load %arg7[%swap3A_80, %swap3A_81] {strides = array<i32>} : memref<64x256xf32, #tpu.memory_space<vmem>>, vector<16xf32>,
        tpu.vector_store %arg7[%swap3A_80, %swap3A_81], %gather3A_76 {strides = array<i32>} : memref<64x256xf32, #tpu.memory_space<vmem>>, vector<16xf32>,
        %broadcast_in_dim3A_83 = arith.constant 6 : i32
        %broadcast_in_dim3A_84 = vector.broadcast %broadcast_in_dim3A_83 : i32 to vector<16xi32>
        %gather3A_85 = tpu.vector_load_idx %arg5[%get3A_31, %broadcast_in_dim3A_84] : memref<1024x64xf32, #tpu.memory_space<vmem>>[vector<16xi32>, vector<16xi32>], vector<16xf32>,
        %mul3A_86 = arith.constant 16 : i32
        %mul3A_87 = arith.muli %scan3A_26, %mul3A_86 : i32
        %swap3A_88 = arith.constant 6 : i32
        %swap3A_89 = arith.index_cast %swap3A_88 : i32 to index
        %swap3A_90 = arith.index_cast %mul3A_87 : i32 to index
        %swap3A_91 = tpu.vector_load %arg7[%swap3A_89, %swap3A_90] {strides = array<i32>} : memref<64x256xf32, #tpu.memory_space<vmem>>, vector<16xf32>,
        tpu.vector_store %arg7[%swap3A_89, %swap3A_90], %gather3A_85 {strides = array<i32>} : memref<64x256xf32, #tpu.memory_space<vmem>>, vector<16xf32>,
        %broadcast_in_dim3A_92 = arith.constant 7 : i32
        %broadcast_in_dim3A_93 = vector.broadcast %broadcast_in_dim3A_92 : i32 to vector<16xi32>
        %gather3A_94 = tpu.vector_load_idx %arg5[%get3A_31, %broadcast_in_dim3A_93] : memref<1024x64xf32, #tpu.memory_space<vmem>>[vector<16xi32>, vector<16xi32>], vector<16xf32>,
        %mul3A_95 = arith.constant 16 : i32
        %mul3A_96 = arith.muli %scan3A_26, %mul3A_95 : i32
        %swap3A_97 = arith.constant 7 : i32
        %swap3A_98 = arith.index_cast %swap3A_97 : i32 to index
        %swap3A_99 = arith.index_cast %mul3A_96 : i32 to index
        %swap3A_100 = tpu.vector_load %arg7[%swap3A_98, %swap3A_99] {strides = array<i32>} : memref<64x256xf32, #tpu.memory_space<vmem>>, vector<16xf32>,
        tpu.vector_store %arg7[%swap3A_98, %swap3A_99], %gather3A_94 {strides = array<i32>} : memref<64x256xf32, #tpu.memory_space<vmem>>, vector<16xf32>,
        %broadcast_in_dim3A_101 = arith.constant 8 : i32
        %broadcast_in_dim3A_102 = vector.broadcast %broadcast_in_dim3A_101 : i32 to vector<16xi32>
        %gather3A_103 = tpu.vector_load_idx %arg5[%get3A_31, %broadcast_in_dim3A_102] : memref<1024x64xf32, #tpu.memory_space<vmem>>[vector<16xi32>, vector<16xi32>], vector<16xf32>,
        %mul3A_104 = arith.constant 16 : i32
        %mul3A_105 = arith.muli %scan3A_26, %mul3A_104 : i32
        %swap3A_106 = arith.constant 8 : i32
        %swap3A_107 = arith.index_cast %swap3A_106 : i32 to index
        %swap3A_108 = arith.index_cast %mul3A_105 : i32 to index
        %swap3A_109 = tpu.vector_load %arg7[%swap3A_107, %swap3A_108] {strides = array<i32>} : memref<64x256xf32, #tpu.memory_space<vmem>>, vector<16xf32>,
        tpu.vector_store %arg7[%swap3A_107, %swap3A_108], %gather3A_103 {strides = array<i32>} : memref<64x256xf32, #tpu.memory_space<vmem>>, vector<16xf32>,
        %broadcast_in_dim3A_110 = arith.constant 9 : i32
        %broadcast_in_dim3A_111 = vector.broadcast %broadcast_in_dim3A_110 : i32 to vector<16xi32>
        %gather3A_112 = tpu.vector_load_idx %arg5[%get3A_31, %broadcast_in_dim3A_111] : memref<1024x64xf32, #tpu.memory_space<vmem>>[vector<16xi32>, vector<16xi32>], vector<16xf32>,
        %mul3A_113 = arith.constant 16 : i32
        %mul3A_114 = arith.muli %scan3A_26, %mul3A_113 : i32
        %swap3A_115 = arith.constant 9 : i32
        %swap3A_116 = arith.index_cast %swap3A_115 : i32 to index
        %swap3A_117 = arith.index_cast %mul3A_114 : i32 to index
        %swap3A_118 = tpu.vector_load %arg7[%swap3A_116, %swap3A_117] {strides = array<i32>} : memref<64x256xf32, #tpu.memory_space<vmem>>, vector<16xf32>,
        tpu.vector_store %arg7[%swap3A_116, %swap3A_117], %gather3A_112 {strides = array<i32>} : memref<64x256xf32, #tpu.memory_space<vmem>>, vector<16xf32>,
        %broadcast_in_dim3A_119 = arith.constant 10 : i32
        %broadcast_in_dim3A_120 = vector.broadcast %broadcast_in_dim3A_119 : i32 to vector<16xi32>
        %gather3A_121 = tpu.vector_load_idx %arg5[%get3A_31, %broadcast_in_dim3A_120] : memref<1024x64xf32, #tpu.memory_space<vmem>>[vector<16xi32>, vector<16xi32>], vector<16xf32>,
        %mul3A_122 = arith.constant 16 : i32
        %mul3A_123 = arith.muli %scan3A_26, %mul3A_122 : i32
        %swap3A_124 = arith.constant 10 : i32
        %swap3A_125 = arith.index_cast %swap3A_124 : i32 to index
        %swap3A_126 = arith.index_cast %mul3A_123 : i32 to index
        %swap3A_127 = tpu.vector_load %arg7[%swap3A_125, %swap3A_126] {strides = array<i32>} : memref<64x256xf32, #tpu.memory_space<vmem>>, vector<16xf32>,
        tpu.vector_store %arg7[%swap3A_125, %swap3A_126], %gather3A_121 {strides = array<i32>} : memref<64x256xf32, #tpu.memory_space<vmem>>, vector<16xf32>,
        %broadcast_in_dim3A_128 = arith.constant 11 : i32
        %broadcast_in_dim3A_129 = vector.broadcast %broadcast_in_dim3A_128 : i32 to vector<16xi32>
        %gather3A_130 = tpu.vector_load_idx %arg5[%get3A_31, %broadcast_in_dim3A_129] : memref<1024x64xf32, #tpu.memory_space<vmem>>[vector<16xi32>, vector<16xi32>], vector<16xf32>,
        %mul3A_131 = arith.constant 16 : i32
        %mul3A_132 = arith.muli %scan3A_26, %mul3A_131 : i32
        %swap3A_133 = arith.constant 11 : i32
        %swap3A_134 = arith.index_cast %swap3A_133 : i32 to index
        %swap3A_135 = arith.index_cast %mul3A_132 : i32 to index
        %swap3A_136 = tpu.vector_load %arg7[%swap3A_134, %swap3A_135] {strides = array<i32>} : memref<64x256xf32, #tpu.memory_space<vmem>>, vector<16xf32>,
        tpu.vector_store %arg7[%swap3A_134, %swap3A_135], %gather3A_130 {strides = array<i32>} : memref<64x256xf32, #tpu.memory_space<vmem>>, vector<16xf32>,
        %broadcast_in_dim3A_137 = arith.constant 12 : i32
        %broadcast_in_dim3A_138 = vector.broadcast %broadcast_in_dim3A_137 : i32 to vector<16xi32>
        %gather3A_139 = tpu.vector_load_idx %arg5[%get3A_31, %broadcast_in_dim3A_138] : memref<1024x64xf32, #tpu.memory_space<vmem>>[vector<16xi32>, vector<16xi32>], vector<16xf32>,
        %mul3A_140 = arith.constant 16 : i32
        %mul3A_141 = arith.muli %scan3A_26, %mul3A_140 : i32
        %swap3A_142 = arith.constant 12 : i32
        %swap3A_143 = arith.index_cast %swap3A_142 : i32 to index
        %swap3A_144 = arith.index_cast %mul3A_141 : i32 to index
        %swap3A_145 = tpu.vector_load %arg7[%swap3A_143, %swap3A_144] {strides = array<i32>} : memref<64x256xf32, #tpu.memory_space<vmem>>, vector<16xf32>,
        tpu.vector_store %arg7[%swap3A_143, %swap3A_144], %gather3A_139 {strides = array<i32>} : memref<64x256xf32, #tpu.memory_space<vmem>>, vector<16xf32>,
        %broadcast_in_dim3A_146 = arith.constant 13 : i32
        %broadcast_in_dim3A_147 = vector.broadcast %broadcast_in_dim3A_146 : i32 to vector<16xi32>
        %gather3A_148 = tpu.vector_load_idx %arg5[%get3A_31, %broadcast_in_dim3A_147] : memref<1024x64xf32, #tpu.memory_space<vmem>>[vector<16xi32>, vector<16xi32>], vector<16xf32>,
        %mul3A_149 = arith.constant 16 : i32
        %mul3A_150 = arith.muli %scan3A_26, %mul3A_149 : i32
        %swap3A_151 = arith.constant 13 : i32
        %swap3A_152 = arith.index_cast %swap3A_151 : i32 to index
        %swap3A_153 = arith.index_cast %mul3A_150 : i32 to index
        %swap3A_154 = tpu.vector_load %arg7[%swap3A_152, %swap3A_153] {strides = array<i32>} : memref<64x256xf32, #tpu.memory_space<vmem>>, vector<16xf32>,
        tpu.vector_store %arg7[%swap3A_152, %swap3A_153], %gather3A_148 {strides = array<i32>} : memref<64x256xf32, #tpu.memory_space<vmem>>, vector<16xf32>,
        %broadcast_in_dim3A_155 = arith.constant 14 : i32
        %broadcast_in_dim3A_156 = vector.broadcast %broadcast_in_dim3A_155 : i32 to vector<16xi32>
        %gather3A_157 = tpu.vector_load_idx %arg5[%get3A_31, %broadcast_in_dim3A_156] : memref<1024x64xf32, #tpu.memory_space<vmem>>[vector<16xi32>, vector<16xi32>], vector<16xf32>,
        %mul3A_158 = arith.constant 16 : i32
        %mul3A_159 = arith.muli %scan3A_26, %mul3A_158 : i32
        %swap3A_160 = arith.constant 14 : i32
        %swap3A_161 = arith.index_cast %swap3A_160 : i32 to index
        %swap3A_162 = arith.index_cast %mul3A_159 : i32 to index
        %swap3A_163 = tpu.vector_load %arg7[%swap3A_161, %swap3A_162] {strides = array<i32>} : memref<64x256xf32, #tpu.memory_space<vmem>>, vector<16xf32>,
        tpu.vector_store %arg7[%swap3A_161, %swap3A_162], %gather3A_157 {strides = array<i32>} : memref<64x256xf32, #tpu.memory_space<vmem>>, vector<16xf32>,
        %broadcast_in_dim3A_164 = arith.constant 15 : i32
        %broadcast_in_dim3A_165 = vector.broadcast %broadcast_in_dim3A_164 : i32 to vector<16xi32>
        %gather3A_166 = tpu.vector_load_idx %arg5[%get3A_31, %broadcast_in_dim3A_165] : memref<1024x64xf32, #tpu.memory_space<vmem>>[vector<16xi32>, vector<16xi32>], vector<16xf32>,
        %mul3A_167 = arith.constant 16 : i32
        %mul3A_168 = arith.muli %scan3A_26, %mul3A_167 : i32
        %swap3A_169 = arith.constant 15 : i32
        %swap3A_170 = arith.index_cast %swap3A_169 : i32 to index
        %swap3A_171 = arith.index_cast %mul3A_168 : i32 to index
        %swap3A_172 = tpu.vector_load %arg7[%swap3A_170, %swap3A_171] {strides = array<i32>} : memref<64x256xf32, #tpu.memory_space<vmem>>, vector<16xf32>,
        tpu.vector_store %arg7[%swap3A_170, %swap3A_171], %gather3A_166 {strides = array<i32>} : memref<64x256xf32, #tpu.memory_space<vmem>>, vector<16xf32>,
        %broadcast_in_dim3A_173 = arith.constant 16 : i32
        %broadcast_in_dim3A_174 = vector.broadcast %broadcast_in_dim3A_173 : i32 to vector<16xi32>
        %gather3A_175 = tpu.vector_load_idx %arg5[%get3A_31, %broadcast_in_dim3A_174] : memref<1024x64xf32, #tpu.memory_space<vmem>>[vector<16xi32>, vector<16xi32>], vector<16xf32>,
        %mul3A_176 = arith.constant 16 : i32
        %mul3A_177 = arith.muli %scan3A_26, %mul3A_176 : i32
        %swap3A_178 = arith.constant 16 : i32
        %swap3A_179 = arith.index_cast %swap3A_178 : i32 to index
        %swap3A_180 = arith.index_cast %mul3A_177 : i32 to index
        %swap3A_181 = tpu.vector_load %arg7[%swap3A_179, %swap3A_180] {strides = array<i32>} : memref<64x256xf32, #tpu.memory_space<vmem>>, vector<16xf32>,
        tpu.vector_store %arg7[%swap3A_179, %swap3A_180], %gather3A_175 {strides = array<i32>} : memref<64x256xf32, #tpu.memory_space<vmem>>, vector<16xf32>,
        %broadcast_in_dim3A_182 = arith.constant 17 : i32
        %broadcast_in_dim3A_183 = vector.broadcast %broadcast_in_dim3A_182 : i32 to vector<16xi32>
        %gather3A_184 = tpu.vector_load_idx %arg5[%get3A_31, %broadcast_in_dim3A_183] : memref<1024x64xf32, #tpu.memory_space<vmem>>[vector<16xi32>, vector<16xi32>], vector<16xf32>,
        %mul3A_185 = arith.constant 16 : i32
        %mul3A_186 = arith.muli %scan3A_26, %mul3A_185 : i32
        %swap3A_187 = arith.constant 17 : i32
        %swap3A_188 = arith.index_cast %swap3A_187 : i32 to index
        %swap3A_189 = arith.index_cast %mul3A_186 : i32 to index
        %swap3A_190 = tpu.vector_load %arg7[%swap3A_188, %swap3A_189] {strides = array<i32>} : memref<64x256xf32, #tpu.memory_space<vmem>>, vector<16xf32>,
        tpu.vector_store %arg7[%swap3A_188, %swap3A_189], %gather3A_184 {strides = array<i32>} : memref<64x256xf32, #tpu.memory_space<vmem>>, vector<16xf32>,
        %broadcast_in_dim3A_191 = arith.constant 18 : i32
        %broadcast_in_dim3A_192 = vector.broadcast %broadcast_in_dim3A_191 : i32 to vector<16xi32>
        %gather3A_193 = tpu.vector_load_idx %arg5[%get3A_31, %broadcast_in_dim3A_192] : memref<1024x64xf32, #tpu.memory_space<vmem>>[vector<16xi32>, vector<16xi32>], vector<16xf32>,
        %mul3A_194 = arith.constant 16 : i32
        %mul3A_195 = arith.muli %scan3A_26, %mul3A_194 : i32
        %swap3A_196 = arith.constant 18 : i32
        %swap3A_197 = arith.index_cast %swap3A_196 : i32 to index
        %swap3A_198 = arith.index_cast %mul3A_195 : i32 to index
        %swap3A_199 = tpu.vector_load %arg7[%swap3A_197, %swap3A_198] {strides = array<i32>} : memref<64x256xf32, #tpu.memory_space<vmem>>, vector<16xf32>,
        tpu.vector_store %arg7[%swap3A_197, %swap3A_198], %gather3A_193 {strides = array<i32>} : memref<64x256xf32, #tpu.memory_space<vmem>>, vector<16xf32>,
        %broadcast_in_dim3A_200 = arith.constant 19 : i32
        %broadcast_in_dim3A_201 = vector.broadcast %broadcast_in_dim3A_200 : i32 to vector<16xi32>
        %gather3A_202 = tpu.vector_load_idx %arg5[%get3A_31, %broadcast_in_dim3A_201] : memref<1024x64xf32, #tpu.memory_space<vmem>>[vector<16xi32>, vector<16xi32>], vector<16xf32>,
        %mul3A_203 = arith.constant 16 : i32
        %mul3A_204 = arith.muli %scan3A_26, %mul3A_203 : i32
        %swap3A_205 = arith.constant 19 : i32
        %swap3A_206 = arith.index_cast %swap3A_205 : i32 to index
        %swap3A_207 = arith.index_cast %mul3A_204 : i32 to index
        %swap3A_208 = tpu.vector_load %arg7[%swap3A_206, %swap3A_207] {strides = array<i32>} : memref<64x256xf32, #tpu.memory_space<vmem>>, vector<16xf32>,
        tpu.vector_store %arg7[%swap3A_206, %swap3A_207], %gather3A_202 {strides = array<i32>} : memref<64x256xf32, #tpu.memory_space<vmem>>, vector<16xf32>,
        %broadcast_in_dim3A_209 = arith.constant 20 : i32
        %broadcast_in_dim3A_210 = vector.broadcast %broadcast_in_dim3A_209 : i32 to vector<16xi32>
        %gather3A_211 = tpu.vector_load_idx %arg5[%get3A_31, %broadcast_in_dim3A_210] : memref<1024x64xf32, #tpu.memory_space<vmem>>[vector<16xi32>, vector<16xi32>], vector<16xf32>,
        %mul3A_212 = arith.constant 16 : i32
        %mul3A_213 = arith.muli %scan3A_26, %mul3A_212 : i32
        %swap3A_214 = arith.constant 20 : i32
        %swap3A_215 = arith.index_cast %swap3A_214 : i32 to index
        %swap3A_216 = arith.index_cast %mul3A_213 : i32 to index
        %swap3A_217 = tpu.vector_load %arg7[%swap3A_215, %swap3A_216] {strides = array<i32>} : memref<64x256xf32, #tpu.memory_space<vmem>>, vector<16xf32>,
        tpu.vector_store %arg7[%swap3A_215, %swap3A_216], %gather3A_211 {strides = array<i32>} : memref<64x256xf32, #tpu.memory_space<vmem>>, vector<16xf32>,
        %broadcast_in_dim3A_218 = arith.constant 21 : i32
        %broadcast_in_dim3A_219 = vector.broadcast %broadcast_in_dim3A_218 : i32 to vector<16xi32>
        %gather3A_220 = tpu.vector_load_idx %arg5[%get3A_31, %broadcast_in_dim3A_219] : memref<1024x64xf32, #tpu.memory_space<vmem>>[vector<16xi32>, vector<16xi32>], vector<16xf32>,
        %mul3A_221 = arith.constant 16 : i32
        %mul3A_222 = arith.muli %scan3A_26, %mul3A_221 : i32
        %swap3A_223 = arith.constant 21 : i32
        %swap3A_224 = arith.index_cast %swap3A_223 : i32 to index
        %swap3A_225 = arith.index_cast %mul3A_222 : i32 to index
        %swap3A_226 = tpu.vector_load %arg7[%swap3A_224, %swap3A_225] {strides = array<i32>} : memref<64x256xf32, #tpu.memory_space<vmem>>, vector<16xf32>,
        tpu.vector_store %arg7[%swap3A_224, %swap3A_225], %gather3A_220 {strides = array<i32>} : memref<64x256xf32, #tpu.memory_space<vmem>>, vector<16xf32>,
        %broadcast_in_dim3A_227 = arith.constant 22 : i32
        %broadcast_in_dim3A_228 = vector.broadcast %broadcast_in_dim3A_227 : i32 to vector<16xi32>
        %gather3A_229 = tpu.vector_load_idx %arg5[%get3A_31, %broadcast_in_dim3A_228] : memref<1024x64xf32, #tpu.memory_space<vmem>>[vector<16xi32>, vector<16xi32>], vector<16xf32>,
        %mul3A_230 = arith.constant 16 : i32
        %mul3A_231 = arith.muli %scan3A_26, %mul3A_230 : i32
        %swap3A_232 = arith.constant 22 : i32
        %swap3A_233 = arith.index_cast %swap3A_232 : i32 to index
        %swap3A_234 = arith.index_cast %mul3A_231 : i32 to index
        %swap3A_235 = tpu.vector_load %arg7[%swap3A_233, %swap3A_234] {strides = array<i32>} : memref<64x256xf32, #tpu.memory_space<vmem>>, vector<16xf32>,
        tpu.vector_store %arg7[%swap3A_233, %swap3A_234], %gather3A_229 {strides = array<i32>} : memref<64x256xf32, #tpu.memory_space<vmem>>, vector<16xf32>,
        %broadcast_in_dim3A_236 = arith.constant 23 : i32
        %broadcast_in_dim3A_237 = vector.broadcast %broadcast_in_dim3A_236 : i32 to vector<16xi32>
        %gather3A_238 = tpu.vector_load_idx %arg5[%get3A_31, %broadcast_in_dim3A_237] : memref<1024x64xf32, #tpu.memory_space<vmem>>[vector<16xi32>, vector<16xi32>], vector<16xf32>,
        %mul3A_239 = arith.constant 16 : i32
        %mul3A_240 = arith.muli %scan3A_26, %mul3A_239 : i32
        %swap3A_241 = arith.constant 23 : i32
        %swap3A_242 = arith.index_cast %swap3A_241 : i32 to index
        %swap3A_243 = arith.index_cast %mul3A_240 : i32 to index
        %swap3A_244 = tpu.vector_load %arg7[%swap3A_242, %swap3A_243] {strides = array<i32>} : memref<64x256xf32, #tpu.memory_space<vmem>>, vector<16xf32>,
        tpu.vector_store %arg7[%swap3A_242, %swap3A_243], %gather3A_238 {strides = array<i32>} : memref<64x256xf32, #tpu.memory_space<vmem>>, vector<16xf32>,
        %broadcast_in_dim3A_245 = arith.constant 24 : i32
        %broadcast_in_dim3A_246 = vector.broadcast %broadcast_in_dim3A_245 : i32 to vector<16xi32>
        %gather3A_247 = tpu.vector_load_idx %arg5[%get3A_31, %broadcast_in_dim3A_246] : memref<1024x64xf32, #tpu.memory_space<vmem>>[vector<16xi32>, vector<16xi32>], vector<16xf32>,
        %mul3A_248 = arith.constant 16 : i32
        %mul3A_249 = arith.muli %scan3A_26, %mul3A_248 : i32
        %swap3A_250 = arith.constant 24 : i32
        %swap3A_251 = arith.index_cast %swap3A_250 : i32 to index
        %swap3A_252 = arith.index_cast %mul3A_249 : i32 to index
        %swap3A_253 = tpu.vector_load %arg7[%swap3A_251, %swap3A_252] {strides = array<i32>} : memref<64x256xf32, #tpu.memory_space<vmem>>, vector<16xf32>,
        tpu.vector_store %arg7[%swap3A_251, %swap3A_252], %gather3A_247 {strides = array<i32>} : memref<64x256xf32, #tpu.memory_space<vmem>>, vector<16xf32>,
        %broadcast_in_dim3A_254 = arith.constant 25 : i32
        %broadcast_in_dim3A_255 = vector.broadcast %broadcast_in_dim3A_254 : i32 to vector<16xi32>
        %gather3A_256 = tpu.vector_load_idx %arg5[%get3A_31, %broadcast_in_dim3A_255] : memref<1024x64xf32, #tpu.memory_space<vmem>>[vector<16xi32>, vector<16xi32>], vector<16xf32>,
        %mul3A_257 = arith.constant 16 : i32
        %mul3A_258 = arith.muli %scan3A_26, %mul3A_257 : i32
        %swap3A_259 = arith.constant 25 : i32
        %swap3A_260 = arith.index_cast %swap3A_259 : i32 to index
        %swap3A_261 = arith.index_cast %mul3A_258 : i32 to index
        %swap3A_262 = tpu.vector_load %arg7[%swap3A_260, %swap3A_261] {strides = array<i32>} : memref<64x256xf32, #tpu.memory_space<vmem>>, vector<16xf32>,
        tpu.vector_store %arg7[%swap3A_260, %swap3A_261], %gather3A_256 {strides = array<i32>} : memref<64x256xf32, #tpu.memory_space<vmem>>, vector<16xf32>,
        %broadcast_in_dim3A_263 = arith.constant 26 : i32
        %broadcast_in_dim3A_264 = vector.broadcast %broadcast_in_dim3A_263 : i32 to vector<16xi32>
        %gather3A_265 = tpu.vector_load_idx %arg5[%get3A_31, %broadcast_in_dim3A_264] : memref<1024x64xf32, #tpu.memory_space<vmem>>[vector<16xi32>, vector<16xi32>], vector<16xf32>,
        %mul3A_266 = arith.constant 16 : i32
        %mul3A_267 = arith.muli %scan3A_26, %mul3A_266 : i32
        %swap3A_268 = arith.constant 26 : i32
        %swap3A_269 = arith.index_cast %swap3A_268 : i32 to index
        %swap3A_270 = arith.index_cast %mul3A_267 : i32 to index
        %swap3A_271 = tpu.vector_load %arg7[%swap3A_269, %swap3A_270] {strides = array<i32>} : memref<64x256xf32, #tpu.memory_space<vmem>>, vector<16xf32>,
        tpu.vector_store %arg7[%swap3A_269, %swap3A_270], %gather3A_265 {strides = array<i32>} : memref<64x256xf32, #tpu.memory_space<vmem>>, vector<16xf32>,
        %broadcast_in_dim3A_272 = arith.constant 27 : i32
        %broadcast_in_dim3A_273 = vector.broadcast %broadcast_in_dim3A_272 : i32 to vector<16xi32>
        %gather3A_274 = tpu.vector_load_idx %arg5[%get3A_31, %broadcast_in_dim3A_273] : memref<1024x64xf32, #tpu.memory_space<vmem>>[vector<16xi32>, vector<16xi32>], vector<16xf32>,
        %mul3A_275 = arith.constant 16 : i32
        %mul3A_276 = arith.muli %scan3A_26, %mul3A_275 : i32
        %swap3A_277 = arith.constant 27 : i32
        %swap3A_278 = arith.index_cast %swap3A_277 : i32 to index
        %swap3A_279 = arith.index_cast %mul3A_276 : i32 to index
        %swap3A_280 = tpu.vector_load %arg7[%swap3A_278, %swap3A_279] {strides = array<i32>} : memref<64x256xf32, #tpu.memory_space<vmem>>, vector<16xf32>,
        tpu.vector_store %arg7[%swap3A_278, %swap3A_279], %gather3A_274 {strides = array<i32>} : memref<64x256xf32, #tpu.memory_space<vmem>>, vector<16xf32>,
        %broadcast_in_dim3A_281 = arith.constant 28 : i32
        %broadcast_in_dim3A_282 = vector.broadcast %broadcast_in_dim3A_281 : i32 to vector<16xi32>
        %gather3A_283 = tpu.vector_load_idx %arg5[%get3A_31, %broadcast_in_dim3A_282] : memref<1024x64xf32, #tpu.memory_space<vmem>>[vector<16xi32>, vector<16xi32>], vector<16xf32>,
        %mul3A_284 = arith.constant 16 : i32
        %mul3A_285 = arith.muli %scan3A_26, %mul3A_284 : i32
        %swap3A_286 = arith.constant 28 : i32
        %swap3A_287 = arith.index_cast %swap3A_286 : i32 to index
        %swap3A_288 = arith.index_cast %mul3A_285 : i32 to index
        %swap3A_289 = tpu.vector_load %arg7[%swap3A_287, %swap3A_288] {strides = array<i32>} : memref<64x256xf32, #tpu.memory_space<vmem>>, vector<16xf32>,
        tpu.vector_store %arg7[%swap3A_287, %swap3A_288], %gather3A_283 {strides = array<i32>} : memref<64x256xf32, #tpu.memory_space<vmem>>, vector<16xf32>,
        %broadcast_in_dim3A_290 = arith.constant 29 : i32
        %broadcast_in_dim3A_291 = vector.broadcast %broadcast_in_dim3A_290 : i32 to vector<16xi32>
        %gather3A_292 = tpu.vector_load_idx %arg5[%get3A_31, %broadcast_in_dim3A_291] : memref<1024x64xf32, #tpu.memory_space<vmem>>[vector<16xi32>, vector<16xi32>], vector<16xf32>,
        %mul3A_293 = arith.constant 16 : i32
        %mul3A_294 = arith.muli %scan3A_26, %mul3A_293 : i32
        %swap3A_295 = arith.constant 29 : i32
        %swap3A_296 = arith.index_cast %swap3A_295 : i32 to index
        %swap3A_297 = arith.index_cast %mul3A_294 : i32 to index
        %swap3A_298 = tpu.vector_load %arg7[%swap3A_296, %swap3A_297] {strides = array<i32>} : memref<64x256xf32, #tpu.memory_space<vmem>>, vector<16xf32>,
        tpu.vector_store %arg7[%swap3A_296, %swap3A_297], %gather3A_292 {strides = array<i32>} : memref<64x256xf32, #tpu.memory_space<vmem>>, vector<16xf32>,
        %broadcast_in_dim3A_299 = arith.constant 30 : i32
        %broadcast_in_dim3A_300 = vector.broadcast %broadcast_in_dim3A_299 : i32 to vector<16xi32>
        %gather3A_301 = tpu.vector_load_idx %arg5[%get3A_31, %broadcast_in_dim3A_300] : memref<1024x64xf32, #tpu.memory_space<vmem>>[vector<16xi32>, vector<16xi32>], vector<16xf32>,
        %mul3A_302 = arith.constant 16 : i32
        %mul3A_303 = arith.muli %scan3A_26, %mul3A_302 : i32
        %swap3A_304 = arith.constant 30 : i32
        %swap3A_305 = arith.index_cast %swap3A_304 : i32 to index
        %swap3A_306 = arith.index_cast %mul3A_303 : i32 to index
        %swap3A_307 = tpu.vector_load %arg7[%swap3A_305, %swap3A_306] {strides = array<i32>} : memref<64x256xf32, #tpu.memory_space<vmem>>, vector<16xf32>,
        tpu.vector_store %arg7[%swap3A_305, %swap3A_306], %gather3A_301 {strides = array<i32>} : memref<64x256xf32, #tpu.memory_space<vmem>>, vector<16xf32>,
        %broadcast_in_dim3A_308 = arith.constant 31 : i32
        %broadcast_in_dim3A_309 = vector.broadcast %broadcast_in_dim3A_308 : i32 to vector<16xi32>
        %gather3A_310 = tpu.vector_load_idx %arg5[%get3A_31, %broadcast_in_dim3A_309] : memref<1024x64xf32, #tpu.memory_space<vmem>>[vector<16xi32>, vector<16xi32>], vector<16xf32>,
        %mul3A_311 = arith.constant 16 : i32
        %mul3A_312 = arith.muli %scan3A_26, %mul3A_311 : i32
        %swap3A_313 = arith.constant 31 : i32
        %swap3A_314 = arith.index_cast %swap3A_313 : i32 to index
        %swap3A_315 = arith.index_cast %mul3A_312 : i32 to index
        %swap3A_316 = tpu.vector_load %arg7[%swap3A_314, %swap3A_315] {strides = array<i32>} : memref<64x256xf32, #tpu.memory_space<vmem>>, vector<16xf32>,
        tpu.vector_store %arg7[%swap3A_314, %swap3A_315], %gather3A_310 {strides = array<i32>} : memref<64x256xf32, #tpu.memory_space<vmem>>, vector<16xf32>,
        %broadcast_in_dim3A_317 = arith.constant 32 : i32
        %broadcast_in_dim3A_318 = vector.broadcast %broadcast_in_dim3A_317 : i32 to vector<16xi32>
        %gather3A_319 = tpu.vector_load_idx %arg5[%get3A_31, %broadcast_in_dim3A_318] : memref<1024x64xf32, #tpu.memory_space<vmem>>[vector<16xi32>, vector<16xi32>], vector<16xf32>,
        %mul3A_320 = arith.constant 16 : i32
        %mul3A_321 = arith.muli %scan3A_26, %mul3A_320 : i32
        %swap3A_322 = arith.constant 32 : i32
        %swap3A_323 = arith.index_cast %swap3A_322 : i32 to index
        %swap3A_324 = arith.index_cast %mul3A_321 : i32 to index
        %swap3A_325 = tpu.vector_load %arg7[%swap3A_323, %swap3A_324] {strides = array<i32>} : memref<64x256xf32, #tpu.memory_space<vmem>>, vector<16xf32>,
        tpu.vector_store %arg7[%swap3A_323, %swap3A_324], %gather3A_319 {strides = array<i32>} : memref<64x256xf32, #tpu.memory_space<vmem>>, vector<16xf32>,
        %broadcast_in_dim3A_326 = arith.constant 33 : i32
        %broadcast_in_dim3A_327 = vector.broadcast %broadcast_in_dim3A_326 : i32 to vector<16xi32>
        %gather3A_328 = tpu.vector_load_idx %arg5[%get3A_31, %broadcast_in_dim3A_327] : memref<1024x64xf32, #tpu.memory_space<vmem>>[vector<16xi32>, vector<16xi32>], vector<16xf32>,
        %mul3A_329 = arith.constant 16 : i32
        %mul3A_330 = arith.muli %scan3A_26, %mul3A_329 : i32
        %swap3A_331 = arith.constant 33 : i32
        %swap3A_332 = arith.index_cast %swap3A_331 : i32 to index
        %swap3A_333 = arith.index_cast %mul3A_330 : i32 to index
        %swap3A_334 = tpu.vector_load %arg7[%swap3A_332, %swap3A_333] {strides = array<i32>} : memref<64x256xf32, #tpu.memory_space<vmem>>, vector<16xf32>,
        tpu.vector_store %arg7[%swap3A_332, %swap3A_333], %gather3A_328 {strides = array<i32>} : memref<64x256xf32, #tpu.memory_space<vmem>>, vector<16xf32>,
        %broadcast_in_dim3A_335 = arith.constant 34 : i32
        %broadcast_in_dim3A_336 = vector.broadcast %broadcast_in_dim3A_335 : i32 to vector<16xi32>
        %gather3A_337 = tpu.vector_load_idx %arg5[%get3A_31, %broadcast_in_dim3A_336] : memref<1024x64xf32, #tpu.memory_space<vmem>>[vector<16xi32>, vector<16xi32>], vector<16xf32>,
        %mul3A_338 = arith.constant 16 : i32
        %mul3A_339 = arith.muli %scan3A_26, %mul3A_338 : i32
        %swap3A_340 = arith.constant 34 : i32
        %swap3A_341 = arith.index_cast %swap3A_340 : i32 to index
        %swap3A_342 = arith.index_cast %mul3A_339 : i32 to index
        %swap3A_343 = tpu.vector_load %arg7[%swap3A_341, %swap3A_342] {strides = array<i32>} : memref<64x256xf32, #tpu.memory_space<vmem>>, vector<16xf32>,
        tpu.vector_store %arg7[%swap3A_341, %swap3A_342], %gather3A_337 {strides = array<i32>} : memref<64x256xf32, #tpu.memory_space<vmem>>, vector<16xf32>,
        %broadcast_in_dim3A_344 = arith.constant 35 : i32
        %broadcast_in_dim3A_345 = vector.broadcast %broadcast_in_dim3A_344 : i32 to vector<16xi32>
        %gather3A_346 = tpu.vector_load_idx %arg5[%get3A_31, %broadcast_in_dim3A_345] : memref<1024x64xf32, #tpu.memory_space<vmem>>[vector<16xi32>, vector<16xi32>], vector<16xf32>,
        %mul3A_347 = arith.constant 16 : i32
        %mul3A_348 = arith.muli %scan3A_26, %mul3A_347 : i32
        %swap3A_349 = arith.constant 35 : i32
        %swap3A_350 = arith.index_cast %swap3A_349 : i32 to index
        %swap3A_351 = arith.index_cast %mul3A_348 : i32 to index
        %swap3A_352 = tpu.vector_load %arg7[%swap3A_350, %swap3A_351] {strides = array<i32>} : memref<64x256xf32, #tpu.memory_space<vmem>>, vector<16xf32>,
        tpu.vector_store %arg7[%swap3A_350, %swap3A_351], %gather3A_346 {strides = array<i32>} : memref<64x256xf32, #tpu.memory_space<vmem>>, vector<16xf32>,
        %broadcast_in_dim3A_353 = arith.constant 36 : i32
        %broadcast_in_dim3A_354 = vector.broadcast %broadcast_in_dim3A_353 : i32 to vector<16xi32>
        %gather3A_355 = tpu.vector_load_idx %arg5[%get3A_31, %broadcast_in_dim3A_354] : memref<1024x64xf32, #tpu.memory_space<vmem>>[vector<16xi32>, vector<16xi32>], vector<16xf32>,
        %mul3A_356 = arith.constant 16 : i32
        %mul3A_357 = arith.muli %scan3A_26, %mul3A_356 : i32
        %swap3A_358 = arith.constant 36 : i32
        %swap3A_359 = arith.index_cast %swap3A_358 : i32 to index
        %swap3A_360 = arith.index_cast %mul3A_357 : i32 to index
        %swap3A_361 = tpu.vector_load %arg7[%swap3A_359, %swap3A_360] {strides = array<i32>} : memref<64x256xf32, #tpu.memory_space<vmem>>, vector<16xf32>,
        tpu.vector_store %arg7[%swap3A_359, %swap3A_360], %gather3A_355 {strides = array<i32>} : memref<64x256xf32, #tpu.memory_space<vmem>>, vector<16xf32>,
        %broadcast_in_dim3A_362 = arith.constant 37 : i32
        %broadcast_in_dim3A_363 = vector.broadcast %broadcast_in_dim3A_362 : i32 to vector<16xi32>
        %gather3A_364 = tpu.vector_load_idx %arg5[%get3A_31, %broadcast_in_dim3A_363] : memref<1024x64xf32, #tpu.memory_space<vmem>>[vector<16xi32>, vector<16xi32>], vector<16xf32>,
        %mul3A_365 = arith.constant 16 : i32
        %mul3A_366 = arith.muli %scan3A_26, %mul3A_365 : i32
        %swap3A_367 = arith.constant 37 : i32
        %swap3A_368 = arith.index_cast %swap3A_367 : i32 to index
        %swap3A_369 = arith.index_cast %mul3A_366 : i32 to index
        %swap3A_370 = tpu.vector_load %arg7[%swap3A_368, %swap3A_369] {strides = array<i32>} : memref<64x256xf32, #tpu.memory_space<vmem>>, vector<16xf32>,
        tpu.vector_store %arg7[%swap3A_368, %swap3A_369], %gather3A_364 {strides = array<i32>} : memref<64x256xf32, #tpu.memory_space<vmem>>, vector<16xf32>,
        %broadcast_in_dim3A_371 = arith.constant 38 : i32
        %broadcast_in_dim3A_372 = vector.broadcast %broadcast_in_dim3A_371 : i32 to vector<16xi32>
        %gather3A_373 = tpu.vector_load_idx %arg5[%get3A_31, %broadcast_in_dim3A_372] : memref<1024x64xf32, #tpu.memory_space<vmem>>[vector<16xi32>, vector<16xi32>], vector<16xf32>,
        %mul3A_374 = arith.constant 16 : i32
        %mul3A_375 = arith.muli %scan3A_26, %mul3A_374 : i32
        %swap3A_376 = arith.constant 38 : i32
        %swap3A_377 = arith.index_cast %swap3A_376 : i32 to index
        %swap3A_378 = arith.index_cast %mul3A_375 : i32 to index
        %swap3A_379 = tpu.vector_load %arg7[%swap3A_377, %swap3A_378] {strides = array<i32>} : memref<64x256xf32, #tpu.memory_space<vmem>>, vector<16xf32>,
        tpu.vector_store %arg7[%swap3A_377, %swap3A_378], %gather3A_373 {strides = array<i32>} : memref<64x256xf32, #tpu.memory_space<vmem>>, vector<16xf32>,
        %broadcast_in_dim3A_380 = arith.constant 39 : i32
        %broadcast_in_dim3A_381 = vector.broadcast %broadcast_in_dim3A_380 : i32 to vector<16xi32>
        %gather3A_382 = tpu.vector_load_idx %arg5[%get3A_31, %broadcast_in_dim3A_381] : memref<1024x64xf32, #tpu.memory_space<vmem>>[vector<16xi32>, vector<16xi32>], vector<16xf32>,
        %mul3A_383 = arith.constant 16 : i32
        %mul3A_384 = arith.muli %scan3A_26, %mul3A_383 : i32
        %swap3A_385 = arith.constant 39 : i32
        %swap3A_386 = arith.index_cast %swap3A_385 : i32 to index
        %swap3A_387 = arith.index_cast %mul3A_384 : i32 to index
        %swap3A_388 = tpu.vector_load %arg7[%swap3A_386, %swap3A_387] {strides = array<i32>} : memref<64x256xf32, #tpu.memory_space<vmem>>, vector<16xf32>,
        tpu.vector_store %arg7[%swap3A_386, %swap3A_387], %gather3A_382 {strides = array<i32>} : memref<64x256xf32, #tpu.memory_space<vmem>>, vector<16xf32>,
        %broadcast_in_dim3A_389 = arith.constant 40 : i32
        %broadcast_in_dim3A_390 = vector.broadcast %broadcast_in_dim3A_389 : i32 to vector<16xi32>
        %gather3A_391 = tpu.vector_load_idx %arg5[%get3A_31, %broadcast_in_dim3A_390] : memref<1024x64xf32, #tpu.memory_space<vmem>>[vector<16xi32>, vector<16xi32>], vector<16xf32>,
        %mul3A_392 = arith.constant 16 : i32
        %mul3A_393 = arith.muli %scan3A_26, %mul3A_392 : i32
        %swap3A_394 = arith.constant 40 : i32
        %swap3A_395 = arith.index_cast %swap3A_394 : i32 to index
        %swap3A_396 = arith.index_cast %mul3A_393 : i32 to index
        %swap3A_397 = tpu.vector_load %arg7[%swap3A_395, %swap3A_396] {strides = array<i32>} : memref<64x256xf32, #tpu.memory_space<vmem>>, vector<16xf32>,
        tpu.vector_store %arg7[%swap3A_395, %swap3A_396], %gather3A_391 {strides = array<i32>} : memref<64x256xf32, #tpu.memory_space<vmem>>, vector<16xf32>,
        %broadcast_in_dim3A_398 = arith.constant 41 : i32
        %broadcast_in_dim3A_399 = vector.broadcast %broadcast_in_dim3A_398 : i32 to vector<16xi32>
        %gather3A_400 = tpu.vector_load_idx %arg5[%get3A_31, %broadcast_in_dim3A_399] : memref<1024x64xf32, #tpu.memory_space<vmem>>[vector<16xi32>, vector<16xi32>], vector<16xf32>,
        %mul3A_401 = arith.constant 16 : i32
        %mul3A_402 = arith.muli %scan3A_26, %mul3A_401 : i32
        %swap3A_403 = arith.constant 41 : i32
        %swap3A_404 = arith.index_cast %swap3A_403 : i32 to index
        %swap3A_405 = arith.index_cast %mul3A_402 : i32 to index
        %swap3A_406 = tpu.vector_load %arg7[%swap3A_404, %swap3A_405] {strides = array<i32>} : memref<64x256xf32, #tpu.memory_space<vmem>>, vector<16xf32>,
        tpu.vector_store %arg7[%swap3A_404, %swap3A_405], %gather3A_400 {strides = array<i32>} : memref<64x256xf32, #tpu.memory_space<vmem>>, vector<16xf32>,
        %broadcast_in_dim3A_407 = arith.constant 42 : i32
        %broadcast_in_dim3A_408 = vector.broadcast %broadcast_in_dim3A_407 : i32 to vector<16xi32>
        %gather3A_409 = tpu.vector_load_idx %arg5[%get3A_31, %broadcast_in_dim3A_408] : memref<1024x64xf32, #tpu.memory_space<vmem>>[vector<16xi32>, vector<16xi32>], vector<16xf32>,
        %mul3A_410 = arith.constant 16 : i32
        %mul3A_411 = arith.muli %scan3A_26, %mul3A_410 : i32
        %swap3A_412 = arith.constant 42 : i32
        %swap3A_413 = arith.index_cast %swap3A_412 : i32 to index
        %swap3A_414 = arith.index_cast %mul3A_411 : i32 to index
        %swap3A_415 = tpu.vector_load %arg7[%swap3A_413, %swap3A_414] {strides = array<i32>} : memref<64x256xf32, #tpu.memory_space<vmem>>, vector<16xf32>,
        tpu.vector_store %arg7[%swap3A_413, %swap3A_414], %gather3A_409 {strides = array<i32>} : memref<64x256xf32, #tpu.memory_space<vmem>>, vector<16xf32>,
        %broadcast_in_dim3A_416 = arith.constant 43 : i32
        %broadcast_in_dim3A_417 = vector.broadcast %broadcast_in_dim3A_416 : i32 to vector<16xi32>
        %gather3A_418 = tpu.vector_load_idx %arg5[%get3A_31, %broadcast_in_dim3A_417] : memref<1024x64xf32, #tpu.memory_space<vmem>>[vector<16xi32>, vector<16xi32>], vector<16xf32>,
        %mul3A_419 = arith.constant 16 : i32
        %mul3A_420 = arith.muli %scan3A_26, %mul3A_419 : i32
        %swap3A_421 = arith.constant 43 : i32
        %swap3A_422 = arith.index_cast %swap3A_421 : i32 to index
        %swap3A_423 = arith.index_cast %mul3A_420 : i32 to index
        %swap3A_424 = tpu.vector_load %arg7[%swap3A_422, %swap3A_423] {strides = array<i32>} : memref<64x256xf32, #tpu.memory_space<vmem>>, vector<16xf32>,
        tpu.vector_store %arg7[%swap3A_422, %swap3A_423], %gather3A_418 {strides = array<i32>} : memref<64x256xf32, #tpu.memory_space<vmem>>, vector<16xf32>,
        %broadcast_in_dim3A_425 = arith.constant 44 : i32
        %broadcast_in_dim3A_426 = vector.broadcast %broadcast_in_dim3A_425 : i32 to vector<16xi32>
        %gather3A_427 = tpu.vector_load_idx %arg5[%get3A_31, %broadcast_in_dim3A_426] : memref<1024x64xf32, #tpu.memory_space<vmem>>[vector<16xi32>, vector<16xi32>], vector<16xf32>,
        %mul3A_428 = arith.constant 16 : i32
        %mul3A_429 = arith.muli %scan3A_26, %mul3A_428 : i32
        %swap3A_430 = arith.constant 44 : i32
        %swap3A_431 = arith.index_cast %swap3A_430 : i32 to index
        %swap3A_432 = arith.index_cast %mul3A_429 : i32 to index
        %swap3A_433 = tpu.vector_load %arg7[%swap3A_431, %swap3A_432] {strides = array<i32>} : memref<64x256xf32, #tpu.memory_space<vmem>>, vector<16xf32>,
        tpu.vector_store %arg7[%swap3A_431, %swap3A_432], %gather3A_427 {strides = array<i32>} : memref<64x256xf32, #tpu.memory_space<vmem>>, vector<16xf32>,
        %broadcast_in_dim3A_434 = arith.constant 45 : i32
        %broadcast_in_dim3A_435 = vector.broadcast %broadcast_in_dim3A_434 : i32 to vector<16xi32>
        %gather3A_436 = tpu.vector_load_idx %arg5[%get3A_31, %broadcast_in_dim3A_435] : memref<1024x64xf32, #tpu.memory_space<vmem>>[vector<16xi32>, vector<16xi32>], vector<16xf32>,
        %mul3A_437 = arith.constant 16 : i32
        %mul3A_438 = arith.muli %scan3A_26, %mul3A_437 : i32
        %swap3A_439 = arith.constant 45 : i32
        %swap3A_440 = arith.index_cast %swap3A_439 : i32 to index
        %swap3A_441 = arith.index_cast %mul3A_438 : i32 to index
        %swap3A_442 = tpu.vector_load %arg7[%swap3A_440, %swap3A_441] {strides = array<i32>} : memref<64x256xf32, #tpu.memory_space<vmem>>, vector<16xf32>,
        tpu.vector_store %arg7[%swap3A_440, %swap3A_441], %gather3A_436 {strides = array<i32>} : memref<64x256xf32, #tpu.memory_space<vmem>>, vector<16xf32>,
        %broadcast_in_dim3A_443 = arith.constant 46 : i32
        %broadcast_in_dim3A_444 = vector.broadcast %broadcast_in_dim3A_443 : i32 to vector<16xi32>
        %gather3A_445 = tpu.vector_load_idx %arg5[%get3A_31, %broadcast_in_dim3A_444] : memref<1024x64xf32, #tpu.memory_space<vmem>>[vector<16xi32>, vector<16xi32>], vector<16xf32>,
        %mul3A_446 = arith.constant 16 : i32
        %mul3A_447 = arith.muli %scan3A_26, %mul3A_446 : i32
        %swap3A_448 = arith.constant 46 : i32
        %swap3A_449 = arith.index_cast %swap3A_448 : i32 to index
        %swap3A_450 = arith.index_cast %mul3A_447 : i32 to index
        %swap3A_451 = tpu.vector_load %arg7[%swap3A_449, %swap3A_450] {strides = array<i32>} : memref<64x256xf32, #tpu.memory_space<vmem>>, vector<16xf32>,
        tpu.vector_store %arg7[%swap3A_449, %swap3A_450], %gather3A_445 {strides = array<i32>} : memref<64x256xf32, #tpu.memory_space<vmem>>, vector<16xf32>,
        %broadcast_in_dim3A_452 = arith.constant 47 : i32
        %broadcast_in_dim3A_453 = vector.broadcast %broadcast_in_dim3A_452 : i32 to vector<16xi32>
        %gather3A_454 = tpu.vector_load_idx %arg5[%get3A_31, %broadcast_in_dim3A_453] : memref<1024x64xf32, #tpu.memory_space<vmem>>[vector<16xi32>, vector<16xi32>], vector<16xf32>,
        %mul3A_455 = arith.constant 16 : i32
        %mul3A_456 = arith.muli %scan3A_26, %mul3A_455 : i32
        %swap3A_457 = arith.constant 47 : i32
        %swap3A_458 = arith.index_cast %swap3A_457 : i32 to index
        %swap3A_459 = arith.index_cast %mul3A_456 : i32 to index
        %swap3A_460 = tpu.vector_load %arg7[%swap3A_458, %swap3A_459] {strides = array<i32>} : memref<64x256xf32, #tpu.memory_space<vmem>>, vector<16xf32>,
        tpu.vector_store %arg7[%swap3A_458, %swap3A_459], %gather3A_454 {strides = array<i32>} : memref<64x256xf32, #tpu.memory_space<vmem>>, vector<16xf32>,
        %broadcast_in_dim3A_461 = arith.constant 48 : i32
        %broadcast_in_dim3A_462 = vector.broadcast %broadcast_in_dim3A_461 : i32 to vector<16xi32>
        %gather3A_463 = tpu.vector_load_idx %arg5[%get3A_31, %broadcast_in_dim3A_462] : memref<1024x64xf32, #tpu.memory_space<vmem>>[vector<16xi32>, vector<16xi32>], vector<16xf32>,
        %mul3A_464 = arith.constant 16 : i32
        %mul3A_465 = arith.muli %scan3A_26, %mul3A_464 : i32
        %swap3A_466 = arith.constant 48 : i32
        %swap3A_467 = arith.index_cast %swap3A_466 : i32 to index
        %swap3A_468 = arith.index_cast %mul3A_465 : i32 to index
        %swap3A_469 = tpu.vector_load %arg7[%swap3A_467, %swap3A_468] {strides = array<i32>} : memref<64x256xf32, #tpu.memory_space<vmem>>, vector<16xf32>,
        tpu.vector_store %arg7[%swap3A_467, %swap3A_468], %gather3A_463 {strides = array<i32>} : memref<64x256xf32, #tpu.memory_space<vmem>>, vector<16xf32>,
        %broadcast_in_dim3A_470 = arith.constant 49 : i32
        %broadcast_in_dim3A_471 = vector.broadcast %broadcast_in_dim3A_470 : i32 to vector<16xi32>
        %gather3A_472 = tpu.vector_load_idx %arg5[%get3A_31, %broadcast_in_dim3A_471] : memref<1024x64xf32, #tpu.memory_space<vmem>>[vector<16xi32>, vector<16xi32>], vector<16xf32>,
        %mul3A_473 = arith.constant 16 : i32
        %mul3A_474 = arith.muli %scan3A_26, %mul3A_473 : i32
        %swap3A_475 = arith.constant 49 : i32
        %swap3A_476 = arith.index_cast %swap3A_475 : i32 to index
        %swap3A_477 = arith.index_cast %mul3A_474 : i32 to index
        %swap3A_478 = tpu.vector_load %arg7[%swap3A_476, %swap3A_477] {strides = array<i32>} : memref<64x256xf32, #tpu.memory_space<vmem>>, vector<16xf32>,
        tpu.vector_store %arg7[%swap3A_476, %swap3A_477], %gather3A_472 {strides = array<i32>} : memref<64x256xf32, #tpu.memory_space<vmem>>, vector<16xf32>,
        %broadcast_in_dim3A_479 = arith.constant 50 : i32
        %broadcast_in_dim3A_480 = vector.broadcast %broadcast_in_dim3A_479 : i32 to vector<16xi32>
        %gather3A_481 = tpu.vector_load_idx %arg5[%get3A_31, %broadcast_in_dim3A_480] : memref<1024x64xf32, #tpu.memory_space<vmem>>[vector<16xi32>, vector<16xi32>], vector<16xf32>,
        %mul3A_482 = arith.constant 16 : i32
        %mul3A_483 = arith.muli %scan3A_26, %mul3A_482 : i32
        %swap3A_484 = arith.constant 50 : i32
        %swap3A_485 = arith.index_cast %swap3A_484 : i32 to index
        %swap3A_486 = arith.index_cast %mul3A_483 : i32 to index
        %swap3A_487 = tpu.vector_load %arg7[%swap3A_485, %swap3A_486] {strides = array<i32>} : memref<64x256xf32, #tpu.memory_space<vmem>>, vector<16xf32>,
        tpu.vector_store %arg7[%swap3A_485, %swap3A_486], %gather3A_481 {strides = array<i32>} : memref<64x256xf32, #tpu.memory_space<vmem>>, vector<16xf32>,
        %broadcast_in_dim3A_488 = arith.constant 51 : i32
        %broadcast_in_dim3A_489 = vector.broadcast %broadcast_in_dim3A_488 : i32 to vector<16xi32>
        %gather3A_490 = tpu.vector_load_idx %arg5[%get3A_31, %broadcast_in_dim3A_489] : memref<1024x64xf32, #tpu.memory_space<vmem>>[vector<16xi32>, vector<16xi32>], vector<16xf32>,
        %mul3A_491 = arith.constant 16 : i32
        %mul3A_492 = arith.muli %scan3A_26, %mul3A_491 : i32
        %swap3A_493 = arith.constant 51 : i32
        %swap3A_494 = arith.index_cast %swap3A_493 : i32 to index
        %swap3A_495 = arith.index_cast %mul3A_492 : i32 to index
        %swap3A_496 = tpu.vector_load %arg7[%swap3A_494, %swap3A_495] {strides = array<i32>} : memref<64x256xf32, #tpu.memory_space<vmem>>, vector<16xf32>,
        tpu.vector_store %arg7[%swap3A_494, %swap3A_495], %gather3A_490 {strides = array<i32>} : memref<64x256xf32, #tpu.memory_space<vmem>>, vector<16xf32>,
        %broadcast_in_dim3A_497 = arith.constant 52 : i32
        %broadcast_in_dim3A_498 = vector.broadcast %broadcast_in_dim3A_497 : i32 to vector<16xi32>
        %gather3A_499 = tpu.vector_load_idx %arg5[%get3A_31, %broadcast_in_dim3A_498] : memref<1024x64xf32, #tpu.memory_space<vmem>>[vector<16xi32>, vector<16xi32>], vector<16xf32>,
        %mul3A_500 = arith.constant 16 : i32
        %mul3A_501 = arith.muli %scan3A_26, %mul3A_500 : i32
        %swap3A_502 = arith.constant 52 : i32
        %swap3A_503 = arith.index_cast %swap3A_502 : i32 to index
        %swap3A_504 = arith.index_cast %mul3A_501 : i32 to index
        %swap3A_505 = tpu.vector_load %arg7[%swap3A_503, %swap3A_504] {strides = array<i32>} : memref<64x256xf32, #tpu.memory_space<vmem>>, vector<16xf32>,
        tpu.vector_store %arg7[%swap3A_503, %swap3A_504], %gather3A_499 {strides = array<i32>} : memref<64x256xf32, #tpu.memory_space<vmem>>, vector<16xf32>,
        %broadcast_in_dim3A_506 = arith.constant 53 : i32
        %broadcast_in_dim3A_507 = vector.broadcast %broadcast_in_dim3A_506 : i32 to vector<16xi32>
        %gather3A_508 = tpu.vector_load_idx %arg5[%get3A_31, %broadcast_in_dim3A_507] : memref<1024x64xf32, #tpu.memory_space<vmem>>[vector<16xi32>, vector<16xi32>], vector<16xf32>,
        %mul3A_509 = arith.constant 16 : i32
        %mul3A_510 = arith.muli %scan3A_26, %mul3A_509 : i32
        %swap3A_511 = arith.constant 53 : i32
        %swap3A_512 = arith.index_cast %swap3A_511 : i32 to index
        %swap3A_513 = arith.index_cast %mul3A_510 : i32 to index
        %swap3A_514 = tpu.vector_load %arg7[%swap3A_512, %swap3A_513] {strides = array<i32>} : memref<64x256xf32, #tpu.memory_space<vmem>>, vector<16xf32>,
        tpu.vector_store %arg7[%swap3A_512, %swap3A_513], %gather3A_508 {strides = array<i32>} : memref<64x256xf32, #tpu.memory_space<vmem>>, vector<16xf32>,
        %broadcast_in_dim3A_515 = arith.constant 54 : i32
        %broadcast_in_dim3A_516 = vector.broadcast %broadcast_in_dim3A_515 : i32 to vector<16xi32>
        %gather3A_517 = tpu.vector_load_idx %arg5[%get3A_31, %broadcast_in_dim3A_516] : memref<1024x64xf32, #tpu.memory_space<vmem>>[vector<16xi32>, vector<16xi32>], vector<16xf32>,
        %mul3A_518 = arith.constant 16 : i32
        %mul3A_519 = arith.muli %scan3A_26, %mul3A_518 : i32
        %swap3A_520 = arith.constant 54 : i32
        %swap3A_521 = arith.index_cast %swap3A_520 : i32 to index
        %swap3A_522 = arith.index_cast %mul3A_519 : i32 to index
        %swap3A_523 = tpu.vector_load %arg7[%swap3A_521, %swap3A_522] {strides = array<i32>} : memref<64x256xf32, #tpu.memory_space<vmem>>, vector<16xf32>,
        tpu.vector_store %arg7[%swap3A_521, %swap3A_522], %gather3A_517 {strides = array<i32>} : memref<64x256xf32, #tpu.memory_space<vmem>>, vector<16xf32>,
        %broadcast_in_dim3A_524 = arith.constant 55 : i32
        %broadcast_in_dim3A_525 = vector.broadcast %broadcast_in_dim3A_524 : i32 to vector<16xi32>
        %gather3A_526 = tpu.vector_load_idx %arg5[%get3A_31, %broadcast_in_dim3A_525] : memref<1024x64xf32, #tpu.memory_space<vmem>>[vector<16xi32>, vector<16xi32>], vector<16xf32>,
        %mul3A_527 = arith.constant 16 : i32
        %mul3A_528 = arith.muli %scan3A_26, %mul3A_527 : i32
        %swap3A_529 = arith.constant 55 : i32
        %swap3A_530 = arith.index_cast %swap3A_529 : i32 to index
        %swap3A_531 = arith.index_cast %mul3A_528 : i32 to index
        %swap3A_532 = tpu.vector_load %arg7[%swap3A_530, %swap3A_531] {strides = array<i32>} : memref<64x256xf32, #tpu.memory_space<vmem>>, vector<16xf32>,
        tpu.vector_store %arg7[%swap3A_530, %swap3A_531], %gather3A_526 {strides = array<i32>} : memref<64x256xf32, #tpu.memory_space<vmem>>, vector<16xf32>,
        %broadcast_in_dim3A_533 = arith.constant 56 : i32
        %broadcast_in_dim3A_534 = vector.broadcast %broadcast_in_dim3A_533 : i32 to vector<16xi32>
        %gather3A_535 = tpu.vector_load_idx %arg5[%get3A_31, %broadcast_in_dim3A_534] : memref<1024x64xf32, #tpu.memory_space<vmem>>[vector<16xi32>, vector<16xi32>], vector<16xf32>,
        %mul3A_536 = arith.constant 16 : i32
        %mul3A_537 = arith.muli %scan3A_26, %mul3A_536 : i32
        %swap3A_538 = arith.constant 56 : i32
        %swap3A_539 = arith.index_cast %swap3A_538 : i32 to index
        %swap3A_540 = arith.index_cast %mul3A_537 : i32 to index
        %swap3A_541 = tpu.vector_load %arg7[%swap3A_539, %swap3A_540] {strides = array<i32>} : memref<64x256xf32, #tpu.memory_space<vmem>>, vector<16xf32>,
        tpu.vector_store %arg7[%swap3A_539, %swap3A_540], %gather3A_535 {strides = array<i32>} : memref<64x256xf32, #tpu.memory_space<vmem>>, vector<16xf32>,
        %broadcast_in_dim3A_542 = arith.constant 57 : i32
        %broadcast_in_dim3A_543 = vector.broadcast %broadcast_in_dim3A_542 : i32 to vector<16xi32>
        %gather3A_544 = tpu.vector_load_idx %arg5[%get3A_31, %broadcast_in_dim3A_543] : memref<1024x64xf32, #tpu.memory_space<vmem>>[vector<16xi32>, vector<16xi32>], vector<16xf32>,
        %mul3A_545 = arith.constant 16 : i32
        %mul3A_546 = arith.muli %scan3A_26, %mul3A_545 : i32
        %swap3A_547 = arith.constant 57 : i32
        %swap3A_548 = arith.index_cast %swap3A_547 : i32 to index
        %swap3A_549 = arith.index_cast %mul3A_546 : i32 to index
        %swap3A_550 = tpu.vector_load %arg7[%swap3A_548, %swap3A_549] {strides = array<i32>} : memref<64x256xf32, #tpu.memory_space<vmem>>, vector<16xf32>,
        tpu.vector_store %arg7[%swap3A_548, %swap3A_549], %gather3A_544 {strides = array<i32>} : memref<64x256xf32, #tpu.memory_space<vmem>>, vector<16xf32>,
        %broadcast_in_dim3A_551 = arith.constant 58 : i32
        %broadcast_in_dim3A_552 = vector.broadcast %broadcast_in_dim3A_551 : i32 to vector<16xi32>
        %gather3A_553 = tpu.vector_load_idx %arg5[%get3A_31, %broadcast_in_dim3A_552] : memref<1024x64xf32, #tpu.memory_space<vmem>>[vector<16xi32>, vector<16xi32>], vector<16xf32>,
        %mul3A_554 = arith.constant 16 : i32
        %mul3A_555 = arith.muli %scan3A_26, %mul3A_554 : i32
        %swap3A_556 = arith.constant 58 : i32
        %swap3A_557 = arith.index_cast %swap3A_556 : i32 to index
        %swap3A_558 = arith.index_cast %mul3A_555 : i32 to index
        %swap3A_559 = tpu.vector_load %arg7[%swap3A_557, %swap3A_558] {strides = array<i32>} : memref<64x256xf32, #tpu.memory_space<vmem>>, vector<16xf32>,
        tpu.vector_store %arg7[%swap3A_557, %swap3A_558], %gather3A_553 {strides = array<i32>} : memref<64x256xf32, #tpu.memory_space<vmem>>, vector<16xf32>,
        %broadcast_in_dim3A_560 = arith.constant 59 : i32
        %broadcast_in_dim3A_561 = vector.broadcast %broadcast_in_dim3A_560 : i32 to vector<16xi32>
        %gather3A_562 = tpu.vector_load_idx %arg5[%get3A_31, %broadcast_in_dim3A_561] : memref<1024x64xf32, #tpu.memory_space<vmem>>[vector<16xi32>, vector<16xi32>], vector<16xf32>,
        %mul3A_563 = arith.constant 16 : i32
        %mul3A_564 = arith.muli %scan3A_26, %mul3A_563 : i32
        %swap3A_565 = arith.constant 59 : i32
        %swap3A_566 = arith.index_cast %swap3A_565 : i32 to index
        %swap3A_567 = arith.index_cast %mul3A_564 : i32 to index
        %swap3A_568 = tpu.vector_load %arg7[%swap3A_566, %swap3A_567] {strides = array<i32>} : memref<64x256xf32, #tpu.memory_space<vmem>>, vector<16xf32>,
        tpu.vector_store %arg7[%swap3A_566, %swap3A_567], %gather3A_562 {strides = array<i32>} : memref<64x256xf32, #tpu.memory_space<vmem>>, vector<16xf32>,
        %broadcast_in_dim3A_569 = arith.constant 60 : i32
        %broadcast_in_dim3A_570 = vector.broadcast %broadcast_in_dim3A_569 : i32 to vector<16xi32>
        %gather3A_571 = tpu.vector_load_idx %arg5[%get3A_31, %broadcast_in_dim3A_570] : memref<1024x64xf32, #tpu.memory_space<vmem>>[vector<16xi32>, vector<16xi32>], vector<16xf32>,
        %mul3A_572 = arith.constant 16 : i32
        %mul3A_573 = arith.muli %scan3A_26, %mul3A_572 : i32
        %swap3A_574 = arith.constant 60 : i32
        %swap3A_575 = arith.index_cast %swap3A_574 : i32 to index
        %swap3A_576 = arith.index_cast %mul3A_573 : i32 to index
        %swap3A_577 = tpu.vector_load %arg7[%swap3A_575, %swap3A_576] {strides = array<i32>} : memref<64x256xf32, #tpu.memory_space<vmem>>, vector<16xf32>,
        tpu.vector_store %arg7[%swap3A_575, %swap3A_576], %gather3A_571 {strides = array<i32>} : memref<64x256xf32, #tpu.memory_space<vmem>>, vector<16xf32>,
        %broadcast_in_dim3A_578 = arith.constant 61 : i32
        %broadcast_in_dim3A_579 = vector.broadcast %broadcast_in_dim3A_578 : i32 to vector<16xi32>
        %gather3A_580 = tpu.vector_load_idx %arg5[%get3A_31, %broadcast_in_dim3A_579] : memref<1024x64xf32, #tpu.memory_space<vmem>>[vector<16xi32>, vector<16xi32>], vector<16xf32>,
        %mul3A_581 = arith.constant 16 : i32
        %mul3A_582 = arith.muli %scan3A_26, %mul3A_581 : i32
        %swap3A_583 = arith.constant 61 : i32
        %swap3A_584 = arith.index_cast %swap3A_583 : i32 to index
        %swap3A_585 = arith.index_cast %mul3A_582 : i32 to index
        %swap3A_586 = tpu.vector_load %arg7[%swap3A_584, %swap3A_585] {strides = array<i32>} : memref<64x256xf32, #tpu.memory_space<vmem>>, vector<16xf32>,
        tpu.vector_store %arg7[%swap3A_584, %swap3A_585], %gather3A_580 {strides = array<i32>} : memref<64x256xf32, #tpu.memory_space<vmem>>, vector<16xf32>,
        %broadcast_in_dim3A_587 = arith.constant 62 : i32
        %broadcast_in_dim3A_588 = vector.broadcast %broadcast_in_dim3A_587 : i32 to vector<16xi32>
        %gather3A_589 = tpu.vector_load_idx %arg5[%get3A_31, %broadcast_in_dim3A_588] : memref<1024x64xf32, #tpu.memory_space<vmem>>[vector<16xi32>, vector<16xi32>], vector<16xf32>,
        %mul3A_590 = arith.constant 16 : i32
        %mul3A_591 = arith.muli %scan3A_26, %mul3A_590 : i32
        %swap3A_592 = arith.constant 62 : i32
        %swap3A_593 = arith.index_cast %swap3A_592 : i32 to index
        %swap3A_594 = arith.index_cast %mul3A_591 : i32 to index
        %swap3A_595 = tpu.vector_load %arg7[%swap3A_593, %swap3A_594] {strides = array<i32>} : memref<64x256xf32, #tpu.memory_space<vmem>>, vector<16xf32>,
        tpu.vector_store %arg7[%swap3A_593, %swap3A_594], %gather3A_589 {strides = array<i32>} : memref<64x256xf32, #tpu.memory_space<vmem>>, vector<16xf32>,
        %broadcast_in_dim3A_596 = arith.constant 63 : i32
        %broadcast_in_dim3A_597 = vector.broadcast %broadcast_in_dim3A_596 : i32 to vector<16xi32>
        %gather3A_598 = tpu.vector_load_idx %arg5[%get3A_31, %broadcast_in_dim3A_597] : memref<1024x64xf32, #tpu.memory_space<vmem>>[vector<16xi32>, vector<16xi32>], vector<16xf32>,
        %mul3A_599 = arith.constant 16 : i32
        %mul3A_600 = arith.muli %scan3A_26, %mul3A_599 : i32
        %swap3A_601 = arith.constant 63 : i32
        %swap3A_602 = arith.index_cast %swap3A_601 : i32 to index
        %swap3A_603 = arith.index_cast %mul3A_600 : i32 to index
        %swap3A_604 = tpu.vector_load %arg7[%swap3A_602, %swap3A_603] {strides = array<i32>} : memref<64x256xf32, #tpu.memory_space<vmem>>, vector<16xf32>,
        tpu.vector_store %arg7[%swap3A_602, %swap3A_603], %gather3A_598 {strides = array<i32>} : memref<64x256xf32, #tpu.memory_space<vmem>>, vector<16xf32>,
      }
      %scan3A_13 = arith.constant 16 : i32
      "tpu.region"() ({
        %run_scoped3A = tpu.sem_alloc : memref<!tpu.dma_semaphore, #tpu.memory_space<semaphore_mem>>
        %dma_start3A = arith.constant 0 : i32
        %dma_start3A_26 = arith.constant 256 : i32
        %dma_start3A_27 = tpu.memref_slice %arg4[%add3A, %dma_start3A, %dma_start3A_26] : memref<32x64x1024xf32, #tpu.memory_space<hbm>> -> memref<1x64x256xf32, #tpu.memory_space<hbm>>
        %dma_start3A_28 = tpu.memref_squeeze %dma_start3A_27 : memref<1x64x256xf32, #tpu.memory_space<hbm>> -> memref<64x256xf32, #tpu.memory_space<hbm>>
        %dma_start3A_29 = arith.constant 0 : i32
        %dma_start3A_30 = arith.constant 256 : i32
        %dma_start3A_31 = tpu.memref_slice %arg4[%add3A, %dma_start3A_29, %dma_start3A_30] : memref<32x64x1024xf32, #tpu.memory_space<hbm>> -> memref<1x64x256xf32, #tpu.memory_space<hbm>>
        %dma_start3A_32 = tpu.memref_squeeze %dma_start3A_31 : memref<1x64x256xf32, #tpu.memory_space<hbm>> -> memref<64x256xf32, #tpu.memory_space<hbm>>
        tpu.enqueue_dma source(%arg7 : memref<64x256xf32, #tpu.memory_space<vmem>>) target(%dma_start3A_32 : memref<64x256xf32, #tpu.memory_space<hbm>>) target_semaphore(%run_scoped3A : memref<!tpu.dma_semaphore, #tpu.memory_space<semaphore_mem>>)
        %dma_wait3A = arith.constant 0 : i32
        %dma_wait3A_33 = arith.constant 256 : i32
        %dma_wait3A_34 = tpu.memref_slice %arg4[%add3A, %dma_wait3A, %dma_wait3A_33] : memref<32x64x1024xf32, #tpu.memory_space<hbm>> -> memref<1x64x256xf32, #tpu.memory_space<hbm>>
        %dma_wait3A_35 = tpu.memref_squeeze %dma_wait3A_34 : memref<1x64x256xf32, #tpu.memory_space<hbm>> -> memref<64x256xf32, #tpu.memory_space<hbm>>
        %dma_wait3A_36 = arith.constant 0 : i32
        %dma_wait3A_37 = arith.constant 256 : i32
        %dma_wait3A_38 = tpu.memref_slice %arg4[%add3A, %dma_wait3A_36, %dma_wait3A_37] : memref<32x64x1024xf32, #tpu.memory_space<hbm>> -> memref<1x64x256xf32, #tpu.memory_space<hbm>>
        %dma_wait3A_39 = tpu.memref_squeeze %dma_wait3A_38 : memref<1x64x256xf32, #tpu.memory_space<hbm>> -> memref<64x256xf32, #tpu.memory_space<hbm>>
        tpu.wait_dma2 semaphore(%run_scoped3A : memref<!tpu.dma_semaphore, #tpu.memory_space<semaphore_mem>>) src(%arg7 : memref<64x256xf32, #tpu.memory_space<vmem>>) dst(%dma_wait3A_39 : memref<64x256xf32, #tpu.memory_space<hbm>>)
        tpu.yield
      }) : () -> ()
      %scan3A_14 = arith.constant 0 : i32
      %scan3A_15 = arith.constant 0 : i32
      %scan3A_16 = arith.constant 16 : i32
      %scan3A_17 = arith.addi %scan3A_15, %scan3A_16 : i32
      %scan3A_18 = arith.constant 1 : i32
      scf.for %scan3A_26 = %scan3A_15 to %scan3A_17 step %scan3A_18  : i32 {
        %mul3A_27 = arith.constant 16 : i32
        %mul3A_28 = arith.muli %scan3A_26, %mul3A_27 : i32
        %add3A_29 = arith.constant 512 : i32
        %add3A_30 = arith.addi %add3A_29, %mul3A_28 : i32
        %get3A = arith.index_cast %add3A_30 : i32 to index
        %get3A_31 = tpu.vector_load %arg6[%get3A] {strides = array<i32>} : memref<1024xi32, #tpu.memory_space<vmem>>, vector<16xi32>,
        %broadcast_in_dim3A = arith.constant 0 : i32
        %broadcast_in_dim3A_32 = vector.broadcast %broadcast_in_dim3A : i32 to vector<16xi32>
        %gather3A = tpu.vector_load_idx %arg5[%get3A_31, %broadcast_in_dim3A_32] : memref<1024x64xf32, #tpu.memory_space<vmem>>[vector<16xi32>, vector<16xi32>], vector<16xf32>,
        %mul3A_33 = arith.constant 16 : i32
        %mul3A_34 = arith.muli %scan3A_26, %mul3A_33 : i32
        %swap3A = arith.constant 0 : i32
        %swap3A_35 = arith.index_cast %swap3A : i32 to index
        %swap3A_36 = arith.index_cast %mul3A_34 : i32 to index
        %swap3A_37 = tpu.vector_load %arg7[%swap3A_35, %swap3A_36] {strides = array<i32>} : memref<64x256xf32, #tpu.memory_space<vmem>>, vector<16xf32>,
        tpu.vector_store %arg7[%swap3A_35, %swap3A_36], %gather3A {strides = array<i32>} : memref<64x256xf32, #tpu.memory_space<vmem>>, vector<16xf32>,
        %broadcast_in_dim3A_38 = arith.constant 1 : i32
        %broadcast_in_dim3A_39 = vector.broadcast %broadcast_in_dim3A_38 : i32 to vector<16xi32>
        %gather3A_40 = tpu.vector_load_idx %arg5[%get3A_31, %broadcast_in_dim3A_39] : memref<1024x64xf32, #tpu.memory_space<vmem>>[vector<16xi32>, vector<16xi32>], vector<16xf32>,
        %mul3A_41 = arith.constant 16 : i32
        %mul3A_42 = arith.muli %scan3A_26, %mul3A_41 : i32
        %swap3A_43 = arith.constant 1 : i32
        %swap3A_44 = arith.index_cast %swap3A_43 : i32 to index
        %swap3A_45 = arith.index_cast %mul3A_42 : i32 to index
        %swap3A_46 = tpu.vector_load %arg7[%swap3A_44, %swap3A_45] {strides = array<i32>} : memref<64x256xf32, #tpu.memory_space<vmem>>, vector<16xf32>,
        tpu.vector_store %arg7[%swap3A_44, %swap3A_45], %gather3A_40 {strides = array<i32>} : memref<64x256xf32, #tpu.memory_space<vmem>>, vector<16xf32>,
        %broadcast_in_dim3A_47 = arith.constant 2 : i32
        %broadcast_in_dim3A_48 = vector.broadcast %broadcast_in_dim3A_47 : i32 to vector<16xi32>
        %gather3A_49 = tpu.vector_load_idx %arg5[%get3A_31, %broadcast_in_dim3A_48] : memref<1024x64xf32, #tpu.memory_space<vmem>>[vector<16xi32>, vector<16xi32>], vector<16xf32>,
        %mul3A_50 = arith.constant 16 : i32
        %mul3A_51 = arith.muli %scan3A_26, %mul3A_50 : i32
        %swap3A_52 = arith.constant 2 : i32
        %swap3A_53 = arith.index_cast %swap3A_52 : i32 to index
        %swap3A_54 = arith.index_cast %mul3A_51 : i32 to index
        %swap3A_55 = tpu.vector_load %arg7[%swap3A_53, %swap3A_54] {strides = array<i32>} : memref<64x256xf32, #tpu.memory_space<vmem>>, vector<16xf32>,
        tpu.vector_store %arg7[%swap3A_53, %swap3A_54], %gather3A_49 {strides = array<i32>} : memref<64x256xf32, #tpu.memory_space<vmem>>, vector<16xf32>,
        %broadcast_in_dim3A_56 = arith.constant 3 : i32
        %broadcast_in_dim3A_57 = vector.broadcast %broadcast_in_dim3A_56 : i32 to vector<16xi32>
        %gather3A_58 = tpu.vector_load_idx %arg5[%get3A_31, %broadcast_in_dim3A_57] : memref<1024x64xf32, #tpu.memory_space<vmem>>[vector<16xi32>, vector<16xi32>], vector<16xf32>,
        %mul3A_59 = arith.constant 16 : i32
        %mul3A_60 = arith.muli %scan3A_26, %mul3A_59 : i32
        %swap3A_61 = arith.constant 3 : i32
        %swap3A_62 = arith.index_cast %swap3A_61 : i32 to index
        %swap3A_63 = arith.index_cast %mul3A_60 : i32 to index
        %swap3A_64 = tpu.vector_load %arg7[%swap3A_62, %swap3A_63] {strides = array<i32>} : memref<64x256xf32, #tpu.memory_space<vmem>>, vector<16xf32>,
        tpu.vector_store %arg7[%swap3A_62, %swap3A_63], %gather3A_58 {strides = array<i32>} : memref<64x256xf32, #tpu.memory_space<vmem>>, vector<16xf32>,
        %broadcast_in_dim3A_65 = arith.constant 4 : i32
        %broadcast_in_dim3A_66 = vector.broadcast %broadcast_in_dim3A_65 : i32 to vector<16xi32>
        %gather3A_67 = tpu.vector_load_idx %arg5[%get3A_31, %broadcast_in_dim3A_66] : memref<1024x64xf32, #tpu.memory_space<vmem>>[vector<16xi32>, vector<16xi32>], vector<16xf32>,
        %mul3A_68 = arith.constant 16 : i32
        %mul3A_69 = arith.muli %scan3A_26, %mul3A_68 : i32
        %swap3A_70 = arith.constant 4 : i32
        %swap3A_71 = arith.index_cast %swap3A_70 : i32 to index
        %swap3A_72 = arith.index_cast %mul3A_69 : i32 to index
        %swap3A_73 = tpu.vector_load %arg7[%swap3A_71, %swap3A_72] {strides = array<i32>} : memref<64x256xf32, #tpu.memory_space<vmem>>, vector<16xf32>,
        tpu.vector_store %arg7[%swap3A_71, %swap3A_72], %gather3A_67 {strides = array<i32>} : memref<64x256xf32, #tpu.memory_space<vmem>>, vector<16xf32>,
        %broadcast_in_dim3A_74 = arith.constant 5 : i32
        %broadcast_in_dim3A_75 = vector.broadcast %broadcast_in_dim3A_74 : i32 to vector<16xi32>
        %gather3A_76 = tpu.vector_load_idx %arg5[%get3A_31, %broadcast_in_dim3A_75] : memref<1024x64xf32, #tpu.memory_space<vmem>>[vector<16xi32>, vector<16xi32>], vector<16xf32>,
        %mul3A_77 = arith.constant 16 : i32
        %mul3A_78 = arith.muli %scan3A_26, %mul3A_77 : i32
        %swap3A_79 = arith.constant 5 : i32
        %swap3A_80 = arith.index_cast %swap3A_79 : i32 to index
        %swap3A_81 = arith.index_cast %mul3A_78 : i32 to index
        %swap3A_82 = tpu.vector_load %arg7[%swap3A_80, %swap3A_81] {strides = array<i32>} : memref<64x256xf32, #tpu.memory_space<vmem>>, vector<16xf32>,
        tpu.vector_store %arg7[%swap3A_80, %swap3A_81], %gather3A_76 {strides = array<i32>} : memref<64x256xf32, #tpu.memory_space<vmem>>, vector<16xf32>,
        %broadcast_in_dim3A_83 = arith.constant 6 : i32
        %broadcast_in_dim3A_84 = vector.broadcast %broadcast_in_dim3A_83 : i32 to vector<16xi32>
        %gather3A_85 = tpu.vector_load_idx %arg5[%get3A_31, %broadcast_in_dim3A_84] : memref<1024x64xf32, #tpu.memory_space<vmem>>[vector<16xi32>, vector<16xi32>], vector<16xf32>,
        %mul3A_86 = arith.constant 16 : i32
        %mul3A_87 = arith.muli %scan3A_26, %mul3A_86 : i32
        %swap3A_88 = arith.constant 6 : i32
        %swap3A_89 = arith.index_cast %swap3A_88 : i32 to index
        %swap3A_90 = arith.index_cast %mul3A_87 : i32 to index
        %swap3A_91 = tpu.vector_load %arg7[%swap3A_89, %swap3A_90] {strides = array<i32>} : memref<64x256xf32, #tpu.memory_space<vmem>>, vector<16xf32>,
        tpu.vector_store %arg7[%swap3A_89, %swap3A_90], %gather3A_85 {strides = array<i32>} : memref<64x256xf32, #tpu.memory_space<vmem>>, vector<16xf32>,
        %broadcast_in_dim3A_92 = arith.constant 7 : i32
        %broadcast_in_dim3A_93 = vector.broadcast %broadcast_in_dim3A_92 : i32 to vector<16xi32>
        %gather3A_94 = tpu.vector_load_idx %arg5[%get3A_31, %broadcast_in_dim3A_93] : memref<1024x64xf32, #tpu.memory_space<vmem>>[vector<16xi32>, vector<16xi32>], vector<16xf32>,
        %mul3A_95 = arith.constant 16 : i32
        %mul3A_96 = arith.muli %scan3A_26, %mul3A_95 : i32
        %swap3A_97 = arith.constant 7 : i32
        %swap3A_98 = arith.index_cast %swap3A_97 : i32 to index
        %swap3A_99 = arith.index_cast %mul3A_96 : i32 to index
        %swap3A_100 = tpu.vector_load %arg7[%swap3A_98, %swap3A_99] {strides = array<i32>} : memref<64x256xf32, #tpu.memory_space<vmem>>, vector<16xf32>,
        tpu.vector_store %arg7[%swap3A_98, %swap3A_99], %gather3A_94 {strides = array<i32>} : memref<64x256xf32, #tpu.memory_space<vmem>>, vector<16xf32>,
        %broadcast_in_dim3A_101 = arith.constant 8 : i32
        %broadcast_in_dim3A_102 = vector.broadcast %broadcast_in_dim3A_101 : i32 to vector<16xi32>
        %gather3A_103 = tpu.vector_load_idx %arg5[%get3A_31, %broadcast_in_dim3A_102] : memref<1024x64xf32, #tpu.memory_space<vmem>>[vector<16xi32>, vector<16xi32>], vector<16xf32>,
        %mul3A_104 = arith.constant 16 : i32
        %mul3A_105 = arith.muli %scan3A_26, %mul3A_104 : i32
        %swap3A_106 = arith.constant 8 : i32
        %swap3A_107 = arith.index_cast %swap3A_106 : i32 to index
        %swap3A_108 = arith.index_cast %mul3A_105 : i32 to index
        %swap3A_109 = tpu.vector_load %arg7[%swap3A_107, %swap3A_108] {strides = array<i32>} : memref<64x256xf32, #tpu.memory_space<vmem>>, vector<16xf32>,
        tpu.vector_store %arg7[%swap3A_107, %swap3A_108], %gather3A_103 {strides = array<i32>} : memref<64x256xf32, #tpu.memory_space<vmem>>, vector<16xf32>,
        %broadcast_in_dim3A_110 = arith.constant 9 : i32
        %broadcast_in_dim3A_111 = vector.broadcast %broadcast_in_dim3A_110 : i32 to vector<16xi32>
        %gather3A_112 = tpu.vector_load_idx %arg5[%get3A_31, %broadcast_in_dim3A_111] : memref<1024x64xf32, #tpu.memory_space<vmem>>[vector<16xi32>, vector<16xi32>], vector<16xf32>,
        %mul3A_113 = arith.constant 16 : i32
        %mul3A_114 = arith.muli %scan3A_26, %mul3A_113 : i32
        %swap3A_115 = arith.constant 9 : i32
        %swap3A_116 = arith.index_cast %swap3A_115 : i32 to index
        %swap3A_117 = arith.index_cast %mul3A_114 : i32 to index
        %swap3A_118 = tpu.vector_load %arg7[%swap3A_116, %swap3A_117] {strides = array<i32>} : memref<64x256xf32, #tpu.memory_space<vmem>>, vector<16xf32>,
        tpu.vector_store %arg7[%swap3A_116, %swap3A_117], %gather3A_112 {strides = array<i32>} : memref<64x256xf32, #tpu.memory_space<vmem>>, vector<16xf32>,
        %broadcast_in_dim3A_119 = arith.constant 10 : i32
        %broadcast_in_dim3A_120 = vector.broadcast %broadcast_in_dim3A_119 : i32 to vector<16xi32>
        %gather3A_121 = tpu.vector_load_idx %arg5[%get3A_31, %broadcast_in_dim3A_120] : memref<1024x64xf32, #tpu.memory_space<vmem>>[vector<16xi32>, vector<16xi32>], vector<16xf32>,
        %mul3A_122 = arith.constant 16 : i32
        %mul3A_123 = arith.muli %scan3A_26, %mul3A_122 : i32
        %swap3A_124 = arith.constant 10 : i32
        %swap3A_125 = arith.index_cast %swap3A_124 : i32 to index
        %swap3A_126 = arith.index_cast %mul3A_123 : i32 to index
        %swap3A_127 = tpu.vector_load %arg7[%swap3A_125, %swap3A_126] {strides = array<i32>} : memref<64x256xf32, #tpu.memory_space<vmem>>, vector<16xf32>,
        tpu.vector_store %arg7[%swap3A_125, %swap3A_126], %gather3A_121 {strides = array<i32>} : memref<64x256xf32, #tpu.memory_space<vmem>>, vector<16xf32>,
        %broadcast_in_dim3A_128 = arith.constant 11 : i32
        %broadcast_in_dim3A_129 = vector.broadcast %broadcast_in_dim3A_128 : i32 to vector<16xi32>
        %gather3A_130 = tpu.vector_load_idx %arg5[%get3A_31, %broadcast_in_dim3A_129] : memref<1024x64xf32, #tpu.memory_space<vmem>>[vector<16xi32>, vector<16xi32>], vector<16xf32>,
        %mul3A_131 = arith.constant 16 : i32
        %mul3A_132 = arith.muli %scan3A_26, %mul3A_131 : i32
        %swap3A_133 = arith.constant 11 : i32
        %swap3A_134 = arith.index_cast %swap3A_133 : i32 to index
        %swap3A_135 = arith.index_cast %mul3A_132 : i32 to index
        %swap3A_136 = tpu.vector_load %arg7[%swap3A_134, %swap3A_135] {strides = array<i32>} : memref<64x256xf32, #tpu.memory_space<vmem>>, vector<16xf32>,
        tpu.vector_store %arg7[%swap3A_134, %swap3A_135], %gather3A_130 {strides = array<i32>} : memref<64x256xf32, #tpu.memory_space<vmem>>, vector<16xf32>,
        %broadcast_in_dim3A_137 = arith.constant 12 : i32
        %broadcast_in_dim3A_138 = vector.broadcast %broadcast_in_dim3A_137 : i32 to vector<16xi32>
        %gather3A_139 = tpu.vector_load_idx %arg5[%get3A_31, %broadcast_in_dim3A_138] : memref<1024x64xf32, #tpu.memory_space<vmem>>[vector<16xi32>, vector<16xi32>], vector<16xf32>,
        %mul3A_140 = arith.constant 16 : i32
        %mul3A_141 = arith.muli %scan3A_26, %mul3A_140 : i32
        %swap3A_142 = arith.constant 12 : i32
        %swap3A_143 = arith.index_cast %swap3A_142 : i32 to index
        %swap3A_144 = arith.index_cast %mul3A_141 : i32 to index
        %swap3A_145 = tpu.vector_load %arg7[%swap3A_143, %swap3A_144] {strides = array<i32>} : memref<64x256xf32, #tpu.memory_space<vmem>>, vector<16xf32>,
        tpu.vector_store %arg7[%swap3A_143, %swap3A_144], %gather3A_139 {strides = array<i32>} : memref<64x256xf32, #tpu.memory_space<vmem>>, vector<16xf32>,
        %broadcast_in_dim3A_146 = arith.constant 13 : i32
        %broadcast_in_dim3A_147 = vector.broadcast %broadcast_in_dim3A_146 : i32 to vector<16xi32>
        %gather3A_148 = tpu.vector_load_idx %arg5[%get3A_31, %broadcast_in_dim3A_147] : memref<1024x64xf32, #tpu.memory_space<vmem>>[vector<16xi32>, vector<16xi32>], vector<16xf32>,
        %mul3A_149 = arith.constant 16 : i32
        %mul3A_150 = arith.muli %scan3A_26, %mul3A_149 : i32
        %swap3A_151 = arith.constant 13 : i32
        %swap3A_152 = arith.index_cast %swap3A_151 : i32 to index
        %swap3A_153 = arith.index_cast %mul3A_150 : i32 to index
        %swap3A_154 = tpu.vector_load %arg7[%swap3A_152, %swap3A_153] {strides = array<i32>} : memref<64x256xf32, #tpu.memory_space<vmem>>, vector<16xf32>,
        tpu.vector_store %arg7[%swap3A_152, %swap3A_153], %gather3A_148 {strides = array<i32>} : memref<64x256xf32, #tpu.memory_space<vmem>>, vector<16xf32>,
        %broadcast_in_dim3A_155 = arith.constant 14 : i32
        %broadcast_in_dim3A_156 = vector.broadcast %broadcast_in_dim3A_155 : i32 to vector<16xi32>
        %gather3A_157 = tpu.vector_load_idx %arg5[%get3A_31, %broadcast_in_dim3A_156] : memref<1024x64xf32, #tpu.memory_space<vmem>>[vector<16xi32>, vector<16xi32>], vector<16xf32>,
        %mul3A_158 = arith.constant 16 : i32
        %mul3A_159 = arith.muli %scan3A_26, %mul3A_158 : i32
        %swap3A_160 = arith.constant 14 : i32
        %swap3A_161 = arith.index_cast %swap3A_160 : i32 to index
        %swap3A_162 = arith.index_cast %mul3A_159 : i32 to index
        %swap3A_163 = tpu.vector_load %arg7[%swap3A_161, %swap3A_162] {strides = array<i32>} : memref<64x256xf32, #tpu.memory_space<vmem>>, vector<16xf32>,
        tpu.vector_store %arg7[%swap3A_161, %swap3A_162], %gather3A_157 {strides = array<i32>} : memref<64x256xf32, #tpu.memory_space<vmem>>, vector<16xf32>,
        %broadcast_in_dim3A_164 = arith.constant 15 : i32
        %broadcast_in_dim3A_165 = vector.broadcast %broadcast_in_dim3A_164 : i32 to vector<16xi32>
        %gather3A_166 = tpu.vector_load_idx %arg5[%get3A_31, %broadcast_in_dim3A_165] : memref<1024x64xf32, #tpu.memory_space<vmem>>[vector<16xi32>, vector<16xi32>], vector<16xf32>,
        %mul3A_167 = arith.constant 16 : i32
        %mul3A_168 = arith.muli %scan3A_26, %mul3A_167 : i32
        %swap3A_169 = arith.constant 15 : i32
        %swap3A_170 = arith.index_cast %swap3A_169 : i32 to index
        %swap3A_171 = arith.index_cast %mul3A_168 : i32 to index
        %swap3A_172 = tpu.vector_load %arg7[%swap3A_170, %swap3A_171] {strides = array<i32>} : memref<64x256xf32, #tpu.memory_space<vmem>>, vector<16xf32>,
        tpu.vector_store %arg7[%swap3A_170, %swap3A_171], %gather3A_166 {strides = array<i32>} : memref<64x256xf32, #tpu.memory_space<vmem>>, vector<16xf32>,
        %broadcast_in_dim3A_173 = arith.constant 16 : i32
        %broadcast_in_dim3A_174 = vector.broadcast %broadcast_in_dim3A_173 : i32 to vector<16xi32>
        %gather3A_175 = tpu.vector_load_idx %arg5[%get3A_31, %broadcast_in_dim3A_174] : memref<1024x64xf32, #tpu.memory_space<vmem>>[vector<16xi32>, vector<16xi32>], vector<16xf32>,
        %mul3A_176 = arith.constant 16 : i32
        %mul3A_177 = arith.muli %scan3A_26, %mul3A_176 : i32
        %swap3A_178 = arith.constant 16 : i32
        %swap3A_179 = arith.index_cast %swap3A_178 : i32 to index
        %swap3A_180 = arith.index_cast %mul3A_177 : i32 to index
        %swap3A_181 = tpu.vector_load %arg7[%swap3A_179, %swap3A_180] {strides = array<i32>} : memref<64x256xf32, #tpu.memory_space<vmem>>, vector<16xf32>,
        tpu.vector_store %arg7[%swap3A_179, %swap3A_180], %gather3A_175 {strides = array<i32>} : memref<64x256xf32, #tpu.memory_space<vmem>>, vector<16xf32>,
        %broadcast_in_dim3A_182 = arith.constant 17 : i32
        %broadcast_in_dim3A_183 = vector.broadcast %broadcast_in_dim3A_182 : i32 to vector<16xi32>
        %gather3A_184 = tpu.vector_load_idx %arg5[%get3A_31, %broadcast_in_dim3A_183] : memref<1024x64xf32, #tpu.memory_space<vmem>>[vector<16xi32>, vector<16xi32>], vector<16xf32>,
        %mul3A_185 = arith.constant 16 : i32
        %mul3A_186 = arith.muli %scan3A_26, %mul3A_185 : i32
        %swap3A_187 = arith.constant 17 : i32
        %swap3A_188 = arith.index_cast %swap3A_187 : i32 to index
        %swap3A_189 = arith.index_cast %mul3A_186 : i32 to index
        %swap3A_190 = tpu.vector_load %arg7[%swap3A_188, %swap3A_189] {strides = array<i32>} : memref<64x256xf32, #tpu.memory_space<vmem>>, vector<16xf32>,
        tpu.vector_store %arg7[%swap3A_188, %swap3A_189], %gather3A_184 {strides = array<i32>} : memref<64x256xf32, #tpu.memory_space<vmem>>, vector<16xf32>,
        %broadcast_in_dim3A_191 = arith.constant 18 : i32
        %broadcast_in_dim3A_192 = vector.broadcast %broadcast_in_dim3A_191 : i32 to vector<16xi32>
        %gather3A_193 = tpu.vector_load_idx %arg5[%get3A_31, %broadcast_in_dim3A_192] : memref<1024x64xf32, #tpu.memory_space<vmem>>[vector<16xi32>, vector<16xi32>], vector<16xf32>,
        %mul3A_194 = arith.constant 16 : i32
        %mul3A_195 = arith.muli %scan3A_26, %mul3A_194 : i32
        %swap3A_196 = arith.constant 18 : i32
        %swap3A_197 = arith.index_cast %swap3A_196 : i32 to index
        %swap3A_198 = arith.index_cast %mul3A_195 : i32 to index
        %swap3A_199 = tpu.vector_load %arg7[%swap3A_197, %swap3A_198] {strides = array<i32>} : memref<64x256xf32, #tpu.memory_space<vmem>>, vector<16xf32>,
        tpu.vector_store %arg7[%swap3A_197, %swap3A_198], %gather3A_193 {strides = array<i32>} : memref<64x256xf32, #tpu.memory_space<vmem>>, vector<16xf32>,
        %broadcast_in_dim3A_200 = arith.constant 19 : i32
        %broadcast_in_dim3A_201 = vector.broadcast %broadcast_in_dim3A_200 : i32 to vector<16xi32>
        %gather3A_202 = tpu.vector_load_idx %arg5[%get3A_31, %broadcast_in_dim3A_201] : memref<1024x64xf32, #tpu.memory_space<vmem>>[vector<16xi32>, vector<16xi32>], vector<16xf32>,
        %mul3A_203 = arith.constant 16 : i32
        %mul3A_204 = arith.muli %scan3A_26, %mul3A_203 : i32
        %swap3A_205 = arith.constant 19 : i32
        %swap3A_206 = arith.index_cast %swap3A_205 : i32 to index
        %swap3A_207 = arith.index_cast %mul3A_204 : i32 to index
        %swap3A_208 = tpu.vector_load %arg7[%swap3A_206, %swap3A_207] {strides = array<i32>} : memref<64x256xf32, #tpu.memory_space<vmem>>, vector<16xf32>,
        tpu.vector_store %arg7[%swap3A_206, %swap3A_207], %gather3A_202 {strides = array<i32>} : memref<64x256xf32, #tpu.memory_space<vmem>>, vector<16xf32>,
        %broadcast_in_dim3A_209 = arith.constant 20 : i32
        %broadcast_in_dim3A_210 = vector.broadcast %broadcast_in_dim3A_209 : i32 to vector<16xi32>
        %gather3A_211 = tpu.vector_load_idx %arg5[%get3A_31, %broadcast_in_dim3A_210] : memref<1024x64xf32, #tpu.memory_space<vmem>>[vector<16xi32>, vector<16xi32>], vector<16xf32>,
        %mul3A_212 = arith.constant 16 : i32
        %mul3A_213 = arith.muli %scan3A_26, %mul3A_212 : i32
        %swap3A_214 = arith.constant 20 : i32
        %swap3A_215 = arith.index_cast %swap3A_214 : i32 to index
        %swap3A_216 = arith.index_cast %mul3A_213 : i32 to index
        %swap3A_217 = tpu.vector_load %arg7[%swap3A_215, %swap3A_216] {strides = array<i32>} : memref<64x256xf32, #tpu.memory_space<vmem>>, vector<16xf32>,
        tpu.vector_store %arg7[%swap3A_215, %swap3A_216], %gather3A_211 {strides = array<i32>} : memref<64x256xf32, #tpu.memory_space<vmem>>, vector<16xf32>,
        %broadcast_in_dim3A_218 = arith.constant 21 : i32
        %broadcast_in_dim3A_219 = vector.broadcast %broadcast_in_dim3A_218 : i32 to vector<16xi32>
        %gather3A_220 = tpu.vector_load_idx %arg5[%get3A_31, %broadcast_in_dim3A_219] : memref<1024x64xf32, #tpu.memory_space<vmem>>[vector<16xi32>, vector<16xi32>], vector<16xf32>,
        %mul3A_221 = arith.constant 16 : i32
        %mul3A_222 = arith.muli %scan3A_26, %mul3A_221 : i32
        %swap3A_223 = arith.constant 21 : i32
        %swap3A_224 = arith.index_cast %swap3A_223 : i32 to index
        %swap3A_225 = arith.index_cast %mul3A_222 : i32 to index
        %swap3A_226 = tpu.vector_load %arg7[%swap3A_224, %swap3A_225] {strides = array<i32>} : memref<64x256xf32, #tpu.memory_space<vmem>>, vector<16xf32>,
        tpu.vector_store %arg7[%swap3A_224, %swap3A_225], %gather3A_220 {strides = array<i32>} : memref<64x256xf32, #tpu.memory_space<vmem>>, vector<16xf32>,
        %broadcast_in_dim3A_227 = arith.constant 22 : i32
        %broadcast_in_dim3A_228 = vector.broadcast %broadcast_in_dim3A_227 : i32 to vector<16xi32>
        %gather3A_229 = tpu.vector_load_idx %arg5[%get3A_31, %broadcast_in_dim3A_228] : memref<1024x64xf32, #tpu.memory_space<vmem>>[vector<16xi32>, vector<16xi32>], vector<16xf32>,
        %mul3A_230 = arith.constant 16 : i32
        %mul3A_231 = arith.muli %scan3A_26, %mul3A_230 : i32
        %swap3A_232 = arith.constant 22 : i32
        %swap3A_233 = arith.index_cast %swap3A_232 : i32 to index
        %swap3A_234 = arith.index_cast %mul3A_231 : i32 to index
        %swap3A_235 = tpu.vector_load %arg7[%swap3A_233, %swap3A_234] {strides = array<i32>} : memref<64x256xf32, #tpu.memory_space<vmem>>, vector<16xf32>,
        tpu.vector_store %arg7[%swap3A_233, %swap3A_234], %gather3A_229 {strides = array<i32>} : memref<64x256xf32, #tpu.memory_space<vmem>>, vector<16xf32>,
        %broadcast_in_dim3A_236 = arith.constant 23 : i32
        %broadcast_in_dim3A_237 = vector.broadcast %broadcast_in_dim3A_236 : i32 to vector<16xi32>
        %gather3A_238 = tpu.vector_load_idx %arg5[%get3A_31, %broadcast_in_dim3A_237] : memref<1024x64xf32, #tpu.memory_space<vmem>>[vector<16xi32>, vector<16xi32>], vector<16xf32>,
        %mul3A_239 = arith.constant 16 : i32
        %mul3A_240 = arith.muli %scan3A_26, %mul3A_239 : i32
        %swap3A_241 = arith.constant 23 : i32
        %swap3A_242 = arith.index_cast %swap3A_241 : i32 to index
        %swap3A_243 = arith.index_cast %mul3A_240 : i32 to index
        %swap3A_244 = tpu.vector_load %arg7[%swap3A_242, %swap3A_243] {strides = array<i32>} : memref<64x256xf32, #tpu.memory_space<vmem>>, vector<16xf32>,
        tpu.vector_store %arg7[%swap3A_242, %swap3A_243], %gather3A_238 {strides = array<i32>} : memref<64x256xf32, #tpu.memory_space<vmem>>, vector<16xf32>,
        %broadcast_in_dim3A_245 = arith.constant 24 : i32
        %broadcast_in_dim3A_246 = vector.broadcast %broadcast_in_dim3A_245 : i32 to vector<16xi32>
        %gather3A_247 = tpu.vector_load_idx %arg5[%get3A_31, %broadcast_in_dim3A_246] : memref<1024x64xf32, #tpu.memory_space<vmem>>[vector<16xi32>, vector<16xi32>], vector<16xf32>,
        %mul3A_248 = arith.constant 16 : i32
        %mul3A_249 = arith.muli %scan3A_26, %mul3A_248 : i32
        %swap3A_250 = arith.constant 24 : i32
        %swap3A_251 = arith.index_cast %swap3A_250 : i32 to index
        %swap3A_252 = arith.index_cast %mul3A_249 : i32 to index
        %swap3A_253 = tpu.vector_load %arg7[%swap3A_251, %swap3A_252] {strides = array<i32>} : memref<64x256xf32, #tpu.memory_space<vmem>>, vector<16xf32>,
        tpu.vector_store %arg7[%swap3A_251, %swap3A_252], %gather3A_247 {strides = array<i32>} : memref<64x256xf32, #tpu.memory_space<vmem>>, vector<16xf32>,
        %broadcast_in_dim3A_254 = arith.constant 25 : i32
        %broadcast_in_dim3A_255 = vector.broadcast %broadcast_in_dim3A_254 : i32 to vector<16xi32>
        %gather3A_256 = tpu.vector_load_idx %arg5[%get3A_31, %broadcast_in_dim3A_255] : memref<1024x64xf32, #tpu.memory_space<vmem>>[vector<16xi32>, vector<16xi32>], vector<16xf32>,
        %mul3A_257 = arith.constant 16 : i32
        %mul3A_258 = arith.muli %scan3A_26, %mul3A_257 : i32
        %swap3A_259 = arith.constant 25 : i32
        %swap3A_260 = arith.index_cast %swap3A_259 : i32 to index
        %swap3A_261 = arith.index_cast %mul3A_258 : i32 to index
        %swap3A_262 = tpu.vector_load %arg7[%swap3A_260, %swap3A_261] {strides = array<i32>} : memref<64x256xf32, #tpu.memory_space<vmem>>, vector<16xf32>,
        tpu.vector_store %arg7[%swap3A_260, %swap3A_261], %gather3A_256 {strides = array<i32>} : memref<64x256xf32, #tpu.memory_space<vmem>>, vector<16xf32>,
        %broadcast_in_dim3A_263 = arith.constant 26 : i32
        %broadcast_in_dim3A_264 = vector.broadcast %broadcast_in_dim3A_263 : i32 to vector<16xi32>
        %gather3A_265 = tpu.vector_load_idx %arg5[%get3A_31, %broadcast_in_dim3A_264] : memref<1024x64xf32, #tpu.memory_space<vmem>>[vector<16xi32>, vector<16xi32>], vector<16xf32>,
        %mul3A_266 = arith.constant 16 : i32
        %mul3A_267 = arith.muli %scan3A_26, %mul3A_266 : i32
        %swap3A_268 = arith.constant 26 : i32
        %swap3A_269 = arith.index_cast %swap3A_268 : i32 to index
        %swap3A_270 = arith.index_cast %mul3A_267 : i32 to index
        %swap3A_271 = tpu.vector_load %arg7[%swap3A_269, %swap3A_270] {strides = array<i32>} : memref<64x256xf32, #tpu.memory_space<vmem>>, vector<16xf32>,
        tpu.vector_store %arg7[%swap3A_269, %swap3A_270], %gather3A_265 {strides = array<i32>} : memref<64x256xf32, #tpu.memory_space<vmem>>, vector<16xf32>,
        %broadcast_in_dim3A_272 = arith.constant 27 : i32
        %broadcast_in_dim3A_273 = vector.broadcast %broadcast_in_dim3A_272 : i32 to vector<16xi32>
        %gather3A_274 = tpu.vector_load_idx %arg5[%get3A_31, %broadcast_in_dim3A_273] : memref<1024x64xf32, #tpu.memory_space<vmem>>[vector<16xi32>, vector<16xi32>], vector<16xf32>,
        %mul3A_275 = arith.constant 16 : i32
        %mul3A_276 = arith.muli %scan3A_26, %mul3A_275 : i32
        %swap3A_277 = arith.constant 27 : i32
        %swap3A_278 = arith.index_cast %swap3A_277 : i32 to index
        %swap3A_279 = arith.index_cast %mul3A_276 : i32 to index
        %swap3A_280 = tpu.vector_load %arg7[%swap3A_278, %swap3A_279] {strides = array<i32>} : memref<64x256xf32, #tpu.memory_space<vmem>>, vector<16xf32>,
        tpu.vector_store %arg7[%swap3A_278, %swap3A_279], %gather3A_274 {strides = array<i32>} : memref<64x256xf32, #tpu.memory_space<vmem>>, vector<16xf32>,
        %broadcast_in_dim3A_281 = arith.constant 28 : i32
        %broadcast_in_dim3A_282 = vector.broadcast %broadcast_in_dim3A_281 : i32 to vector<16xi32>
        %gather3A_283 = tpu.vector_load_idx %arg5[%get3A_31, %broadcast_in_dim3A_282] : memref<1024x64xf32, #tpu.memory_space<vmem>>[vector<16xi32>, vector<16xi32>], vector<16xf32>,
        %mul3A_284 = arith.constant 16 : i32
        %mul3A_285 = arith.muli %scan3A_26, %mul3A_284 : i32
        %swap3A_286 = arith.constant 28 : i32
        %swap3A_287 = arith.index_cast %swap3A_286 : i32 to index
        %swap3A_288 = arith.index_cast %mul3A_285 : i32 to index
        %swap3A_289 = tpu.vector_load %arg7[%swap3A_287, %swap3A_288] {strides = array<i32>} : memref<64x256xf32, #tpu.memory_space<vmem>>, vector<16xf32>,
        tpu.vector_store %arg7[%swap3A_287, %swap3A_288], %gather3A_283 {strides = array<i32>} : memref<64x256xf32, #tpu.memory_space<vmem>>, vector<16xf32>,
        %broadcast_in_dim3A_290 = arith.constant 29 : i32
        %broadcast_in_dim3A_291 = vector.broadcast %broadcast_in_dim3A_290 : i32 to vector<16xi32>
        %gather3A_292 = tpu.vector_load_idx %arg5[%get3A_31, %broadcast_in_dim3A_291] : memref<1024x64xf32, #tpu.memory_space<vmem>>[vector<16xi32>, vector<16xi32>], vector<16xf32>,
        %mul3A_293 = arith.constant 16 : i32
        %mul3A_294 = arith.muli %scan3A_26, %mul3A_293 : i32
        %swap3A_295 = arith.constant 29 : i32
        %swap3A_296 = arith.index_cast %swap3A_295 : i32 to index
        %swap3A_297 = arith.index_cast %mul3A_294 : i32 to index
        %swap3A_298 = tpu.vector_load %arg7[%swap3A_296, %swap3A_297] {strides = array<i32>} : memref<64x256xf32, #tpu.memory_space<vmem>>, vector<16xf32>,
        tpu.vector_store %arg7[%swap3A_296, %swap3A_297], %gather3A_292 {strides = array<i32>} : memref<64x256xf32, #tpu.memory_space<vmem>>, vector<16xf32>,
        %broadcast_in_dim3A_299 = arith.constant 30 : i32
        %broadcast_in_dim3A_300 = vector.broadcast %broadcast_in_dim3A_299 : i32 to vector<16xi32>
        %gather3A_301 = tpu.vector_load_idx %arg5[%get3A_31, %broadcast_in_dim3A_300] : memref<1024x64xf32, #tpu.memory_space<vmem>>[vector<16xi32>, vector<16xi32>], vector<16xf32>,
        %mul3A_302 = arith.constant 16 : i32
        %mul3A_303 = arith.muli %scan3A_26, %mul3A_302 : i32
        %swap3A_304 = arith.constant 30 : i32
        %swap3A_305 = arith.index_cast %swap3A_304 : i32 to index
        %swap3A_306 = arith.index_cast %mul3A_303 : i32 to index
        %swap3A_307 = tpu.vector_load %arg7[%swap3A_305, %swap3A_306] {strides = array<i32>} : memref<64x256xf32, #tpu.memory_space<vmem>>, vector<16xf32>,
        tpu.vector_store %arg7[%swap3A_305, %swap3A_306], %gather3A_301 {strides = array<i32>} : memref<64x256xf32, #tpu.memory_space<vmem>>, vector<16xf32>,
        %broadcast_in_dim3A_308 = arith.constant 31 : i32
        %broadcast_in_dim3A_309 = vector.broadcast %broadcast_in_dim3A_308 : i32 to vector<16xi32>
        %gather3A_310 = tpu.vector_load_idx %arg5[%get3A_31, %broadcast_in_dim3A_309] : memref<1024x64xf32, #tpu.memory_space<vmem>>[vector<16xi32>, vector<16xi32>], vector<16xf32>,
        %mul3A_311 = arith.constant 16 : i32
        %mul3A_312 = arith.muli %scan3A_26, %mul3A_311 : i32
        %swap3A_313 = arith.constant 31 : i32
        %swap3A_314 = arith.index_cast %swap3A_313 : i32 to index
        %swap3A_315 = arith.index_cast %mul3A_312 : i32 to index
        %swap3A_316 = tpu.vector_load %arg7[%swap3A_314, %swap3A_315] {strides = array<i32>} : memref<64x256xf32, #tpu.memory_space<vmem>>, vector<16xf32>,
        tpu.vector_store %arg7[%swap3A_314, %swap3A_315], %gather3A_310 {strides = array<i32>} : memref<64x256xf32, #tpu.memory_space<vmem>>, vector<16xf32>,
        %broadcast_in_dim3A_317 = arith.constant 32 : i32
        %broadcast_in_dim3A_318 = vector.broadcast %broadcast_in_dim3A_317 : i32 to vector<16xi32>
        %gather3A_319 = tpu.vector_load_idx %arg5[%get3A_31, %broadcast_in_dim3A_318] : memref<1024x64xf32, #tpu.memory_space<vmem>>[vector<16xi32>, vector<16xi32>], vector<16xf32>,
        %mul3A_320 = arith.constant 16 : i32
        %mul3A_321 = arith.muli %scan3A_26, %mul3A_320 : i32
        %swap3A_322 = arith.constant 32 : i32
        %swap3A_323 = arith.index_cast %swap3A_322 : i32 to index
        %swap3A_324 = arith.index_cast %mul3A_321 : i32 to index
        %swap3A_325 = tpu.vector_load %arg7[%swap3A_323, %swap3A_324] {strides = array<i32>} : memref<64x256xf32, #tpu.memory_space<vmem>>, vector<16xf32>,
        tpu.vector_store %arg7[%swap3A_323, %swap3A_324], %gather3A_319 {strides = array<i32>} : memref<64x256xf32, #tpu.memory_space<vmem>>, vector<16xf32>,
        %broadcast_in_dim3A_326 = arith.constant 33 : i32
        %broadcast_in_dim3A_327 = vector.broadcast %broadcast_in_dim3A_326 : i32 to vector<16xi32>
        %gather3A_328 = tpu.vector_load_idx %arg5[%get3A_31, %broadcast_in_dim3A_327] : memref<1024x64xf32, #tpu.memory_space<vmem>>[vector<16xi32>, vector<16xi32>], vector<16xf32>,
        %mul3A_329 = arith.constant 16 : i32
        %mul3A_330 = arith.muli %scan3A_26, %mul3A_329 : i32
        %swap3A_331 = arith.constant 33 : i32
        %swap3A_332 = arith.index_cast %swap3A_331 : i32 to index
        %swap3A_333 = arith.index_cast %mul3A_330 : i32 to index
        %swap3A_334 = tpu.vector_load %arg7[%swap3A_332, %swap3A_333] {strides = array<i32>} : memref<64x256xf32, #tpu.memory_space<vmem>>, vector<16xf32>,
        tpu.vector_store %arg7[%swap3A_332, %swap3A_333], %gather3A_328 {strides = array<i32>} : memref<64x256xf32, #tpu.memory_space<vmem>>, vector<16xf32>,
        %broadcast_in_dim3A_335 = arith.constant 34 : i32
        %broadcast_in_dim3A_336 = vector.broadcast %broadcast_in_dim3A_335 : i32 to vector<16xi32>
        %gather3A_337 = tpu.vector_load_idx %arg5[%get3A_31, %broadcast_in_dim3A_336] : memref<1024x64xf32, #tpu.memory_space<vmem>>[vector<16xi32>, vector<16xi32>], vector<16xf32>,
        %mul3A_338 = arith.constant 16 : i32
        %mul3A_339 = arith.muli %scan3A_26, %mul3A_338 : i32
        %swap3A_340 = arith.constant 34 : i32
        %swap3A_341 = arith.index_cast %swap3A_340 : i32 to index
        %swap3A_342 = arith.index_cast %mul3A_339 : i32 to index
        %swap3A_343 = tpu.vector_load %arg7[%swap3A_341, %swap3A_342] {strides = array<i32>} : memref<64x256xf32, #tpu.memory_space<vmem>>, vector<16xf32>,
        tpu.vector_store %arg7[%swap3A_341, %swap3A_342], %gather3A_337 {strides = array<i32>} : memref<64x256xf32, #tpu.memory_space<vmem>>, vector<16xf32>,
        %broadcast_in_dim3A_344 = arith.constant 35 : i32
        %broadcast_in_dim3A_345 = vector.broadcast %broadcast_in_dim3A_344 : i32 to vector<16xi32>
        %gather3A_346 = tpu.vector_load_idx %arg5[%get3A_31, %broadcast_in_dim3A_345] : memref<1024x64xf32, #tpu.memory_space<vmem>>[vector<16xi32>, vector<16xi32>], vector<16xf32>,
        %mul3A_347 = arith.constant 16 : i32
        %mul3A_348 = arith.muli %scan3A_26, %mul3A_347 : i32
        %swap3A_349 = arith.constant 35 : i32
        %swap3A_350 = arith.index_cast %swap3A_349 : i32 to index
        %swap3A_351 = arith.index_cast %mul3A_348 : i32 to index
        %swap3A_352 = tpu.vector_load %arg7[%swap3A_350, %swap3A_351] {strides = array<i32>} : memref<64x256xf32, #tpu.memory_space<vmem>>, vector<16xf32>,
        tpu.vector_store %arg7[%swap3A_350, %swap3A_351], %gather3A_346 {strides = array<i32>} : memref<64x256xf32, #tpu.memory_space<vmem>>, vector<16xf32>,
        %broadcast_in_dim3A_353 = arith.constant 36 : i32
        %broadcast_in_dim3A_354 = vector.broadcast %broadcast_in_dim3A_353 : i32 to vector<16xi32>
        %gather3A_355 = tpu.vector_load_idx %arg5[%get3A_31, %broadcast_in_dim3A_354] : memref<1024x64xf32, #tpu.memory_space<vmem>>[vector<16xi32>, vector<16xi32>], vector<16xf32>,
        %mul3A_356 = arith.constant 16 : i32
        %mul3A_357 = arith.muli %scan3A_26, %mul3A_356 : i32
        %swap3A_358 = arith.constant 36 : i32
        %swap3A_359 = arith.index_cast %swap3A_358 : i32 to index
        %swap3A_360 = arith.index_cast %mul3A_357 : i32 to index
        %swap3A_361 = tpu.vector_load %arg7[%swap3A_359, %swap3A_360] {strides = array<i32>} : memref<64x256xf32, #tpu.memory_space<vmem>>, vector<16xf32>,
        tpu.vector_store %arg7[%swap3A_359, %swap3A_360], %gather3A_355 {strides = array<i32>} : memref<64x256xf32, #tpu.memory_space<vmem>>, vector<16xf32>,
        %broadcast_in_dim3A_362 = arith.constant 37 : i32
        %broadcast_in_dim3A_363 = vector.broadcast %broadcast_in_dim3A_362 : i32 to vector<16xi32>
        %gather3A_364 = tpu.vector_load_idx %arg5[%get3A_31, %broadcast_in_dim3A_363] : memref<1024x64xf32, #tpu.memory_space<vmem>>[vector<16xi32>, vector<16xi32>], vector<16xf32>,
        %mul3A_365 = arith.constant 16 : i32
        %mul3A_366 = arith.muli %scan3A_26, %mul3A_365 : i32
        %swap3A_367 = arith.constant 37 : i32
        %swap3A_368 = arith.index_cast %swap3A_367 : i32 to index
        %swap3A_369 = arith.index_cast %mul3A_366 : i32 to index
        %swap3A_370 = tpu.vector_load %arg7[%swap3A_368, %swap3A_369] {strides = array<i32>} : memref<64x256xf32, #tpu.memory_space<vmem>>, vector<16xf32>,
        tpu.vector_store %arg7[%swap3A_368, %swap3A_369], %gather3A_364 {strides = array<i32>} : memref<64x256xf32, #tpu.memory_space<vmem>>, vector<16xf32>,
        %broadcast_in_dim3A_371 = arith.constant 38 : i32
        %broadcast_in_dim3A_372 = vector.broadcast %broadcast_in_dim3A_371 : i32 to vector<16xi32>
        %gather3A_373 = tpu.vector_load_idx %arg5[%get3A_31, %broadcast_in_dim3A_372] : memref<1024x64xf32, #tpu.memory_space<vmem>>[vector<16xi32>, vector<16xi32>], vector<16xf32>,
        %mul3A_374 = arith.constant 16 : i32
        %mul3A_375 = arith.muli %scan3A_26, %mul3A_374 : i32
        %swap3A_376 = arith.constant 38 : i32
        %swap3A_377 = arith.index_cast %swap3A_376 : i32 to index
        %swap3A_378 = arith.index_cast %mul3A_375 : i32 to index
        %swap3A_379 = tpu.vector_load %arg7[%swap3A_377, %swap3A_378] {strides = array<i32>} : memref<64x256xf32, #tpu.memory_space<vmem>>, vector<16xf32>,
        tpu.vector_store %arg7[%swap3A_377, %swap3A_378], %gather3A_373 {strides = array<i32>} : memref<64x256xf32, #tpu.memory_space<vmem>>, vector<16xf32>,
        %broadcast_in_dim3A_380 = arith.constant 39 : i32
        %broadcast_in_dim3A_381 = vector.broadcast %broadcast_in_dim3A_380 : i32 to vector<16xi32>
        %gather3A_382 = tpu.vector_load_idx %arg5[%get3A_31, %broadcast_in_dim3A_381] : memref<1024x64xf32, #tpu.memory_space<vmem>>[vector<16xi32>, vector<16xi32>], vector<16xf32>,
        %mul3A_383 = arith.constant 16 : i32
        %mul3A_384 = arith.muli %scan3A_26, %mul3A_383 : i32
        %swap3A_385 = arith.constant 39 : i32
        %swap3A_386 = arith.index_cast %swap3A_385 : i32 to index
        %swap3A_387 = arith.index_cast %mul3A_384 : i32 to index
        %swap3A_388 = tpu.vector_load %arg7[%swap3A_386, %swap3A_387] {strides = array<i32>} : memref<64x256xf32, #tpu.memory_space<vmem>>, vector<16xf32>,
        tpu.vector_store %arg7[%swap3A_386, %swap3A_387], %gather3A_382 {strides = array<i32>} : memref<64x256xf32, #tpu.memory_space<vmem>>, vector<16xf32>,
        %broadcast_in_dim3A_389 = arith.constant 40 : i32
        %broadcast_in_dim3A_390 = vector.broadcast %broadcast_in_dim3A_389 : i32 to vector<16xi32>
        %gather3A_391 = tpu.vector_load_idx %arg5[%get3A_31, %broadcast_in_dim3A_390] : memref<1024x64xf32, #tpu.memory_space<vmem>>[vector<16xi32>, vector<16xi32>], vector<16xf32>,
        %mul3A_392 = arith.constant 16 : i32
        %mul3A_393 = arith.muli %scan3A_26, %mul3A_392 : i32
        %swap3A_394 = arith.constant 40 : i32
        %swap3A_395 = arith.index_cast %swap3A_394 : i32 to index
        %swap3A_396 = arith.index_cast %mul3A_393 : i32 to index
        %swap3A_397 = tpu.vector_load %arg7[%swap3A_395, %swap3A_396] {strides = array<i32>} : memref<64x256xf32, #tpu.memory_space<vmem>>, vector<16xf32>,
        tpu.vector_store %arg7[%swap3A_395, %swap3A_396], %gather3A_391 {strides = array<i32>} : memref<64x256xf32, #tpu.memory_space<vmem>>, vector<16xf32>,
        %broadcast_in_dim3A_398 = arith.constant 41 : i32
        %broadcast_in_dim3A_399 = vector.broadcast %broadcast_in_dim3A_398 : i32 to vector<16xi32>
        %gather3A_400 = tpu.vector_load_idx %arg5[%get3A_31, %broadcast_in_dim3A_399] : memref<1024x64xf32, #tpu.memory_space<vmem>>[vector<16xi32>, vector<16xi32>], vector<16xf32>,
        %mul3A_401 = arith.constant 16 : i32
        %mul3A_402 = arith.muli %scan3A_26, %mul3A_401 : i32
        %swap3A_403 = arith.constant 41 : i32
        %swap3A_404 = arith.index_cast %swap3A_403 : i32 to index
        %swap3A_405 = arith.index_cast %mul3A_402 : i32 to index
        %swap3A_406 = tpu.vector_load %arg7[%swap3A_404, %swap3A_405] {strides = array<i32>} : memref<64x256xf32, #tpu.memory_space<vmem>>, vector<16xf32>,
        tpu.vector_store %arg7[%swap3A_404, %swap3A_405], %gather3A_400 {strides = array<i32>} : memref<64x256xf32, #tpu.memory_space<vmem>>, vector<16xf32>,
        %broadcast_in_dim3A_407 = arith.constant 42 : i32
        %broadcast_in_dim3A_408 = vector.broadcast %broadcast_in_dim3A_407 : i32 to vector<16xi32>
        %gather3A_409 = tpu.vector_load_idx %arg5[%get3A_31, %broadcast_in_dim3A_408] : memref<1024x64xf32, #tpu.memory_space<vmem>>[vector<16xi32>, vector<16xi32>], vector<16xf32>,
        %mul3A_410 = arith.constant 16 : i32
        %mul3A_411 = arith.muli %scan3A_26, %mul3A_410 : i32
        %swap3A_412 = arith.constant 42 : i32
        %swap3A_413 = arith.index_cast %swap3A_412 : i32 to index
        %swap3A_414 = arith.index_cast %mul3A_411 : i32 to index
        %swap3A_415 = tpu.vector_load %arg7[%swap3A_413, %swap3A_414] {strides = array<i32>} : memref<64x256xf32, #tpu.memory_space<vmem>>, vector<16xf32>,
        tpu.vector_store %arg7[%swap3A_413, %swap3A_414], %gather3A_409 {strides = array<i32>} : memref<64x256xf32, #tpu.memory_space<vmem>>, vector<16xf32>,
        %broadcast_in_dim3A_416 = arith.constant 43 : i32
        %broadcast_in_dim3A_417 = vector.broadcast %broadcast_in_dim3A_416 : i32 to vector<16xi32>
        %gather3A_418 = tpu.vector_load_idx %arg5[%get3A_31, %broadcast_in_dim3A_417] : memref<1024x64xf32, #tpu.memory_space<vmem>>[vector<16xi32>, vector<16xi32>], vector<16xf32>,
        %mul3A_419 = arith.constant 16 : i32
        %mul3A_420 = arith.muli %scan3A_26, %mul3A_419 : i32
        %swap3A_421 = arith.constant 43 : i32
        %swap3A_422 = arith.index_cast %swap3A_421 : i32 to index
        %swap3A_423 = arith.index_cast %mul3A_420 : i32 to index
        %swap3A_424 = tpu.vector_load %arg7[%swap3A_422, %swap3A_423] {strides = array<i32>} : memref<64x256xf32, #tpu.memory_space<vmem>>, vector<16xf32>,
        tpu.vector_store %arg7[%swap3A_422, %swap3A_423], %gather3A_418 {strides = array<i32>} : memref<64x256xf32, #tpu.memory_space<vmem>>, vector<16xf32>,
        %broadcast_in_dim3A_425 = arith.constant 44 : i32
        %broadcast_in_dim3A_426 = vector.broadcast %broadcast_in_dim3A_425 : i32 to vector<16xi32>
        %gather3A_427 = tpu.vector_load_idx %arg5[%get3A_31, %broadcast_in_dim3A_426] : memref<1024x64xf32, #tpu.memory_space<vmem>>[vector<16xi32>, vector<16xi32>], vector<16xf32>,
        %mul3A_428 = arith.constant 16 : i32
        %mul3A_429 = arith.muli %scan3A_26, %mul3A_428 : i32
        %swap3A_430 = arith.constant 44 : i32
        %swap3A_431 = arith.index_cast %swap3A_430 : i32 to index
        %swap3A_432 = arith.index_cast %mul3A_429 : i32 to index
        %swap3A_433 = tpu.vector_load %arg7[%swap3A_431, %swap3A_432] {strides = array<i32>} : memref<64x256xf32, #tpu.memory_space<vmem>>, vector<16xf32>,
        tpu.vector_store %arg7[%swap3A_431, %swap3A_432], %gather3A_427 {strides = array<i32>} : memref<64x256xf32, #tpu.memory_space<vmem>>, vector<16xf32>,
        %broadcast_in_dim3A_434 = arith.constant 45 : i32
        %broadcast_in_dim3A_435 = vector.broadcast %broadcast_in_dim3A_434 : i32 to vector<16xi32>
        %gather3A_436 = tpu.vector_load_idx %arg5[%get3A_31, %broadcast_in_dim3A_435] : memref<1024x64xf32, #tpu.memory_space<vmem>>[vector<16xi32>, vector<16xi32>], vector<16xf32>,
        %mul3A_437 = arith.constant 16 : i32
        %mul3A_438 = arith.muli %scan3A_26, %mul3A_437 : i32
        %swap3A_439 = arith.constant 45 : i32
        %swap3A_440 = arith.index_cast %swap3A_439 : i32 to index
        %swap3A_441 = arith.index_cast %mul3A_438 : i32 to index
        %swap3A_442 = tpu.vector_load %arg7[%swap3A_440, %swap3A_441] {strides = array<i32>} : memref<64x256xf32, #tpu.memory_space<vmem>>, vector<16xf32>,
        tpu.vector_store %arg7[%swap3A_440, %swap3A_441], %gather3A_436 {strides = array<i32>} : memref<64x256xf32, #tpu.memory_space<vmem>>, vector<16xf32>,
        %broadcast_in_dim3A_443 = arith.constant 46 : i32
        %broadcast_in_dim3A_444 = vector.broadcast %broadcast_in_dim3A_443 : i32 to vector<16xi32>
        %gather3A_445 = tpu.vector_load_idx %arg5[%get3A_31, %broadcast_in_dim3A_444] : memref<1024x64xf32, #tpu.memory_space<vmem>>[vector<16xi32>, vector<16xi32>], vector<16xf32>,
        %mul3A_446 = arith.constant 16 : i32
        %mul3A_447 = arith.muli %scan3A_26, %mul3A_446 : i32
        %swap3A_448 = arith.constant 46 : i32
        %swap3A_449 = arith.index_cast %swap3A_448 : i32 to index
        %swap3A_450 = arith.index_cast %mul3A_447 : i32 to index
        %swap3A_451 = tpu.vector_load %arg7[%swap3A_449, %swap3A_450] {strides = array<i32>} : memref<64x256xf32, #tpu.memory_space<vmem>>, vector<16xf32>,
        tpu.vector_store %arg7[%swap3A_449, %swap3A_450], %gather3A_445 {strides = array<i32>} : memref<64x256xf32, #tpu.memory_space<vmem>>, vector<16xf32>,
        %broadcast_in_dim3A_452 = arith.constant 47 : i32
        %broadcast_in_dim3A_453 = vector.broadcast %broadcast_in_dim3A_452 : i32 to vector<16xi32>
        %gather3A_454 = tpu.vector_load_idx %arg5[%get3A_31, %broadcast_in_dim3A_453] : memref<1024x64xf32, #tpu.memory_space<vmem>>[vector<16xi32>, vector<16xi32>], vector<16xf32>,
        %mul3A_455 = arith.constant 16 : i32
        %mul3A_456 = arith.muli %scan3A_26, %mul3A_455 : i32
        %swap3A_457 = arith.constant 47 : i32
        %swap3A_458 = arith.index_cast %swap3A_457 : i32 to index
        %swap3A_459 = arith.index_cast %mul3A_456 : i32 to index
        %swap3A_460 = tpu.vector_load %arg7[%swap3A_458, %swap3A_459] {strides = array<i32>} : memref<64x256xf32, #tpu.memory_space<vmem>>, vector<16xf32>,
        tpu.vector_store %arg7[%swap3A_458, %swap3A_459], %gather3A_454 {strides = array<i32>} : memref<64x256xf32, #tpu.memory_space<vmem>>, vector<16xf32>,
        %broadcast_in_dim3A_461 = arith.constant 48 : i32
        %broadcast_in_dim3A_462 = vector.broadcast %broadcast_in_dim3A_461 : i32 to vector<16xi32>
        %gather3A_463 = tpu.vector_load_idx %arg5[%get3A_31, %broadcast_in_dim3A_462] : memref<1024x64xf32, #tpu.memory_space<vmem>>[vector<16xi32>, vector<16xi32>], vector<16xf32>,
        %mul3A_464 = arith.constant 16 : i32
        %mul3A_465 = arith.muli %scan3A_26, %mul3A_464 : i32
        %swap3A_466 = arith.constant 48 : i32
        %swap3A_467 = arith.index_cast %swap3A_466 : i32 to index
        %swap3A_468 = arith.index_cast %mul3A_465 : i32 to index
        %swap3A_469 = tpu.vector_load %arg7[%swap3A_467, %swap3A_468] {strides = array<i32>} : memref<64x256xf32, #tpu.memory_space<vmem>>, vector<16xf32>,
        tpu.vector_store %arg7[%swap3A_467, %swap3A_468], %gather3A_463 {strides = array<i32>} : memref<64x256xf32, #tpu.memory_space<vmem>>, vector<16xf32>,
        %broadcast_in_dim3A_470 = arith.constant 49 : i32
        %broadcast_in_dim3A_471 = vector.broadcast %broadcast_in_dim3A_470 : i32 to vector<16xi32>
        %gather3A_472 = tpu.vector_load_idx %arg5[%get3A_31, %broadcast_in_dim3A_471] : memref<1024x64xf32, #tpu.memory_space<vmem>>[vector<16xi32>, vector<16xi32>], vector<16xf32>,
        %mul3A_473 = arith.constant 16 : i32
        %mul3A_474 = arith.muli %scan3A_26, %mul3A_473 : i32
        %swap3A_475 = arith.constant 49 : i32
        %swap3A_476 = arith.index_cast %swap3A_475 : i32 to index
        %swap3A_477 = arith.index_cast %mul3A_474 : i32 to index
        %swap3A_478 = tpu.vector_load %arg7[%swap3A_476, %swap3A_477] {strides = array<i32>} : memref<64x256xf32, #tpu.memory_space<vmem>>, vector<16xf32>,
        tpu.vector_store %arg7[%swap3A_476, %swap3A_477], %gather3A_472 {strides = array<i32>} : memref<64x256xf32, #tpu.memory_space<vmem>>, vector<16xf32>,
        %broadcast_in_dim3A_479 = arith.constant 50 : i32
        %broadcast_in_dim3A_480 = vector.broadcast %broadcast_in_dim3A_479 : i32 to vector<16xi32>
        %gather3A_481 = tpu.vector_load_idx %arg5[%get3A_31, %broadcast_in_dim3A_480] : memref<1024x64xf32, #tpu.memory_space<vmem>>[vector<16xi32>, vector<16xi32>], vector<16xf32>,
        %mul3A_482 = arith.constant 16 : i32
        %mul3A_483 = arith.muli %scan3A_26, %mul3A_482 : i32
        %swap3A_484 = arith.constant 50 : i32
        %swap3A_485 = arith.index_cast %swap3A_484 : i32 to index
        %swap3A_486 = arith.index_cast %mul3A_483 : i32 to index
        %swap3A_487 = tpu.vector_load %arg7[%swap3A_485, %swap3A_486] {strides = array<i32>} : memref<64x256xf32, #tpu.memory_space<vmem>>, vector<16xf32>,
        tpu.vector_store %arg7[%swap3A_485, %swap3A_486], %gather3A_481 {strides = array<i32>} : memref<64x256xf32, #tpu.memory_space<vmem>>, vector<16xf32>,
        %broadcast_in_dim3A_488 = arith.constant 51 : i32
        %broadcast_in_dim3A_489 = vector.broadcast %broadcast_in_dim3A_488 : i32 to vector<16xi32>
        %gather3A_490 = tpu.vector_load_idx %arg5[%get3A_31, %broadcast_in_dim3A_489] : memref<1024x64xf32, #tpu.memory_space<vmem>>[vector<16xi32>, vector<16xi32>], vector<16xf32>,
        %mul3A_491 = arith.constant 16 : i32
        %mul3A_492 = arith.muli %scan3A_26, %mul3A_491 : i32
        %swap3A_493 = arith.constant 51 : i32
        %swap3A_494 = arith.index_cast %swap3A_493 : i32 to index
        %swap3A_495 = arith.index_cast %mul3A_492 : i32 to index
        %swap3A_496 = tpu.vector_load %arg7[%swap3A_494, %swap3A_495] {strides = array<i32>} : memref<64x256xf32, #tpu.memory_space<vmem>>, vector<16xf32>,
        tpu.vector_store %arg7[%swap3A_494, %swap3A_495], %gather3A_490 {strides = array<i32>} : memref<64x256xf32, #tpu.memory_space<vmem>>, vector<16xf32>,
        %broadcast_in_dim3A_497 = arith.constant 52 : i32
        %broadcast_in_dim3A_498 = vector.broadcast %broadcast_in_dim3A_497 : i32 to vector<16xi32>
        %gather3A_499 = tpu.vector_load_idx %arg5[%get3A_31, %broadcast_in_dim3A_498] : memref<1024x64xf32, #tpu.memory_space<vmem>>[vector<16xi32>, vector<16xi32>], vector<16xf32>,
        %mul3A_500 = arith.constant 16 : i32
        %mul3A_501 = arith.muli %scan3A_26, %mul3A_500 : i32
        %swap3A_502 = arith.constant 52 : i32
        %swap3A_503 = arith.index_cast %swap3A_502 : i32 to index
        %swap3A_504 = arith.index_cast %mul3A_501 : i32 to index
        %swap3A_505 = tpu.vector_load %arg7[%swap3A_503, %swap3A_504] {strides = array<i32>} : memref<64x256xf32, #tpu.memory_space<vmem>>, vector<16xf32>,
        tpu.vector_store %arg7[%swap3A_503, %swap3A_504], %gather3A_499 {strides = array<i32>} : memref<64x256xf32, #tpu.memory_space<vmem>>, vector<16xf32>,
        %broadcast_in_dim3A_506 = arith.constant 53 : i32
        %broadcast_in_dim3A_507 = vector.broadcast %broadcast_in_dim3A_506 : i32 to vector<16xi32>
        %gather3A_508 = tpu.vector_load_idx %arg5[%get3A_31, %broadcast_in_dim3A_507] : memref<1024x64xf32, #tpu.memory_space<vmem>>[vector<16xi32>, vector<16xi32>], vector<16xf32>,
        %mul3A_509 = arith.constant 16 : i32
        %mul3A_510 = arith.muli %scan3A_26, %mul3A_509 : i32
        %swap3A_511 = arith.constant 53 : i32
        %swap3A_512 = arith.index_cast %swap3A_511 : i32 to index
        %swap3A_513 = arith.index_cast %mul3A_510 : i32 to index
        %swap3A_514 = tpu.vector_load %arg7[%swap3A_512, %swap3A_513] {strides = array<i32>} : memref<64x256xf32, #tpu.memory_space<vmem>>, vector<16xf32>,
        tpu.vector_store %arg7[%swap3A_512, %swap3A_513], %gather3A_508 {strides = array<i32>} : memref<64x256xf32, #tpu.memory_space<vmem>>, vector<16xf32>,
        %broadcast_in_dim3A_515 = arith.constant 54 : i32
        %broadcast_in_dim3A_516 = vector.broadcast %broadcast_in_dim3A_515 : i32 to vector<16xi32>
        %gather3A_517 = tpu.vector_load_idx %arg5[%get3A_31, %broadcast_in_dim3A_516] : memref<1024x64xf32, #tpu.memory_space<vmem>>[vector<16xi32>, vector<16xi32>], vector<16xf32>,
        %mul3A_518 = arith.constant 16 : i32
        %mul3A_519 = arith.muli %scan3A_26, %mul3A_518 : i32
        %swap3A_520 = arith.constant 54 : i32
        %swap3A_521 = arith.index_cast %swap3A_520 : i32 to index
        %swap3A_522 = arith.index_cast %mul3A_519 : i32 to index
        %swap3A_523 = tpu.vector_load %arg7[%swap3A_521, %swap3A_522] {strides = array<i32>} : memref<64x256xf32, #tpu.memory_space<vmem>>, vector<16xf32>,
        tpu.vector_store %arg7[%swap3A_521, %swap3A_522], %gather3A_517 {strides = array<i32>} : memref<64x256xf32, #tpu.memory_space<vmem>>, vector<16xf32>,
        %broadcast_in_dim3A_524 = arith.constant 55 : i32
        %broadcast_in_dim3A_525 = vector.broadcast %broadcast_in_dim3A_524 : i32 to vector<16xi32>
        %gather3A_526 = tpu.vector_load_idx %arg5[%get3A_31, %broadcast_in_dim3A_525] : memref<1024x64xf32, #tpu.memory_space<vmem>>[vector<16xi32>, vector<16xi32>], vector<16xf32>,
        %mul3A_527 = arith.constant 16 : i32
        %mul3A_528 = arith.muli %scan3A_26, %mul3A_527 : i32
        %swap3A_529 = arith.constant 55 : i32
        %swap3A_530 = arith.index_cast %swap3A_529 : i32 to index
        %swap3A_531 = arith.index_cast %mul3A_528 : i32 to index
        %swap3A_532 = tpu.vector_load %arg7[%swap3A_530, %swap3A_531] {strides = array<i32>} : memref<64x256xf32, #tpu.memory_space<vmem>>, vector<16xf32>,
        tpu.vector_store %arg7[%swap3A_530, %swap3A_531], %gather3A_526 {strides = array<i32>} : memref<64x256xf32, #tpu.memory_space<vmem>>, vector<16xf32>,
        %broadcast_in_dim3A_533 = arith.constant 56 : i32
        %broadcast_in_dim3A_534 = vector.broadcast %broadcast_in_dim3A_533 : i32 to vector<16xi32>
        %gather3A_535 = tpu.vector_load_idx %arg5[%get3A_31, %broadcast_in_dim3A_534] : memref<1024x64xf32, #tpu.memory_space<vmem>>[vector<16xi32>, vector<16xi32>], vector<16xf32>,
        %mul3A_536 = arith.constant 16 : i32
        %mul3A_537 = arith.muli %scan3A_26, %mul3A_536 : i32
        %swap3A_538 = arith.constant 56 : i32
        %swap3A_539 = arith.index_cast %swap3A_538 : i32 to index
        %swap3A_540 = arith.index_cast %mul3A_537 : i32 to index
        %swap3A_541 = tpu.vector_load %arg7[%swap3A_539, %swap3A_540] {strides = array<i32>} : memref<64x256xf32, #tpu.memory_space<vmem>>, vector<16xf32>,
        tpu.vector_store %arg7[%swap3A_539, %swap3A_540], %gather3A_535 {strides = array<i32>} : memref<64x256xf32, #tpu.memory_space<vmem>>, vector<16xf32>,
        %broadcast_in_dim3A_542 = arith.constant 57 : i32
        %broadcast_in_dim3A_543 = vector.broadcast %broadcast_in_dim3A_542 : i32 to vector<16xi32>
        %gather3A_544 = tpu.vector_load_idx %arg5[%get3A_31, %broadcast_in_dim3A_543] : memref<1024x64xf32, #tpu.memory_space<vmem>>[vector<16xi32>, vector<16xi32>], vector<16xf32>,
        %mul3A_545 = arith.constant 16 : i32
        %mul3A_546 = arith.muli %scan3A_26, %mul3A_545 : i32
        %swap3A_547 = arith.constant 57 : i32
        %swap3A_548 = arith.index_cast %swap3A_547 : i32 to index
        %swap3A_549 = arith.index_cast %mul3A_546 : i32 to index
        %swap3A_550 = tpu.vector_load %arg7[%swap3A_548, %swap3A_549] {strides = array<i32>} : memref<64x256xf32, #tpu.memory_space<vmem>>, vector<16xf32>,
        tpu.vector_store %arg7[%swap3A_548, %swap3A_549], %gather3A_544 {strides = array<i32>} : memref<64x256xf32, #tpu.memory_space<vmem>>, vector<16xf32>,
        %broadcast_in_dim3A_551 = arith.constant 58 : i32
        %broadcast_in_dim3A_552 = vector.broadcast %broadcast_in_dim3A_551 : i32 to vector<16xi32>
        %gather3A_553 = tpu.vector_load_idx %arg5[%get3A_31, %broadcast_in_dim3A_552] : memref<1024x64xf32, #tpu.memory_space<vmem>>[vector<16xi32>, vector<16xi32>], vector<16xf32>,
        %mul3A_554 = arith.constant 16 : i32
        %mul3A_555 = arith.muli %scan3A_26, %mul3A_554 : i32
        %swap3A_556 = arith.constant 58 : i32
        %swap3A_557 = arith.index_cast %swap3A_556 : i32 to index
        %swap3A_558 = arith.index_cast %mul3A_555 : i32 to index
        %swap3A_559 = tpu.vector_load %arg7[%swap3A_557, %swap3A_558] {strides = array<i32>} : memref<64x256xf32, #tpu.memory_space<vmem>>, vector<16xf32>,
        tpu.vector_store %arg7[%swap3A_557, %swap3A_558], %gather3A_553 {strides = array<i32>} : memref<64x256xf32, #tpu.memory_space<vmem>>, vector<16xf32>,
        %broadcast_in_dim3A_560 = arith.constant 59 : i32
        %broadcast_in_dim3A_561 = vector.broadcast %broadcast_in_dim3A_560 : i32 to vector<16xi32>
        %gather3A_562 = tpu.vector_load_idx %arg5[%get3A_31, %broadcast_in_dim3A_561] : memref<1024x64xf32, #tpu.memory_space<vmem>>[vector<16xi32>, vector<16xi32>], vector<16xf32>,
        %mul3A_563 = arith.constant 16 : i32
        %mul3A_564 = arith.muli %scan3A_26, %mul3A_563 : i32
        %swap3A_565 = arith.constant 59 : i32
        %swap3A_566 = arith.index_cast %swap3A_565 : i32 to index
        %swap3A_567 = arith.index_cast %mul3A_564 : i32 to index
        %swap3A_568 = tpu.vector_load %arg7[%swap3A_566, %swap3A_567] {strides = array<i32>} : memref<64x256xf32, #tpu.memory_space<vmem>>, vector<16xf32>,
        tpu.vector_store %arg7[%swap3A_566, %swap3A_567], %gather3A_562 {strides = array<i32>} : memref<64x256xf32, #tpu.memory_space<vmem>>, vector<16xf32>,
        %broadcast_in_dim3A_569 = arith.constant 60 : i32
        %broadcast_in_dim3A_570 = vector.broadcast %broadcast_in_dim3A_569 : i32 to vector<16xi32>
        %gather3A_571 = tpu.vector_load_idx %arg5[%get3A_31, %broadcast_in_dim3A_570] : memref<1024x64xf32, #tpu.memory_space<vmem>>[vector<16xi32>, vector<16xi32>], vector<16xf32>,
        %mul3A_572 = arith.constant 16 : i32
        %mul3A_573 = arith.muli %scan3A_26, %mul3A_572 : i32
        %swap3A_574 = arith.constant 60 : i32
        %swap3A_575 = arith.index_cast %swap3A_574 : i32 to index
        %swap3A_576 = arith.index_cast %mul3A_573 : i32 to index
        %swap3A_577 = tpu.vector_load %arg7[%swap3A_575, %swap3A_576] {strides = array<i32>} : memref<64x256xf32, #tpu.memory_space<vmem>>, vector<16xf32>,
        tpu.vector_store %arg7[%swap3A_575, %swap3A_576], %gather3A_571 {strides = array<i32>} : memref<64x256xf32, #tpu.memory_space<vmem>>, vector<16xf32>,
        %broadcast_in_dim3A_578 = arith.constant 61 : i32
        %broadcast_in_dim3A_579 = vector.broadcast %broadcast_in_dim3A_578 : i32 to vector<16xi32>
        %gather3A_580 = tpu.vector_load_idx %arg5[%get3A_31, %broadcast_in_dim3A_579] : memref<1024x64xf32, #tpu.memory_space<vmem>>[vector<16xi32>, vector<16xi32>], vector<16xf32>,
        %mul3A_581 = arith.constant 16 : i32
        %mul3A_582 = arith.muli %scan3A_26, %mul3A_581 : i32
        %swap3A_583 = arith.constant 61 : i32
        %swap3A_584 = arith.index_cast %swap3A_583 : i32 to index
        %swap3A_585 = arith.index_cast %mul3A_582 : i32 to index
        %swap3A_586 = tpu.vector_load %arg7[%swap3A_584, %swap3A_585] {strides = array<i32>} : memref<64x256xf32, #tpu.memory_space<vmem>>, vector<16xf32>,
        tpu.vector_store %arg7[%swap3A_584, %swap3A_585], %gather3A_580 {strides = array<i32>} : memref<64x256xf32, #tpu.memory_space<vmem>>, vector<16xf32>,
        %broadcast_in_dim3A_587 = arith.constant 62 : i32
        %broadcast_in_dim3A_588 = vector.broadcast %broadcast_in_dim3A_587 : i32 to vector<16xi32>
        %gather3A_589 = tpu.vector_load_idx %arg5[%get3A_31, %broadcast_in_dim3A_588] : memref<1024x64xf32, #tpu.memory_space<vmem>>[vector<16xi32>, vector<16xi32>], vector<16xf32>,
        %mul3A_590 = arith.constant 16 : i32
        %mul3A_591 = arith.muli %scan3A_26, %mul3A_590 : i32
        %swap3A_592 = arith.constant 62 : i32
        %swap3A_593 = arith.index_cast %swap3A_592 : i32 to index
        %swap3A_594 = arith.index_cast %mul3A_591 : i32 to index
        %swap3A_595 = tpu.vector_load %arg7[%swap3A_593, %swap3A_594] {strides = array<i32>} : memref<64x256xf32, #tpu.memory_space<vmem>>, vector<16xf32>,
        tpu.vector_store %arg7[%swap3A_593, %swap3A_594], %gather3A_589 {strides = array<i32>} : memref<64x256xf32, #tpu.memory_space<vmem>>, vector<16xf32>,
        %broadcast_in_dim3A_596 = arith.constant 63 : i32
        %broadcast_in_dim3A_597 = vector.broadcast %broadcast_in_dim3A_596 : i32 to vector<16xi32>
        %gather3A_598 = tpu.vector_load_idx %arg5[%get3A_31, %broadcast_in_dim3A_597] : memref<1024x64xf32, #tpu.memory_space<vmem>>[vector<16xi32>, vector<16xi32>], vector<16xf32>,
        %mul3A_599 = arith.constant 16 : i32
        %mul3A_600 = arith.muli %scan3A_26, %mul3A_599 : i32
        %swap3A_601 = arith.constant 63 : i32
        %swap3A_602 = arith.index_cast %swap3A_601 : i32 to index
        %swap3A_603 = arith.index_cast %mul3A_600 : i32 to index
        %swap3A_604 = tpu.vector_load %arg7[%swap3A_602, %swap3A_603] {strides = array<i32>} : memref<64x256xf32, #tpu.memory_space<vmem>>, vector<16xf32>,
        tpu.vector_store %arg7[%swap3A_602, %swap3A_603], %gather3A_598 {strides = array<i32>} : memref<64x256xf32, #tpu.memory_space<vmem>>, vector<16xf32>,
      }
      %scan3A_19 = arith.constant 16 : i32
      "tpu.region"() ({
        %run_scoped3A = tpu.sem_alloc : memref<!tpu.dma_semaphore, #tpu.memory_space<semaphore_mem>>
        %dma_start3A = arith.constant 0 : i32
        %dma_start3A_26 = arith.constant 512 : i32
        %dma_start3A_27 = tpu.memref_slice %arg4[%add3A, %dma_start3A, %dma_start3A_26] : memref<32x64x1024xf32, #tpu.memory_space<hbm>> -> memref<1x64x256xf32, #tpu.memory_space<hbm>>
        %dma_start3A_28 = tpu.memref_squeeze %dma_start3A_27 : memref<1x64x256xf32, #tpu.memory_space<hbm>> -> memref<64x256xf32, #tpu.memory_space<hbm>>
        %dma_start3A_29 = arith.constant 0 : i32
        %dma_start3A_30 = arith.constant 512 : i32
        %dma_start3A_31 = tpu.memref_slice %arg4[%add3A, %dma_start3A_29, %dma_start3A_30] : memref<32x64x1024xf32, #tpu.memory_space<hbm>> -> memref<1x64x256xf32, #tpu.memory_space<hbm>>
        %dma_start3A_32 = tpu.memref_squeeze %dma_start3A_31 : memref<1x64x256xf32, #tpu.memory_space<hbm>> -> memref<64x256xf32, #tpu.memory_space<hbm>>
        tpu.enqueue_dma source(%arg7 : memref<64x256xf32, #tpu.memory_space<vmem>>) target(%dma_start3A_32 : memref<64x256xf32, #tpu.memory_space<hbm>>) target_semaphore(%run_scoped3A : memref<!tpu.dma_semaphore, #tpu.memory_space<semaphore_mem>>)
        %dma_wait3A = arith.constant 0 : i32
        %dma_wait3A_33 = arith.constant 512 : i32
        %dma_wait3A_34 = tpu.memref_slice %arg4[%add3A, %dma_wait3A, %dma_wait3A_33] : memref<32x64x1024xf32, #tpu.memory_space<hbm>> -> memref<1x64x256xf32, #tpu.memory_space<hbm>>
        %dma_wait3A_35 = tpu.memref_squeeze %dma_wait3A_34 : memref<1x64x256xf32, #tpu.memory_space<hbm>> -> memref<64x256xf32, #tpu.memory_space<hbm>>
        %dma_wait3A_36 = arith.constant 0 : i32
        %dma_wait3A_37 = arith.constant 512 : i32
        %dma_wait3A_38 = tpu.memref_slice %arg4[%add3A, %dma_wait3A_36, %dma_wait3A_37] : memref<32x64x1024xf32, #tpu.memory_space<hbm>> -> memref<1x64x256xf32, #tpu.memory_space<hbm>>
        %dma_wait3A_39 = tpu.memref_squeeze %dma_wait3A_38 : memref<1x64x256xf32, #tpu.memory_space<hbm>> -> memref<64x256xf32, #tpu.memory_space<hbm>>
        tpu.wait_dma2 semaphore(%run_scoped3A : memref<!tpu.dma_semaphore, #tpu.memory_space<semaphore_mem>>) src(%arg7 : memref<64x256xf32, #tpu.memory_space<vmem>>) dst(%dma_wait3A_39 : memref<64x256xf32, #tpu.memory_space<hbm>>)
        tpu.yield
      }) : () -> ()
      %scan3A_20 = arith.constant 0 : i32
      %scan3A_21 = arith.constant 0 : i32
      %scan3A_22 = arith.constant 16 : i32
      %scan3A_23 = arith.addi %scan3A_21, %scan3A_22 : i32
      %scan3A_24 = arith.constant 1 : i32
      scf.for %scan3A_26 = %scan3A_21 to %scan3A_23 step %scan3A_24  : i32 {
        %mul3A_27 = arith.constant 16 : i32
        %mul3A_28 = arith.muli %scan3A_26, %mul3A_27 : i32
        %add3A_29 = arith.constant 768 : i32
        %add3A_30 = arith.addi %add3A_29, %mul3A_28 : i32
        %get3A = arith.index_cast %add3A_30 : i32 to index
        %get3A_31 = tpu.vector_load %arg6[%get3A] {strides = array<i32>} : memref<1024xi32, #tpu.memory_space<vmem>>, vector<16xi32>,
        %broadcast_in_dim3A = arith.constant 0 : i32
        %broadcast_in_dim3A_32 = vector.broadcast %broadcast_in_dim3A : i32 to vector<16xi32>
        %gather3A = tpu.vector_load_idx %arg5[%get3A_31, %broadcast_in_dim3A_32] : memref<1024x64xf32, #tpu.memory_space<vmem>>[vector<16xi32>, vector<16xi32>], vector<16xf32>,
        %mul3A_33 = arith.constant 16 : i32
        %mul3A_34 = arith.muli %scan3A_26, %mul3A_33 : i32
        %swap3A = arith.constant 0 : i32
        %swap3A_35 = arith.index_cast %swap3A : i32 to index
        %swap3A_36 = arith.index_cast %mul3A_34 : i32 to index
        %swap3A_37 = tpu.vector_load %arg7[%swap3A_35, %swap3A_36] {strides = array<i32>} : memref<64x256xf32, #tpu.memory_space<vmem>>, vector<16xf32>,
        tpu.vector_store %arg7[%swap3A_35, %swap3A_36], %gather3A {strides = array<i32>} : memref<64x256xf32, #tpu.memory_space<vmem>>, vector<16xf32>,
        %broadcast_in_dim3A_38 = arith.constant 1 : i32
        %broadcast_in_dim3A_39 = vector.broadcast %broadcast_in_dim3A_38 : i32 to vector<16xi32>
        %gather3A_40 = tpu.vector_load_idx %arg5[%get3A_31, %broadcast_in_dim3A_39] : memref<1024x64xf32, #tpu.memory_space<vmem>>[vector<16xi32>, vector<16xi32>], vector<16xf32>,
        %mul3A_41 = arith.constant 16 : i32
        %mul3A_42 = arith.muli %scan3A_26, %mul3A_41 : i32
        %swap3A_43 = arith.constant 1 : i32
        %swap3A_44 = arith.index_cast %swap3A_43 : i32 to index
        %swap3A_45 = arith.index_cast %mul3A_42 : i32 to index
        %swap3A_46 = tpu.vector_load %arg7[%swap3A_44, %swap3A_45] {strides = array<i32>} : memref<64x256xf32, #tpu.memory_space<vmem>>, vector<16xf32>,
        tpu.vector_store %arg7[%swap3A_44, %swap3A_45], %gather3A_40 {strides = array<i32>} : memref<64x256xf32, #tpu.memory_space<vmem>>, vector<16xf32>,
        %broadcast_in_dim3A_47 = arith.constant 2 : i32
        %broadcast_in_dim3A_48 = vector.broadcast %broadcast_in_dim3A_47 : i32 to vector<16xi32>
        %gather3A_49 = tpu.vector_load_idx %arg5[%get3A_31, %broadcast_in_dim3A_48] : memref<1024x64xf32, #tpu.memory_space<vmem>>[vector<16xi32>, vector<16xi32>], vector<16xf32>,
        %mul3A_50 = arith.constant 16 : i32
        %mul3A_51 = arith.muli %scan3A_26, %mul3A_50 : i32
        %swap3A_52 = arith.constant 2 : i32
        %swap3A_53 = arith.index_cast %swap3A_52 : i32 to index
        %swap3A_54 = arith.index_cast %mul3A_51 : i32 to index
        %swap3A_55 = tpu.vector_load %arg7[%swap3A_53, %swap3A_54] {strides = array<i32>} : memref<64x256xf32, #tpu.memory_space<vmem>>, vector<16xf32>,
        tpu.vector_store %arg7[%swap3A_53, %swap3A_54], %gather3A_49 {strides = array<i32>} : memref<64x256xf32, #tpu.memory_space<vmem>>, vector<16xf32>,
        %broadcast_in_dim3A_56 = arith.constant 3 : i32
        %broadcast_in_dim3A_57 = vector.broadcast %broadcast_in_dim3A_56 : i32 to vector<16xi32>
        %gather3A_58 = tpu.vector_load_idx %arg5[%get3A_31, %broadcast_in_dim3A_57] : memref<1024x64xf32, #tpu.memory_space<vmem>>[vector<16xi32>, vector<16xi32>], vector<16xf32>,
        %mul3A_59 = arith.constant 16 : i32
        %mul3A_60 = arith.muli %scan3A_26, %mul3A_59 : i32
        %swap3A_61 = arith.constant 3 : i32
        %swap3A_62 = arith.index_cast %swap3A_61 : i32 to index
        %swap3A_63 = arith.index_cast %mul3A_60 : i32 to index
        %swap3A_64 = tpu.vector_load %arg7[%swap3A_62, %swap3A_63] {strides = array<i32>} : memref<64x256xf32, #tpu.memory_space<vmem>>, vector<16xf32>,
        tpu.vector_store %arg7[%swap3A_62, %swap3A_63], %gather3A_58 {strides = array<i32>} : memref<64x256xf32, #tpu.memory_space<vmem>>, vector<16xf32>,
        %broadcast_in_dim3A_65 = arith.constant 4 : i32
        %broadcast_in_dim3A_66 = vector.broadcast %broadcast_in_dim3A_65 : i32 to vector<16xi32>
        %gather3A_67 = tpu.vector_load_idx %arg5[%get3A_31, %broadcast_in_dim3A_66] : memref<1024x64xf32, #tpu.memory_space<vmem>>[vector<16xi32>, vector<16xi32>], vector<16xf32>,
        %mul3A_68 = arith.constant 16 : i32
        %mul3A_69 = arith.muli %scan3A_26, %mul3A_68 : i32
        %swap3A_70 = arith.constant 4 : i32
        %swap3A_71 = arith.index_cast %swap3A_70 : i32 to index
        %swap3A_72 = arith.index_cast %mul3A_69 : i32 to index
        %swap3A_73 = tpu.vector_load %arg7[%swap3A_71, %swap3A_72] {strides = array<i32>} : memref<64x256xf32, #tpu.memory_space<vmem>>, vector<16xf32>,
        tpu.vector_store %arg7[%swap3A_71, %swap3A_72], %gather3A_67 {strides = array<i32>} : memref<64x256xf32, #tpu.memory_space<vmem>>, vector<16xf32>,
        %broadcast_in_dim3A_74 = arith.constant 5 : i32
        %broadcast_in_dim3A_75 = vector.broadcast %broadcast_in_dim3A_74 : i32 to vector<16xi32>
        %gather3A_76 = tpu.vector_load_idx %arg5[%get3A_31, %broadcast_in_dim3A_75] : memref<1024x64xf32, #tpu.memory_space<vmem>>[vector<16xi32>, vector<16xi32>], vector<16xf32>,
        %mul3A_77 = arith.constant 16 : i32
        %mul3A_78 = arith.muli %scan3A_26, %mul3A_77 : i32
        %swap3A_79 = arith.constant 5 : i32
        %swap3A_80 = arith.index_cast %swap3A_79 : i32 to index
        %swap3A_81 = arith.index_cast %mul3A_78 : i32 to index
        %swap3A_82 = tpu.vector_load %arg7[%swap3A_80, %swap3A_81] {strides = array<i32>} : memref<64x256xf32, #tpu.memory_space<vmem>>, vector<16xf32>,
        tpu.vector_store %arg7[%swap3A_80, %swap3A_81], %gather3A_76 {strides = array<i32>} : memref<64x256xf32, #tpu.memory_space<vmem>>, vector<16xf32>,
        %broadcast_in_dim3A_83 = arith.constant 6 : i32
        %broadcast_in_dim3A_84 = vector.broadcast %broadcast_in_dim3A_83 : i32 to vector<16xi32>
        %gather3A_85 = tpu.vector_load_idx %arg5[%get3A_31, %broadcast_in_dim3A_84] : memref<1024x64xf32, #tpu.memory_space<vmem>>[vector<16xi32>, vector<16xi32>], vector<16xf32>,
        %mul3A_86 = arith.constant 16 : i32
        %mul3A_87 = arith.muli %scan3A_26, %mul3A_86 : i32
        %swap3A_88 = arith.constant 6 : i32
        %swap3A_89 = arith.index_cast %swap3A_88 : i32 to index
        %swap3A_90 = arith.index_cast %mul3A_87 : i32 to index
        %swap3A_91 = tpu.vector_load %arg7[%swap3A_89, %swap3A_90] {strides = array<i32>} : memref<64x256xf32, #tpu.memory_space<vmem>>, vector<16xf32>,
        tpu.vector_store %arg7[%swap3A_89, %swap3A_90], %gather3A_85 {strides = array<i32>} : memref<64x256xf32, #tpu.memory_space<vmem>>, vector<16xf32>,
        %broadcast_in_dim3A_92 = arith.constant 7 : i32
        %broadcast_in_dim3A_93 = vector.broadcast %broadcast_in_dim3A_92 : i32 to vector<16xi32>
        %gather3A_94 = tpu.vector_load_idx %arg5[%get3A_31, %broadcast_in_dim3A_93] : memref<1024x64xf32, #tpu.memory_space<vmem>>[vector<16xi32>, vector<16xi32>], vector<16xf32>,
        %mul3A_95 = arith.constant 16 : i32
        %mul3A_96 = arith.muli %scan3A_26, %mul3A_95 : i32
        %swap3A_97 = arith.constant 7 : i32
        %swap3A_98 = arith.index_cast %swap3A_97 : i32 to index
        %swap3A_99 = arith.index_cast %mul3A_96 : i32 to index
        %swap3A_100 = tpu.vector_load %arg7[%swap3A_98, %swap3A_99] {strides = array<i32>} : memref<64x256xf32, #tpu.memory_space<vmem>>, vector<16xf32>,
        tpu.vector_store %arg7[%swap3A_98, %swap3A_99], %gather3A_94 {strides = array<i32>} : memref<64x256xf32, #tpu.memory_space<vmem>>, vector<16xf32>,
        %broadcast_in_dim3A_101 = arith.constant 8 : i32
        %broadcast_in_dim3A_102 = vector.broadcast %broadcast_in_dim3A_101 : i32 to vector<16xi32>
        %gather3A_103 = tpu.vector_load_idx %arg5[%get3A_31, %broadcast_in_dim3A_102] : memref<1024x64xf32, #tpu.memory_space<vmem>>[vector<16xi32>, vector<16xi32>], vector<16xf32>,
        %mul3A_104 = arith.constant 16 : i32
        %mul3A_105 = arith.muli %scan3A_26, %mul3A_104 : i32
        %swap3A_106 = arith.constant 8 : i32
        %swap3A_107 = arith.index_cast %swap3A_106 : i32 to index
        %swap3A_108 = arith.index_cast %mul3A_105 : i32 to index
        %swap3A_109 = tpu.vector_load %arg7[%swap3A_107, %swap3A_108] {strides = array<i32>} : memref<64x256xf32, #tpu.memory_space<vmem>>, vector<16xf32>,
        tpu.vector_store %arg7[%swap3A_107, %swap3A_108], %gather3A_103 {strides = array<i32>} : memref<64x256xf32, #tpu.memory_space<vmem>>, vector<16xf32>,
        %broadcast_in_dim3A_110 = arith.constant 9 : i32
        %broadcast_in_dim3A_111 = vector.broadcast %broadcast_in_dim3A_110 : i32 to vector<16xi32>
        %gather3A_112 = tpu.vector_load_idx %arg5[%get3A_31, %broadcast_in_dim3A_111] : memref<1024x64xf32, #tpu.memory_space<vmem>>[vector<16xi32>, vector<16xi32>], vector<16xf32>,
        %mul3A_113 = arith.constant 16 : i32
        %mul3A_114 = arith.muli %scan3A_26, %mul3A_113 : i32
        %swap3A_115 = arith.constant 9 : i32
        %swap3A_116 = arith.index_cast %swap3A_115 : i32 to index
        %swap3A_117 = arith.index_cast %mul3A_114 : i32 to index
        %swap3A_118 = tpu.vector_load %arg7[%swap3A_116, %swap3A_117] {strides = array<i32>} : memref<64x256xf32, #tpu.memory_space<vmem>>, vector<16xf32>,
        tpu.vector_store %arg7[%swap3A_116, %swap3A_117], %gather3A_112 {strides = array<i32>} : memref<64x256xf32, #tpu.memory_space<vmem>>, vector<16xf32>,
        %broadcast_in_dim3A_119 = arith.constant 10 : i32
        %broadcast_in_dim3A_120 = vector.broadcast %broadcast_in_dim3A_119 : i32 to vector<16xi32>
        %gather3A_121 = tpu.vector_load_idx %arg5[%get3A_31, %broadcast_in_dim3A_120] : memref<1024x64xf32, #tpu.memory_space<vmem>>[vector<16xi32>, vector<16xi32>], vector<16xf32>,
        %mul3A_122 = arith.constant 16 : i32
        %mul3A_123 = arith.muli %scan3A_26, %mul3A_122 : i32
        %swap3A_124 = arith.constant 10 : i32
        %swap3A_125 = arith.index_cast %swap3A_124 : i32 to index
        %swap3A_126 = arith.index_cast %mul3A_123 : i32 to index
        %swap3A_127 = tpu.vector_load %arg7[%swap3A_125, %swap3A_126] {strides = array<i32>} : memref<64x256xf32, #tpu.memory_space<vmem>>, vector<16xf32>,
        tpu.vector_store %arg7[%swap3A_125, %swap3A_126], %gather3A_121 {strides = array<i32>} : memref<64x256xf32, #tpu.memory_space<vmem>>, vector<16xf32>,
        %broadcast_in_dim3A_128 = arith.constant 11 : i32
        %broadcast_in_dim3A_129 = vector.broadcast %broadcast_in_dim3A_128 : i32 to vector<16xi32>
        %gather3A_130 = tpu.vector_load_idx %arg5[%get3A_31, %broadcast_in_dim3A_129] : memref<1024x64xf32, #tpu.memory_space<vmem>>[vector<16xi32>, vector<16xi32>], vector<16xf32>,
        %mul3A_131 = arith.constant 16 : i32
        %mul3A_132 = arith.muli %scan3A_26, %mul3A_131 : i32
        %swap3A_133 = arith.constant 11 : i32
        %swap3A_134 = arith.index_cast %swap3A_133 : i32 to index
        %swap3A_135 = arith.index_cast %mul3A_132 : i32 to index
        %swap3A_136 = tpu.vector_load %arg7[%swap3A_134, %swap3A_135] {strides = array<i32>} : memref<64x256xf32, #tpu.memory_space<vmem>>, vector<16xf32>,
        tpu.vector_store %arg7[%swap3A_134, %swap3A_135], %gather3A_130 {strides = array<i32>} : memref<64x256xf32, #tpu.memory_space<vmem>>, vector<16xf32>,
        %broadcast_in_dim3A_137 = arith.constant 12 : i32
        %broadcast_in_dim3A_138 = vector.broadcast %broadcast_in_dim3A_137 : i32 to vector<16xi32>
        %gather3A_139 = tpu.vector_load_idx %arg5[%get3A_31, %broadcast_in_dim3A_138] : memref<1024x64xf32, #tpu.memory_space<vmem>>[vector<16xi32>, vector<16xi32>], vector<16xf32>,
        %mul3A_140 = arith.constant 16 : i32
        %mul3A_141 = arith.muli %scan3A_26, %mul3A_140 : i32
        %swap3A_142 = arith.constant 12 : i32
        %swap3A_143 = arith.index_cast %swap3A_142 : i32 to index
        %swap3A_144 = arith.index_cast %mul3A_141 : i32 to index
        %swap3A_145 = tpu.vector_load %arg7[%swap3A_143, %swap3A_144] {strides = array<i32>} : memref<64x256xf32, #tpu.memory_space<vmem>>, vector<16xf32>,
        tpu.vector_store %arg7[%swap3A_143, %swap3A_144], %gather3A_139 {strides = array<i32>} : memref<64x256xf32, #tpu.memory_space<vmem>>, vector<16xf32>,
        %broadcast_in_dim3A_146 = arith.constant 13 : i32
        %broadcast_in_dim3A_147 = vector.broadcast %broadcast_in_dim3A_146 : i32 to vector<16xi32>
        %gather3A_148 = tpu.vector_load_idx %arg5[%get3A_31, %broadcast_in_dim3A_147] : memref<1024x64xf32, #tpu.memory_space<vmem>>[vector<16xi32>, vector<16xi32>], vector<16xf32>,
        %mul3A_149 = arith.constant 16 : i32
        %mul3A_150 = arith.muli %scan3A_26, %mul3A_149 : i32
        %swap3A_151 = arith.constant 13 : i32
        %swap3A_152 = arith.index_cast %swap3A_151 : i32 to index
        %swap3A_153 = arith.index_cast %mul3A_150 : i32 to index
        %swap3A_154 = tpu.vector_load %arg7[%swap3A_152, %swap3A_153] {strides = array<i32>} : memref<64x256xf32, #tpu.memory_space<vmem>>, vector<16xf32>,
        tpu.vector_store %arg7[%swap3A_152, %swap3A_153], %gather3A_148 {strides = array<i32>} : memref<64x256xf32, #tpu.memory_space<vmem>>, vector<16xf32>,
        %broadcast_in_dim3A_155 = arith.constant 14 : i32
        %broadcast_in_dim3A_156 = vector.broadcast %broadcast_in_dim3A_155 : i32 to vector<16xi32>
        %gather3A_157 = tpu.vector_load_idx %arg5[%get3A_31, %broadcast_in_dim3A_156] : memref<1024x64xf32, #tpu.memory_space<vmem>>[vector<16xi32>, vector<16xi32>], vector<16xf32>,
        %mul3A_158 = arith.constant 16 : i32
        %mul3A_159 = arith.muli %scan3A_26, %mul3A_158 : i32
        %swap3A_160 = arith.constant 14 : i32
        %swap3A_161 = arith.index_cast %swap3A_160 : i32 to index
        %swap3A_162 = arith.index_cast %mul3A_159 : i32 to index
        %swap3A_163 = tpu.vector_load %arg7[%swap3A_161, %swap3A_162] {strides = array<i32>} : memref<64x256xf32, #tpu.memory_space<vmem>>, vector<16xf32>,
        tpu.vector_store %arg7[%swap3A_161, %swap3A_162], %gather3A_157 {strides = array<i32>} : memref<64x256xf32, #tpu.memory_space<vmem>>, vector<16xf32>,
        %broadcast_in_dim3A_164 = arith.constant 15 : i32
        %broadcast_in_dim3A_165 = vector.broadcast %broadcast_in_dim3A_164 : i32 to vector<16xi32>
        %gather3A_166 = tpu.vector_load_idx %arg5[%get3A_31, %broadcast_in_dim3A_165] : memref<1024x64xf32, #tpu.memory_space<vmem>>[vector<16xi32>, vector<16xi32>], vector<16xf32>,
        %mul3A_167 = arith.constant 16 : i32
        %mul3A_168 = arith.muli %scan3A_26, %mul3A_167 : i32
        %swap3A_169 = arith.constant 15 : i32
        %swap3A_170 = arith.index_cast %swap3A_169 : i32 to index
        %swap3A_171 = arith.index_cast %mul3A_168 : i32 to index
        %swap3A_172 = tpu.vector_load %arg7[%swap3A_170, %swap3A_171] {strides = array<i32>} : memref<64x256xf32, #tpu.memory_space<vmem>>, vector<16xf32>,
        tpu.vector_store %arg7[%swap3A_170, %swap3A_171], %gather3A_166 {strides = array<i32>} : memref<64x256xf32, #tpu.memory_space<vmem>>, vector<16xf32>,
        %broadcast_in_dim3A_173 = arith.constant 16 : i32
        %broadcast_in_dim3A_174 = vector.broadcast %broadcast_in_dim3A_173 : i32 to vector<16xi32>
        %gather3A_175 = tpu.vector_load_idx %arg5[%get3A_31, %broadcast_in_dim3A_174] : memref<1024x64xf32, #tpu.memory_space<vmem>>[vector<16xi32>, vector<16xi32>], vector<16xf32>,
        %mul3A_176 = arith.constant 16 : i32
        %mul3A_177 = arith.muli %scan3A_26, %mul3A_176 : i32
        %swap3A_178 = arith.constant 16 : i32
        %swap3A_179 = arith.index_cast %swap3A_178 : i32 to index
        %swap3A_180 = arith.index_cast %mul3A_177 : i32 to index
        %swap3A_181 = tpu.vector_load %arg7[%swap3A_179, %swap3A_180] {strides = array<i32>} : memref<64x256xf32, #tpu.memory_space<vmem>>, vector<16xf32>,
        tpu.vector_store %arg7[%swap3A_179, %swap3A_180], %gather3A_175 {strides = array<i32>} : memref<64x256xf32, #tpu.memory_space<vmem>>, vector<16xf32>,
        %broadcast_in_dim3A_182 = arith.constant 17 : i32
        %broadcast_in_dim3A_183 = vector.broadcast %broadcast_in_dim3A_182 : i32 to vector<16xi32>
        %gather3A_184 = tpu.vector_load_idx %arg5[%get3A_31, %broadcast_in_dim3A_183] : memref<1024x64xf32, #tpu.memory_space<vmem>>[vector<16xi32>, vector<16xi32>], vector<16xf32>,
        %mul3A_185 = arith.constant 16 : i32
        %mul3A_186 = arith.muli %scan3A_26, %mul3A_185 : i32
        %swap3A_187 = arith.constant 17 : i32
        %swap3A_188 = arith.index_cast %swap3A_187 : i32 to index
        %swap3A_189 = arith.index_cast %mul3A_186 : i32 to index
        %swap3A_190 = tpu.vector_load %arg7[%swap3A_188, %swap3A_189] {strides = array<i32>} : memref<64x256xf32, #tpu.memory_space<vmem>>, vector<16xf32>,
        tpu.vector_store %arg7[%swap3A_188, %swap3A_189], %gather3A_184 {strides = array<i32>} : memref<64x256xf32, #tpu.memory_space<vmem>>, vector<16xf32>,
        %broadcast_in_dim3A_191 = arith.constant 18 : i32
        %broadcast_in_dim3A_192 = vector.broadcast %broadcast_in_dim3A_191 : i32 to vector<16xi32>
        %gather3A_193 = tpu.vector_load_idx %arg5[%get3A_31, %broadcast_in_dim3A_192] : memref<1024x64xf32, #tpu.memory_space<vmem>>[vector<16xi32>, vector<16xi32>], vector<16xf32>,
        %mul3A_194 = arith.constant 16 : i32
        %mul3A_195 = arith.muli %scan3A_26, %mul3A_194 : i32
        %swap3A_196 = arith.constant 18 : i32
        %swap3A_197 = arith.index_cast %swap3A_196 : i32 to index
        %swap3A_198 = arith.index_cast %mul3A_195 : i32 to index
        %swap3A_199 = tpu.vector_load %arg7[%swap3A_197, %swap3A_198] {strides = array<i32>} : memref<64x256xf32, #tpu.memory_space<vmem>>, vector<16xf32>,
        tpu.vector_store %arg7[%swap3A_197, %swap3A_198], %gather3A_193 {strides = array<i32>} : memref<64x256xf32, #tpu.memory_space<vmem>>, vector<16xf32>,
        %broadcast_in_dim3A_200 = arith.constant 19 : i32
        %broadcast_in_dim3A_201 = vector.broadcast %broadcast_in_dim3A_200 : i32 to vector<16xi32>
        %gather3A_202 = tpu.vector_load_idx %arg5[%get3A_31, %broadcast_in_dim3A_201] : memref<1024x64xf32, #tpu.memory_space<vmem>>[vector<16xi32>, vector<16xi32>], vector<16xf32>,
        %mul3A_203 = arith.constant 16 : i32
        %mul3A_204 = arith.muli %scan3A_26, %mul3A_203 : i32
        %swap3A_205 = arith.constant 19 : i32
        %swap3A_206 = arith.index_cast %swap3A_205 : i32 to index
        %swap3A_207 = arith.index_cast %mul3A_204 : i32 to index
        %swap3A_208 = tpu.vector_load %arg7[%swap3A_206, %swap3A_207] {strides = array<i32>} : memref<64x256xf32, #tpu.memory_space<vmem>>, vector<16xf32>,
        tpu.vector_store %arg7[%swap3A_206, %swap3A_207], %gather3A_202 {strides = array<i32>} : memref<64x256xf32, #tpu.memory_space<vmem>>, vector<16xf32>,
        %broadcast_in_dim3A_209 = arith.constant 20 : i32
        %broadcast_in_dim3A_210 = vector.broadcast %broadcast_in_dim3A_209 : i32 to vector<16xi32>
        %gather3A_211 = tpu.vector_load_idx %arg5[%get3A_31, %broadcast_in_dim3A_210] : memref<1024x64xf32, #tpu.memory_space<vmem>>[vector<16xi32>, vector<16xi32>], vector<16xf32>,
        %mul3A_212 = arith.constant 16 : i32
        %mul3A_213 = arith.muli %scan3A_26, %mul3A_212 : i32
        %swap3A_214 = arith.constant 20 : i32
        %swap3A_215 = arith.index_cast %swap3A_214 : i32 to index
        %swap3A_216 = arith.index_cast %mul3A_213 : i32 to index
        %swap3A_217 = tpu.vector_load %arg7[%swap3A_215, %swap3A_216] {strides = array<i32>} : memref<64x256xf32, #tpu.memory_space<vmem>>, vector<16xf32>,
        tpu.vector_store %arg7[%swap3A_215, %swap3A_216], %gather3A_211 {strides = array<i32>} : memref<64x256xf32, #tpu.memory_space<vmem>>, vector<16xf32>,
        %broadcast_in_dim3A_218 = arith.constant 21 : i32
        %broadcast_in_dim3A_219 = vector.broadcast %broadcast_in_dim3A_218 : i32 to vector<16xi32>
        %gather3A_220 = tpu.vector_load_idx %arg5[%get3A_31, %broadcast_in_dim3A_219] : memref<1024x64xf32, #tpu.memory_space<vmem>>[vector<16xi32>, vector<16xi32>], vector<16xf32>,
        %mul3A_221 = arith.constant 16 : i32
        %mul3A_222 = arith.muli %scan3A_26, %mul3A_221 : i32
        %swap3A_223 = arith.constant 21 : i32
        %swap3A_224 = arith.index_cast %swap3A_223 : i32 to index
        %swap3A_225 = arith.index_cast %mul3A_222 : i32 to index
        %swap3A_226 = tpu.vector_load %arg7[%swap3A_224, %swap3A_225] {strides = array<i32>} : memref<64x256xf32, #tpu.memory_space<vmem>>, vector<16xf32>,
        tpu.vector_store %arg7[%swap3A_224, %swap3A_225], %gather3A_220 {strides = array<i32>} : memref<64x256xf32, #tpu.memory_space<vmem>>, vector<16xf32>,
        %broadcast_in_dim3A_227 = arith.constant 22 : i32
        %broadcast_in_dim3A_228 = vector.broadcast %broadcast_in_dim3A_227 : i32 to vector<16xi32>
        %gather3A_229 = tpu.vector_load_idx %arg5[%get3A_31, %broadcast_in_dim3A_228] : memref<1024x64xf32, #tpu.memory_space<vmem>>[vector<16xi32>, vector<16xi32>], vector<16xf32>,
        %mul3A_230 = arith.constant 16 : i32
        %mul3A_231 = arith.muli %scan3A_26, %mul3A_230 : i32
        %swap3A_232 = arith.constant 22 : i32
        %swap3A_233 = arith.index_cast %swap3A_232 : i32 to index
        %swap3A_234 = arith.index_cast %mul3A_231 : i32 to index
        %swap3A_235 = tpu.vector_load %arg7[%swap3A_233, %swap3A_234] {strides = array<i32>} : memref<64x256xf32, #tpu.memory_space<vmem>>, vector<16xf32>,
        tpu.vector_store %arg7[%swap3A_233, %swap3A_234], %gather3A_229 {strides = array<i32>} : memref<64x256xf32, #tpu.memory_space<vmem>>, vector<16xf32>,
        %broadcast_in_dim3A_236 = arith.constant 23 : i32
        %broadcast_in_dim3A_237 = vector.broadcast %broadcast_in_dim3A_236 : i32 to vector<16xi32>
        %gather3A_238 = tpu.vector_load_idx %arg5[%get3A_31, %broadcast_in_dim3A_237] : memref<1024x64xf32, #tpu.memory_space<vmem>>[vector<16xi32>, vector<16xi32>], vector<16xf32>,
        %mul3A_239 = arith.constant 16 : i32
        %mul3A_240 = arith.muli %scan3A_26, %mul3A_239 : i32
        %swap3A_241 = arith.constant 23 : i32
        %swap3A_242 = arith.index_cast %swap3A_241 : i32 to index
        %swap3A_243 = arith.index_cast %mul3A_240 : i32 to index
        %swap3A_244 = tpu.vector_load %arg7[%swap3A_242, %swap3A_243] {strides = array<i32>} : memref<64x256xf32, #tpu.memory_space<vmem>>, vector<16xf32>,
        tpu.vector_store %arg7[%swap3A_242, %swap3A_243], %gather3A_238 {strides = array<i32>} : memref<64x256xf32, #tpu.memory_space<vmem>>, vector<16xf32>,
        %broadcast_in_dim3A_245 = arith.constant 24 : i32
        %broadcast_in_dim3A_246 = vector.broadcast %broadcast_in_dim3A_245 : i32 to vector<16xi32>
        %gather3A_247 = tpu.vector_load_idx %arg5[%get3A_31, %broadcast_in_dim3A_246] : memref<1024x64xf32, #tpu.memory_space<vmem>>[vector<16xi32>, vector<16xi32>], vector<16xf32>,
        %mul3A_248 = arith.constant 16 : i32
        %mul3A_249 = arith.muli %scan3A_26, %mul3A_248 : i32
        %swap3A_250 = arith.constant 24 : i32
        %swap3A_251 = arith.index_cast %swap3A_250 : i32 to index
        %swap3A_252 = arith.index_cast %mul3A_249 : i32 to index
        %swap3A_253 = tpu.vector_load %arg7[%swap3A_251, %swap3A_252] {strides = array<i32>} : memref<64x256xf32, #tpu.memory_space<vmem>>, vector<16xf32>,
        tpu.vector_store %arg7[%swap3A_251, %swap3A_252], %gather3A_247 {strides = array<i32>} : memref<64x256xf32, #tpu.memory_space<vmem>>, vector<16xf32>,
        %broadcast_in_dim3A_254 = arith.constant 25 : i32
        %broadcast_in_dim3A_255 = vector.broadcast %broadcast_in_dim3A_254 : i32 to vector<16xi32>
        %gather3A_256 = tpu.vector_load_idx %arg5[%get3A_31, %broadcast_in_dim3A_255] : memref<1024x64xf32, #tpu.memory_space<vmem>>[vector<16xi32>, vector<16xi32>], vector<16xf32>,
        %mul3A_257 = arith.constant 16 : i32
        %mul3A_258 = arith.muli %scan3A_26, %mul3A_257 : i32
        %swap3A_259 = arith.constant 25 : i32
        %swap3A_260 = arith.index_cast %swap3A_259 : i32 to index
        %swap3A_261 = arith.index_cast %mul3A_258 : i32 to index
        %swap3A_262 = tpu.vector_load %arg7[%swap3A_260, %swap3A_261] {strides = array<i32>} : memref<64x256xf32, #tpu.memory_space<vmem>>, vector<16xf32>,
        tpu.vector_store %arg7[%swap3A_260, %swap3A_261], %gather3A_256 {strides = array<i32>} : memref<64x256xf32, #tpu.memory_space<vmem>>, vector<16xf32>,
        %broadcast_in_dim3A_263 = arith.constant 26 : i32
        %broadcast_in_dim3A_264 = vector.broadcast %broadcast_in_dim3A_263 : i32 to vector<16xi32>
        %gather3A_265 = tpu.vector_load_idx %arg5[%get3A_31, %broadcast_in_dim3A_264] : memref<1024x64xf32, #tpu.memory_space<vmem>>[vector<16xi32>, vector<16xi32>], vector<16xf32>,
        %mul3A_266 = arith.constant 16 : i32
        %mul3A_267 = arith.muli %scan3A_26, %mul3A_266 : i32
        %swap3A_268 = arith.constant 26 : i32
        %swap3A_269 = arith.index_cast %swap3A_268 : i32 to index
        %swap3A_270 = arith.index_cast %mul3A_267 : i32 to index
        %swap3A_271 = tpu.vector_load %arg7[%swap3A_269, %swap3A_270] {strides = array<i32>} : memref<64x256xf32, #tpu.memory_space<vmem>>, vector<16xf32>,
        tpu.vector_store %arg7[%swap3A_269, %swap3A_270], %gather3A_265 {strides = array<i32>} : memref<64x256xf32, #tpu.memory_space<vmem>>, vector<16xf32>,
        %broadcast_in_dim3A_272 = arith.constant 27 : i32
        %broadcast_in_dim3A_273 = vector.broadcast %broadcast_in_dim3A_272 : i32 to vector<16xi32>
        %gather3A_274 = tpu.vector_load_idx %arg5[%get3A_31, %broadcast_in_dim3A_273] : memref<1024x64xf32, #tpu.memory_space<vmem>>[vector<16xi32>, vector<16xi32>], vector<16xf32>,
        %mul3A_275 = arith.constant 16 : i32
        %mul3A_276 = arith.muli %scan3A_26, %mul3A_275 : i32
        %swap3A_277 = arith.constant 27 : i32
        %swap3A_278 = arith.index_cast %swap3A_277 : i32 to index
        %swap3A_279 = arith.index_cast %mul3A_276 : i32 to index
        %swap3A_280 = tpu.vector_load %arg7[%swap3A_278, %swap3A_279] {strides = array<i32>} : memref<64x256xf32, #tpu.memory_space<vmem>>, vector<16xf32>,
        tpu.vector_store %arg7[%swap3A_278, %swap3A_279], %gather3A_274 {strides = array<i32>} : memref<64x256xf32, #tpu.memory_space<vmem>>, vector<16xf32>,
        %broadcast_in_dim3A_281 = arith.constant 28 : i32
        %broadcast_in_dim3A_282 = vector.broadcast %broadcast_in_dim3A_281 : i32 to vector<16xi32>
        %gather3A_283 = tpu.vector_load_idx %arg5[%get3A_31, %broadcast_in_dim3A_282] : memref<1024x64xf32, #tpu.memory_space<vmem>>[vector<16xi32>, vector<16xi32>], vector<16xf32>,
        %mul3A_284 = arith.constant 16 : i32
        %mul3A_285 = arith.muli %scan3A_26, %mul3A_284 : i32
        %swap3A_286 = arith.constant 28 : i32
        %swap3A_287 = arith.index_cast %swap3A_286 : i32 to index
        %swap3A_288 = arith.index_cast %mul3A_285 : i32 to index
        %swap3A_289 = tpu.vector_load %arg7[%swap3A_287, %swap3A_288] {strides = array<i32>} : memref<64x256xf32, #tpu.memory_space<vmem>>, vector<16xf32>,
        tpu.vector_store %arg7[%swap3A_287, %swap3A_288], %gather3A_283 {strides = array<i32>} : memref<64x256xf32, #tpu.memory_space<vmem>>, vector<16xf32>,
        %broadcast_in_dim3A_290 = arith.constant 29 : i32
        %broadcast_in_dim3A_291 = vector.broadcast %broadcast_in_dim3A_290 : i32 to vector<16xi32>
        %gather3A_292 = tpu.vector_load_idx %arg5[%get3A_31, %broadcast_in_dim3A_291] : memref<1024x64xf32, #tpu.memory_space<vmem>>[vector<16xi32>, vector<16xi32>], vector<16xf32>,
        %mul3A_293 = arith.constant 16 : i32
        %mul3A_294 = arith.muli %scan3A_26, %mul3A_293 : i32
        %swap3A_295 = arith.constant 29 : i32
        %swap3A_296 = arith.index_cast %swap3A_295 : i32 to index
        %swap3A_297 = arith.index_cast %mul3A_294 : i32 to index
        %swap3A_298 = tpu.vector_load %arg7[%swap3A_296, %swap3A_297] {strides = array<i32>} : memref<64x256xf32, #tpu.memory_space<vmem>>, vector<16xf32>,
        tpu.vector_store %arg7[%swap3A_296, %swap3A_297], %gather3A_292 {strides = array<i32>} : memref<64x256xf32, #tpu.memory_space<vmem>>, vector<16xf32>,
        %broadcast_in_dim3A_299 = arith.constant 30 : i32
        %broadcast_in_dim3A_300 = vector.broadcast %broadcast_in_dim3A_299 : i32 to vector<16xi32>
        %gather3A_301 = tpu.vector_load_idx %arg5[%get3A_31, %broadcast_in_dim3A_300] : memref<1024x64xf32, #tpu.memory_space<vmem>>[vector<16xi32>, vector<16xi32>], vector<16xf32>,
        %mul3A_302 = arith.constant 16 : i32
        %mul3A_303 = arith.muli %scan3A_26, %mul3A_302 : i32
        %swap3A_304 = arith.constant 30 : i32
        %swap3A_305 = arith.index_cast %swap3A_304 : i32 to index
        %swap3A_306 = arith.index_cast %mul3A_303 : i32 to index
        %swap3A_307 = tpu.vector_load %arg7[%swap3A_305, %swap3A_306] {strides = array<i32>} : memref<64x256xf32, #tpu.memory_space<vmem>>, vector<16xf32>,
        tpu.vector_store %arg7[%swap3A_305, %swap3A_306], %gather3A_301 {strides = array<i32>} : memref<64x256xf32, #tpu.memory_space<vmem>>, vector<16xf32>,
        %broadcast_in_dim3A_308 = arith.constant 31 : i32
        %broadcast_in_dim3A_309 = vector.broadcast %broadcast_in_dim3A_308 : i32 to vector<16xi32>
        %gather3A_310 = tpu.vector_load_idx %arg5[%get3A_31, %broadcast_in_dim3A_309] : memref<1024x64xf32, #tpu.memory_space<vmem>>[vector<16xi32>, vector<16xi32>], vector<16xf32>,
        %mul3A_311 = arith.constant 16 : i32
        %mul3A_312 = arith.muli %scan3A_26, %mul3A_311 : i32
        %swap3A_313 = arith.constant 31 : i32
        %swap3A_314 = arith.index_cast %swap3A_313 : i32 to index
        %swap3A_315 = arith.index_cast %mul3A_312 : i32 to index
        %swap3A_316 = tpu.vector_load %arg7[%swap3A_314, %swap3A_315] {strides = array<i32>} : memref<64x256xf32, #tpu.memory_space<vmem>>, vector<16xf32>,
        tpu.vector_store %arg7[%swap3A_314, %swap3A_315], %gather3A_310 {strides = array<i32>} : memref<64x256xf32, #tpu.memory_space<vmem>>, vector<16xf32>,
        %broadcast_in_dim3A_317 = arith.constant 32 : i32
        %broadcast_in_dim3A_318 = vector.broadcast %broadcast_in_dim3A_317 : i32 to vector<16xi32>
        %gather3A_319 = tpu.vector_load_idx %arg5[%get3A_31, %broadcast_in_dim3A_318] : memref<1024x64xf32, #tpu.memory_space<vmem>>[vector<16xi32>, vector<16xi32>], vector<16xf32>,
        %mul3A_320 = arith.constant 16 : i32
        %mul3A_321 = arith.muli %scan3A_26, %mul3A_320 : i32
        %swap3A_322 = arith.constant 32 : i32
        %swap3A_323 = arith.index_cast %swap3A_322 : i32 to index
        %swap3A_324 = arith.index_cast %mul3A_321 : i32 to index
        %swap3A_325 = tpu.vector_load %arg7[%swap3A_323, %swap3A_324] {strides = array<i32>} : memref<64x256xf32, #tpu.memory_space<vmem>>, vector<16xf32>,
        tpu.vector_store %arg7[%swap3A_323, %swap3A_324], %gather3A_319 {strides = array<i32>} : memref<64x256xf32, #tpu.memory_space<vmem>>, vector<16xf32>,
        %broadcast_in_dim3A_326 = arith.constant 33 : i32
        %broadcast_in_dim3A_327 = vector.broadcast %broadcast_in_dim3A_326 : i32 to vector<16xi32>
        %gather3A_328 = tpu.vector_load_idx %arg5[%get3A_31, %broadcast_in_dim3A_327] : memref<1024x64xf32, #tpu.memory_space<vmem>>[vector<16xi32>, vector<16xi32>], vector<16xf32>,
        %mul3A_329 = arith.constant 16 : i32
        %mul3A_330 = arith.muli %scan3A_26, %mul3A_329 : i32
        %swap3A_331 = arith.constant 33 : i32
        %swap3A_332 = arith.index_cast %swap3A_331 : i32 to index
        %swap3A_333 = arith.index_cast %mul3A_330 : i32 to index
        %swap3A_334 = tpu.vector_load %arg7[%swap3A_332, %swap3A_333] {strides = array<i32>} : memref<64x256xf32, #tpu.memory_space<vmem>>, vector<16xf32>,
        tpu.vector_store %arg7[%swap3A_332, %swap3A_333], %gather3A_328 {strides = array<i32>} : memref<64x256xf32, #tpu.memory_space<vmem>>, vector<16xf32>,
        %broadcast_in_dim3A_335 = arith.constant 34 : i32
        %broadcast_in_dim3A_336 = vector.broadcast %broadcast_in_dim3A_335 : i32 to vector<16xi32>
        %gather3A_337 = tpu.vector_load_idx %arg5[%get3A_31, %broadcast_in_dim3A_336] : memref<1024x64xf32, #tpu.memory_space<vmem>>[vector<16xi32>, vector<16xi32>], vector<16xf32>,
        %mul3A_338 = arith.constant 16 : i32
        %mul3A_339 = arith.muli %scan3A_26, %mul3A_338 : i32
        %swap3A_340 = arith.constant 34 : i32
        %swap3A_341 = arith.index_cast %swap3A_340 : i32 to index
        %swap3A_342 = arith.index_cast %mul3A_339 : i32 to index
        %swap3A_343 = tpu.vector_load %arg7[%swap3A_341, %swap3A_342] {strides = array<i32>} : memref<64x256xf32, #tpu.memory_space<vmem>>, vector<16xf32>,
        tpu.vector_store %arg7[%swap3A_341, %swap3A_342], %gather3A_337 {strides = array<i32>} : memref<64x256xf32, #tpu.memory_space<vmem>>, vector<16xf32>,
        %broadcast_in_dim3A_344 = arith.constant 35 : i32
        %broadcast_in_dim3A_345 = vector.broadcast %broadcast_in_dim3A_344 : i32 to vector<16xi32>
        %gather3A_346 = tpu.vector_load_idx %arg5[%get3A_31, %broadcast_in_dim3A_345] : memref<1024x64xf32, #tpu.memory_space<vmem>>[vector<16xi32>, vector<16xi32>], vector<16xf32>,
        %mul3A_347 = arith.constant 16 : i32
        %mul3A_348 = arith.muli %scan3A_26, %mul3A_347 : i32
        %swap3A_349 = arith.constant 35 : i32
        %swap3A_350 = arith.index_cast %swap3A_349 : i32 to index
        %swap3A_351 = arith.index_cast %mul3A_348 : i32 to index
        %swap3A_352 = tpu.vector_load %arg7[%swap3A_350, %swap3A_351] {strides = array<i32>} : memref<64x256xf32, #tpu.memory_space<vmem>>, vector<16xf32>,
        tpu.vector_store %arg7[%swap3A_350, %swap3A_351], %gather3A_346 {strides = array<i32>} : memref<64x256xf32, #tpu.memory_space<vmem>>, vector<16xf32>,
        %broadcast_in_dim3A_353 = arith.constant 36 : i32
        %broadcast_in_dim3A_354 = vector.broadcast %broadcast_in_dim3A_353 : i32 to vector<16xi32>
        %gather3A_355 = tpu.vector_load_idx %arg5[%get3A_31, %broadcast_in_dim3A_354] : memref<1024x64xf32, #tpu.memory_space<vmem>>[vector<16xi32>, vector<16xi32>], vector<16xf32>,
        %mul3A_356 = arith.constant 16 : i32
        %mul3A_357 = arith.muli %scan3A_26, %mul3A_356 : i32
        %swap3A_358 = arith.constant 36 : i32
        %swap3A_359 = arith.index_cast %swap3A_358 : i32 to index
        %swap3A_360 = arith.index_cast %mul3A_357 : i32 to index
        %swap3A_361 = tpu.vector_load %arg7[%swap3A_359, %swap3A_360] {strides = array<i32>} : memref<64x256xf32, #tpu.memory_space<vmem>>, vector<16xf32>,
        tpu.vector_store %arg7[%swap3A_359, %swap3A_360], %gather3A_355 {strides = array<i32>} : memref<64x256xf32, #tpu.memory_space<vmem>>, vector<16xf32>,
        %broadcast_in_dim3A_362 = arith.constant 37 : i32
        %broadcast_in_dim3A_363 = vector.broadcast %broadcast_in_dim3A_362 : i32 to vector<16xi32>
        %gather3A_364 = tpu.vector_load_idx %arg5[%get3A_31, %broadcast_in_dim3A_363] : memref<1024x64xf32, #tpu.memory_space<vmem>>[vector<16xi32>, vector<16xi32>], vector<16xf32>,
        %mul3A_365 = arith.constant 16 : i32
        %mul3A_366 = arith.muli %scan3A_26, %mul3A_365 : i32
        %swap3A_367 = arith.constant 37 : i32
        %swap3A_368 = arith.index_cast %swap3A_367 : i32 to index
        %swap3A_369 = arith.index_cast %mul3A_366 : i32 to index
        %swap3A_370 = tpu.vector_load %arg7[%swap3A_368, %swap3A_369] {strides = array<i32>} : memref<64x256xf32, #tpu.memory_space<vmem>>, vector<16xf32>,
        tpu.vector_store %arg7[%swap3A_368, %swap3A_369], %gather3A_364 {strides = array<i32>} : memref<64x256xf32, #tpu.memory_space<vmem>>, vector<16xf32>,
        %broadcast_in_dim3A_371 = arith.constant 38 : i32
        %broadcast_in_dim3A_372 = vector.broadcast %broadcast_in_dim3A_371 : i32 to vector<16xi32>
        %gather3A_373 = tpu.vector_load_idx %arg5[%get3A_31, %broadcast_in_dim3A_372] : memref<1024x64xf32, #tpu.memory_space<vmem>>[vector<16xi32>, vector<16xi32>], vector<16xf32>,
        %mul3A_374 = arith.constant 16 : i32
        %mul3A_375 = arith.muli %scan3A_26, %mul3A_374 : i32
        %swap3A_376 = arith.constant 38 : i32
        %swap3A_377 = arith.index_cast %swap3A_376 : i32 to index
        %swap3A_378 = arith.index_cast %mul3A_375 : i32 to index
        %swap3A_379 = tpu.vector_load %arg7[%swap3A_377, %swap3A_378] {strides = array<i32>} : memref<64x256xf32, #tpu.memory_space<vmem>>, vector<16xf32>,
        tpu.vector_store %arg7[%swap3A_377, %swap3A_378], %gather3A_373 {strides = array<i32>} : memref<64x256xf32, #tpu.memory_space<vmem>>, vector<16xf32>,
        %broadcast_in_dim3A_380 = arith.constant 39 : i32
        %broadcast_in_dim3A_381 = vector.broadcast %broadcast_in_dim3A_380 : i32 to vector<16xi32>
        %gather3A_382 = tpu.vector_load_idx %arg5[%get3A_31, %broadcast_in_dim3A_381] : memref<1024x64xf32, #tpu.memory_space<vmem>>[vector<16xi32>, vector<16xi32>], vector<16xf32>,
        %mul3A_383 = arith.constant 16 : i32
        %mul3A_384 = arith.muli %scan3A_26, %mul3A_383 : i32
        %swap3A_385 = arith.constant 39 : i32
        %swap3A_386 = arith.index_cast %swap3A_385 : i32 to index
        %swap3A_387 = arith.index_cast %mul3A_384 : i32 to index
        %swap3A_388 = tpu.vector_load %arg7[%swap3A_386, %swap3A_387] {strides = array<i32>} : memref<64x256xf32, #tpu.memory_space<vmem>>, vector<16xf32>,
        tpu.vector_store %arg7[%swap3A_386, %swap3A_387], %gather3A_382 {strides = array<i32>} : memref<64x256xf32, #tpu.memory_space<vmem>>, vector<16xf32>,
        %broadcast_in_dim3A_389 = arith.constant 40 : i32
        %broadcast_in_dim3A_390 = vector.broadcast %broadcast_in_dim3A_389 : i32 to vector<16xi32>
        %gather3A_391 = tpu.vector_load_idx %arg5[%get3A_31, %broadcast_in_dim3A_390] : memref<1024x64xf32, #tpu.memory_space<vmem>>[vector<16xi32>, vector<16xi32>], vector<16xf32>,
        %mul3A_392 = arith.constant 16 : i32
        %mul3A_393 = arith.muli %scan3A_26, %mul3A_392 : i32
        %swap3A_394 = arith.constant 40 : i32
        %swap3A_395 = arith.index_cast %swap3A_394 : i32 to index
        %swap3A_396 = arith.index_cast %mul3A_393 : i32 to index
        %swap3A_397 = tpu.vector_load %arg7[%swap3A_395, %swap3A_396] {strides = array<i32>} : memref<64x256xf32, #tpu.memory_space<vmem>>, vector<16xf32>,
        tpu.vector_store %arg7[%swap3A_395, %swap3A_396], %gather3A_391 {strides = array<i32>} : memref<64x256xf32, #tpu.memory_space<vmem>>, vector<16xf32>,
        %broadcast_in_dim3A_398 = arith.constant 41 : i32
        %broadcast_in_dim3A_399 = vector.broadcast %broadcast_in_dim3A_398 : i32 to vector<16xi32>
        %gather3A_400 = tpu.vector_load_idx %arg5[%get3A_31, %broadcast_in_dim3A_399] : memref<1024x64xf32, #tpu.memory_space<vmem>>[vector<16xi32>, vector<16xi32>], vector<16xf32>,
        %mul3A_401 = arith.constant 16 : i32
        %mul3A_402 = arith.muli %scan3A_26, %mul3A_401 : i32
        %swap3A_403 = arith.constant 41 : i32
        %swap3A_404 = arith.index_cast %swap3A_403 : i32 to index
        %swap3A_405 = arith.index_cast %mul3A_402 : i32 to index
        %swap3A_406 = tpu.vector_load %arg7[%swap3A_404, %swap3A_405] {strides = array<i32>} : memref<64x256xf32, #tpu.memory_space<vmem>>, vector<16xf32>,
        tpu.vector_store %arg7[%swap3A_404, %swap3A_405], %gather3A_400 {strides = array<i32>} : memref<64x256xf32, #tpu.memory_space<vmem>>, vector<16xf32>,
        %broadcast_in_dim3A_407 = arith.constant 42 : i32
        %broadcast_in_dim3A_408 = vector.broadcast %broadcast_in_dim3A_407 : i32 to vector<16xi32>
        %gather3A_409 = tpu.vector_load_idx %arg5[%get3A_31, %broadcast_in_dim3A_408] : memref<1024x64xf32, #tpu.memory_space<vmem>>[vector<16xi32>, vector<16xi32>], vector<16xf32>,
        %mul3A_410 = arith.constant 16 : i32
        %mul3A_411 = arith.muli %scan3A_26, %mul3A_410 : i32
        %swap3A_412 = arith.constant 42 : i32
        %swap3A_413 = arith.index_cast %swap3A_412 : i32 to index
        %swap3A_414 = arith.index_cast %mul3A_411 : i32 to index
        %swap3A_415 = tpu.vector_load %arg7[%swap3A_413, %swap3A_414] {strides = array<i32>} : memref<64x256xf32, #tpu.memory_space<vmem>>, vector<16xf32>,
        tpu.vector_store %arg7[%swap3A_413, %swap3A_414], %gather3A_409 {strides = array<i32>} : memref<64x256xf32, #tpu.memory_space<vmem>>, vector<16xf32>,
        %broadcast_in_dim3A_416 = arith.constant 43 : i32
        %broadcast_in_dim3A_417 = vector.broadcast %broadcast_in_dim3A_416 : i32 to vector<16xi32>
        %gather3A_418 = tpu.vector_load_idx %arg5[%get3A_31, %broadcast_in_dim3A_417] : memref<1024x64xf32, #tpu.memory_space<vmem>>[vector<16xi32>, vector<16xi32>], vector<16xf32>,
        %mul3A_419 = arith.constant 16 : i32
        %mul3A_420 = arith.muli %scan3A_26, %mul3A_419 : i32
        %swap3A_421 = arith.constant 43 : i32
        %swap3A_422 = arith.index_cast %swap3A_421 : i32 to index
        %swap3A_423 = arith.index_cast %mul3A_420 : i32 to index
        %swap3A_424 = tpu.vector_load %arg7[%swap3A_422, %swap3A_423] {strides = array<i32>} : memref<64x256xf32, #tpu.memory_space<vmem>>, vector<16xf32>,
        tpu.vector_store %arg7[%swap3A_422, %swap3A_423], %gather3A_418 {strides = array<i32>} : memref<64x256xf32, #tpu.memory_space<vmem>>, vector<16xf32>,
        %broadcast_in_dim3A_425 = arith.constant 44 : i32
        %broadcast_in_dim3A_426 = vector.broadcast %broadcast_in_dim3A_425 : i32 to vector<16xi32>
        %gather3A_427 = tpu.vector_load_idx %arg5[%get3A_31, %broadcast_in_dim3A_426] : memref<1024x64xf32, #tpu.memory_space<vmem>>[vector<16xi32>, vector<16xi32>], vector<16xf32>,
        %mul3A_428 = arith.constant 16 : i32
        %mul3A_429 = arith.muli %scan3A_26, %mul3A_428 : i32
        %swap3A_430 = arith.constant 44 : i32
        %swap3A_431 = arith.index_cast %swap3A_430 : i32 to index
        %swap3A_432 = arith.index_cast %mul3A_429 : i32 to index
        %swap3A_433 = tpu.vector_load %arg7[%swap3A_431, %swap3A_432] {strides = array<i32>} : memref<64x256xf32, #tpu.memory_space<vmem>>, vector<16xf32>,
        tpu.vector_store %arg7[%swap3A_431, %swap3A_432], %gather3A_427 {strides = array<i32>} : memref<64x256xf32, #tpu.memory_space<vmem>>, vector<16xf32>,
        %broadcast_in_dim3A_434 = arith.constant 45 : i32
        %broadcast_in_dim3A_435 = vector.broadcast %broadcast_in_dim3A_434 : i32 to vector<16xi32>
        %gather3A_436 = tpu.vector_load_idx %arg5[%get3A_31, %broadcast_in_dim3A_435] : memref<1024x64xf32, #tpu.memory_space<vmem>>[vector<16xi32>, vector<16xi32>], vector<16xf32>,
        %mul3A_437 = arith.constant 16 : i32
        %mul3A_438 = arith.muli %scan3A_26, %mul3A_437 : i32
        %swap3A_439 = arith.constant 45 : i32
        %swap3A_440 = arith.index_cast %swap3A_439 : i32 to index
        %swap3A_441 = arith.index_cast %mul3A_438 : i32 to index
        %swap3A_442 = tpu.vector_load %arg7[%swap3A_440, %swap3A_441] {strides = array<i32>} : memref<64x256xf32, #tpu.memory_space<vmem>>, vector<16xf32>,
        tpu.vector_store %arg7[%swap3A_440, %swap3A_441], %gather3A_436 {strides = array<i32>} : memref<64x256xf32, #tpu.memory_space<vmem>>, vector<16xf32>,
        %broadcast_in_dim3A_443 = arith.constant 46 : i32
        %broadcast_in_dim3A_444 = vector.broadcast %broadcast_in_dim3A_443 : i32 to vector<16xi32>
        %gather3A_445 = tpu.vector_load_idx %arg5[%get3A_31, %broadcast_in_dim3A_444] : memref<1024x64xf32, #tpu.memory_space<vmem>>[vector<16xi32>, vector<16xi32>], vector<16xf32>,
        %mul3A_446 = arith.constant 16 : i32
        %mul3A_447 = arith.muli %scan3A_26, %mul3A_446 : i32
        %swap3A_448 = arith.constant 46 : i32
        %swap3A_449 = arith.index_cast %swap3A_448 : i32 to index
        %swap3A_450 = arith.index_cast %mul3A_447 : i32 to index
        %swap3A_451 = tpu.vector_load %arg7[%swap3A_449, %swap3A_450] {strides = array<i32>} : memref<64x256xf32, #tpu.memory_space<vmem>>, vector<16xf32>,
        tpu.vector_store %arg7[%swap3A_449, %swap3A_450], %gather3A_445 {strides = array<i32>} : memref<64x256xf32, #tpu.memory_space<vmem>>, vector<16xf32>,
        %broadcast_in_dim3A_452 = arith.constant 47 : i32
        %broadcast_in_dim3A_453 = vector.broadcast %broadcast_in_dim3A_452 : i32 to vector<16xi32>
        %gather3A_454 = tpu.vector_load_idx %arg5[%get3A_31, %broadcast_in_dim3A_453] : memref<1024x64xf32, #tpu.memory_space<vmem>>[vector<16xi32>, vector<16xi32>], vector<16xf32>,
        %mul3A_455 = arith.constant 16 : i32
        %mul3A_456 = arith.muli %scan3A_26, %mul3A_455 : i32
        %swap3A_457 = arith.constant 47 : i32
        %swap3A_458 = arith.index_cast %swap3A_457 : i32 to index
        %swap3A_459 = arith.index_cast %mul3A_456 : i32 to index
        %swap3A_460 = tpu.vector_load %arg7[%swap3A_458, %swap3A_459] {strides = array<i32>} : memref<64x256xf32, #tpu.memory_space<vmem>>, vector<16xf32>,
        tpu.vector_store %arg7[%swap3A_458, %swap3A_459], %gather3A_454 {strides = array<i32>} : memref<64x256xf32, #tpu.memory_space<vmem>>, vector<16xf32>,
        %broadcast_in_dim3A_461 = arith.constant 48 : i32
        %broadcast_in_dim3A_462 = vector.broadcast %broadcast_in_dim3A_461 : i32 to vector<16xi32>
        %gather3A_463 = tpu.vector_load_idx %arg5[%get3A_31, %broadcast_in_dim3A_462] : memref<1024x64xf32, #tpu.memory_space<vmem>>[vector<16xi32>, vector<16xi32>], vector<16xf32>,
        %mul3A_464 = arith.constant 16 : i32
        %mul3A_465 = arith.muli %scan3A_26, %mul3A_464 : i32
        %swap3A_466 = arith.constant 48 : i32
        %swap3A_467 = arith.index_cast %swap3A_466 : i32 to index
        %swap3A_468 = arith.index_cast %mul3A_465 : i32 to index
        %swap3A_469 = tpu.vector_load %arg7[%swap3A_467, %swap3A_468] {strides = array<i32>} : memref<64x256xf32, #tpu.memory_space<vmem>>, vector<16xf32>,
        tpu.vector_store %arg7[%swap3A_467, %swap3A_468], %gather3A_463 {strides = array<i32>} : memref<64x256xf32, #tpu.memory_space<vmem>>, vector<16xf32>,
        %broadcast_in_dim3A_470 = arith.constant 49 : i32
        %broadcast_in_dim3A_471 = vector.broadcast %broadcast_in_dim3A_470 : i32 to vector<16xi32>
        %gather3A_472 = tpu.vector_load_idx %arg5[%get3A_31, %broadcast_in_dim3A_471] : memref<1024x64xf32, #tpu.memory_space<vmem>>[vector<16xi32>, vector<16xi32>], vector<16xf32>,
        %mul3A_473 = arith.constant 16 : i32
        %mul3A_474 = arith.muli %scan3A_26, %mul3A_473 : i32
        %swap3A_475 = arith.constant 49 : i32
        %swap3A_476 = arith.index_cast %swap3A_475 : i32 to index
        %swap3A_477 = arith.index_cast %mul3A_474 : i32 to index
        %swap3A_478 = tpu.vector_load %arg7[%swap3A_476, %swap3A_477] {strides = array<i32>} : memref<64x256xf32, #tpu.memory_space<vmem>>, vector<16xf32>,
        tpu.vector_store %arg7[%swap3A_476, %swap3A_477], %gather3A_472 {strides = array<i32>} : memref<64x256xf32, #tpu.memory_space<vmem>>, vector<16xf32>,
        %broadcast_in_dim3A_479 = arith.constant 50 : i32
        %broadcast_in_dim3A_480 = vector.broadcast %broadcast_in_dim3A_479 : i32 to vector<16xi32>
        %gather3A_481 = tpu.vector_load_idx %arg5[%get3A_31, %broadcast_in_dim3A_480] : memref<1024x64xf32, #tpu.memory_space<vmem>>[vector<16xi32>, vector<16xi32>], vector<16xf32>,
        %mul3A_482 = arith.constant 16 : i32
        %mul3A_483 = arith.muli %scan3A_26, %mul3A_482 : i32
        %swap3A_484 = arith.constant 50 : i32
        %swap3A_485 = arith.index_cast %swap3A_484 : i32 to index
        %swap3A_486 = arith.index_cast %mul3A_483 : i32 to index
        %swap3A_487 = tpu.vector_load %arg7[%swap3A_485, %swap3A_486] {strides = array<i32>} : memref<64x256xf32, #tpu.memory_space<vmem>>, vector<16xf32>,
        tpu.vector_store %arg7[%swap3A_485, %swap3A_486], %gather3A_481 {strides = array<i32>} : memref<64x256xf32, #tpu.memory_space<vmem>>, vector<16xf32>,
        %broadcast_in_dim3A_488 = arith.constant 51 : i32
        %broadcast_in_dim3A_489 = vector.broadcast %broadcast_in_dim3A_488 : i32 to vector<16xi32>
        %gather3A_490 = tpu.vector_load_idx %arg5[%get3A_31, %broadcast_in_dim3A_489] : memref<1024x64xf32, #tpu.memory_space<vmem>>[vector<16xi32>, vector<16xi32>], vector<16xf32>,
        %mul3A_491 = arith.constant 16 : i32
        %mul3A_492 = arith.muli %scan3A_26, %mul3A_491 : i32
        %swap3A_493 = arith.constant 51 : i32
        %swap3A_494 = arith.index_cast %swap3A_493 : i32 to index
        %swap3A_495 = arith.index_cast %mul3A_492 : i32 to index
        %swap3A_496 = tpu.vector_load %arg7[%swap3A_494, %swap3A_495] {strides = array<i32>} : memref<64x256xf32, #tpu.memory_space<vmem>>, vector<16xf32>,
        tpu.vector_store %arg7[%swap3A_494, %swap3A_495], %gather3A_490 {strides = array<i32>} : memref<64x256xf32, #tpu.memory_space<vmem>>, vector<16xf32>,
        %broadcast_in_dim3A_497 = arith.constant 52 : i32
        %broadcast_in_dim3A_498 = vector.broadcast %broadcast_in_dim3A_497 : i32 to vector<16xi32>
        %gather3A_499 = tpu.vector_load_idx %arg5[%get3A_31, %broadcast_in_dim3A_498] : memref<1024x64xf32, #tpu.memory_space<vmem>>[vector<16xi32>, vector<16xi32>], vector<16xf32>,
        %mul3A_500 = arith.constant 16 : i32
        %mul3A_501 = arith.muli %scan3A_26, %mul3A_500 : i32
        %swap3A_502 = arith.constant 52 : i32
        %swap3A_503 = arith.index_cast %swap3A_502 : i32 to index
        %swap3A_504 = arith.index_cast %mul3A_501 : i32 to index
        %swap3A_505 = tpu.vector_load %arg7[%swap3A_503, %swap3A_504] {strides = array<i32>} : memref<64x256xf32, #tpu.memory_space<vmem>>, vector<16xf32>,
        tpu.vector_store %arg7[%swap3A_503, %swap3A_504], %gather3A_499 {strides = array<i32>} : memref<64x256xf32, #tpu.memory_space<vmem>>, vector<16xf32>,
        %broadcast_in_dim3A_506 = arith.constant 53 : i32
        %broadcast_in_dim3A_507 = vector.broadcast %broadcast_in_dim3A_506 : i32 to vector<16xi32>
        %gather3A_508 = tpu.vector_load_idx %arg5[%get3A_31, %broadcast_in_dim3A_507] : memref<1024x64xf32, #tpu.memory_space<vmem>>[vector<16xi32>, vector<16xi32>], vector<16xf32>,
        %mul3A_509 = arith.constant 16 : i32
        %mul3A_510 = arith.muli %scan3A_26, %mul3A_509 : i32
        %swap3A_511 = arith.constant 53 : i32
        %swap3A_512 = arith.index_cast %swap3A_511 : i32 to index
        %swap3A_513 = arith.index_cast %mul3A_510 : i32 to index
        %swap3A_514 = tpu.vector_load %arg7[%swap3A_512, %swap3A_513] {strides = array<i32>} : memref<64x256xf32, #tpu.memory_space<vmem>>, vector<16xf32>,
        tpu.vector_store %arg7[%swap3A_512, %swap3A_513], %gather3A_508 {strides = array<i32>} : memref<64x256xf32, #tpu.memory_space<vmem>>, vector<16xf32>,
        %broadcast_in_dim3A_515 = arith.constant 54 : i32
        %broadcast_in_dim3A_516 = vector.broadcast %broadcast_in_dim3A_515 : i32 to vector<16xi32>
        %gather3A_517 = tpu.vector_load_idx %arg5[%get3A_31, %broadcast_in_dim3A_516] : memref<1024x64xf32, #tpu.memory_space<vmem>>[vector<16xi32>, vector<16xi32>], vector<16xf32>,
        %mul3A_518 = arith.constant 16 : i32
        %mul3A_519 = arith.muli %scan3A_26, %mul3A_518 : i32
        %swap3A_520 = arith.constant 54 : i32
        %swap3A_521 = arith.index_cast %swap3A_520 : i32 to index
        %swap3A_522 = arith.index_cast %mul3A_519 : i32 to index
        %swap3A_523 = tpu.vector_load %arg7[%swap3A_521, %swap3A_522] {strides = array<i32>} : memref<64x256xf32, #tpu.memory_space<vmem>>, vector<16xf32>,
        tpu.vector_store %arg7[%swap3A_521, %swap3A_522], %gather3A_517 {strides = array<i32>} : memref<64x256xf32, #tpu.memory_space<vmem>>, vector<16xf32>,
        %broadcast_in_dim3A_524 = arith.constant 55 : i32
        %broadcast_in_dim3A_525 = vector.broadcast %broadcast_in_dim3A_524 : i32 to vector<16xi32>
        %gather3A_526 = tpu.vector_load_idx %arg5[%get3A_31, %broadcast_in_dim3A_525] : memref<1024x64xf32, #tpu.memory_space<vmem>>[vector<16xi32>, vector<16xi32>], vector<16xf32>,
        %mul3A_527 = arith.constant 16 : i32
        %mul3A_528 = arith.muli %scan3A_26, %mul3A_527 : i32
        %swap3A_529 = arith.constant 55 : i32
        %swap3A_530 = arith.index_cast %swap3A_529 : i32 to index
        %swap3A_531 = arith.index_cast %mul3A_528 : i32 to index
        %swap3A_532 = tpu.vector_load %arg7[%swap3A_530, %swap3A_531] {strides = array<i32>} : memref<64x256xf32, #tpu.memory_space<vmem>>, vector<16xf32>,
        tpu.vector_store %arg7[%swap3A_530, %swap3A_531], %gather3A_526 {strides = array<i32>} : memref<64x256xf32, #tpu.memory_space<vmem>>, vector<16xf32>,
        %broadcast_in_dim3A_533 = arith.constant 56 : i32
        %broadcast_in_dim3A_534 = vector.broadcast %broadcast_in_dim3A_533 : i32 to vector<16xi32>
        %gather3A_535 = tpu.vector_load_idx %arg5[%get3A_31, %broadcast_in_dim3A_534] : memref<1024x64xf32, #tpu.memory_space<vmem>>[vector<16xi32>, vector<16xi32>], vector<16xf32>,
        %mul3A_536 = arith.constant 16 : i32
        %mul3A_537 = arith.muli %scan3A_26, %mul3A_536 : i32
        %swap3A_538 = arith.constant 56 : i32
        %swap3A_539 = arith.index_cast %swap3A_538 : i32 to index
        %swap3A_540 = arith.index_cast %mul3A_537 : i32 to index
        %swap3A_541 = tpu.vector_load %arg7[%swap3A_539, %swap3A_540] {strides = array<i32>} : memref<64x256xf32, #tpu.memory_space<vmem>>, vector<16xf32>,
        tpu.vector_store %arg7[%swap3A_539, %swap3A_540], %gather3A_535 {strides = array<i32>} : memref<64x256xf32, #tpu.memory_space<vmem>>, vector<16xf32>,
        %broadcast_in_dim3A_542 = arith.constant 57 : i32
        %broadcast_in_dim3A_543 = vector.broadcast %broadcast_in_dim3A_542 : i32 to vector<16xi32>
        %gather3A_544 = tpu.vector_load_idx %arg5[%get3A_31, %broadcast_in_dim3A_543] : memref<1024x64xf32, #tpu.memory_space<vmem>>[vector<16xi32>, vector<16xi32>], vector<16xf32>,
        %mul3A_545 = arith.constant 16 : i32
        %mul3A_546 = arith.muli %scan3A_26, %mul3A_545 : i32
        %swap3A_547 = arith.constant 57 : i32
        %swap3A_548 = arith.index_cast %swap3A_547 : i32 to index
        %swap3A_549 = arith.index_cast %mul3A_546 : i32 to index
        %swap3A_550 = tpu.vector_load %arg7[%swap3A_548, %swap3A_549] {strides = array<i32>} : memref<64x256xf32, #tpu.memory_space<vmem>>, vector<16xf32>,
        tpu.vector_store %arg7[%swap3A_548, %swap3A_549], %gather3A_544 {strides = array<i32>} : memref<64x256xf32, #tpu.memory_space<vmem>>, vector<16xf32>,
        %broadcast_in_dim3A_551 = arith.constant 58 : i32
        %broadcast_in_dim3A_552 = vector.broadcast %broadcast_in_dim3A_551 : i32 to vector<16xi32>
        %gather3A_553 = tpu.vector_load_idx %arg5[%get3A_31, %broadcast_in_dim3A_552] : memref<1024x64xf32, #tpu.memory_space<vmem>>[vector<16xi32>, vector<16xi32>], vector<16xf32>,
        %mul3A_554 = arith.constant 16 : i32
        %mul3A_555 = arith.muli %scan3A_26, %mul3A_554 : i32
        %swap3A_556 = arith.constant 58 : i32
        %swap3A_557 = arith.index_cast %swap3A_556 : i32 to index
        %swap3A_558 = arith.index_cast %mul3A_555 : i32 to index
        %swap3A_559 = tpu.vector_load %arg7[%swap3A_557, %swap3A_558] {strides = array<i32>} : memref<64x256xf32, #tpu.memory_space<vmem>>, vector<16xf32>,
        tpu.vector_store %arg7[%swap3A_557, %swap3A_558], %gather3A_553 {strides = array<i32>} : memref<64x256xf32, #tpu.memory_space<vmem>>, vector<16xf32>,
        %broadcast_in_dim3A_560 = arith.constant 59 : i32
        %broadcast_in_dim3A_561 = vector.broadcast %broadcast_in_dim3A_560 : i32 to vector<16xi32>
        %gather3A_562 = tpu.vector_load_idx %arg5[%get3A_31, %broadcast_in_dim3A_561] : memref<1024x64xf32, #tpu.memory_space<vmem>>[vector<16xi32>, vector<16xi32>], vector<16xf32>,
        %mul3A_563 = arith.constant 16 : i32
        %mul3A_564 = arith.muli %scan3A_26, %mul3A_563 : i32
        %swap3A_565 = arith.constant 59 : i32
        %swap3A_566 = arith.index_cast %swap3A_565 : i32 to index
        %swap3A_567 = arith.index_cast %mul3A_564 : i32 to index
        %swap3A_568 = tpu.vector_load %arg7[%swap3A_566, %swap3A_567] {strides = array<i32>} : memref<64x256xf32, #tpu.memory_space<vmem>>, vector<16xf32>,
        tpu.vector_store %arg7[%swap3A_566, %swap3A_567], %gather3A_562 {strides = array<i32>} : memref<64x256xf32, #tpu.memory_space<vmem>>, vector<16xf32>,
        %broadcast_in_dim3A_569 = arith.constant 60 : i32
        %broadcast_in_dim3A_570 = vector.broadcast %broadcast_in_dim3A_569 : i32 to vector<16xi32>
        %gather3A_571 = tpu.vector_load_idx %arg5[%get3A_31, %broadcast_in_dim3A_570] : memref<1024x64xf32, #tpu.memory_space<vmem>>[vector<16xi32>, vector<16xi32>], vector<16xf32>,
        %mul3A_572 = arith.constant 16 : i32
        %mul3A_573 = arith.muli %scan3A_26, %mul3A_572 : i32
        %swap3A_574 = arith.constant 60 : i32
        %swap3A_575 = arith.index_cast %swap3A_574 : i32 to index
        %swap3A_576 = arith.index_cast %mul3A_573 : i32 to index
        %swap3A_577 = tpu.vector_load %arg7[%swap3A_575, %swap3A_576] {strides = array<i32>} : memref<64x256xf32, #tpu.memory_space<vmem>>, vector<16xf32>,
        tpu.vector_store %arg7[%swap3A_575, %swap3A_576], %gather3A_571 {strides = array<i32>} : memref<64x256xf32, #tpu.memory_space<vmem>>, vector<16xf32>,
        %broadcast_in_dim3A_578 = arith.constant 61 : i32
        %broadcast_in_dim3A_579 = vector.broadcast %broadcast_in_dim3A_578 : i32 to vector<16xi32>
        %gather3A_580 = tpu.vector_load_idx %arg5[%get3A_31, %broadcast_in_dim3A_579] : memref<1024x64xf32, #tpu.memory_space<vmem>>[vector<16xi32>, vector<16xi32>], vector<16xf32>,
        %mul3A_581 = arith.constant 16 : i32
        %mul3A_582 = arith.muli %scan3A_26, %mul3A_581 : i32
        %swap3A_583 = arith.constant 61 : i32
        %swap3A_584 = arith.index_cast %swap3A_583 : i32 to index
        %swap3A_585 = arith.index_cast %mul3A_582 : i32 to index
        %swap3A_586 = tpu.vector_load %arg7[%swap3A_584, %swap3A_585] {strides = array<i32>} : memref<64x256xf32, #tpu.memory_space<vmem>>, vector<16xf32>,
        tpu.vector_store %arg7[%swap3A_584, %swap3A_585], %gather3A_580 {strides = array<i32>} : memref<64x256xf32, #tpu.memory_space<vmem>>, vector<16xf32>,
        %broadcast_in_dim3A_587 = arith.constant 62 : i32
        %broadcast_in_dim3A_588 = vector.broadcast %broadcast_in_dim3A_587 : i32 to vector<16xi32>
        %gather3A_589 = tpu.vector_load_idx %arg5[%get3A_31, %broadcast_in_dim3A_588] : memref<1024x64xf32, #tpu.memory_space<vmem>>[vector<16xi32>, vector<16xi32>], vector<16xf32>,
        %mul3A_590 = arith.constant 16 : i32
        %mul3A_591 = arith.muli %scan3A_26, %mul3A_590 : i32
        %swap3A_592 = arith.constant 62 : i32
        %swap3A_593 = arith.index_cast %swap3A_592 : i32 to index
        %swap3A_594 = arith.index_cast %mul3A_591 : i32 to index
        %swap3A_595 = tpu.vector_load %arg7[%swap3A_593, %swap3A_594] {strides = array<i32>} : memref<64x256xf32, #tpu.memory_space<vmem>>, vector<16xf32>,
        tpu.vector_store %arg7[%swap3A_593, %swap3A_594], %gather3A_589 {strides = array<i32>} : memref<64x256xf32, #tpu.memory_space<vmem>>, vector<16xf32>,
        %broadcast_in_dim3A_596 = arith.constant 63 : i32
        %broadcast_in_dim3A_597 = vector.broadcast %broadcast_in_dim3A_596 : i32 to vector<16xi32>
        %gather3A_598 = tpu.vector_load_idx %arg5[%get3A_31, %broadcast_in_dim3A_597] : memref<1024x64xf32, #tpu.memory_space<vmem>>[vector<16xi32>, vector<16xi32>], vector<16xf32>,
        %mul3A_599 = arith.constant 16 : i32
        %mul3A_600 = arith.muli %scan3A_26, %mul3A_599 : i32
        %swap3A_601 = arith.constant 63 : i32
        %swap3A_602 = arith.index_cast %swap3A_601 : i32 to index
        %swap3A_603 = arith.index_cast %mul3A_600 : i32 to index
        %swap3A_604 = tpu.vector_load %arg7[%swap3A_602, %swap3A_603] {strides = array<i32>} : memref<64x256xf32, #tpu.memory_space<vmem>>, vector<16xf32>,
        tpu.vector_store %arg7[%swap3A_602, %swap3A_603], %gather3A_598 {strides = array<i32>} : memref<64x256xf32, #tpu.memory_space<vmem>>, vector<16xf32>,
      }
      %scan3A_25 = arith.constant 16 : i32
      "tpu.region"() ({
        %run_scoped3A = tpu.sem_alloc : memref<!tpu.dma_semaphore, #tpu.memory_space<semaphore_mem>>
        %dma_start3A = arith.constant 0 : i32
        %dma_start3A_26 = arith.constant 768 : i32
        %dma_start3A_27 = tpu.memref_slice %arg4[%add3A, %dma_start3A, %dma_start3A_26] : memref<32x64x1024xf32, #tpu.memory_space<hbm>> -> memref<1x64x256xf32, #tpu.memory_space<hbm>>
        %dma_start3A_28 = tpu.memref_squeeze %dma_start3A_27 : memref<1x64x256xf32, #tpu.memory_space<hbm>> -> memref<64x256xf32, #tpu.memory_space<hbm>>
        %dma_start3A_29 = arith.constant 0 : i32
        %dma_start3A_30 = arith.constant 768 : i32
        %dma_start3A_31 = tpu.memref_slice %arg4[%add3A, %dma_start3A_29, %dma_start3A_30] : memref<32x64x1024xf32, #tpu.memory_space<hbm>> -> memref<1x64x256xf32, #tpu.memory_space<hbm>>
        %dma_start3A_32 = tpu.memref_squeeze %dma_start3A_31 : memref<1x64x256xf32, #tpu.memory_space<hbm>> -> memref<64x256xf32, #tpu.memory_space<hbm>>
        tpu.enqueue_dma source(%arg7 : memref<64x256xf32, #tpu.memory_space<vmem>>) target(%dma_start3A_32 : memref<64x256xf32, #tpu.memory_space<hbm>>) target_semaphore(%run_scoped3A : memref<!tpu.dma_semaphore, #tpu.memory_space<semaphore_mem>>)
        %dma_wait3A = arith.constant 0 : i32
        %dma_wait3A_33 = arith.constant 768 : i32
        %dma_wait3A_34 = tpu.memref_slice %arg4[%add3A, %dma_wait3A, %dma_wait3A_33] : memref<32x64x1024xf32, #tpu.memory_space<hbm>> -> memref<1x64x256xf32, #tpu.memory_space<hbm>>
        %dma_wait3A_35 = tpu.memref_squeeze %dma_wait3A_34 : memref<1x64x256xf32, #tpu.memory_space<hbm>> -> memref<64x256xf32, #tpu.memory_space<hbm>>
        %dma_wait3A_36 = arith.constant 0 : i32
        %dma_wait3A_37 = arith.constant 768 : i32
        %dma_wait3A_38 = tpu.memref_slice %arg4[%add3A, %dma_wait3A_36, %dma_wait3A_37] : memref<32x64x1024xf32, #tpu.memory_space<hbm>> -> memref<1x64x256xf32, #tpu.memory_space<hbm>>
        %dma_wait3A_39 = tpu.memref_squeeze %dma_wait3A_38 : memref<1x64x256xf32, #tpu.memory_space<hbm>> -> memref<64x256xf32, #tpu.memory_space<hbm>>
        tpu.wait_dma2 semaphore(%run_scoped3A : memref<!tpu.dma_semaphore, #tpu.memory_space<semaphore_mem>>) src(%arg7 : memref<64x256xf32, #tpu.memory_space<vmem>>) dst(%dma_wait3A_39 : memref<64x256xf32, #tpu.memory_space<hbm>>)
        tpu.yield
      }) : () -> ()
    } else {
    }
    return
  }
}

module attributes {stable_mosaic.version = 14 : i64} {
  func.func @_vq_idx_block(%arg0: i32, %arg1: memref<1x64x1024xf32, #tpu.memory_space<vmem>>, %arg2: memref<1024x64xf32, #tpu.memory_space<vmem>>, %arg3: memref<1x1x1024xi32, #tpu.memory_space<vmem>>, %arg4: memref<1x1x128xf32, #tpu.memory_space<vmem>>) attributes {dimension_semantics = [#tpu.dimension_semantics<parallel>], iteration_bounds = array<i64: 32>, scalar_prefetch = 0 : i64, scratch_operands = 0 : i64, tpu.core_type = #tpu.core_type<tc>, window_params = [{transform_indices = @transform_0, window_bounds = array<i64: 1, 64, 1024>}, {pipeline_mode = #tpu.pipeline_mode<synchronous>, transform_indices = @transform_1, window_bounds = array<i64: 1024, 64>}, {transform_indices = @transform_2, window_bounds = array<i64: 1, 1, 1024>}, {transform_indices = @transform_3, window_bounds = array<i64: 1, 1, 128>}]} {
    %get3A = arith.constant 0 : index
    %get3A_0 = arith.constant 0 : index
    %get3A_1 = arith.constant 0 : index
    %get3A_2 = vector.load %arg1[%get3A, %get3A_0, %get3A_1] : memref<1x64x1024xf32, #tpu.memory_space<vmem>>, vector<1x64x1024xf32>
    %get3A_3 = vector.shape_cast %get3A_2 : vector<1x64x1024xf32> to vector<64x1024xf32>
    %get3A_4 = arith.constant 0 : index
    %get3A_5 = arith.constant 0 : index
    %get3A_6 = vector.load %arg2[%get3A_4, %get3A_5] : memref<1024x64xf32, #tpu.memory_space<vmem>>, vector<1024x64xf32>
    %mul3A = arith.mulf %get3A_6, %get3A_6 : vector<1024x64xf32>
    %reduce_sum3A = arith.constant dense<0.000000e+00> : vector<1024xf32>
    %reduce_sum3A_7 = vector.multi_reduction <add>, %mul3A, %reduce_sum3A [1] : vector<1024x64xf32> to vector<1024xf32>
    %broadcast_in_dim3A = vector.shape_cast %reduce_sum3A_7 : vector<1024xf32> to vector<1024x1xf32>
    %mul3A_8 = arith.mulf %get3A_3, %get3A_3 : vector<64x1024xf32>
    %reduce_sum3A_9 = arith.constant dense<0.000000e+00> : vector<1024xf32>
    %reduce_sum3A_10 = vector.multi_reduction <add>, %mul3A_8, %reduce_sum3A_9 [0] : vector<64x1024xf32> to vector<1024xf32>
    %dot_general3A = arith.constant dense<0.000000e+00> : vector<1024x1024xf32>
    %dot_general3A_11 = tpu.matmul %get3A_6, %get3A_3, %dot_general3A {dimension_numbers = #tpu.dot_dimension_numbers<[1], [0], [0], [1], [0, 0, 1, 1], [], []>, transpose_lhs_hint = false} : vector<1024x64xf32>, vector<64x1024xf32>, vector<1024x1024xf32> -> vector<1024x1024xf32>
    %broadcast_in_dim3A_12 = vector.shape_cast %reduce_sum3A_10 : vector<1024xf32> to vector<1x1024xf32>
    %add3A = vector.broadcast %broadcast_in_dim3A_12 : vector<1x1024xf32> to vector<1024x1024xf32>
    %add3A_13 = vector.broadcast %broadcast_in_dim3A : vector<1024x1xf32> to vector<1024x1024xf32>
    %add3A_14 = arith.addf %add3A, %add3A_13 : vector<1024x1024xf32>
    %mul3A_15 = arith.constant 2.000000e+00 : f32
    %mul3A_16 = vector.broadcast %mul3A_15 : f32 to vector<1024x1024xf32>
    %mul3A_17 = arith.mulf %mul3A_16, %dot_general3A_11 : vector<1024x1024xf32>
    %sub3A = arith.subf %add3A_14, %mul3A_17 : vector<1024x1024xf32>
    %reduce_min3A = arith.constant dense<0x7F800000> : vector<1024xf32>
    %reduce_min3A_18 = vector.multi_reduction <minimumf>, %sub3A, %reduce_min3A [0] : vector<1024x1024xf32> to vector<1024xf32>
    %iota3A = tpu.iota {dimensions = array<i32: 0>} : vector<1024x1024xi32>
    %broadcast_in_dim3A_19 = vector.shape_cast %reduce_min3A_18 : vector<1024xf32> to vector<1x1024xf32>
    %eq3A = vector.broadcast %broadcast_in_dim3A_19 : vector<1x1024xf32> to vector<1024x1024xf32>
    %eq3A_20 = arith.cmpf oeq, %sub3A, %eq3A : vector<1024x1024xf32>
    %jit3A = arith.constant 1024 : i32
    %broadcast_in_dim3A_21 = vector.broadcast %jit3A : i32 to vector<1024x1024xi32>
    %select_n3A = arith.select %eq3A_20, %iota3A, %broadcast_in_dim3A_21 : vector<1024x1024xi1>, vector<1024x1024xi32>
    %reduce_min3A_22 = arith.constant dense<2147483647> : vector<1024xi32>
    %reduce_min3A_23 = vector.multi_reduction <minsi>, %select_n3A, %reduce_min3A_22 [0] : vector<1024x1024xi32> to vector<1024xi32>
    %swap3A = arith.constant 0 : index
    %swap3A_24 = arith.constant 0 : index
    %swap3A_25 = arith.constant 0 : index
    %swap3A_26 = vector.load %arg3[%swap3A, %swap3A_24, %swap3A_25] : memref<1x1x1024xi32, #tpu.memory_space<vmem>>, vector<1x1x1024xi32>
    %swap3A_27 = vector.shape_cast %swap3A_26 : vector<1x1x1024xi32> to vector<1024xi32>
    %swap3A_28 = vector.shape_cast %reduce_min3A_23 : vector<1024xi32> to vector<1x1x1024xi32>
    tpu.vector_store %arg3[%swap3A, %swap3A_24, %swap3A_25], %swap3A_28 {strides = array<i32>} : memref<1x1x1024xi32, #tpu.memory_space<vmem>>, vector<1x1x1024xi32>,
    %reduce_sum3A_29 = vector.shape_cast %reduce_min3A_18 : vector<1024xf32> to vector<1x1024xf32>
    %reduce_sum3A_30 = arith.constant dense<0.000000e+00> : vector<1xf32>
    %reduce_sum3A_31 = vector.multi_reduction <add>, %reduce_sum3A_29, %reduce_sum3A_30 [1] : vector<1x1024xf32> to vector<1xf32>
    %reduce_sum3A_32 = vector.shape_cast %reduce_sum3A_31 : vector<1xf32> to vector<1x1xf32>
    %reduce_sum3A_33 = vector.extract %reduce_sum3A_32[0, 0] : f32 from vector<1x1xf32>
    %broadcast_in_dim3A_34 = vector.broadcast %reduce_sum3A_33 : f32 to vector<128xf32>
    %swap3A_35 = arith.constant 0 : index
    %swap3A_36 = arith.constant 0 : index
    %swap3A_37 = arith.constant 0 : index
    %swap3A_38 = vector.load %arg4[%swap3A_35, %swap3A_36, %swap3A_37] : memref<1x1x128xf32, #tpu.memory_space<vmem>>, vector<1x1x128xf32>
    %swap3A_39 = vector.shape_cast %swap3A_38 : vector<1x1x128xf32> to vector<128xf32>
    %swap3A_40 = vector.shape_cast %broadcast_in_dim3A_34 : vector<128xf32> to vector<1x1x128xf32>
    tpu.vector_store %arg4[%swap3A_35, %swap3A_36, %swap3A_37], %swap3A_40 {strides = array<i32>} : memref<1x1x128xf32, #tpu.memory_space<vmem>>, vector<1x1x128xf32>,
    return
  }
  func.func @transform_0(%arg0: i32) -> (i32, i32, i32) {
    %c0_i32 = arith.constant 0 : i32
    %c0_i32_0 = arith.constant 0 : i32
    %c0_i32_1 = arith.constant 0 : i32
    return %arg0, %c0_i32, %c0_i32_0 : i32, i32, i32
  }
  func.func @transform_1(%arg0: i32) -> (i32, i32) {
    %c0_i32 = arith.constant 0 : i32
    %c0_i32_0 = arith.constant 0 : i32
    %c0_i32_1 = arith.constant 0 : i32
    return %c0_i32, %c0_i32_0 : i32, i32
  }
  func.func @transform_2(%arg0: i32) -> (i32, i32, i32) {
    %c0_i32 = arith.constant 0 : i32
    %c0_i32_0 = arith.constant 0 : i32
    %c0_i32_1 = arith.constant 0 : i32
    return %arg0, %c0_i32, %c0_i32_0 : i32, i32, i32
  }
  func.func @transform_3(%arg0: i32) -> (i32, i32, i32) {
    %c0_i32 = arith.constant 0 : i32
    %c0_i32_0 = arith.constant 0 : i32
    %c0_i32_1 = arith.constant 0 : i32
    return %arg0, %c0_i32, %c0_i32_0 : i32, i32, i32
  }
}

</mosaic_0001>

<sc_bundles>
// kernel: kernel.4.cloned.1.call-start
scs
__scs_entry_jumppad:
0x0: {  	(pc) =	sbr.rel $0x88, $3  }
0x1: {  	(tag) =	ssettag $0x0;
	lr =	simm.s32 $0x1  }
0x2: {  	[smem:$0x3F9F] =	sst lr;
	_ =	strace $0xD0000000  }
0x3: {  	_ = 	snop  }
0x4: {  	_ = 	snop  }
0x5: {  	_ = 	snop  }
0x6: {  	_ = 	snop  }
0x7: {  	_ = 	snop  }
__scs_overlays_trampoline_lowered:
0x8: {  	[smem:$0x3FAE] =	sst s0  }
0x9: {  	[smem:$0x3FAF] =	sst s1  }
0xa: {  	[smem:$0x3FB0] =	sst s2  }
0xb: {  	[smem:$0x3FB1] =	sst s3  }
0xc: {  	[smem:$0x3FB2] =	sst s4  }
0xd: {  	[smem:$0x3FB3] =	sst s5  }
0xe: {  	[smem:$0x3FB4] =	sst s6  }
0xf: {  	[smem:$0x3FB5] =	sst s7  }
0x10: {  	[smem:$0x3FB6] =	sst s8  }
0x11: {  	[smem:$0x3FB7] =	sst s9;
	s0 =	simm.s32 @!p0 $0x0  }
0x12: {  	s1 =	sld [smem:$0x3F9D];
	s0 =	simm.s32 @p0 $0x1  }
0x13: {  	[smem:$0x3FB8] =	sst s0;
	s0 =	simm.s32 @!p1 $0x0  }
0x14: {  	s2 =	sld [smem:$0x3F9C];
	s0 =	simm.s32 @p1 $0x1  }
0x15: {  	[smem:$0x3FB9] =	sst s0;
	s0 =	simm.s32 @!p2 $0x0  }
0x16: {  	s3 =	sld [smem:$0x3FDB];
	s0 =	simm.s32 @p2 $0x1  }
0x17: {  	s4 =	simm.s32 $0x1BF5;
	[smem:$0x3FBB] =	sst s0  }
0x18: {  	s0 =	sld [smem:$0x3F9E];
	_ =	swait.ge [sflag:s4], $0x0  }
0x19: {  	s7 =	sld [smem:$0x3F9F]  }
0x1a: {  	s8 =	sadd.s32 $0xFFFFE003, lr  }
0x1b: {  	s9 =	sadd.s32 $0xFFFFFEF7, lr;
	s5 =	simm.s32 $0xFFFFFFFF;
	p2 =	slt.u32 s8, $0xFFFFF086  }
0x1c: {  	p1 =	slt.u32 s9, $0xF7A;
	s5 =	simm.s32 @!p2 $0x0  }
0x1d: {  	s5 =	simm.s32 @p1 $0x1;
	p0 =	seq.s32 s7, s2  }
0x1e: {  	s7 =	smul.u32 @!p0 $0xF7A, s2;
	p2 =	seq.s32 @!p0 s5, $0x0  }
0x1f: {  	s9 =	smul.u32 $0xF7A, s1;
	s8 =	simm.s32 @!p0 $0x1BF5;
	p2 =	por !p2, p0  }
0x20: {  	[sflag:s8] =	ssyncset.s32 @!p0 $0xFFFFF086;
	s6 =	sadd.s32 @!p0 s3, s7;
	s7 =	simm.s32 @!p0 $0x108  }
0x21: {  	s3 =	sadd.s32 s3, s9;
	s6 =	sadd.s32 @!p0 $0x88, s6;
	s7 =	simm.s32 @p2 $0x1082  }
0x22: {  	[simem:s7], [sflag:s8] =	dma.local @!p0 [hbm:s6], $0xF7A  }
0x23: {  	s9 =	sor.u32 $0xD0000000, s2;
	s6 =	simm.s32 $0x108;
	_ =	swait.ge @!p0 [sflag:s8], $0x0  }
0x24: {  	s3 =	sadd.s32 $0x88, s3;
	s6 =	simm.s32 @!p1 $0x1082;
	[sflag:s4] =	ssyncset.s32 $0xFFFFF086  }
0x25: {  	[simem:s6], [sflag:s4] =	dma.local [hbm:s3], $0xF7A  }
0x26: {  	[smem:$0x3F9F] =	sst s1;
	(tag) =	ssettag s2;
	_ =	strace s9  }
0x27: {  	s1 =	sld [smem:$0x3FAF]  }
0x28: {  	s2 =	sld [smem:$0x3FB0]  }
0x29: {  	s4 =	sld [smem:$0x3FB2]  }
0x2a: {  	p0 =	seq.s32 s5, $0x0;
	s5 =	sld [smem:$0x3FB3]  }
0x2b: {  	s6 =	sld [smem:$0x3FB4]  }
0x2c: {  	s7 =	sld [smem:$0x3FB5]  }
0x2d: {  	s3 =	simm.s32 $0x108;
	s8 =	sld [smem:$0x3FB6]  }
0x2e: {  	s3 =	simm.s32 @!p0 $0x1082;
	s9 =	sld [smem:$0x3FB7]  }
0x2f: {  	lr =	sadd.s32 s0, s3;
	s0 =	sld [smem:$0x3FAE]  }
0x30: {  	s3 =	sld [smem:$0x3FB1]  }
0x31: {  	[smem:$0x3FBA] =	sst s10  }
0x32: {  	s10 =	sld [smem:$0x3FB8];
	_ =	sdelay $0x3  }
0x33: {  	p0 =	seq.s32 s10, $0x1;
	s10 =	sld [smem:$0x3FBA];
	_ =	sdelay $0x3  }
0x34: {  	[smem:$0x3FBA] =	sst s10  }
0x35: {  	s10 =	sld [smem:$0x3FB9];
	_ =	sdelay $0x3  }
0x36: {  	p1 =	seq.s32 s10, $0x1;
	s10 =	sld [smem:$0x3FBA];
	_ =	sdelay $0x3  }
0x37: {  	[smem:$0x3FBA] =	sst s10  }
0x38: {  	s10 =	sld [smem:$0x3FBB]  }
0x39: {  	_ = 	snop;
	(pc) =	sbr.ind lr, $3  }
0x3a: {  	_ = 	snop  }
0x3b: {  	_ = 	snop  }
0x3c: {  	p2 =	seq.s32 s10, $0x1;
	s10 =	sld [smem:$0x3FBA]  }
0x3d: {  	_ =	shalt  }
0x3e: {  	_ =	shalt  }
0x3f: {  	_ =	shalt  }
0x40: {  	_ =	shalt  }
0x41: {  	_ =	shalt  }
0x42: {  	_ =	shalt  }
0x43: {  	_ =	shalt  }
0x44: {  	_ =	shalt  }
0x45: {  	_ =	shalt  }
0x46: {  	_ =	shalt  }
0x47: {  	_ =	shalt  }
0x48: {  	_ =	shalt  }
0x49: {  	_ =	shalt  }
0x4a: {  	_ =	shalt  }
0x4b: {  	_ =	shalt  }
0x4c: {  	_ =	shalt  }
0x4d: {  	_ =	shalt  }
0x4e: {  	_ =	shalt  }
0x4f: {  	_ =	shalt  }
0x50: {  	_ =	shalt  }
0x51: {  	_ =	shalt  }
0x52: {  	_ =	shalt  }
0x53: {  	_ =	shalt  }
0x54: {  	_ =	shalt  }
0x55: {  	_ =	shalt  }
0x56: {  	_ =	shalt  }
0x57: {  	_ =	shalt  }
0x58: {  	_ =	shalt  }
0x59: {  	_ =	shalt  }
0x5a: {  	_ =	shalt  }
0x5b: {  	_ =	shalt  }
0x5c: {  	_ =	shalt  }
0x5d: {  	_ =	shalt  }
0x5e: {  	_ =	shalt  }
0x5f: {  	_ =	shalt  }
0x60: {  	_ =	shalt  }
0x61: {  	_ =	shalt  }
0x62: {  	_ =	shalt  }
0x63: {  	_ =	shalt  }
0x64: {  	_ =	shalt  }
0x65: {  	_ =	shalt  }
0x66: {  	_ =	shalt  }
0x67: {  	_ =	shalt  }
0x68: {  	_ =	shalt  }
0x69: {  	_ =	shalt  }
0x6a: {  	_ =	shalt  }
0x6b: {  	_ =	shalt  }
0x6c: {  	_ =	shalt  }
0x6d: {  	_ =	shalt  }
0x6e: {  	_ =	shalt  }
0x6f: {  	_ =	shalt  }
0x70: {  	_ =	shalt  }
0x71: {  	_ =	shalt  }
0x72: {  	_ =	shalt  }
0x73: {  	_ =	shalt  }
0x74: {  	_ =	shalt  }
0x75: {  	_ =	shalt  }
0x76: {  	_ =	shalt  }
0x77: {  	_ =	shalt  }
0x78: {  	_ =	shalt  }
0x79: {  	_ =	shalt  }
0x7a: {  	_ =	shalt  }
0x7b: {  	_ =	shalt  }
0x7c: {  	_ =	shalt  }
0x7d: {  	_ =	shalt  }
0x7e: {  	_ =	shalt  }
0x7f: {  	_ =	shalt  }
0x80: {  	_ =	shalt  }
0x81: {  	_ =	shalt  }
0x82: {  	_ =	shalt  }
0x83: {  	_ =	shalt  }
0x84: {  	_ =	shalt  }
0x85: {  	_ =	shalt  }
0x86: {  	_ =	shalt  }
0x87: {  	_ =	shalt  }
.Lfunc_end0:
.L_simem_size_0:
called_computation_lowered:
.L_overlay_start_0:
0x88: {  	s2 =	sld [smem:$0x3FD9]  }
0x89: {  	s3 =	sld [smem:$0x3FFE];
	_ =	sdelay $0x1  }
0x8a: {  	s1 =	srdreg.scid  }
0x8b: {  	s0 =	sand.u32 $0x1, s1  }
0x8c: {  	s14 =	sshll.u32 s0, $0xA;
	s2 =	sadd.s32 s3, s2  }
0x8d: {  	s2 =	sadd.s32 s2, s14  }
0x8e: {  	[smem:$0x3FC6] =	sst s2  }
0x8f: {  	_ = 	snop  }
0x90: {  	s2 =	sld [smem:$0x3FD0];
	_ =	sdelay $0x2  }
0x91: {  	s15 =	simm.s32 $0xA;
	s4 =	simm.s32 $0x10  }
0x92: {  	[smem:s4], [sflag:s15] =	dma.local [hbm:s2], $0x1  }
0x93: {  	_ =	swait.eq [sflag:s15], $0x1  }
0x94: {  	[sflag:s15] =	ssyncset.done $0x0  }
0x95: {  	s16 =	sld [smem:$0x10];
	[sflag:s15] =	ssyncadd.s32 $0xFFFFFFFF  }
0x96: {  	s17 =	sld [smem:$0x12];
	(tm) =	ssettm $0x1  }
0x97: {  	s18 =	sld [smem:$0x3FFB];
	_ =	sdelay $0x3  }
0x98: {  	_ =	strace s18  }
0x99: {  	s4 =	sld [smem:$0x3FFC];
	_ =	sdelay $0x3  }
0x9a: {  	_ =	strace s4  }
0x9b: {  	s4 =	sld [smem:$0x3FFD];
	_ =	sdelay $0x3  }
0x9c: {  	_ =	strace s4  }
0x9d: {  	_ =	strace $0x8FFFFFFF  }
0x9e: {  	s19 =	sld [smem:$0x3FDB];
	_ =	sdelay $0x1  }
0x9f: {  	s5 =	simm.s32 $_scs_section_size  }
0xa0: {  	s6 =	simm.s32 $_size__tile_overlayer_lowered;
	s7 =	simm.s32 $_tile_overlayer_lowered  }
0xa1: {  	s22 =	simm.s32 $0x1BFF;
	s21 =	sshll.u32 s7, $0x1;
	s4 =	sadd.s32 s5, s19  }
0xa2: {  	s8 =	simm.s32 $0x0;
	s20 =	sshll.u32 s6, $0x1;
	s6 =	sadd.s32 s21, s4  }
0xa3: {  	[timem:s8], [sflag:s22] =	dma.local [hbm:s6], s20  }
0xa4: {  	_ =	swait.ge [sflag:s22], s20  }
0xa5: {  	s5 =	ssub.s32 $0x0, s20;
	[sflag:s22] =	ssyncset.done $0x0  }
0xa6: {  	[sflag:s22] =	ssyncadd.s32 s5;
	_ =	sdelay $0x1  }
0xa7: {  	s23 =	simm.s32 $0x1B8B  }
0xa8: {  	_ =	swait.ge [sflag:s23], $0x1  }
0xa9: {  	[sflag:s23] =	ssyncset.done $0x0  }
0xaa: {  	s25 =	simm.s32 $0x1B8E;
	s24 =	sld [smem:$0x3FFE];
	[sflag:s23] =	ssyncadd.s32 $0xFFFFFFFF  }
0xab: {  	s26 =	simm.s32 $execute0_lowered;
	[smem:$0x3FD2] =	sst s25  }
0xac: {  	s6 =	sshll.u32 s26, $0x1;
	_ =	strace $0x80000046;
	[dreg:$0x1] =	wrdreg $0xFFFFFFFF  }
0xad: {  	s28 =	simm.s32 $_size_execute0_lowered;
	s4 =	sadd.s32 s4, s6;
	[dreg:$0x0] =	wrdreg $0x0  }
0xae: {  	s6 =	sshll.u32 s28, $0x1;
	[dreg:$0x2] =	wrdreg s4  }
0xaf: {  	[dreg:$0x3] =	wrdreg s6  }
0xb0: {  	[dreg:$0x4] =	wrdreg $0xC0  }
0xb1: {  	_ =	task [dreg:s8], $0x5FFFF  }
0xb2: {  	[dreg:$0x1] =	wrdreg $0xFFFFFFFF  }
0xb3: {  	[dreg:$0x0] =	wrdreg $0x60  }
0xb4: {  	[dreg:$0x2] =	wrdreg s24  }
0xb5: {  	[dreg:$0x3] =	wrdreg s17  }
0xb6: {  	[dreg:$0x4] =	wrdreg s16  }
0xb7: {  	[dreg:$0x5] =	wrdreg $0x9  }
0xb8: {  	_ =	task.clear_ibuf [dreg:s8], $0x6FFFF;
	_ =	strace $0x90000046  }
0xb9: {  	s29 =	simm.s32 $0x9;
	_ =	strace $0x80000048  }
0xba: {  	_ =	swait.ge [sflag:s29], $0x1  }
0xbb: {  	[sflag:s29] =	ssyncadd.s32 $0xFFFFFFFF  }
0xbc: {  	_ =	strace $0x90000048  }
0xbd: {  	_ =	sfence  }
0xbe: {  	s30 =	sld [smem:$0x0];
	_ =	sdelay $0x2  }
0xbf: {  	s31 =	sshll.u32 s1, $0xD;
	s1 =	sshrl.u32 s1, $0x2  }
0xc0: {  	s3 =	sand.u32 $0x4000, s31;
	s1 =	sadd.s32 s1, s30  }
0xc1: {  	s0 =	sor.u32 s3, s0;
	s1 =	sshll.u32 s1, $0x11  }
0xc2: {  	s0 =	sor.u32 s1, s0  }
0xc3: {  	s0 =	sadd.s32 $0x8F2B, s0  }
0xc4: {  	[sflag:s0] =	ssyncadd.remote.s32 $0x1  }
0xc5: {  	_ =	sfence.sel $0xFFFF  }
0xc6: {  	[dreg:$0x0] =	wrdreg $0xFFFFFFFF;
	(pc) =	sbr.abs _section_cstart, $3  }
0xc7: {  	[dreg:$0x1] =	wrdreg $0xFFFFFFFF  }
0xc8: {  	_ =	task.clear_ibuf [dreg:s8], $0x2FFFF;
	_ =	strace $0x9FFFFFFF  }
0xc9: {  	(tm) =	ssettm $0x7FFFFFFF  }
tec
execute0_lowered:
.L_overlay_start_1:
0x0: {  	(tag) =	ssettag $0x1  }
0x1: {  	s3 =	rddreg [dreg:$0x0]  }
0x2: {  	s5 =	rddreg [dreg:$0x1]  }
0x3: {  	s4 =	rddreg [dreg:$0x2]  }
0x4: {  	s0 =	rddreg [dreg:$0x3];
	s2 =	simm.s32 $0x0;
	s6 =	srdreg.scid  }
0x5: {  	s1 =	stileid.u32;
	s10 =	simm.s32 $0x1;
	s11 =	simm.s32 $0x10000  }
0x6: {  	s12 =	simm.s32 $0x100;
	s13 =	simm.s32 $0x400;
	s14 =	simm.s32 $0x10400  }
0x7: {  	s15 =	simm.s32 $0x0;
	s6 =	sand.u32 $0x1, s6;
	s7 =	sshll.u32 s1, $0x1  }
0x8: {  	[smem:$0x7FF] =	sst s2;
	s3 =	sadd.s32 $0x200, s3;
	s7 =	sor.u32 s6, s7  }
0x9: {  	_ =	strace $0x80000047;
	s6 =	ssub.s32 $0x2, s6;
	s8 =	sshll.u32 s7, $0xD  }
0xa: {  	s9 =	sshrl.u32 s6, $0x1;
	s7 =	sshll.u32 s7, $0x7;
	s4 =	sadd.s32 s4, s8  }
0xb: {  	s9 =	ssub.s32 s6, s9;
	s5 =	sadd.s32 s5, s7;
	s6 =	sadd.s32 $0x20, s4  }
0xc: {  	s7 =	sadd.s32 $0x40, s4;
	s8 =	sadd.s32 $0x60, s4;
	s9 =	smax.u32 s9, $0x1  }
.LBB2_1:
0xd: {  	[tilespmem:s2], [sflag:$0x1] =	stream.linear.gather [hbm4b:s3+s2], $0x10000, $0x38;
	[tilespmem:$0x14400] =	vst v63  }
0xe: {  	_ =	swait.ge [sflag:s10], $0x10000  }
0xf: {  	[sflag:s10] =	ssyncset.done $0x0  }
0x10: {  	[sflag:s10] =	ssyncadd.s32 $0xFFFF0000  }
0x11: {  	[tilespmem:s11], [sflag:$0x1] =	stream.linear.gather [hbm4b:s5+s2], $0x400, $0x38;
	[tilespmem:$0x14400] =	vst v63  }
0x12: {  	_ =	swait.ge [sflag:s10], $0x400  }
0x13: {  	[sflag:s10] =	ssyncset.done $0x0  }
0x14: {  	s16 =	simm.s32 $0x0;
	[sflag:s10] =	ssyncadd.s32 $0xFFFFFC00  }
0x15: {  	v0 =	vld [tilespmem:s16+$0x10000];
	_ =	sdelay $0x4  }
0x16: {  	v0 =	vshll.u32 v0, $0x6;
	_ =	sdelay $0x4  }
0x17: {  	v1 =	vld.idx.msk [tilespmem:v0+s2+$0x0], $0xffff  }
0x18: {  	v2 =	vor.u32 $0x1, v0;
	_ =	sdelay $0x3  }
0x19: {  	[tilespmem:s16+$0x10400] =	vst v1  }
0x1a: {  	v1 =	vld.idx.msk [tilespmem:v2+s2+$0x0], $0xffff  }
0x1b: {  	v2 =	vor.u32 $0x2, v0;
	_ =	sdelay $0x3  }
0x1c: {  	[tilespmem:s16+$0x10500] =	vst v1  }
0x1d: {  	v1 =	vld.idx.msk [tilespmem:v2+s2+$0x0], $0xffff  }
0x1e: {  	v2 =	vor.u32 $0x3, v0;
	_ =	sdelay $0x3  }
0x1f: {  	[tilespmem:s16+$0x10600] =	vst v1  }
0x20: {  	v1 =	vld.idx.msk [tilespmem:v2+s2+$0x0], $0xffff  }
0x21: {  	v2 =	vor.u32 $0x4, v0;
	_ =	sdelay $0x3  }
0x22: {  	[tilespmem:s16+$0x10700] =	vst v1  }
0x23: {  	v1 =	vld.idx.msk [tilespmem:v2+s2+$0x0], $0xffff  }
0x24: {  	v2 =	vor.u32 $0x5, v0;
	_ =	sdelay $0x3  }
0x25: {  	[tilespmem:s16+$0x10800] =	vst v1  }
0x26: {  	v1 =	vld.idx.msk [tilespmem:v2+s2+$0x0], $0xffff  }
0x27: {  	v2 =	vor.u32 $0x6, v0;
	_ =	sdelay $0x3  }
0x28: {  	[tilespmem:s16+$0x10900] =	vst v1  }
0x29: {  	v1 =	vld.idx.msk [tilespmem:v2+s2+$0x0], $0xffff  }
0x2a: {  	v2 =	vor.u32 $0x7, v0;
	_ =	sdelay $0x3  }
0x2b: {  	[tilespmem:s16+$0x10A00] =	vst v1  }
0x2c: {  	v1 =	vld.idx.msk [tilespmem:v2+s2+$0x0], $0xffff  }
0x2d: {  	v2 =	vor.u32 $0x8, v0;
	_ =	sdelay $0x3  }
0x2e: {  	[tilespmem:s16+$0x10B00] =	vst v1  }
0x2f: {  	v1 =	vld.idx.msk [tilespmem:v2+s2+$0x0], $0xffff  }
0x30: {  	v2 =	vor.u32 $0x9, v0;
	_ =	sdelay $0x3  }
0x31: {  	[tilespmem:s16+$0x10C00] =	vst v1  }
0x32: {  	v1 =	vld.idx.msk [tilespmem:v2+s2+$0x0], $0xffff  }
0x33: {  	v2 =	vor.u32 $0xA, v0;
	_ =	sdelay $0x3  }
0x34: {  	[tilespmem:s16+$0x10D00] =	vst v1  }
0x35: {  	v1 =	vld.idx.msk [tilespmem:v2+s2+$0x0], $0xffff  }
0x36: {  	v2 =	vor.u32 $0xB, v0;
	_ =	sdelay $0x3  }
0x37: {  	[tilespmem:s16+$0x10E00] =	vst v1  }
0x38: {  	v1 =	vld.idx.msk [tilespmem:v2+s2+$0x0], $0xffff  }
0x39: {  	v2 =	vor.u32 $0xC, v0;
	_ =	sdelay $0x3  }
0x3a: {  	[tilespmem:s16+$0x10F00] =	vst v1  }
0x3b: {  	v1 =	vld.idx.msk [tilespmem:v2+s2+$0x0], $0xffff  }
0x3c: {  	v2 =	vor.u32 $0xD, v0;
	_ =	sdelay $0x3  }
0x3d: {  	[tilespmem:s16+$0x11000] =	vst v1  }
0x3e: {  	v1 =	vld.idx.msk [tilespmem:v2+s2+$0x0], $0xffff  }
0x3f: {  	v2 =	vor.u32 $0xE, v0;
	_ =	sdelay $0x3  }
0x40: {  	[tilespmem:s16+$0x11100] =	vst v1  }
0x41: {  	v1 =	vld.idx.msk [tilespmem:v2+s2+$0x0], $0xffff  }
0x42: {  	v2 =	vor.u32 $0xF, v0;
	_ =	sdelay $0x3  }
0x43: {  	[tilespmem:s16+$0x11200] =	vst v1  }
0x44: {  	v1 =	vld.idx.msk [tilespmem:v2+s2+$0x0], $0xffff  }
0x45: {  	v2 =	vor.u32 $0x10, v0;
	_ =	sdelay $0x3  }
0x46: {  	[tilespmem:s16+$0x11300] =	vst v1  }
0x47: {  	v1 =	vld.idx.msk [tilespmem:v2+s2+$0x0], $0xffff  }
0x48: {  	v2 =	vor.u32 $0x11, v0;
	_ =	sdelay $0x3  }
0x49: {  	[tilespmem:s16+$0x11400] =	vst v1  }
0x4a: {  	v1 =	vld.idx.msk [tilespmem:v2+s2+$0x0], $0xffff  }
0x4b: {  	v2 =	vor.u32 $0x12, v0;
	_ =	sdelay $0x3  }
0x4c: {  	[tilespmem:s16+$0x11500] =	vst v1  }
0x4d: {  	v1 =	vld.idx.msk [tilespmem:v2+s2+$0x0], $0xffff  }
0x4e: {  	v2 =	vor.u32 $0x13, v0;
	_ =	sdelay $0x3  }
0x4f: {  	[tilespmem:s16+$0x11600] =	vst v1  }
0x50: {  	v1 =	vld.idx.msk [tilespmem:v2+s2+$0x0], $0xffff  }
0x51: {  	v2 =	vor.u32 $0x14, v0;
	_ =	sdelay $0x3  }
0x52: {  	[tilespmem:s16+$0x11700] =	vst v1  }
0x53: {  	v1 =	vld.idx.msk [tilespmem:v2+s2+$0x0], $0xffff  }
0x54: {  	v2 =	vor.u32 $0x15, v0;
	_ =	sdelay $0x3  }
0x55: {  	[tilespmem:s16+$0x11800] =	vst v1  }
0x56: {  	v1 =	vld.idx.msk [tilespmem:v2+s2+$0x0], $0xffff  }
0x57: {  	v2 =	vor.u32 $0x16, v0;
	_ =	sdelay $0x3  }
0x58: {  	[tilespmem:s16+$0x11900] =	vst v1  }
0x59: {  	v1 =	vld.idx.msk [tilespmem:v2+s2+$0x0], $0xffff  }
0x5a: {  	v2 =	vor.u32 $0x17, v0;
	_ =	sdelay $0x3  }
0x5b: {  	[tilespmem:s16+$0x11A00] =	vst v1  }
0x5c: {  	v1 =	vld.idx.msk [tilespmem:v2+s2+$0x0], $0xffff  }
0x5d: {  	v2 =	vor.u32 $0x18, v0;
	_ =	sdelay $0x3  }
0x5e: {  	[tilespmem:s16+$0x11B00] =	vst v1  }
0x5f: {  	v1 =	vld.idx.msk [tilespmem:v2+s2+$0x0], $0xffff  }
0x60: {  	v2 =	vor.u32 $0x19, v0;
	_ =	sdelay $0x3  }
0x61: {  	[tilespmem:s16+$0x11C00] =	vst v1  }
0x62: {  	v1 =	vld.idx.msk [tilespmem:v2+s2+$0x0], $0xffff  }
0x63: {  	v2 =	vor.u32 $0x1A, v0;
	_ =	sdelay $0x3  }
0x64: {  	[tilespmem:s16+$0x11D00] =	vst v1  }
0x65: {  	v1 =	vld.idx.msk [tilespmem:v2+s2+$0x0], $0xffff  }
0x66: {  	v2 =	vor.u32 $0x1B, v0;
	_ =	sdelay $0x3  }
0x67: {  	[tilespmem:s16+$0x11E00] =	vst v1  }
0x68: {  	v1 =	vld.idx.msk [tilespmem:v2+s2+$0x0], $0xffff  }
0x69: {  	v2 =	vor.u32 $0x1C, v0;
	_ =	sdelay $0x3  }
0x6a: {  	[tilespmem:s16+$0x11F00] =	vst v1  }
0x6b: {  	v1 =	vld.idx.msk [tilespmem:v2+s2+$0x0], $0xffff  }
0x6c: {  	v2 =	vor.u32 $0x1D, v0;
	_ =	sdelay $0x3  }
0x6d: {  	[tilespmem:s16+$0x12000] =	vst v1  }
0x6e: {  	v1 =	vld.idx.msk [tilespmem:v2+s2+$0x0], $0xffff  }
0x6f: {  	v2 =	vor.u32 $0x1E, v0;
	_ =	sdelay $0x3  }
0x70: {  	[tilespmem:s16+$0x12100] =	vst v1  }
0x71: {  	v1 =	vld.idx.msk [tilespmem:v2+s2+$0x0], $0xffff  }
0x72: {  	v2 =	vor.u32 $0x1F, v0;
	_ =	sdelay $0x3  }
0x73: {  	[tilespmem:s16+$0x12200] =	vst v1  }
0x74: {  	v1 =	vld.idx.msk [tilespmem:v2+s2+$0x0], $0xffff  }
0x75: {  	v2 =	vor.u32 $0x20, v0;
	_ =	sdelay $0x3  }
0x76: {  	[tilespmem:s16+$0x12300] =	vst v1  }
0x77: {  	v1 =	vld.idx.msk [tilespmem:v2+s2+$0x0], $0xffff  }
0x78: {  	v2 =	vor.u32 $0x21, v0;
	_ =	sdelay $0x3  }
0x79: {  	[tilespmem:s16+$0x12400] =	vst v1  }
0x7a: {  	v1 =	vld.idx.msk [tilespmem:v2+s2+$0x0], $0xffff  }
0x7b: {  	v2 =	vor.u32 $0x22, v0;
	_ =	sdelay $0x3  }
0x7c: {  	[tilespmem:s16+$0x12500] =	vst v1  }
0x7d: {  	v1 =	vld.idx.msk [tilespmem:v2+s2+$0x0], $0xffff  }
0x7e: {  	v2 =	vor.u32 $0x23, v0;
	_ =	sdelay $0x3  }
0x7f: {  	[tilespmem:s16+$0x12600] =	vst v1  }
0x80: {  	v1 =	vld.idx.msk [tilespmem:v2+s2+$0x0], $0xffff  }
0x81: {  	v2 =	vor.u32 $0x24, v0;
	_ =	sdelay $0x3  }
0x82: {  	[tilespmem:s16+$0x12700] =	vst v1  }
0x83: {  	v1 =	vld.idx.msk [tilespmem:v2+s2+$0x0], $0xffff  }
0x84: {  	v2 =	vor.u32 $0x25, v0;
	_ =	sdelay $0x3  }
0x85: {  	[tilespmem:s16+$0x12800] =	vst v1  }
0x86: {  	v1 =	vld.idx.msk [tilespmem:v2+s2+$0x0], $0xffff  }
0x87: {  	v2 =	vor.u32 $0x26, v0;
	_ =	sdelay $0x3  }
0x88: {  	[tilespmem:s16+$0x12900] =	vst v1  }
0x89: {  	v1 =	vld.idx.msk [tilespmem:v2+s2+$0x0], $0xffff  }
0x8a: {  	v2 =	vor.u32 $0x27, v0;
	_ =	sdelay $0x3  }
0x8b: {  	[tilespmem:s16+$0x12A00] =	vst v1  }
0x8c: {  	v1 =	vld.idx.msk [tilespmem:v2+s2+$0x0], $0xffff  }
0x8d: {  	v2 =	vor.u32 $0x28, v0;
	_ =	sdelay $0x3  }
0x8e: {  	[tilespmem:s16+$0x12B00] =	vst v1  }
0x8f: {  	v1 =	vld.idx.msk [tilespmem:v2+s2+$0x0], $0xffff  }
0x90: {  	v2 =	vor.u32 $0x29, v0;
	_ =	sdelay $0x3  }
0x91: {  	[tilespmem:s16+$0x12C00] =	vst v1  }
0x92: {  	v1 =	vld.idx.msk [tilespmem:v2+s2+$0x0], $0xffff  }
0x93: {  	v2 =	vor.u32 $0x2A, v0;
	_ =	sdelay $0x3  }
0x94: {  	[tilespmem:s16+$0x12D00] =	vst v1  }
0x95: {  	v1 =	vld.idx.msk [tilespmem:v2+s2+$0x0], $0xffff  }
0x96: {  	v2 =	vor.u32 $0x2B, v0;
	_ =	sdelay $0x3  }
0x97: {  	[tilespmem:s16+$0x12E00] =	vst v1  }
0x98: {  	v1 =	vld.idx.msk [tilespmem:v2+s2+$0x0], $0xffff  }
0x99: {  	v2 =	vor.u32 $0x2C, v0;
	_ =	sdelay $0x3  }
0x9a: {  	[tilespmem:s16+$0x12F00] =	vst v1  }
0x9b: {  	v1 =	vld.idx.msk [tilespmem:v2+s2+$0x0], $0xffff  }
0x9c: {  	v2 =	vor.u32 $0x2D, v0;
	_ =	sdelay $0x3  }
0x9d: {  	[tilespmem:s16+$0x13000] =	vst v1  }
0x9e: {  	v1 =	vld.idx.msk [tilespmem:v2+s2+$0x0], $0xffff  }
0x9f: {  	v2 =	vor.u32 $0x2E, v0;
	_ =	sdelay $0x3  }
0xa0: {  	[tilespmem:s16+$0x13100] =	vst v1  }
0xa1: {  	v1 =	vld.idx.msk [tilespmem:v2+s2+$0x0], $0xffff  }
0xa2: {  	v2 =	vor.u32 $0x2F, v0;
	_ =	sdelay $0x3  }
0xa3: {  	[tilespmem:s16+$0x13200] =	vst v1  }
0xa4: {  	v1 =	vld.idx.msk [tilespmem:v2+s2+$0x0], $0xffff  }
0xa5: {  	v2 =	vor.u32 $0x30, v0;
	_ =	sdelay $0x3  }
0xa6: {  	[tilespmem:s16+$0x13300] =	vst v1  }
0xa7: {  	v1 =	vld.idx.msk [tilespmem:v2+s2+$0x0], $0xffff  }
0xa8: {  	v2 =	vor.u32 $0x31, v0;
	_ =	sdelay $0x3  }
0xa9: {  	[tilespmem:s16+$0x13400] =	vst v1  }
0xaa: {  	v1 =	vld.idx.msk [tilespmem:v2+s2+$0x0], $0xffff  }
0xab: {  	v2 =	vor.u32 $0x32, v0;
	_ =	sdelay $0x3  }
0xac: {  	[tilespmem:s16+$0x13500] =	vst v1  }
0xad: {  	v1 =	vld.idx.msk [tilespmem:v2+s2+$0x0], $0xffff  }
0xae: {  	v2 =	vor.u32 $0x33, v0;
	_ =	sdelay $0x3  }
0xaf: {  	[tilespmem:s16+$0x13600] =	vst v1  }
0xb0: {  	v1 =	vld.idx.msk [tilespmem:v2+s2+$0x0], $0xffff  }
0xb1: {  	v2 =	vor.u32 $0x34, v0;
	_ =	sdelay $0x3  }
0xb2: {  	[tilespmem:s16+$0x13700] =	vst v1  }
0xb3: {  	v1 =	vld.idx.msk [tilespmem:v2+s2+$0x0], $0xffff  }
0xb4: {  	v2 =	vor.u32 $0x35, v0;
	_ =	sdelay $0x3  }
0xb5: {  	[tilespmem:s16+$0x13800] =	vst v1  }
0xb6: {  	v1 =	vld.idx.msk [tilespmem:v2+s2+$0x0], $0xffff  }
0xb7: {  	v2 =	vor.u32 $0x36, v0;
	_ =	sdelay $0x3  }
0xb8: {  	[tilespmem:s16+$0x13900] =	vst v1  }
0xb9: {  	v1 =	vld.idx.msk [tilespmem:v2+s2+$0x0], $0xffff  }
0xba: {  	v2 =	vor.u32 $0x37, v0;
	_ =	sdelay $0x3  }
0xbb: {  	[tilespmem:s16+$0x13A00] =	vst v1  }
0xbc: {  	v1 =	vld.idx.msk [tilespmem:v2+s2+$0x0], $0xffff  }
0xbd: {  	v2 =	vor.u32 $0x38, v0;
	_ =	sdelay $0x3  }
0xbe: {  	[tilespmem:s16+$0x13B00] =	vst v1  }
0xbf: {  	v1 =	vld.idx.msk [tilespmem:v2+s2+$0x0], $0xffff  }
0xc0: {  	v2 =	vor.u32 $0x39, v0;
	_ =	sdelay $0x3  }
0xc1: {  	[tilespmem:s16+$0x13C00] =	vst v1  }
0xc2: {  	v1 =	vld.idx.msk [tilespmem:v2+s2+$0x0], $0xffff  }
0xc3: {  	v2 =	vor.u32 $0x3A, v0;
	_ =	sdelay $0x3  }
0xc4: {  	[tilespmem:s16+$0x13D00] =	vst v1  }
0xc5: {  	v1 =	vld.idx.msk [tilespmem:v2+s2+$0x0], $0xffff  }
0xc6: {  	v2 =	vor.u32 $0x3B, v0;
	_ =	sdelay $0x3  }
0xc7: {  	[tilespmem:s16+$0x13E00] =	vst v1  }
0xc8: {  	v1 =	vld.idx.msk [tilespmem:v2+s2+$0x0], $0xffff  }
0xc9: {  	v2 =	vor.u32 $0x3C, v0;
	_ =	sdelay $0x3  }
0xca: {  	[tilespmem:s16+$0x13F00] =	vst v1  }
0xcb: {  	v1 =	vld.idx.msk [tilespmem:v2+s2+$0x0], $0xffff  }
0xcc: {  	v2 =	vor.u32 $0x3D, v0;
	_ =	sdelay $0x3  }
0xcd: {  	[tilespmem:s16+$0x14000] =	vst v1  }
0xce: {  	v1 =	vld.idx.msk [tilespmem:v2+s2+$0x0], $0xffff  }
0xcf: {  	v2 =	vor.u32 $0x3E, v0;
	_ =	sdelay $0x3  }
0xd0: {  	[tilespmem:s16+$0x14100] =	vst v1  }
0xd1: {  	v1 =	vld.idx.msk [tilespmem:v2+s2+$0x0], $0xffff  }
0xd2: {  	v0 =	vor.u32 $0x3F, v0  }
0xd3: {  	s18 =	simm.s32 $0x10;
	s17 =	simm.s32 $0x80  }
.LBB2_2:
0xd4: {  	p0 =	sne.s32 s17, $0x3C0;
	v2 =	vld [tilespmem:s18+$0x10000];
	_ =	sdelay $0x1  }
0xd5: {  	[tilespmem:s16+$0x14200] =	vst v1  }
0xd6: {  	v1 =	vld.idx.msk [tilespmem:v0+s2+$0x0], $0xffff;
	_ =	sdelay $0x1  }
0xd7: {  	v0 =	vshll.u32 v2, $0x6;
	_ =	sdelay $0x3  }
0xd8: {  	[tilespmem:s16+$0x14300] =	vst v1;
	s16 =	smov.u32 s18  }
0xd9: {  	v1 =	vld.idx.msk [tilespmem:v0+s2+$0x0], $0xffff;
	_ =	sdelay $0x1  }
0xda: {  	v2 =	vor.u32 $0x1, v0;
	_ =	sdelay $0x3  }
0xdb: {  	[tilespmem:s16+$0x10400] =	vst v1  }
0xdc: {  	v1 =	vld.idx.msk [tilespmem:v2+s2+$0x0], $0xffff;
	_ =	sdelay $0x1  }
0xdd: {  	v2 =	vor.u32 $0x2, v0;
	_ =	sdelay $0x3  }
0xde: {  	[tilespmem:s16+$0x10500] =	vst v1  }
0xdf: {  	v1 =	vld.idx.msk [tilespmem:v2+s2+$0x0], $0xffff;
	_ =	sdelay $0x1  }
0xe0: {  	v2 =	vor.u32 $0x3, v0;
	_ =	sdelay $0x3  }
0xe1: {  	[tilespmem:s16+$0x10600] =	vst v1  }
0xe2: {  	v1 =	vld.idx.msk [tilespmem:v2+s2+$0x0], $0xffff;
	_ =	sdelay $0x1  }
0xe3: {  	v2 =	vor.u32 $0x4, v0;
	_ =	sdelay $0x3  }
0xe4: {  	[tilespmem:s16+$0x10700] =	vst v1  }
0xe5: {  	v1 =	vld.idx.msk [tilespmem:v2+s2+$0x0], $0xffff;
	_ =	sdelay $0x1  }
0xe6: {  	v2 =	vor.u32 $0x5, v0;
	_ =	sdelay $0x3  }
0xe7: {  	[tilespmem:s16+$0x10800] =	vst v1  }
0xe8: {  	v1 =	vld.idx.msk [tilespmem:v2+s2+$0x0], $0xffff;
	_ =	sdelay $0x1  }
0xe9: {  	v2 =	vor.u32 $0x6, v0;
	_ =	sdelay $0x3  }
0xea: {  	[tilespmem:s16+$0x10900] =	vst v1  }
0xeb: {  	v1 =	vld.idx.msk [tilespmem:v2+s2+$0x0], $0xffff;
	_ =	sdelay $0x1  }
0xec: {  	v2 =	vor.u32 $0x7, v0;
	_ =	sdelay $0x3  }
0xed: {  	[tilespmem:s16+$0x10A00] =	vst v1  }
0xee: {  	v1 =	vld.idx.msk [tilespmem:v2+s2+$0x0], $0xffff;
	_ =	sdelay $0x1  }
0xef: {  	v2 =	vor.u32 $0x8, v0;
	_ =	sdelay $0x3  }
0xf0: {  	[tilespmem:s16+$0x10B00] =	vst v1  }
0xf1: {  	v1 =	vld.idx.msk [tilespmem:v2+s2+$0x0], $0xffff;
	_ =	sdelay $0x1  }
0xf2: {  	v2 =	vor.u32 $0x9, v0;
	_ =	sdelay $0x3  }
0xf3: {  	[tilespmem:s16+$0x10C00] =	vst v1  }
0xf4: {  	v1 =	vld.idx.msk [tilespmem:v2+s2+$0x0], $0xffff;
	_ =	sdelay $0x1  }
0xf5: {  	v2 =	vor.u32 $0xA, v0;
	_ =	sdelay $0x3  }
0xf6: {  	[tilespmem:s16+$0x10D00] =	vst v1  }
0xf7: {  	v1 =	vld.idx.msk [tilespmem:v2+s2+$0x0], $0xffff;
	_ =	sdelay $0x1  }
0xf8: {  	v2 =	vor.u32 $0xB, v0;
	_ =	sdelay $0x3  }
0xf9: {  	[tilespmem:s16+$0x10E00] =	vst v1  }
0xfa: {  	v1 =	vld.idx.msk [tilespmem:v2+s2+$0x0], $0xffff;
	_ =	sdelay $0x1  }
0xfb: {  	v2 =	vor.u32 $0xC, v0;
	_ =	sdelay $0x3  }
0xfc: {  	[tilespmem:s16+$0x10F00] =	vst v1  }
0xfd: {  	v1 =	vld.idx.msk [tilespmem:v2+s2+$0x0], $0xffff;
	_ =	sdelay $0x1  }
0xfe: {  	v2 =	vor.u32 $0xD, v0;
	_ =	sdelay $0x3  }
0xff: {  	[tilespmem:s16+$0x11000] =	vst v1  }
0x100: {  	v1 =	vld.idx.msk [tilespmem:v2+s2+$0x0], $0xffff;
	_ =	sdelay $0x1  }
0x101: {  	v2 =	vor.u32 $0xE, v0;
	_ =	sdelay $0x3  }
0x102: {  	[tilespmem:s16+$0x11100] =	vst v1  }
0x103: {  	v1 =	vld.idx.msk [tilespmem:v2+s2+$0x0], $0xffff;
	_ =	sdelay $0x1  }
0x104: {  	v2 =	vor.u32 $0xF, v0;
	_ =	sdelay $0x3  }
0x105: {  	[tilespmem:s16+$0x11200] =	vst v1  }
0x106: {  	v1 =	vld.idx.msk [tilespmem:v2+s2+$0x0], $0xffff;
	_ =	sdelay $0x1  }
0x107: {  	v2 =	vor.u32 $0x10, v0;
	_ =	sdelay $0x3  }
0x108: {  	[tilespmem:s16+$0x11300] =	vst v1  }
0x109: {  	v1 =	vld.idx.msk [tilespmem:v2+s2+$0x0], $0xffff;
	_ =	sdelay $0x1  }
0x10a: {  	v2 =	vor.u32 $0x11, v0;
	_ =	sdelay $0x3  }
0x10b: {  	[tilespmem:s16+$0x11400] =	vst v1  }
0x10c: {  	v1 =	vld.idx.msk [tilespmem:v2+s2+$0x0], $0xffff;
	_ =	sdelay $0x1  }
0x10d: {  	v2 =	vor.u32 $0x12, v0;
	_ =	sdelay $0x3  }
0x10e: {  	[tilespmem:s16+$0x11500] =	vst v1  }
0x10f: {  	v1 =	vld.idx.msk [tilespmem:v2+s2+$0x0], $0xffff;
	_ =	sdelay $0x1  }
0x110: {  	v2 =	vor.u32 $0x13, v0;
	_ =	sdelay $0x3  }
0x111: {  	[tilespmem:s16+$0x11600] =	vst v1  }
0x112: {  	v1 =	vld.idx.msk [tilespmem:v2+s2+$0x0], $0xffff;
	_ =	sdelay $0x1  }
0x113: {  	v2 =	vor.u32 $0x14, v0;
	_ =	sdelay $0x3  }
0x114: {  	[tilespmem:s16+$0x11700] =	vst v1  }
0x115: {  	v1 =	vld.idx.msk [tilespmem:v2+s2+$0x0], $0xffff;
	_ =	sdelay $0x1  }
0x116: {  	v2 =	vor.u32 $0x15, v0;
	_ =	sdelay $0x3  }
0x117: {  	[tilespmem:s16+$0x11800] =	vst v1  }
0x118: {  	v1 =	vld.idx.msk [tilespmem:v2+s2+$0x0], $0xffff;
	_ =	sdelay $0x1  }
0x119: {  	v2 =	vor.u32 $0x16, v0;
	_ =	sdelay $0x3  }
0x11a: {  	[tilespmem:s16+$0x11900] =	vst v1  }
0x11b: {  	v1 =	vld.idx.msk [tilespmem:v2+s2+$0x0], $0xffff;
	_ =	sdelay $0x1  }
0x11c: {  	v2 =	vor.u32 $0x17, v0;
	_ =	sdelay $0x3  }
0x11d: {  	[tilespmem:s16+$0x11A00] =	vst v1  }
0x11e: {  	v1 =	vld.idx.msk [tilespmem:v2+s2+$0x0], $0xffff;
	_ =	sdelay $0x1  }
0x11f: {  	v2 =	vor.u32 $0x18, v0;
	_ =	sdelay $0x3  }
0x120: {  	[tilespmem:s16+$0x11B00] =	vst v1  }
0x121: {  	v1 =	vld.idx.msk [tilespmem:v2+s2+$0x0], $0xffff;
	_ =	sdelay $0x1  }
0x122: {  	v2 =	vor.u32 $0x19, v0;
	_ =	sdelay $0x3  }
0x123: {  	[tilespmem:s16+$0x11C00] =	vst v1  }
0x124: {  	v1 =	vld.idx.msk [tilespmem:v2+s2+$0x0], $0xffff;
	_ =	sdelay $0x1  }
0x125: {  	v2 =	vor.u32 $0x1A, v0;
	_ =	sdelay $0x3  }
0x126: {  	[tilespmem:s16+$0x11D00] =	vst v1  }
0x127: {  	v1 =	vld.idx.msk [tilespmem:v2+s2+$0x0], $0xffff;
	_ =	sdelay $0x1  }
0x128: {  	v2 =	vor.u32 $0x1B, v0;
	_ =	sdelay $0x3  }
0x129: {  	[tilespmem:s16+$0x11E00] =	vst v1  }
0x12a: {  	v1 =	vld.idx.msk [tilespmem:v2+s2+$0x0], $0xffff;
	_ =	sdelay $0x1  }
0x12b: {  	v2 =	vor.u32 $0x1C, v0;
	_ =	sdelay $0x3  }
0x12c: {  	[tilespmem:s16+$0x11F00] =	vst v1  }
0x12d: {  	v1 =	vld.idx.msk [tilespmem:v2+s2+$0x0], $0xffff;
	_ =	sdelay $0x1  }
0x12e: {  	v2 =	vor.u32 $0x1D, v0;
	_ =	sdelay $0x3  }
0x12f: {  	[tilespmem:s16+$0x12000] =	vst v1  }
0x130: {  	v1 =	vld.idx.msk [tilespmem:v2+s2+$0x0], $0xffff;
	_ =	sdelay $0x1  }
0x131: {  	v2 =	vor.u32 $0x1E, v0;
	_ =	sdelay $0x3  }
0x132: {  	[tilespmem:s16+$0x12100] =	vst v1  }
0x133: {  	v1 =	vld.idx.msk [tilespmem:v2+s2+$0x0], $0xffff;
	_ =	sdelay $0x1  }
0x134: {  	v2 =	vor.u32 $0x1F, v0;
	_ =	sdelay $0x3  }
0x135: {  	[tilespmem:s16+$0x12200] =	vst v1  }
0x136: {  	v1 =	vld.idx.msk [tilespmem:v2+s2+$0x0], $0xffff;
	_ =	sdelay $0x1  }
0x137: {  	v2 =	vor.u32 $0x20, v0;
	_ =	sdelay $0x3  }
0x138: {  	[tilespmem:s16+$0x12300] =	vst v1  }
0x139: {  	v1 =	vld.idx.msk [tilespmem:v2+s2+$0x0], $0xffff;
	_ =	sdelay $0x1  }
0x13a: {  	v2 =	vor.u32 $0x21, v0;
	_ =	sdelay $0x3  }
0x13b: {  	[tilespmem:s16+$0x12400] =	vst v1  }
0x13c: {  	v1 =	vld.idx.msk [tilespmem:v2+s2+$0x0], $0xffff;
	_ =	sdelay $0x1  }
0x13d: {  	v2 =	vor.u32 $0x22, v0;
	_ =	sdelay $0x3  }
0x13e: {  	[tilespmem:s16+$0x12500] =	vst v1  }
0x13f: {  	v1 =	vld.idx.msk [tilespmem:v2+s2+$0x0], $0xffff;
	_ =	sdelay $0x1  }
0x140: {  	v2 =	vor.u32 $0x23, v0;
	_ =	sdelay $0x3  }
0x141: {  	[tilespmem:s16+$0x12600] =	vst v1  }
0x142: {  	v1 =	vld.idx.msk [tilespmem:v2+s2+$0x0], $0xffff;
	_ =	sdelay $0x1  }
0x143: {  	v2 =	vor.u32 $0x24, v0;
	_ =	sdelay $0x3  }
0x144: {  	[tilespmem:s16+$0x12700] =	vst v1  }
0x145: {  	v1 =	vld.idx.msk [tilespmem:v2+s2+$0x0], $0xffff;
	_ =	sdelay $0x1  }
0x146: {  	v2 =	vor.u32 $0x25, v0;
	_ =	sdelay $0x3  }
0x147: {  	[tilespmem:s16+$0x12800] =	vst v1  }
0x148: {  	v1 =	vld.idx.msk [tilespmem:v2+s2+$0x0], $0xffff;
	_ =	sdelay $0x1  }
0x149: {  	v2 =	vor.u32 $0x26, v0;
	_ =	sdelay $0x3  }
0x14a: {  	[tilespmem:s16+$0x12900] =	vst v1  }
0x14b: {  	v1 =	vld.idx.msk [tilespmem:v2+s2+$0x0], $0xffff;
	_ =	sdelay $0x1  }
0x14c: {  	v2 =	vor.u32 $0x27, v0;
	_ =	sdelay $0x3  }
0x14d: {  	[tilespmem:s16+$0x12A00] =	vst v1  }
0x14e: {  	v1 =	vld.idx.msk [tilespmem:v2+s2+$0x0], $0xffff;
	_ =	sdelay $0x1  }
0x14f: {  	v2 =	vor.u32 $0x28, v0;
	_ =	sdelay $0x3  }
0x150: {  	[tilespmem:s16+$0x12B00] =	vst v1  }
0x151: {  	v1 =	vld.idx.msk [tilespmem:v2+s2+$0x0], $0xffff;
	_ =	sdelay $0x1  }
0x152: {  	v2 =	vor.u32 $0x29, v0;
	_ =	sdelay $0x3  }
0x153: {  	[tilespmem:s16+$0x12C00] =	vst v1  }
0x154: {  	v1 =	vld.idx.msk [tilespmem:v2+s2+$0x0], $0xffff;
	_ =	sdelay $0x1  }
0x155: {  	v2 =	vor.u32 $0x2A, v0;
	_ =	sdelay $0x3  }
0x156: {  	[tilespmem:s16+$0x12D00] =	vst v1  }
0x157: {  	v1 =	vld.idx.msk [tilespmem:v2+s2+$0x0], $0xffff;
	_ =	sdelay $0x1  }
0x158: {  	v2 =	vor.u32 $0x2B, v0;
	_ =	sdelay $0x3  }
0x159: {  	[tilespmem:s16+$0x12E00] =	vst v1  }
0x15a: {  	v1 =	vld.idx.msk [tilespmem:v2+s2+$0x0], $0xffff;
	_ =	sdelay $0x1  }
0x15b: {  	v2 =	vor.u32 $0x2C, v0;
	_ =	sdelay $0x3  }
0x15c: {  	[tilespmem:s16+$0x12F00] =	vst v1  }
0x15d: {  	v1 =	vld.idx.msk [tilespmem:v2+s2+$0x0], $0xffff;
	_ =	sdelay $0x1  }
0x15e: {  	v2 =	vor.u32 $0x2D, v0;
	_ =	sdelay $0x3  }
0x15f: {  	[tilespmem:s16+$0x13000] =	vst v1  }
0x160: {  	v1 =	vld.idx.msk [tilespmem:v2+s2+$0x0], $0xffff;
	_ =	sdelay $0x1  }
0x161: {  	v2 =	vor.u32 $0x2E, v0;
	_ =	sdelay $0x3  }
0x162: {  	[tilespmem:s16+$0x13100] =	vst v1  }
0x163: {  	v1 =	vld.idx.msk [tilespmem:v2+s2+$0x0], $0xffff;
	_ =	sdelay $0x1  }
0x164: {  	v2 =	vor.u32 $0x2F, v0;
	_ =	sdelay $0x3  }
0x165: {  	[tilespmem:s16+$0x13200] =	vst v1  }
0x166: {  	v1 =	vld.idx.msk [tilespmem:v2+s2+$0x0], $0xffff;
	_ =	sdelay $0x1  }
0x167: {  	v2 =	vor.u32 $0x30, v0;
	_ =	sdelay $0x3  }
0x168: {  	[tilespmem:s16+$0x13300] =	vst v1  }
0x169: {  	v1 =	vld.idx.msk [tilespmem:v2+s2+$0x0], $0xffff;
	_ =	sdelay $0x1  }
0x16a: {  	v2 =	vor.u32 $0x31, v0;
	_ =	sdelay $0x3  }
0x16b: {  	[tilespmem:s16+$0x13400] =	vst v1  }
0x16c: {  	v1 =	vld.idx.msk [tilespmem:v2+s2+$0x0], $0xffff;
	_ =	sdelay $0x1  }
0x16d: {  	v2 =	vor.u32 $0x32, v0;
	_ =	sdelay $0x3  }
0x16e: {  	[tilespmem:s16+$0x13500] =	vst v1  }
0x16f: {  	v1 =	vld.idx.msk [tilespmem:v2+s2+$0x0], $0xffff;
	_ =	sdelay $0x1  }
0x170: {  	v2 =	vor.u32 $0x33, v0;
	_ =	sdelay $0x3  }
0x171: {  	[tilespmem:s16+$0x13600] =	vst v1  }
0x172: {  	v1 =	vld.idx.msk [tilespmem:v2+s2+$0x0], $0xffff;
	_ =	sdelay $0x1  }
0x173: {  	v2 =	vor.u32 $0x34, v0;
	_ =	sdelay $0x3  }
0x174: {  	[tilespmem:s16+$0x13700] =	vst v1  }
0x175: {  	v1 =	vld.idx.msk [tilespmem:v2+s2+$0x0], $0xffff;
	_ =	sdelay $0x1  }
0x176: {  	v2 =	vor.u32 $0x35, v0;
	_ =	sdelay $0x3  }
0x177: {  	[tilespmem:s16+$0x13800] =	vst v1  }
0x178: {  	v1 =	vld.idx.msk [tilespmem:v2+s2+$0x0], $0xffff;
	_ =	sdelay $0x1  }
0x179: {  	v2 =	vor.u32 $0x36, v0;
	_ =	sdelay $0x3  }
0x17a: {  	[tilespmem:s16+$0x13900] =	vst v1  }
0x17b: {  	v1 =	vld.idx.msk [tilespmem:v2+s2+$0x0], $0xffff;
	_ =	sdelay $0x1  }
0x17c: {  	v2 =	vor.u32 $0x37, v0;
	_ =	sdelay $0x3  }
0x17d: {  	[tilespmem:s16+$0x13A00] =	vst v1  }
0x17e: {  	v1 =	vld.idx.msk [tilespmem:v2+s2+$0x0], $0xffff;
	_ =	sdelay $0x1  }
0x17f: {  	v2 =	vor.u32 $0x38, v0;
	_ =	sdelay $0x3  }
0x180: {  	[tilespmem:s16+$0x13B00] =	vst v1  }
0x181: {  	v1 =	vld.idx.msk [tilespmem:v2+s2+$0x0], $0xffff;
	_ =	sdelay $0x1  }
0x182: {  	v2 =	vor.u32 $0x39, v0;
	_ =	sdelay $0x3  }
0x183: {  	[tilespmem:s16+$0x13C00] =	vst v1  }
0x184: {  	v1 =	vld.idx.msk [tilespmem:v2+s2+$0x0], $0xffff;
	_ =	sdelay $0x1  }
0x185: {  	v2 =	vor.u32 $0x3A, v0;
	_ =	sdelay $0x3  }
0x186: {  	[tilespmem:s16+$0x13D00] =	vst v1  }
0x187: {  	v1 =	vld.idx.msk [tilespmem:v2+s2+$0x0], $0xffff;
	_ =	sdelay $0x1  }
0x188: {  	v2 =	vor.u32 $0x3B, v0;
	_ =	sdelay $0x3  }
0x189: {  	[tilespmem:s16+$0x13E00] =	vst v1  }
0x18a: {  	v1 =	vld.idx.msk [tilespmem:v2+s2+$0x0], $0xffff;
	_ =	sdelay $0x1  }
0x18b: {  	v2 =	vor.u32 $0x3C, v0;
	_ =	sdelay $0x3  }
0x18c: {  	[tilespmem:s16+$0x13F00] =	vst v1  }
0x18d: {  	v1 =	vld.idx.msk [tilespmem:v2+s2+$0x0], $0xffff;
	_ =	sdelay $0x1  }
0x18e: {  	v2 =	vor.u32 $0x3D, v0;
	_ =	sdelay $0x3  }
0x18f: {  	[tilespmem:s16+$0x14000] =	vst v1  }
0x190: {  	v1 =	vld.idx.msk [tilespmem:v2+s2+$0x0], $0xffff;
	_ =	sdelay $0x1  }
0x191: {  	v2 =	vor.u32 $0x3E, v0;
	_ =	sdelay $0x3  }
.Ltmp0:
0x192: {  	[tilespmem:s16+$0x14100] =	vst v1;
	(pc) =	sbr.rel @p0 .LBB2_2-.Ltmp0, $3  }
0x193: {  	v1 =	vld.idx.msk [tilespmem:v2+s2+$0x0], $0xffff;
	_ =	sdelay $0x1  }
0x194: {  	v0 =	vor.u32 $0x3F, v0  }
0x195: {  	s18 =	sshra.s32 s17, $0x2;
	s17 =	sadd.s32 $0x40, s17  }
0x196: {  	v2 =	vld [tilespmem:s18+$0x10000];
	_ =	sdelay $0x2  }
0x197: {  	[tilespmem:s16+$0x14200] =	vst v1  }
0x198: {  	v1 =	vld.idx.msk [tilespmem:v0+s2+$0x0], $0xffff  }
0x199: {  	v0 =	vshll.u32 v2, $0x6;
	_ =	sdelay $0x3  }
0x19a: {  	[tilespmem:s16+$0x14300] =	vst v1  }
0x19b: {  	v1 =	vld.idx.msk [tilespmem:v0+s2+$0x0], $0xffff  }
0x19c: {  	v2 =	vor.u32 $0x1, v0;
	_ =	sdelay $0x3  }
0x19d: {  	[tilespmem:s18+$0x10400] =	vst v1  }
0x19e: {  	v1 =	vld.idx.msk [tilespmem:v2+s2+$0x0], $0xffff  }
0x19f: {  	v2 =	vor.u32 $0x2, v0;
	_ =	sdelay $0x3  }
0x1a0: {  	[tilespmem:s18+$0x10500] =	vst v1  }
0x1a1: {  	v1 =	vld.idx.msk [tilespmem:v2+s2+$0x0], $0xffff  }
0x1a2: {  	v2 =	vor.u32 $0x3, v0;
	_ =	sdelay $0x3  }
0x1a3: {  	[tilespmem:s18+$0x10600] =	vst v1  }
0x1a4: {  	v1 =	vld.idx.msk [tilespmem:v2+s2+$0x0], $0xffff  }
0x1a5: {  	v2 =	vor.u32 $0x4, v0;
	_ =	sdelay $0x3  }
0x1a6: {  	[tilespmem:s18+$0x10700] =	vst v1  }
0x1a7: {  	v1 =	vld.idx.msk [tilespmem:v2+s2+$0x0], $0xffff  }
0x1a8: {  	v2 =	vor.u32 $0x5, v0;
	_ =	sdelay $0x3  }
0x1a9: {  	[tilespmem:s18+$0x10800] =	vst v1  }
0x1aa: {  	v1 =	vld.idx.msk [tilespmem:v2+s2+$0x0], $0xffff  }
0x1ab: {  	v2 =	vor.u32 $0x6, v0;
	_ =	sdelay $0x3  }
0x1ac: {  	[tilespmem:s18+$0x10900] =	vst v1  }
0x1ad: {  	v1 =	vld.idx.msk [tilespmem:v2+s2+$0x0], $0xffff  }
0x1ae: {  	v2 =	vor.u32 $0x7, v0;
	_ =	sdelay $0x3  }
0x1af: {  	[tilespmem:s18+$0x10A00] =	vst v1  }
0x1b0: {  	v1 =	vld.idx.msk [tilespmem:v2+s2+$0x0], $0xffff  }
0x1b1: {  	v2 =	vor.u32 $0x8, v0;
	_ =	sdelay $0x3  }
0x1b2: {  	[tilespmem:s18+$0x10B00] =	vst v1  }
0x1b3: {  	v1 =	vld.idx.msk [tilespmem:v2+s2+$0x0], $0xffff  }
0x1b4: {  	v2 =	vor.u32 $0x9, v0;
	_ =	sdelay $0x3  }
0x1b5: {  	[tilespmem:s18+$0x10C00] =	vst v1  }
0x1b6: {  	v1 =	vld.idx.msk [tilespmem:v2+s2+$0x0], $0xffff  }
0x1b7: {  	v2 =	vor.u32 $0xA, v0;
	_ =	sdelay $0x3  }
0x1b8: {  	[tilespmem:s18+$0x10D00] =	vst v1  }
0x1b9: {  	v1 =	vld.idx.msk [tilespmem:v2+s2+$0x0], $0xffff  }
0x1ba: {  	v2 =	vor.u32 $0xB, v0;
	_ =	sdelay $0x3  }
0x1bb: {  	[tilespmem:s18+$0x10E00] =	vst v1  }
0x1bc: {  	v1 =	vld.idx.msk [tilespmem:v2+s2+$0x0], $0xffff  }
0x1bd: {  	v2 =	vor.u32 $0xC, v0;
	_ =	sdelay $0x3  }
0x1be: {  	[tilespmem:s18+$0x10F00] =	vst v1  }
0x1bf: {  	v1 =	vld.idx.msk [tilespmem:v2+s2+$0x0], $0xffff  }
0x1c0: {  	v2 =	vor.u32 $0xD, v0;
	_ =	sdelay $0x3  }
0x1c1: {  	[tilespmem:s18+$0x11000] =	vst v1  }
0x1c2: {  	v1 =	vld.idx.msk [tilespmem:v2+s2+$0x0], $0xffff  }
0x1c3: {  	v2 =	vor.u32 $0xE, v0;
	_ =	sdelay $0x3  }
0x1c4: {  	[tilespmem:s18+$0x11100] =	vst v1  }
0x1c5: {  	v1 =	vld.idx.msk [tilespmem:v2+s2+$0x0], $0xffff  }
0x1c6: {  	v2 =	vor.u32 $0xF, v0;
	_ =	sdelay $0x3  }
0x1c7: {  	[tilespmem:s18+$0x11200] =	vst v1  }
0x1c8: {  	v1 =	vld.idx.msk [tilespmem:v2+s2+$0x0], $0xffff  }
0x1c9: {  	v2 =	vor.u32 $0x10, v0;
	_ =	sdelay $0x3  }
0x1ca: {  	[tilespmem:s18+$0x11300] =	vst v1  }
0x1cb: {  	v1 =	vld.idx.msk [tilespmem:v2+s2+$0x0], $0xffff  }
0x1cc: {  	v2 =	vor.u32 $0x11, v0;
	_ =	sdelay $0x3  }
0x1cd: {  	[tilespmem:s18+$0x11400] =	vst v1  }
0x1ce: {  	v1 =	vld.idx.msk [tilespmem:v2+s2+$0x0], $0xffff  }
0x1cf: {  	v2 =	vor.u32 $0x12, v0;
	_ =	sdelay $0x3  }
0x1d0: {  	[tilespmem:s18+$0x11500] =	vst v1  }
0x1d1: {  	v1 =	vld.idx.msk [tilespmem:v2+s2+$0x0], $0xffff  }
0x1d2: {  	v2 =	vor.u32 $0x13, v0;
	_ =	sdelay $0x3  }
0x1d3: {  	[tilespmem:s18+$0x11600] =	vst v1  }
0x1d4: {  	v1 =	vld.idx.msk [tilespmem:v2+s2+$0x0], $0xffff  }
0x1d5: {  	v2 =	vor.u32 $0x14, v0;
	_ =	sdelay $0x3  }
0x1d6: {  	[tilespmem:s18+$0x11700] =	vst v1  }
0x1d7: {  	v1 =	vld.idx.msk [tilespmem:v2+s2+$0x0], $0xffff  }
0x1d8: {  	v2 =	vor.u32 $0x15, v0;
	_ =	sdelay $0x3  }
0x1d9: {  	[tilespmem:s18+$0x11800] =	vst v1  }
0x1da: {  	v1 =	vld.idx.msk [tilespmem:v2+s2+$0x0], $0xffff  }
0x1db: {  	v2 =	vor.u32 $0x16, v0;
	_ =	sdelay $0x3  }
0x1dc: {  	[tilespmem:s18+$0x11900] =	vst v1  }
0x1dd: {  	v1 =	vld.idx.msk [tilespmem:v2+s2+$0x0], $0xffff  }
0x1de: {  	v2 =	vor.u32 $0x17, v0;
	_ =	sdelay $0x3  }
0x1df: {  	[tilespmem:s18+$0x11A00] =	vst v1  }
0x1e0: {  	v1 =	vld.idx.msk [tilespmem:v2+s2+$0x0], $0xffff  }
0x1e1: {  	v2 =	vor.u32 $0x18, v0;
	_ =	sdelay $0x3  }
0x1e2: {  	[tilespmem:s18+$0x11B00] =	vst v1  }
0x1e3: {  	v1 =	vld.idx.msk [tilespmem:v2+s2+$0x0], $0xffff  }
0x1e4: {  	v2 =	vor.u32 $0x19, v0;
	_ =	sdelay $0x3  }
0x1e5: {  	[tilespmem:s18+$0x11C00] =	vst v1  }
0x1e6: {  	v1 =	vld.idx.msk [tilespmem:v2+s2+$0x0], $0xffff  }
0x1e7: {  	v2 =	vor.u32 $0x1A, v0;
	_ =	sdelay $0x3  }
0x1e8: {  	[tilespmem:s18+$0x11D00] =	vst v1  }
0x1e9: {  	v1 =	vld.idx.msk [tilespmem:v2+s2+$0x0], $0xffff  }
0x1ea: {  	v2 =	vor.u32 $0x1B, v0;
	_ =	sdelay $0x3  }
0x1eb: {  	[tilespmem:s18+$0x11E00] =	vst v1  }
0x1ec: {  	v1 =	vld.idx.msk [tilespmem:v2+s2+$0x0], $0xffff  }
0x1ed: {  	v2 =	vor.u32 $0x1C, v0;
	_ =	sdelay $0x3  }
0x1ee: {  	[tilespmem:s18+$0x11F00] =	vst v1  }
0x1ef: {  	v1 =	vld.idx.msk [tilespmem:v2+s2+$0x0], $0xffff  }
0x1f0: {  	v2 =	vor.u32 $0x1D, v0;
	_ =	sdelay $0x3  }
0x1f1: {  	[tilespmem:s18+$0x12000] =	vst v1  }
0x1f2: {  	v1 =	vld.idx.msk [tilespmem:v2+s2+$0x0], $0xffff  }
0x1f3: {  	v2 =	vor.u32 $0x1E, v0;
	_ =	sdelay $0x3  }
0x1f4: {  	[tilespmem:s18+$0x12100] =	vst v1  }
0x1f5: {  	v1 =	vld.idx.msk [tilespmem:v2+s2+$0x0], $0xffff  }
0x1f6: {  	v2 =	vor.u32 $0x1F, v0;
	_ =	sdelay $0x3  }
0x1f7: {  	[tilespmem:s18+$0x12200] =	vst v1  }
0x1f8: {  	v1 =	vld.idx.msk [tilespmem:v2+s2+$0x0], $0xffff  }
0x1f9: {  	v2 =	vor.u32 $0x20, v0;
	_ =	sdelay $0x3  }
0x1fa: {  	[tilespmem:s18+$0x12300] =	vst v1  }
0x1fb: {  	v1 =	vld.idx.msk [tilespmem:v2+s2+$0x0], $0xffff  }
0x1fc: {  	v2 =	vor.u32 $0x21, v0;
	_ =	sdelay $0x3  }
0x1fd: {  	[tilespmem:s18+$0x12400] =	vst v1  }
0x1fe: {  	v1 =	vld.idx.msk [tilespmem:v2+s2+$0x0], $0xffff  }
0x1ff: {  	v2 =	vor.u32 $0x22, v0;
	_ =	sdelay $0x3  }
0x200: {  	[tilespmem:s18+$0x12500] =	vst v1  }
0x201: {  	v1 =	vld.idx.msk [tilespmem:v2+s2+$0x0], $0xffff  }
0x202: {  	v2 =	vor.u32 $0x23, v0;
	_ =	sdelay $0x3  }
0x203: {  	[tilespmem:s18+$0x12600] =	vst v1  }
0x204: {  	v1 =	vld.idx.msk [tilespmem:v2+s2+$0x0], $0xffff  }
0x205: {  	v2 =	vor.u32 $0x24, v0;
	_ =	sdelay $0x3  }
0x206: {  	[tilespmem:s18+$0x12700] =	vst v1  }
0x207: {  	v1 =	vld.idx.msk [tilespmem:v2+s2+$0x0], $0xffff  }
0x208: {  	v2 =	vor.u32 $0x25, v0;
	_ =	sdelay $0x3  }
0x209: {  	[tilespmem:s18+$0x12800] =	vst v1  }
0x20a: {  	v1 =	vld.idx.msk [tilespmem:v2+s2+$0x0], $0xffff  }
0x20b: {  	v2 =	vor.u32 $0x26, v0;
	_ =	sdelay $0x3  }
0x20c: {  	[tilespmem:s18+$0x12900] =	vst v1  }
0x20d: {  	v1 =	vld.idx.msk [tilespmem:v2+s2+$0x0], $0xffff  }
0x20e: {  	v2 =	vor.u32 $0x27, v0;
	_ =	sdelay $0x3  }
0x20f: {  	[tilespmem:s18+$0x12A00] =	vst v1  }
0x210: {  	v1 =	vld.idx.msk [tilespmem:v2+s2+$0x0], $0xffff  }
0x211: {  	v2 =	vor.u32 $0x28, v0;
	_ =	sdelay $0x3  }
0x212: {  	[tilespmem:s18+$0x12B00] =	vst v1  }
0x213: {  	v1 =	vld.idx.msk [tilespmem:v2+s2+$0x0], $0xffff  }
0x214: {  	v2 =	vor.u32 $0x29, v0;
	_ =	sdelay $0x3  }
0x215: {  	[tilespmem:s18+$0x12C00] =	vst v1  }
0x216: {  	v1 =	vld.idx.msk [tilespmem:v2+s2+$0x0], $0xffff  }
0x217: {  	v2 =	vor.u32 $0x2A, v0;
	_ =	sdelay $0x3  }
0x218: {  	[tilespmem:s18+$0x12D00] =	vst v1  }
0x219: {  	v1 =	vld.idx.msk [tilespmem:v2+s2+$0x0], $0xffff  }
0x21a: {  	v2 =	vor.u32 $0x2B, v0;
	_ =	sdelay $0x3  }
0x21b: {  	[tilespmem:s18+$0x12E00] =	vst v1  }
0x21c: {  	v1 =	vld.idx.msk [tilespmem:v2+s2+$0x0], $0xffff  }
0x21d: {  	v2 =	vor.u32 $0x2C, v0;
	_ =	sdelay $0x3  }
0x21e: {  	[tilespmem:s18+$0x12F00] =	vst v1  }
0x21f: {  	v1 =	vld.idx.msk [tilespmem:v2+s2+$0x0], $0xffff  }
0x220: {  	v2 =	vor.u32 $0x2D, v0;
	_ =	sdelay $0x3  }
0x221: {  	[tilespmem:s18+$0x13000] =	vst v1  }
0x222: {  	v1 =	vld.idx.msk [tilespmem:v2+s2+$0x0], $0xffff  }
0x223: {  	v2 =	vor.u32 $0x2E, v0;
	_ =	sdelay $0x3  }
0x224: {  	[tilespmem:s18+$0x13100] =	vst v1  }
0x225: {  	v1 =	vld.idx.msk [tilespmem:v2+s2+$0x0], $0xffff  }
0x226: {  	v2 =	vor.u32 $0x2F, v0;
	_ =	sdelay $0x3  }
0x227: {  	[tilespmem:s18+$0x13200] =	vst v1  }
0x228: {  	v1 =	vld.idx.msk [tilespmem:v2+s2+$0x0], $0xffff  }
0x229: {  	v2 =	vor.u32 $0x30, v0;
	_ =	sdelay $0x3  }
0x22a: {  	[tilespmem:s18+$0x13300] =	vst v1  }
0x22b: {  	v1 =	vld.idx.msk [tilespmem:v2+s2+$0x0], $0xffff  }
0x22c: {  	v2 =	vor.u32 $0x31, v0;
	_ =	sdelay $0x3  }
0x22d: {  	[tilespmem:s18+$0x13400] =	vst v1  }
0x22e: {  	v1 =	vld.idx.msk [tilespmem:v2+s2+$0x0], $0xffff  }
0x22f: {  	v2 =	vor.u32 $0x32, v0;
	_ =	sdelay $0x3  }
0x230: {  	[tilespmem:s18+$0x13500] =	vst v1  }
0x231: {  	v1 =	vld.idx.msk [tilespmem:v2+s2+$0x0], $0xffff  }
0x232: {  	v2 =	vor.u32 $0x33, v0;
	_ =	sdelay $0x3  }
0x233: {  	[tilespmem:s18+$0x13600] =	vst v1  }
0x234: {  	v1 =	vld.idx.msk [tilespmem:v2+s2+$0x0], $0xffff  }
0x235: {  	v2 =	vor.u32 $0x34, v0;
	_ =	sdelay $0x3  }
0x236: {  	[tilespmem:s18+$0x13700] =	vst v1  }
0x237: {  	v1 =	vld.idx.msk [tilespmem:v2+s2+$0x0], $0xffff  }
0x238: {  	v2 =	vor.u32 $0x35, v0;
	_ =	sdelay $0x3  }
0x239: {  	[tilespmem:s18+$0x13800] =	vst v1  }
0x23a: {  	v1 =	vld.idx.msk [tilespmem:v2+s2+$0x0], $0xffff  }
0x23b: {  	v2 =	vor.u32 $0x36, v0;
	_ =	sdelay $0x3  }
0x23c: {  	[tilespmem:s18+$0x13900] =	vst v1  }
0x23d: {  	v1 =	vld.idx.msk [tilespmem:v2+s2+$0x0], $0xffff  }
0x23e: {  	v2 =	vor.u32 $0x37, v0;
	_ =	sdelay $0x3  }
0x23f: {  	[tilespmem:s18+$0x13A00] =	vst v1  }
0x240: {  	v1 =	vld.idx.msk [tilespmem:v2+s2+$0x0], $0xffff  }
0x241: {  	v2 =	vor.u32 $0x38, v0;
	_ =	sdelay $0x3  }
0x242: {  	[tilespmem:s18+$0x13B00] =	vst v1  }
0x243: {  	v1 =	vld.idx.msk [tilespmem:v2+s2+$0x0], $0xffff  }
0x244: {  	v2 =	vor.u32 $0x39, v0;
	_ =	sdelay $0x3  }
0x245: {  	[tilespmem:s18+$0x13C00] =	vst v1  }
0x246: {  	v1 =	vld.idx.msk [tilespmem:v2+s2+$0x0], $0xffff  }
0x247: {  	v2 =	vor.u32 $0x3A, v0;
	_ =	sdelay $0x3  }
0x248: {  	[tilespmem:s18+$0x13D00] =	vst v1  }
0x249: {  	v1 =	vld.idx.msk [tilespmem:v2+s2+$0x0], $0xffff  }
0x24a: {  	v2 =	vor.u32 $0x3B, v0;
	_ =	sdelay $0x3  }
0x24b: {  	[tilespmem:s18+$0x13E00] =	vst v1  }
0x24c: {  	v1 =	vld.idx.msk [tilespmem:v2+s2+$0x0], $0xffff  }
0x24d: {  	v2 =	vor.u32 $0x3C, v0;
	_ =	sdelay $0x3  }
0x24e: {  	[tilespmem:s18+$0x13F00] =	vst v1  }
0x24f: {  	v1 =	vld.idx.msk [tilespmem:v2+s2+$0x0], $0xffff  }
0x250: {  	v2 =	vor.u32 $0x3D, v0;
	_ =	sdelay $0x3  }
0x251: {  	[tilespmem:s18+$0x14000] =	vst v1  }
0x252: {  	v1 =	vld.idx.msk [tilespmem:v2+s2+$0x0], $0xffff  }
0x253: {  	v2 =	vor.u32 $0x3E, v0;
	_ =	sdelay $0x3  }
0x254: {  	[tilespmem:s18+$0x14100] =	vst v1  }
0x255: {  	v1 =	vld.idx.msk [tilespmem:v2+s2+$0x0], $0xffff  }
0x256: {  	v0 =	vor.u32 $0x3F, v0;
	_ =	sdelay $0x3  }
0x257: {  	[tilespmem:s18+$0x14200] =	vst v1  }
0x258: {  	v0 =	vld.idx.msk [tilespmem:v0+s2+$0x0], $0xffff;
	_ =	sdelay $0x4  }
0x259: {  	[tilespmem:s18+$0x14300] =	vst v0  }
0x25a: {  	[hbm4b:s4+s12] =	stream.strided.scatter [tilespmem:s14], [sflag:$0x1], $0x4000, s13, s12, $0x38;
	[tilespmem:$0x14400] =	vst v63  }
0x25b: {  	_ =	swait.ge [sflag:s10], $0x4000  }
0x25c: {  	[sflag:s10] =	ssyncset.done $0x0  }
0x25d: {  	s16 =	simm.s32 $0x0;
	[sflag:s10] =	ssyncadd.s32 $0xFFFFC000  }
0x25e: {  	v0 =	vld [tilespmem:s16+$0x10100];
	_ =	sdelay $0x4  }
0x25f: {  	v0 =	vshll.u32 v0, $0x6;
	_ =	sdelay $0x4  }
0x260: {  	v1 =	vld.idx.msk [tilespmem:v0+s2+$0x0], $0xffff  }
0x261: {  	v2 =	vor.u32 $0x1, v0;
	_ =	sdelay $0x3  }
0x262: {  	[tilespmem:s16+$0x10400] =	vst v1  }
0x263: {  	v1 =	vld.idx.msk [tilespmem:v2+s2+$0x0], $0xffff  }
0x264: {  	v2 =	vor.u32 $0x2, v0;
	_ =	sdelay $0x3  }
0x265: {  	[tilespmem:s16+$0x10500] =	vst v1  }
0x266: {  	v1 =	vld.idx.msk [tilespmem:v2+s2+$0x0], $0xffff  }
0x267: {  	v2 =	vor.u32 $0x3, v0;
	_ =	sdelay $0x3  }
0x268: {  	[tilespmem:s16+$0x10600] =	vst v1  }
0x269: {  	v1 =	vld.idx.msk [tilespmem:v2+s2+$0x0], $0xffff  }
0x26a: {  	v2 =	vor.u32 $0x4, v0;
	_ =	sdelay $0x3  }
0x26b: {  	[tilespmem:s16+$0x10700] =	vst v1  }
0x26c: {  	v1 =	vld.idx.msk [tilespmem:v2+s2+$0x0], $0xffff  }
0x26d: {  	v2 =	vor.u32 $0x5, v0;
	_ =	sdelay $0x3  }
0x26e: {  	[tilespmem:s16+$0x10800] =	vst v1  }
0x26f: {  	v1 =	vld.idx.msk [tilespmem:v2+s2+$0x0], $0xffff  }
0x270: {  	v2 =	vor.u32 $0x6, v0;
	_ =	sdelay $0x3  }
0x271: {  	[tilespmem:s16+$0x10900] =	vst v1  }
0x272: {  	v1 =	vld.idx.msk [tilespmem:v2+s2+$0x0], $0xffff  }
0x273: {  	v2 =	vor.u32 $0x7, v0;
	_ =	sdelay $0x3  }
0x274: {  	[tilespmem:s16+$0x10A00] =	vst v1  }
0x275: {  	v1 =	vld.idx.msk [tilespmem:v2+s2+$0x0], $0xffff  }
0x276: {  	v2 =	vor.u32 $0x8, v0;
	_ =	sdelay $0x3  }
0x277: {  	[tilespmem:s16+$0x10B00] =	vst v1  }
0x278: {  	v1 =	vld.idx.msk [tilespmem:v2+s2+$0x0], $0xffff  }
0x279: {  	v2 =	vor.u32 $0x9, v0;
	_ =	sdelay $0x3  }
0x27a: {  	[tilespmem:s16+$0x10C00] =	vst v1  }
0x27b: {  	v1 =	vld.idx.msk [tilespmem:v2+s2+$0x0], $0xffff  }
0x27c: {  	v2 =	vor.u32 $0xA, v0;
	_ =	sdelay $0x3  }
0x27d: {  	[tilespmem:s16+$0x10D00] =	vst v1  }
0x27e: {  	v1 =	vld.idx.msk [tilespmem:v2+s2+$0x0], $0xffff  }
0x27f: {  	v2 =	vor.u32 $0xB, v0;
	_ =	sdelay $0x3  }
0x280: {  	[tilespmem:s16+$0x10E00] =	vst v1  }
0x281: {  	v1 =	vld.idx.msk [tilespmem:v2+s2+$0x0], $0xffff  }
0x282: {  	v2 =	vor.u32 $0xC, v0;
	_ =	sdelay $0x3  }
0x283: {  	[tilespmem:s16+$0x10F00] =	vst v1  }
0x284: {  	v1 =	vld.idx.msk [tilespmem:v2+s2+$0x0], $0xffff  }
0x285: {  	v2 =	vor.u32 $0xD, v0;
	_ =	sdelay $0x3  }
0x286: {  	[tilespmem:s16+$0x11000] =	vst v1  }
0x287: {  	v1 =	vld.idx.msk [tilespmem:v2+s2+$0x0], $0xffff  }
0x288: {  	v2 =	vor.u32 $0xE, v0;
	_ =	sdelay $0x3  }
0x289: {  	[tilespmem:s16+$0x11100] =	vst v1  }
0x28a: {  	v1 =	vld.idx.msk [tilespmem:v2+s2+$0x0], $0xffff  }
0x28b: {  	v2 =	vor.u32 $0xF, v0;
	_ =	sdelay $0x3  }
0x28c: {  	[tilespmem:s16+$0x11200] =	vst v1  }
0x28d: {  	v1 =	vld.idx.msk [tilespmem:v2+s2+$0x0], $0xffff  }
0x28e: {  	v2 =	vor.u32 $0x10, v0;
	_ =	sdelay $0x3  }
0x28f: {  	[tilespmem:s16+$0x11300] =	vst v1  }
0x290: {  	v1 =	vld.idx.msk [tilespmem:v2+s2+$0x0], $0xffff  }
0x291: {  	v2 =	vor.u32 $0x11, v0;
	_ =	sdelay $0x3  }
0x292: {  	[tilespmem:s16+$0x11400] =	vst v1  }
0x293: {  	v1 =	vld.idx.msk [tilespmem:v2+s2+$0x0], $0xffff  }
0x294: {  	v2 =	vor.u32 $0x12, v0;
	_ =	sdelay $0x3  }
0x295: {  	[tilespmem:s16+$0x11500] =	vst v1  }
0x296: {  	v1 =	vld.idx.msk [tilespmem:v2+s2+$0x0], $0xffff  }
0x297: {  	v2 =	vor.u32 $0x13, v0;
	_ =	sdelay $0x3  }
0x298: {  	[tilespmem:s16+$0x11600] =	vst v1  }
0x299: {  	v1 =	vld.idx.msk [tilespmem:v2+s2+$0x0], $0xffff  }
0x29a: {  	v2 =	vor.u32 $0x14, v0;
	_ =	sdelay $0x3  }
0x29b: {  	[tilespmem:s16+$0x11700] =	vst v1  }
0x29c: {  	v1 =	vld.idx.msk [tilespmem:v2+s2+$0x0], $0xffff  }
0x29d: {  	v2 =	vor.u32 $0x15, v0;
	_ =	sdelay $0x3  }
0x29e: {  	[tilespmem:s16+$0x11800] =	vst v1  }
0x29f: {  	v1 =	vld.idx.msk [tilespmem:v2+s2+$0x0], $0xffff  }
0x2a0: {  	v2 =	vor.u32 $0x16, v0;
	_ =	sdelay $0x3  }
0x2a1: {  	[tilespmem:s16+$0x11900] =	vst v1  }
0x2a2: {  	v1 =	vld.idx.msk [tilespmem:v2+s2+$0x0], $0xffff  }
0x2a3: {  	v2 =	vor.u32 $0x17, v0;
	_ =	sdelay $0x3  }
0x2a4: {  	[tilespmem:s16+$0x11A00] =	vst v1  }
0x2a5: {  	v1 =	vld.idx.msk [tilespmem:v2+s2+$0x0], $0xffff  }
0x2a6: {  	v2 =	vor.u32 $0x18, v0;
	_ =	sdelay $0x3  }
0x2a7: {  	[tilespmem:s16+$0x11B00] =	vst v1  }
0x2a8: {  	v1 =	vld.idx.msk [tilespmem:v2+s2+$0x0], $0xffff  }
0x2a9: {  	v2 =	vor.u32 $0x19, v0;
	_ =	sdelay $0x3  }
0x2aa: {  	[tilespmem:s16+$0x11C00] =	vst v1  }
0x2ab: {  	v1 =	vld.idx.msk [tilespmem:v2+s2+$0x0], $0xffff  }
0x2ac: {  	v2 =	vor.u32 $0x1A, v0;
	_ =	sdelay $0x3  }
0x2ad: {  	[tilespmem:s16+$0x11D00] =	vst v1  }
0x2ae: {  	v1 =	vld.idx.msk [tilespmem:v2+s2+$0x0], $0xffff  }
0x2af: {  	v2 =	vor.u32 $0x1B, v0;
	_ =	sdelay $0x3  }
0x2b0: {  	[tilespmem:s16+$0x11E00] =	vst v1  }
0x2b1: {  	v1 =	vld.idx.msk [tilespmem:v2+s2+$0x0], $0xffff  }
0x2b2: {  	v2 =	vor.u32 $0x1C, v0;
	_ =	sdelay $0x3  }
0x2b3: {  	[tilespmem:s16+$0x11F00] =	vst v1  }
0x2b4: {  	v1 =	vld.idx.msk [tilespmem:v2+s2+$0x0], $0xffff  }
0x2b5: {  	v2 =	vor.u32 $0x1D, v0;
	_ =	sdelay $0x3  }
0x2b6: {  	[tilespmem:s16+$0x12000] =	vst v1  }
0x2b7: {  	v1 =	vld.idx.msk [tilespmem:v2+s2+$0x0], $0xffff  }
0x2b8: {  	v2 =	vor.u32 $0x1E, v0;
	_ =	sdelay $0x3  }
0x2b9: {  	[tilespmem:s16+$0x12100] =	vst v1  }
0x2ba: {  	v1 =	vld.idx.msk [tilespmem:v2+s2+$0x0], $0xffff  }
0x2bb: {  	v2 =	vor.u32 $0x1F, v0;
	_ =	sdelay $0x3  }
0x2bc: {  	[tilespmem:s16+$0x12200] =	vst v1  }
0x2bd: {  	v1 =	vld.idx.msk [tilespmem:v2+s2+$0x0], $0xffff  }
0x2be: {  	v2 =	vor.u32 $0x20, v0;
	_ =	sdelay $0x3  }
0x2bf: {  	[tilespmem:s16+$0x12300] =	vst v1  }
0x2c0: {  	v1 =	vld.idx.msk [tilespmem:v2+s2+$0x0], $0xffff  }
0x2c1: {  	v2 =	vor.u32 $0x21, v0;
	_ =	sdelay $0x3  }
0x2c2: {  	[tilespmem:s16+$0x12400] =	vst v1  }
0x2c3: {  	v1 =	vld.idx.msk [tilespmem:v2+s2+$0x0], $0xffff  }
0x2c4: {  	v2 =	vor.u32 $0x22, v0;
	_ =	sdelay $0x3  }
0x2c5: {  	[tilespmem:s16+$0x12500] =	vst v1  }
0x2c6: {  	v1 =	vld.idx.msk [tilespmem:v2+s2+$0x0], $0xffff  }
0x2c7: {  	v2 =	vor.u32 $0x23, v0;
	_ =	sdelay $0x3  }
0x2c8: {  	[tilespmem:s16+$0x12600] =	vst v1  }
0x2c9: {  	v1 =	vld.idx.msk [tilespmem:v2+s2+$0x0], $0xffff  }
0x2ca: {  	v2 =	vor.u32 $0x24, v0;
	_ =	sdelay $0x3  }
0x2cb: {  	[tilespmem:s16+$0x12700] =	vst v1  }
0x2cc: {  	v1 =	vld.idx.msk [tilespmem:v2+s2+$0x0], $0xffff  }
0x2cd: {  	v2 =	vor.u32 $0x25, v0;
	_ =	sdelay $0x3  }
0x2ce: {  	[tilespmem:s16+$0x12800] =	vst v1  }
0x2cf: {  	v1 =	vld.idx.msk [tilespmem:v2+s2+$0x0], $0xffff  }
0x2d0: {  	v2 =	vor.u32 $0x26, v0;
	_ =	sdelay $0x3  }
0x2d1: {  	[tilespmem:s16+$0x12900] =	vst v1  }
0x2d2: {  	v1 =	vld.idx.msk [tilespmem:v2+s2+$0x0], $0xffff  }
0x2d3: {  	v2 =	vor.u32 $0x27, v0;
	_ =	sdelay $0x3  }
0x2d4: {  	[tilespmem:s16+$0x12A00] =	vst v1  }
0x2d5: {  	v1 =	vld.idx.msk [tilespmem:v2+s2+$0x0], $0xffff  }
0x2d6: {  	v2 =	vor.u32 $0x28, v0;
	_ =	sdelay $0x3  }
0x2d7: {  	[tilespmem:s16+$0x12B00] =	vst v1  }
0x2d8: {  	v1 =	vld.idx.msk [tilespmem:v2+s2+$0x0], $0xffff  }
0x2d9: {  	v2 =	vor.u32 $0x29, v0;
	_ =	sdelay $0x3  }
0x2da: {  	[tilespmem:s16+$0x12C00] =	vst v1  }
0x2db: {  	v1 =	vld.idx.msk [tilespmem:v2+s2+$0x0], $0xffff  }
0x2dc: {  	v2 =	vor.u32 $0x2A, v0;
	_ =	sdelay $0x3  }
0x2dd: {  	[tilespmem:s16+$0x12D00] =	vst v1  }
0x2de: {  	v1 =	vld.idx.msk [tilespmem:v2+s2+$0x0], $0xffff  }
0x2df: {  	v2 =	vor.u32 $0x2B, v0;
	_ =	sdelay $0x3  }
0x2e0: {  	[tilespmem:s16+$0x12E00] =	vst v1  }
0x2e1: {  	v1 =	vld.idx.msk [tilespmem:v2+s2+$0x0], $0xffff  }
0x2e2: {  	v2 =	vor.u32 $0x2C, v0;
	_ =	sdelay $0x3  }
0x2e3: {  	[tilespmem:s16+$0x12F00] =	vst v1  }
0x2e4: {  	v1 =	vld.idx.msk [tilespmem:v2+s2+$0x0], $0xffff  }
0x2e5: {  	v2 =	vor.u32 $0x2D, v0;
	_ =	sdelay $0x3  }
0x2e6: {  	[tilespmem:s16+$0x13000] =	vst v1  }
0x2e7: {  	v1 =	vld.idx.msk [tilespmem:v2+s2+$0x0], $0xffff  }
0x2e8: {  	v2 =	vor.u32 $0x2E, v0;
	_ =	sdelay $0x3  }
0x2e9: {  	[tilespmem:s16+$0x13100] =	vst v1  }
0x2ea: {  	v1 =	vld.idx.msk [tilespmem:v2+s2+$0x0], $0xffff  }
0x2eb: {  	v2 =	vor.u32 $0x2F, v0;
	_ =	sdelay $0x3  }
0x2ec: {  	[tilespmem:s16+$0x13200] =	vst v1  }
0x2ed: {  	v1 =	vld.idx.msk [tilespmem:v2+s2+$0x0], $0xffff  }
0x2ee: {  	v2 =	vor.u32 $0x30, v0;
	_ =	sdelay $0x3  }
0x2ef: {  	[tilespmem:s16+$0x13300] =	vst v1  }
0x2f0: {  	v1 =	vld.idx.msk [tilespmem:v2+s2+$0x0], $0xffff  }
0x2f1: {  	v2 =	vor.u32 $0x31, v0;
	_ =	sdelay $0x3  }
0x2f2: {  	[tilespmem:s16+$0x13400] =	vst v1  }
0x2f3: {  	v1 =	vld.idx.msk [tilespmem:v2+s2+$0x0], $0xffff  }
0x2f4: {  	v2 =	vor.u32 $0x32, v0;
	_ =	sdelay $0x3  }
0x2f5: {  	[tilespmem:s16+$0x13500] =	vst v1  }
0x2f6: {  	v1 =	vld.idx.msk [tilespmem:v2+s2+$0x0], $0xffff  }
0x2f7: {  	v2 =	vor.u32 $0x33, v0;
	_ =	sdelay $0x3  }
0x2f8: {  	[tilespmem:s16+$0x13600] =	vst v1  }
0x2f9: {  	v1 =	vld.idx.msk [tilespmem:v2+s2+$0x0], $0xffff  }
0x2fa: {  	v2 =	vor.u32 $0x34, v0;
	_ =	sdelay $0x3  }
0x2fb: {  	[tilespmem:s16+$0x13700] =	vst v1  }
0x2fc: {  	v1 =	vld.idx.msk [tilespmem:v2+s2+$0x0], $0xffff  }
0x2fd: {  	v2 =	vor.u32 $0x35, v0;
	_ =	sdelay $0x3  }
0x2fe: {  	[tilespmem:s16+$0x13800] =	vst v1  }
0x2ff: {  	v1 =	vld.idx.msk [tilespmem:v2+s2+$0x0], $0xffff  }
0x300: {  	v2 =	vor.u32 $0x36, v0;
	_ =	sdelay $0x3  }
0x301: {  	[tilespmem:s16+$0x13900] =	vst v1  }
0x302: {  	v1 =	vld.idx.msk [tilespmem:v2+s2+$0x0], $0xffff  }
0x303: {  	v2 =	vor.u32 $0x37, v0;
	_ =	sdelay $0x3  }
0x304: {  	[tilespmem:s16+$0x13A00] =	vst v1  }
0x305: {  	v1 =	vld.idx.msk [tilespmem:v2+s2+$0x0], $0xffff  }
0x306: {  	v2 =	vor.u32 $0x38, v0;
	_ =	sdelay $0x3  }
0x307: {  	[tilespmem:s16+$0x13B00] =	vst v1  }
0x308: {  	v1 =	vld.idx.msk [tilespmem:v2+s2+$0x0], $0xffff  }
0x309: {  	v2 =	vor.u32 $0x39, v0;
	_ =	sdelay $0x3  }
0x30a: {  	[tilespmem:s16+$0x13C00] =	vst v1  }
0x30b: {  	v1 =	vld.idx.msk [tilespmem:v2+s2+$0x0], $0xffff  }
0x30c: {  	v2 =	vor.u32 $0x3A, v0;
	_ =	sdelay $0x3  }
0x30d: {  	[tilespmem:s16+$0x13D00] =	vst v1  }
0x30e: {  	v1 =	vld.idx.msk [tilespmem:v2+s2+$0x0], $0xffff  }
0x30f: {  	v2 =	vor.u32 $0x3B, v0;
	_ =	sdelay $0x3  }
0x310: {  	[tilespmem:s16+$0x13E00] =	vst v1  }
0x311: {  	v1 =	vld.idx.msk [tilespmem:v2+s2+$0x0], $0xffff  }
0x312: {  	v2 =	vor.u32 $0x3C, v0;
	_ =	sdelay $0x3  }
0x313: {  	[tilespmem:s16+$0x13F00] =	vst v1  }
0x314: {  	v1 =	vld.idx.msk [tilespmem:v2+s2+$0x0], $0xffff  }
0x315: {  	v2 =	vor.u32 $0x3D, v0;
	_ =	sdelay $0x3  }
0x316: {  	[tilespmem:s16+$0x14000] =	vst v1  }
0x317: {  	v1 =	vld.idx.msk [tilespmem:v2+s2+$0x0], $0xffff  }
0x318: {  	v2 =	vor.u32 $0x3E, v0;
	_ =	sdelay $0x3  }
0x319: {  	[tilespmem:s16+$0x14100] =	vst v1  }
0x31a: {  	v1 =	vld.idx.msk [tilespmem:v2+s2+$0x0], $0xffff  }
0x31b: {  	v0 =	vor.u32 $0x3F, v0  }
0x31c: {  	s17 =	simm.s32 $0x80;
	s18 =	simm.s32 $0x10  }
.LBB2_4:
0x31d: {  	p0 =	sne.s32 s17, $0x3C0;
	v2 =	vld [tilespmem:s18+$0x10100];
	_ =	sdelay $0x1  }
0x31e: {  	[tilespmem:s16+$0x14200] =	vst v1  }
0x31f: {  	v1 =	vld.idx.msk [tilespmem:v0+s2+$0x0], $0xffff;
	_ =	sdelay $0x1  }
0x320: {  	v0 =	vshll.u32 v2, $0x6;
	_ =	sdelay $0x3  }
0x321: {  	[tilespmem:s16+$0x14300] =	vst v1;
	s16 =	smov.u32 s18  }
0x322: {  	v1 =	vld.idx.msk [tilespmem:v0+s2+$0x0], $0xffff;
	_ =	sdelay $0x1  }
0x323: {  	v2 =	vor.u32 $0x1, v0;
	_ =	sdelay $0x3  }
0x324: {  	[tilespmem:s16+$0x10400] =	vst v1  }
0x325: {  	v1 =	vld.idx.msk [tilespmem:v2+s2+$0x0], $0xffff;
	_ =	sdelay $0x1  }
0x326: {  	v2 =	vor.u32 $0x2, v0;
	_ =	sdelay $0x3  }
0x327: {  	[tilespmem:s16+$0x10500] =	vst v1  }
0x328: {  	v1 =	vld.idx.msk [tilespmem:v2+s2+$0x0], $0xffff;
	_ =	sdelay $0x1  }
0x329: {  	v2 =	vor.u32 $0x3, v0;
	_ =	sdelay $0x3  }
0x32a: {  	[tilespmem:s16+$0x10600] =	vst v1  }
0x32b: {  	v1 =	vld.idx.msk [tilespmem:v2+s2+$0x0], $0xffff;
	_ =	sdelay $0x1  }
0x32c: {  	v2 =	vor.u32 $0x4, v0;
	_ =	sdelay $0x3  }
0x32d: {  	[tilespmem:s16+$0x10700] =	vst v1  }
0x32e: {  	v1 =	vld.idx.msk [tilespmem:v2+s2+$0x0], $0xffff;
	_ =	sdelay $0x1  }
0x32f: {  	v2 =	vor.u32 $0x5, v0;
	_ =	sdelay $0x3  }
0x330: {  	[tilespmem:s16+$0x10800] =	vst v1  }
0x331: {  	v1 =	vld.idx.msk [tilespmem:v2+s2+$0x0], $0xffff;
	_ =	sdelay $0x1  }
0x332: {  	v2 =	vor.u32 $0x6, v0;
	_ =	sdelay $0x3  }
0x333: {  	[tilespmem:s16+$0x10900] =	vst v1  }
0x334: {  	v1 =	vld.idx.msk [tilespmem:v2+s2+$0x0], $0xffff;
	_ =	sdelay $0x1  }
0x335: {  	v2 =	vor.u32 $0x7, v0;
	_ =	sdelay $0x3  }
0x336: {  	[tilespmem:s16+$0x10A00] =	vst v1  }
0x337: {  	v1 =	vld.idx.msk [tilespmem:v2+s2+$0x0], $0xffff;
	_ =	sdelay $0x1  }
0x338: {  	v2 =	vor.u32 $0x8, v0;
	_ =	sdelay $0x3  }
0x339: {  	[tilespmem:s16+$0x10B00] =	vst v1  }
0x33a: {  	v1 =	vld.idx.msk [tilespmem:v2+s2+$0x0], $0xffff;
	_ =	sdelay $0x1  }
0x33b: {  	v2 =	vor.u32 $0x9, v0;
	_ =	sdelay $0x3  }
0x33c: {  	[tilespmem:s16+$0x10C00] =	vst v1  }
0x33d: {  	v1 =	vld.idx.msk [tilespmem:v2+s2+$0x0], $0xffff;
	_ =	sdelay $0x1  }
0x33e: {  	v2 =	vor.u32 $0xA, v0;
	_ =	sdelay $0x3  }
0x33f: {  	[tilespmem:s16+$0x10D00] =	vst v1  }
0x340: {  	v1 =	vld.idx.msk [tilespmem:v2+s2+$0x0], $0xffff;
	_ =	sdelay $0x1  }
0x341: {  	v2 =	vor.u32 $0xB, v0;
	_ =	sdelay $0x3  }
0x342: {  	[tilespmem:s16+$0x10E00] =	vst v1  }
0x343: {  	v1 =	vld.idx.msk [tilespmem:v2+s2+$0x0], $0xffff;
	_ =	sdelay $0x1  }
0x344: {  	v2 =	vor.u32 $0xC, v0;
	_ =	sdelay $0x3  }
0x345: {  	[tilespmem:s16+$0x10F00] =	vst v1  }
0x346: {  	v1 =	vld.idx.msk [tilespmem:v2+s2+$0x0], $0xffff;
	_ =	sdelay $0x1  }
0x347: {  	v2 =	vor.u32 $0xD, v0;
	_ =	sdelay $0x3  }
0x348: {  	[tilespmem:s16+$0x11000] =	vst v1  }
0x349: {  	v1 =	vld.idx.msk [tilespmem:v2+s2+$0x0], $0xffff;
	_ =	sdelay $0x1  }
0x34a: {  	v2 =	vor.u32 $0xE, v0;
	_ =	sdelay $0x3  }
0x34b: {  	[tilespmem:s16+$0x11100] =	vst v1  }
0x34c: {  	v1 =	vld.idx.msk [tilespmem:v2+s2+$0x0], $0xffff;
	_ =	sdelay $0x1  }
0x34d: {  	v2 =	vor.u32 $0xF, v0;
	_ =	sdelay $0x3  }
0x34e: {  	[tilespmem:s16+$0x11200] =	vst v1  }
0x34f: {  	v1 =	vld.idx.msk [tilespmem:v2+s2+$0x0], $0xffff;
	_ =	sdelay $0x1  }
0x350: {  	v2 =	vor.u32 $0x10, v0;
	_ =	sdelay $0x3  }
0x351: {  	[tilespmem:s16+$0x11300] =	vst v1  }
0x352: {  	v1 =	vld.idx.msk [tilespmem:v2+s2+$0x0], $0xffff;
	_ =	sdelay $0x1  }
0x353: {  	v2 =	vor.u32 $0x11, v0;
	_ =	sdelay $0x3  }
0x354: {  	[tilespmem:s16+$0x11400] =	vst v1  }
0x355: {  	v1 =	vld.idx.msk [tilespmem:v2+s2+$0x0], $0xffff;
	_ =	sdelay $0x1  }
0x356: {  	v2 =	vor.u32 $0x12, v0;
	_ =	sdelay $0x3  }
0x357: {  	[tilespmem:s16+$0x11500] =	vst v1  }
0x358: {  	v1 =	vld.idx.msk [tilespmem:v2+s2+$0x0], $0xffff;
	_ =	sdelay $0x1  }
0x359: {  	v2 =	vor.u32 $0x13, v0;
	_ =	sdelay $0x3  }
0x35a: {  	[tilespmem:s16+$0x11600] =	vst v1  }
0x35b: {  	v1 =	vld.idx.msk [tilespmem:v2+s2+$0x0], $0xffff;
	_ =	sdelay $0x1  }
0x35c: {  	v2 =	vor.u32 $0x14, v0;
	_ =	sdelay $0x3  }
0x35d: {  	[tilespmem:s16+$0x11700] =	vst v1  }
0x35e: {  	v1 =	vld.idx.msk [tilespmem:v2+s2+$0x0], $0xffff;
	_ =	sdelay $0x1  }
0x35f: {  	v2 =	vor.u32 $0x15, v0;
	_ =	sdelay $0x3  }
0x360: {  	[tilespmem:s16+$0x11800] =	vst v1  }
0x361: {  	v1 =	vld.idx.msk [tilespmem:v2+s2+$0x0], $0xffff;
	_ =	sdelay $0x1  }
0x362: {  	v2 =	vor.u32 $0x16, v0;
	_ =	sdelay $0x3  }
0x363: {  	[tilespmem:s16+$0x11900] =	vst v1  }
0x364: {  	v1 =	vld.idx.msk [tilespmem:v2+s2+$0x0], $0xffff;
	_ =	sdelay $0x1  }
0x365: {  	v2 =	vor.u32 $0x17, v0;
	_ =	sdelay $0x3  }
0x366: {  	[tilespmem:s16+$0x11A00] =	vst v1  }
0x367: {  	v1 =	vld.idx.msk [tilespmem:v2+s2+$0x0], $0xffff;
	_ =	sdelay $0x1  }
0x368: {  	v2 =	vor.u32 $0x18, v0;
	_ =	sdelay $0x3  }
0x369: {  	[tilespmem:s16+$0x11B00] =	vst v1  }
0x36a: {  	v1 =	vld.idx.msk [tilespmem:v2+s2+$0x0], $0xffff;
	_ =	sdelay $0x1  }
0x36b: {  	v2 =	vor.u32 $0x19, v0;
	_ =	sdelay $0x3  }
0x36c: {  	[tilespmem:s16+$0x11C00] =	vst v1  }
0x36d: {  	v1 =	vld.idx.msk [tilespmem:v2+s2+$0x0], $0xffff;
	_ =	sdelay $0x1  }
0x36e: {  	v2 =	vor.u32 $0x1A, v0;
	_ =	sdelay $0x3  }
0x36f: {  	[tilespmem:s16+$0x11D00] =	vst v1  }
0x370: {  	v1 =	vld.idx.msk [tilespmem:v2+s2+$0x0], $0xffff;
	_ =	sdelay $0x1  }
0x371: {  	v2 =	vor.u32 $0x1B, v0;
	_ =	sdelay $0x3  }
0x372: {  	[tilespmem:s16+$0x11E00] =	vst v1  }
0x373: {  	v1 =	vld.idx.msk [tilespmem:v2+s2+$0x0], $0xffff;
	_ =	sdelay $0x1  }
0x374: {  	v2 =	vor.u32 $0x1C, v0;
	_ =	sdelay $0x3  }
0x375: {  	[tilespmem:s16+$0x11F00] =	vst v1  }
0x376: {  	v1 =	vld.idx.msk [tilespmem:v2+s2+$0x0], $0xffff;
	_ =	sdelay $0x1  }
0x377: {  	v2 =	vor.u32 $0x1D, v0;
	_ =	sdelay $0x3  }
0x378: {  	[tilespmem:s16+$0x12000] =	vst v1  }
0x379: {  	v1 =	vld.idx.msk [tilespmem:v2+s2+$0x0], $0xffff;
	_ =	sdelay $0x1  }
0x37a: {  	v2 =	vor.u32 $0x1E, v0;
	_ =	sdelay $0x3  }
0x37b: {  	[tilespmem:s16+$0x12100] =	vst v1  }
0x37c: {  	v1 =	vld.idx.msk [tilespmem:v2+s2+$0x0], $0xffff;
	_ =	sdelay $0x1  }
0x37d: {  	v2 =	vor.u32 $0x1F, v0;
	_ =	sdelay $0x3  }
0x37e: {  	[tilespmem:s16+$0x12200] =	vst v1  }
0x37f: {  	v1 =	vld.idx.msk [tilespmem:v2+s2+$0x0], $0xffff;
	_ =	sdelay $0x1  }
0x380: {  	v2 =	vor.u32 $0x20, v0;
	_ =	sdelay $0x3  }
0x381: {  	[tilespmem:s16+$0x12300] =	vst v1  }
0x382: {  	v1 =	vld.idx.msk [tilespmem:v2+s2+$0x0], $0xffff;
	_ =	sdelay $0x1  }
0x383: {  	v2 =	vor.u32 $0x21, v0;
	_ =	sdelay $0x3  }
0x384: {  	[tilespmem:s16+$0x12400] =	vst v1  }
0x385: {  	v1 =	vld.idx.msk [tilespmem:v2+s2+$0x0], $0xffff;
	_ =	sdelay $0x1  }
0x386: {  	v2 =	vor.u32 $0x22, v0;
	_ =	sdelay $0x3  }
0x387: {  	[tilespmem:s16+$0x12500] =	vst v1  }
0x388: {  	v1 =	vld.idx.msk [tilespmem:v2+s2+$0x0], $0xffff;
	_ =	sdelay $0x1  }
0x389: {  	v2 =	vor.u32 $0x23, v0;
	_ =	sdelay $0x3  }
0x38a: {  	[tilespmem:s16+$0x12600] =	vst v1  }
0x38b: {  	v1 =	vld.idx.msk [tilespmem:v2+s2+$0x0], $0xffff;
	_ =	sdelay $0x1  }
0x38c: {  	v2 =	vor.u32 $0x24, v0;
	_ =	sdelay $0x3  }
0x38d: {  	[tilespmem:s16+$0x12700] =	vst v1  }
0x38e: {  	v1 =	vld.idx.msk [tilespmem:v2+s2+$0x0], $0xffff;
	_ =	sdelay $0x1  }
0x38f: {  	v2 =	vor.u32 $0x25, v0;
	_ =	sdelay $0x3  }
0x390: {  	[tilespmem:s16+$0x12800] =	vst v1  }
0x391: {  	v1 =	vld.idx.msk [tilespmem:v2+s2+$0x0], $0xffff;
	_ =	sdelay $0x1  }
0x392: {  	v2 =	vor.u32 $0x26, v0;
	_ =	sdelay $0x3  }
0x393: {  	[tilespmem:s16+$0x12900] =	vst v1  }
0x394: {  	v1 =	vld.idx.msk [tilespmem:v2+s2+$0x0], $0xffff;
	_ =	sdelay $0x1  }
0x395: {  	v2 =	vor.u32 $0x27, v0;
	_ =	sdelay $0x3  }
0x396: {  	[tilespmem:s16+$0x12A00] =	vst v1  }
0x397: {  	v1 =	vld.idx.msk [tilespmem:v2+s2+$0x0], $0xffff;
	_ =	sdelay $0x1  }
0x398: {  	v2 =	vor.u32 $0x28, v0;
	_ =	sdelay $0x3  }
0x399: {  	[tilespmem:s16+$0x12B00] =	vst v1  }
0x39a: {  	v1 =	vld.idx.msk [tilespmem:v2+s2+$0x0], $0xffff;
	_ =	sdelay $0x1  }
0x39b: {  	v2 =	vor.u32 $0x29, v0;
	_ =	sdelay $0x3  }
0x39c: {  	[tilespmem:s16+$0x12C00] =	vst v1  }
0x39d: {  	v1 =	vld.idx.msk [tilespmem:v2+s2+$0x0], $0xffff;
	_ =	sdelay $0x1  }
0x39e: {  	v2 =	vor.u32 $0x2A, v0;
	_ =	sdelay $0x3  }
0x39f: {  	[tilespmem:s16+$0x12D00] =	vst v1  }
0x3a0: {  	v1 =	vld.idx.msk [tilespmem:v2+s2+$0x0], $0xffff;
	_ =	sdelay $0x1  }
0x3a1: {  	v2 =	vor.u32 $0x2B, v0;
	_ =	sdelay $0x3  }
0x3a2: {  	[tilespmem:s16+$0x12E00] =	vst v1  }
0x3a3: {  	v1 =	vld.idx.msk [tilespmem:v2+s2+$0x0], $0xffff;
	_ =	sdelay $0x1  }
0x3a4: {  	v2 =	vor.u32 $0x2C, v0;
	_ =	sdelay $0x3  }
0x3a5: {  	[tilespmem:s16+$0x12F00] =	vst v1  }
0x3a6: {  	v1 =	vld.idx.msk [tilespmem:v2+s2+$0x0], $0xffff;
	_ =	sdelay $0x1  }
0x3a7: {  	v2 =	vor.u32 $0x2D, v0;
	_ =	sdelay $0x3  }
0x3a8: {  	[tilespmem:s16+$0x13000] =	vst v1  }
0x3a9: {  	v1 =	vld.idx.msk [tilespmem:v2+s2+$0x0], $0xffff;
	_ =	sdelay $0x1  }
0x3aa: {  	v2 =	vor.u32 $0x2E, v0;
	_ =	sdelay $0x3  }
0x3ab: {  	[tilespmem:s16+$0x13100] =	vst v1  }
0x3ac: {  	v1 =	vld.idx.msk [tilespmem:v2+s2+$0x0], $0xffff;
	_ =	sdelay $0x1  }
0x3ad: {  	v2 =	vor.u32 $0x2F, v0;
	_ =	sdelay $0x3  }
0x3ae: {  	[tilespmem:s16+$0x13200] =	vst v1  }
0x3af: {  	v1 =	vld.idx.msk [tilespmem:v2+s2+$0x0], $0xffff;
	_ =	sdelay $0x1  }
0x3b0: {  	v2 =	vor.u32 $0x30, v0;
	_ =	sdelay $0x3  }
0x3b1: {  	[tilespmem:s16+$0x13300] =	vst v1  }
0x3b2: {  	v1 =	vld.idx.msk [tilespmem:v2+s2+$0x0], $0xffff;
	_ =	sdelay $0x1  }
0x3b3: {  	v2 =	vor.u32 $0x31, v0;
	_ =	sdelay $0x3  }
0x3b4: {  	[tilespmem:s16+$0x13400] =	vst v1  }
0x3b5: {  	v1 =	vld.idx.msk [tilespmem:v2+s2+$0x0], $0xffff;
	_ =	sdelay $0x1  }
0x3b6: {  	v2 =	vor.u32 $0x32, v0;
	_ =	sdelay $0x3  }
0x3b7: {  	[tilespmem:s16+$0x13500] =	vst v1  }
0x3b8: {  	v1 =	vld.idx.msk [tilespmem:v2+s2+$0x0], $0xffff;
	_ =	sdelay $0x1  }
0x3b9: {  	v2 =	vor.u32 $0x33, v0;
	_ =	sdelay $0x3  }
0x3ba: {  	[tilespmem:s16+$0x13600] =	vst v1  }
0x3bb: {  	v1 =	vld.idx.msk [tilespmem:v2+s2+$0x0], $0xffff;
	_ =	sdelay $0x1  }
0x3bc: {  	v2 =	vor.u32 $0x34, v0;
	_ =	sdelay $0x3  }
0x3bd: {  	[tilespmem:s16+$0x13700] =	vst v1  }
0x3be: {  	v1 =	vld.idx.msk [tilespmem:v2+s2+$0x0], $0xffff;
	_ =	sdelay $0x1  }
0x3bf: {  	v2 =	vor.u32 $0x35, v0;
	_ =	sdelay $0x3  }
0x3c0: {  	[tilespmem:s16+$0x13800] =	vst v1  }
0x3c1: {  	v1 =	vld.idx.msk [tilespmem:v2+s2+$0x0], $0xffff;
	_ =	sdelay $0x1  }
0x3c2: {  	v2 =	vor.u32 $0x36, v0;
	_ =	sdelay $0x3  }
0x3c3: {  	[tilespmem:s16+$0x13900] =	vst v1  }
0x3c4: {  	v1 =	vld.idx.msk [tilespmem:v2+s2+$0x0], $0xffff;
	_ =	sdelay $0x1  }
0x3c5: {  	v2 =	vor.u32 $0x37, v0;
	_ =	sdelay $0x3  }
0x3c6: {  	[tilespmem:s16+$0x13A00] =	vst v1  }
0x3c7: {  	v1 =	vld.idx.msk [tilespmem:v2+s2+$0x0], $0xffff;
	_ =	sdelay $0x1  }
0x3c8: {  	v2 =	vor.u32 $0x38, v0;
	_ =	sdelay $0x3  }
0x3c9: {  	[tilespmem:s16+$0x13B00] =	vst v1  }
0x3ca: {  	v1 =	vld.idx.msk [tilespmem:v2+s2+$0x0], $0xffff;
	_ =	sdelay $0x1  }
0x3cb: {  	v2 =	vor.u32 $0x39, v0;
	_ =	sdelay $0x3  }
0x3cc: {  	[tilespmem:s16+$0x13C00] =	vst v1  }
0x3cd: {  	v1 =	vld.idx.msk [tilespmem:v2+s2+$0x0], $0xffff;
	_ =	sdelay $0x1  }
0x3ce: {  	v2 =	vor.u32 $0x3A, v0;
	_ =	sdelay $0x3  }
0x3cf: {  	[tilespmem:s16+$0x13D00] =	vst v1  }
0x3d0: {  	v1 =	vld.idx.msk [tilespmem:v2+s2+$0x0], $0xffff;
	_ =	sdelay $0x1  }
0x3d1: {  	v2 =	vor.u32 $0x3B, v0;
	_ =	sdelay $0x3  }
0x3d2: {  	[tilespmem:s16+$0x13E00] =	vst v1  }
0x3d3: {  	v1 =	vld.idx.msk [tilespmem:v2+s2+$0x0], $0xffff;
	_ =	sdelay $0x1  }
0x3d4: {  	v2 =	vor.u32 $0x3C, v0;
	_ =	sdelay $0x3  }
0x3d5: {  	[tilespmem:s16+$0x13F00] =	vst v1  }
0x3d6: {  	v1 =	vld.idx.msk [tilespmem:v2+s2+$0x0], $0xffff;
	_ =	sdelay $0x1  }
0x3d7: {  	v2 =	vor.u32 $0x3D, v0;
	_ =	sdelay $0x3  }
0x3d8: {  	[tilespmem:s16+$0x14000] =	vst v1  }
0x3d9: {  	v1 =	vld.idx.msk [tilespmem:v2+s2+$0x0], $0xffff;
	_ =	sdelay $0x1  }
0x3da: {  	v2 =	vor.u32 $0x3E, v0;
	_ =	sdelay $0x3  }
.Ltmp1:
0x3db: {  	[tilespmem:s16+$0x14100] =	vst v1;
	(pc) =	sbr.rel @p0 .LBB2_4-.Ltmp1, $3  }
0x3dc: {  	v1 =	vld.idx.msk [tilespmem:v2+s2+$0x0], $0xffff;
	_ =	sdelay $0x1  }
0x3dd: {  	v0 =	vor.u32 $0x3F, v0  }
0x3de: {  	s18 =	sshra.s32 s17, $0x2;
	s17 =	sadd.s32 $0x40, s17  }
0x3df: {  	v2 =	vld [tilespmem:s18+$0x10100];
	_ =	sdelay $0x2  }
0x3e0: {  	[tilespmem:s16+$0x14200] =	vst v1  }
0x3e1: {  	v1 =	vld.idx.msk [tilespmem:v0+s2+$0x0], $0xffff  }
0x3e2: {  	v0 =	vshll.u32 v2, $0x6;
	_ =	sdelay $0x3  }
0x3e3: {  	[tilespmem:s16+$0x14300] =	vst v1  }
0x3e4: {  	v1 =	vld.idx.msk [tilespmem:v0+s2+$0x0], $0xffff  }
0x3e5: {  	v2 =	vor.u32 $0x1, v0;
	_ =	sdelay $0x3  }
0x3e6: {  	[tilespmem:s18+$0x10400] =	vst v1  }
0x3e7: {  	v1 =	vld.idx.msk [tilespmem:v2+s2+$0x0], $0xffff  }
0x3e8: {  	v2 =	vor.u32 $0x2, v0;
	_ =	sdelay $0x3  }
0x3e9: {  	[tilespmem:s18+$0x10500] =	vst v1  }
0x3ea: {  	v1 =	vld.idx.msk [tilespmem:v2+s2+$0x0], $0xffff  }
0x3eb: {  	v2 =	vor.u32 $0x3, v0;
	_ =	sdelay $0x3  }
0x3ec: {  	[tilespmem:s18+$0x10600] =	vst v1  }
0x3ed: {  	v1 =	vld.idx.msk [tilespmem:v2+s2+$0x0], $0xffff  }
0x3ee: {  	v2 =	vor.u32 $0x4, v0;
	_ =	sdelay $0x3  }
0x3ef: {  	[tilespmem:s18+$0x10700] =	vst v1  }
0x3f0: {  	v1 =	vld.idx.msk [tilespmem:v2+s2+$0x0], $0xffff  }
0x3f1: {  	v2 =	vor.u32 $0x5, v0;
	_ =	sdelay $0x3  }
0x3f2: {  	[tilespmem:s18+$0x10800] =	vst v1  }
0x3f3: {  	v1 =	vld.idx.msk [tilespmem:v2+s2+$0x0], $0xffff  }
0x3f4: {  	v2 =	vor.u32 $0x6, v0;
	_ =	sdelay $0x3  }
0x3f5: {  	[tilespmem:s18+$0x10900] =	vst v1  }
0x3f6: {  	v1 =	vld.idx.msk [tilespmem:v2+s2+$0x0], $0xffff  }
0x3f7: {  	v2 =	vor.u32 $0x7, v0;
	_ =	sdelay $0x3  }
0x3f8: {  	[tilespmem:s18+$0x10A00] =	vst v1  }
0x3f9: {  	v1 =	vld.idx.msk [tilespmem:v2+s2+$0x0], $0xffff  }
0x3fa: {  	v2 =	vor.u32 $0x8, v0;
	_ =	sdelay $0x3  }
0x3fb: {  	[tilespmem:s18+$0x10B00] =	vst v1  }
0x3fc: {  	v1 =	vld.idx.msk [tilespmem:v2+s2+$0x0], $0xffff  }
0x3fd: {  	v2 =	vor.u32 $0x9, v0;
	_ =	sdelay $0x3  }
0x3fe: {  	[tilespmem:s18+$0x10C00] =	vst v1  }
0x3ff: {  	v1 =	vld.idx.msk [tilespmem:v2+s2+$0x0], $0xffff  }
0x400: {  	v2 =	vor.u32 $0xA, v0;
	_ =	sdelay $0x3  }
0x401: {  	[tilespmem:s18+$0x10D00] =	vst v1  }
0x402: {  	v1 =	vld.idx.msk [tilespmem:v2+s2+$0x0], $0xffff  }
0x403: {  	v2 =	vor.u32 $0xB, v0;
	_ =	sdelay $0x3  }
0x404: {  	[tilespmem:s18+$0x10E00] =	vst v1  }
0x405: {  	v1 =	vld.idx.msk [tilespmem:v2+s2+$0x0], $0xffff  }
0x406: {  	v2 =	vor.u32 $0xC, v0;
	_ =	sdelay $0x3  }
0x407: {  	[tilespmem:s18+$0x10F00] =	vst v1  }
0x408: {  	v1 =	vld.idx.msk [tilespmem:v2+s2+$0x0], $0xffff  }
0x409: {  	v2 =	vor.u32 $0xD, v0;
	_ =	sdelay $0x3  }
0x40a: {  	[tilespmem:s18+$0x11000] =	vst v1  }
0x40b: {  	v1 =	vld.idx.msk [tilespmem:v2+s2+$0x0], $0xffff  }
0x40c: {  	v2 =	vor.u32 $0xE, v0;
	_ =	sdelay $0x3  }
0x40d: {  	[tilespmem:s18+$0x11100] =	vst v1  }
0x40e: {  	v1 =	vld.idx.msk [tilespmem:v2+s2+$0x0], $0xffff  }
0x40f: {  	v2 =	vor.u32 $0xF, v0;
	_ =	sdelay $0x3  }
0x410: {  	[tilespmem:s18+$0x11200] =	vst v1  }
0x411: {  	v1 =	vld.idx.msk [tilespmem:v2+s2+$0x0], $0xffff  }
0x412: {  	v2 =	vor.u32 $0x10, v0;
	_ =	sdelay $0x3  }
0x413: {  	[tilespmem:s18+$0x11300] =	vst v1  }
0x414: {  	v1 =	vld.idx.msk [tilespmem:v2+s2+$0x0], $0xffff  }
0x415: {  	v2 =	vor.u32 $0x11, v0;
	_ =	sdelay $0x3  }
0x416: {  	[tilespmem:s18+$0x11400] =	vst v1  }
0x417: {  	v1 =	vld.idx.msk [tilespmem:v2+s2+$0x0], $0xffff  }
0x418: {  	v2 =	vor.u32 $0x12, v0;
	_ =	sdelay $0x3  }
0x419: {  	[tilespmem:s18+$0x11500] =	vst v1  }
0x41a: {  	v1 =	vld.idx.msk [tilespmem:v2+s2+$0x0], $0xffff  }
0x41b: {  	v2 =	vor.u32 $0x13, v0;
	_ =	sdelay $0x3  }
0x41c: {  	[tilespmem:s18+$0x11600] =	vst v1  }
0x41d: {  	v1 =	vld.idx.msk [tilespmem:v2+s2+$0x0], $0xffff  }
0x41e: {  	v2 =	vor.u32 $0x14, v0;
	_ =	sdelay $0x3  }
0x41f: {  	[tilespmem:s18+$0x11700] =	vst v1  }
0x420: {  	v1 =	vld.idx.msk [tilespmem:v2+s2+$0x0], $0xffff  }
0x421: {  	v2 =	vor.u32 $0x15, v0;
	_ =	sdelay $0x3  }
0x422: {  	[tilespmem:s18+$0x11800] =	vst v1  }
0x423: {  	v1 =	vld.idx.msk [tilespmem:v2+s2+$0x0], $0xffff  }
0x424: {  	v2 =	vor.u32 $0x16, v0;
	_ =	sdelay $0x3  }
0x425: {  	[tilespmem:s18+$0x11900] =	vst v1  }
0x426: {  	v1 =	vld.idx.msk [tilespmem:v2+s2+$0x0], $0xffff  }
0x427: {  	v2 =	vor.u32 $0x17, v0;
	_ =	sdelay $0x3  }
0x428: {  	[tilespmem:s18+$0x11A00] =	vst v1  }
0x429: {  	v1 =	vld.idx.msk [tilespmem:v2+s2+$0x0], $0xffff  }
0x42a: {  	v2 =	vor.u32 $0x18, v0;
	_ =	sdelay $0x3  }
0x42b: {  	[tilespmem:s18+$0x11B00] =	vst v1  }
0x42c: {  	v1 =	vld.idx.msk [tilespmem:v2+s2+$0x0], $0xffff  }
0x42d: {  	v2 =	vor.u32 $0x19, v0;
	_ =	sdelay $0x3  }
0x42e: {  	[tilespmem:s18+$0x11C00] =	vst v1  }
0x42f: {  	v1 =	vld.idx.msk [tilespmem:v2+s2+$0x0], $0xffff  }
0x430: {  	v2 =	vor.u32 $0x1A, v0;
	_ =	sdelay $0x3  }
0x431: {  	[tilespmem:s18+$0x11D00] =	vst v1  }
0x432: {  	v1 =	vld.idx.msk [tilespmem:v2+s2+$0x0], $0xffff  }
0x433: {  	v2 =	vor.u32 $0x1B, v0;
	_ =	sdelay $0x3  }
0x434: {  	[tilespmem:s18+$0x11E00] =	vst v1  }
0x435: {  	v1 =	vld.idx.msk [tilespmem:v2+s2+$0x0], $0xffff  }
0x436: {  	v2 =	vor.u32 $0x1C, v0;
	_ =	sdelay $0x3  }
0x437: {  	[tilespmem:s18+$0x11F00] =	vst v1  }
0x438: {  	v1 =	vld.idx.msk [tilespmem:v2+s2+$0x0], $0xffff  }
0x439: {  	v2 =	vor.u32 $0x1D, v0;
	_ =	sdelay $0x3  }
0x43a: {  	[tilespmem:s18+$0x12000] =	vst v1  }
0x43b: {  	v1 =	vld.idx.msk [tilespmem:v2+s2+$0x0], $0xffff  }
0x43c: {  	v2 =	vor.u32 $0x1E, v0;
	_ =	sdelay $0x3  }
0x43d: {  	[tilespmem:s18+$0x12100] =	vst v1  }
0x43e: {  	v1 =	vld.idx.msk [tilespmem:v2+s2+$0x0], $0xffff  }
0x43f: {  	v2 =	vor.u32 $0x1F, v0;
	_ =	sdelay $0x3  }
0x440: {  	[tilespmem:s18+$0x12200] =	vst v1  }
0x441: {  	v1 =	vld.idx.msk [tilespmem:v2+s2+$0x0], $0xffff  }
0x442: {  	v2 =	vor.u32 $0x20, v0;
	_ =	sdelay $0x3  }
0x443: {  	[tilespmem:s18+$0x12300] =	vst v1  }
0x444: {  	v1 =	vld.idx.msk [tilespmem:v2+s2+$0x0], $0xffff  }
0x445: {  	v2 =	vor.u32 $0x21, v0;
	_ =	sdelay $0x3  }
0x446: {  	[tilespmem:s18+$0x12400] =	vst v1  }
0x447: {  	v1 =	vld.idx.msk [tilespmem:v2+s2+$0x0], $0xffff  }
0x448: {  	v2 =	vor.u32 $0x22, v0;
	_ =	sdelay $0x3  }
0x449: {  	[tilespmem:s18+$0x12500] =	vst v1  }
0x44a: {  	v1 =	vld.idx.msk [tilespmem:v2+s2+$0x0], $0xffff  }
0x44b: {  	v2 =	vor.u32 $0x23, v0;
	_ =	sdelay $0x3  }
0x44c: {  	[tilespmem:s18+$0x12600] =	vst v1  }
0x44d: {  	v1 =	vld.idx.msk [tilespmem:v2+s2+$0x0], $0xffff  }
0x44e: {  	v2 =	vor.u32 $0x24, v0;
	_ =	sdelay $0x3  }
0x44f: {  	[tilespmem:s18+$0x12700] =	vst v1  }
0x450: {  	v1 =	vld.idx.msk [tilespmem:v2+s2+$0x0], $0xffff  }
0x451: {  	v2 =	vor.u32 $0x25, v0;
	_ =	sdelay $0x3  }
0x452: {  	[tilespmem:s18+$0x12800] =	vst v1  }
0x453: {  	v1 =	vld.idx.msk [tilespmem:v2+s2+$0x0], $0xffff  }
0x454: {  	v2 =	vor.u32 $0x26, v0;
	_ =	sdelay $0x3  }
0x455: {  	[tilespmem:s18+$0x12900] =	vst v1  }
0x456: {  	v1 =	vld.idx.msk [tilespmem:v2+s2+$0x0], $0xffff  }
0x457: {  	v2 =	vor.u32 $0x27, v0;
	_ =	sdelay $0x3  }
0x458: {  	[tilespmem:s18+$0x12A00] =	vst v1  }
0x459: {  	v1 =	vld.idx.msk [tilespmem:v2+s2+$0x0], $0xffff  }
0x45a: {  	v2 =	vor.u32 $0x28, v0;
	_ =	sdelay $0x3  }
0x45b: {  	[tilespmem:s18+$0x12B00] =	vst v1  }
0x45c: {  	v1 =	vld.idx.msk [tilespmem:v2+s2+$0x0], $0xffff  }
0x45d: {  	v2 =	vor.u32 $0x29, v0;
	_ =	sdelay $0x3  }
0x45e: {  	[tilespmem:s18+$0x12C00] =	vst v1  }
0x45f: {  	v1 =	vld.idx.msk [tilespmem:v2+s2+$0x0], $0xffff  }
0x460: {  	v2 =	vor.u32 $0x2A, v0;
	_ =	sdelay $0x3  }
0x461: {  	[tilespmem:s18+$0x12D00] =	vst v1  }
0x462: {  	v1 =	vld.idx.msk [tilespmem:v2+s2+$0x0], $0xffff  }
0x463: {  	v2 =	vor.u32 $0x2B, v0;
	_ =	sdelay $0x3  }
0x464: {  	[tilespmem:s18+$0x12E00] =	vst v1  }
0x465: {  	v1 =	vld.idx.msk [tilespmem:v2+s2+$0x0], $0xffff  }
0x466: {  	v2 =	vor.u32 $0x2C, v0;
	_ =	sdelay $0x3  }
0x467: {  	[tilespmem:s18+$0x12F00] =	vst v1  }
0x468: {  	v1 =	vld.idx.msk [tilespmem:v2+s2+$0x0], $0xffff  }
0x469: {  	v2 =	vor.u32 $0x2D, v0;
	_ =	sdelay $0x3  }
0x46a: {  	[tilespmem:s18+$0x13000] =	vst v1  }
0x46b: {  	v1 =	vld.idx.msk [tilespmem:v2+s2+$0x0], $0xffff  }
0x46c: {  	v2 =	vor.u32 $0x2E, v0;
	_ =	sdelay $0x3  }
0x46d: {  	[tilespmem:s18+$0x13100] =	vst v1  }
0x46e: {  	v1 =	vld.idx.msk [tilespmem:v2+s2+$0x0], $0xffff  }
0x46f: {  	v2 =	vor.u32 $0x2F, v0;
	_ =	sdelay $0x3  }
0x470: {  	[tilespmem:s18+$0x13200] =	vst v1  }
0x471: {  	v1 =	vld.idx.msk [tilespmem:v2+s2+$0x0], $0xffff  }
0x472: {  	v2 =	vor.u32 $0x30, v0;
	_ =	sdelay $0x3  }
0x473: {  	[tilespmem:s18+$0x13300] =	vst v1  }
0x474: {  	v1 =	vld.idx.msk [tilespmem:v2+s2+$0x0], $0xffff  }
0x475: {  	v2 =	vor.u32 $0x31, v0;
	_ =	sdelay $0x3  }
0x476: {  	[tilespmem:s18+$0x13400] =	vst v1  }
0x477: {  	v1 =	vld.idx.msk [tilespmem:v2+s2+$0x0], $0xffff  }
0x478: {  	v2 =	vor.u32 $0x32, v0;
	_ =	sdelay $0x3  }
0x479: {  	[tilespmem:s18+$0x13500] =	vst v1  }
0x47a: {  	v1 =	vld.idx.msk [tilespmem:v2+s2+$0x0], $0xffff  }
0x47b: {  	v2 =	vor.u32 $0x33, v0;
	_ =	sdelay $0x3  }
0x47c: {  	[tilespmem:s18+$0x13600] =	vst v1  }
0x47d: {  	v1 =	vld.idx.msk [tilespmem:v2+s2+$0x0], $0xffff  }
0x47e: {  	v2 =	vor.u32 $0x34, v0;
	_ =	sdelay $0x3  }
0x47f: {  	[tilespmem:s18+$0x13700] =	vst v1  }
0x480: {  	v1 =	vld.idx.msk [tilespmem:v2+s2+$0x0], $0xffff  }
0x481: {  	v2 =	vor.u32 $0x35, v0;
	_ =	sdelay $0x3  }
0x482: {  	[tilespmem:s18+$0x13800] =	vst v1  }
0x483: {  	v1 =	vld.idx.msk [tilespmem:v2+s2+$0x0], $0xffff  }
0x484: {  	v2 =	vor.u32 $0x36, v0;
	_ =	sdelay $0x3  }
0x485: {  	[tilespmem:s18+$0x13900] =	vst v1  }
0x486: {  	v1 =	vld.idx.msk [tilespmem:v2+s2+$0x0], $0xffff  }
0x487: {  	v2 =	vor.u32 $0x37, v0;
	_ =	sdelay $0x3  }
0x488: {  	[tilespmem:s18+$0x13A00] =	vst v1  }
0x489: {  	v1 =	vld.idx.msk [tilespmem:v2+s2+$0x0], $0xffff  }
0x48a: {  	v2 =	vor.u32 $0x38, v0;
	_ =	sdelay $0x3  }
0x48b: {  	[tilespmem:s18+$0x13B00] =	vst v1  }
0x48c: {  	v1 =	vld.idx.msk [tilespmem:v2+s2+$0x0], $0xffff  }
0x48d: {  	v2 =	vor.u32 $0x39, v0;
	_ =	sdelay $0x3  }
0x48e: {  	[tilespmem:s18+$0x13C00] =	vst v1  }
0x48f: {  	v1 =	vld.idx.msk [tilespmem:v2+s2+$0x0], $0xffff  }
0x490: {  	v2 =	vor.u32 $0x3A, v0;
	_ =	sdelay $0x3  }
0x491: {  	[tilespmem:s18+$0x13D00] =	vst v1  }
0x492: {  	v1 =	vld.idx.msk [tilespmem:v2+s2+$0x0], $0xffff  }
0x493: {  	v2 =	vor.u32 $0x3B, v0;
	_ =	sdelay $0x3  }
0x494: {  	[tilespmem:s18+$0x13E00] =	vst v1  }
0x495: {  	v1 =	vld.idx.msk [tilespmem:v2+s2+$0x0], $0xffff  }
0x496: {  	v2 =	vor.u32 $0x3C, v0;
	_ =	sdelay $0x3  }
0x497: {  	[tilespmem:s18+$0x13F00] =	vst v1  }
0x498: {  	v1 =	vld.idx.msk [tilespmem:v2+s2+$0x0], $0xffff  }
0x499: {  	v2 =	vor.u32 $0x3D, v0;
	_ =	sdelay $0x3  }
0x49a: {  	[tilespmem:s18+$0x14000] =	vst v1  }
0x49b: {  	v1 =	vld.idx.msk [tilespmem:v2+s2+$0x0], $0xffff  }
0x49c: {  	v2 =	vor.u32 $0x3E, v0;
	_ =	sdelay $0x3  }
0x49d: {  	[tilespmem:s18+$0x14100] =	vst v1  }
0x49e: {  	v1 =	vld.idx.msk [tilespmem:v2+s2+$0x0], $0xffff  }
0x49f: {  	v0 =	vor.u32 $0x3F, v0;
	_ =	sdelay $0x3  }
0x4a0: {  	[tilespmem:s18+$0x14200] =	vst v1  }
0x4a1: {  	v0 =	vld.idx.msk [tilespmem:v0+s2+$0x0], $0xffff;
	_ =	sdelay $0x4  }
0x4a2: {  	[tilespmem:s18+$0x14300] =	vst v0  }
0x4a3: {  	[hbm4b:s6+s12] =	stream.strided.scatter [tilespmem:s14], [sflag:$0x1], $0x4000, s13, s12, $0x38;
	[tilespmem:$0x14400] =	vst v63  }
0x4a4: {  	_ =	swait.ge [sflag:s10], $0x4000  }
0x4a5: {  	[sflag:s10] =	ssyncset.done $0x0  }
0x4a6: {  	s16 =	simm.s32 $0x0;
	[sflag:s10] =	ssyncadd.s32 $0xFFFFC000  }
0x4a7: {  	v0 =	vld [tilespmem:s16+$0x10200];
	_ =	sdelay $0x4  }
0x4a8: {  	v0 =	vshll.u32 v0, $0x6;
	_ =	sdelay $0x4  }
0x4a9: {  	v1 =	vld.idx.msk [tilespmem:v0+s2+$0x0], $0xffff  }
0x4aa: {  	v2 =	vor.u32 $0x1, v0;
	_ =	sdelay $0x3  }
0x4ab: {  	[tilespmem:s16+$0x10400] =	vst v1  }
0x4ac: {  	v1 =	vld.idx.msk [tilespmem:v2+s2+$0x0], $0xffff  }
0x4ad: {  	v2 =	vor.u32 $0x2, v0;
	_ =	sdelay $0x3  }
0x4ae: {  	[tilespmem:s16+$0x10500] =	vst v1  }
0x4af: {  	v1 =	vld.idx.msk [tilespmem:v2+s2+$0x0], $0xffff  }
0x4b0: {  	v2 =	vor.u32 $0x3, v0;
	_ =	sdelay $0x3  }
0x4b1: {  	[tilespmem:s16+$0x10600] =	vst v1  }
0x4b2: {  	v1 =	vld.idx.msk [tilespmem:v2+s2+$0x0], $0xffff  }
0x4b3: {  	v2 =	vor.u32 $0x4, v0;
	_ =	sdelay $0x3  }
0x4b4: {  	[tilespmem:s16+$0x10700] =	vst v1  }
0x4b5: {  	v1 =	vld.idx.msk [tilespmem:v2+s2+$0x0], $0xffff  }
0x4b6: {  	v2 =	vor.u32 $0x5, v0;
	_ =	sdelay $0x3  }
0x4b7: {  	[tilespmem:s16+$0x10800] =	vst v1  }
0x4b8: {  	v1 =	vld.idx.msk [tilespmem:v2+s2+$0x0], $0xffff  }
0x4b9: {  	v2 =	vor.u32 $0x6, v0;
	_ =	sdelay $0x3  }
0x4ba: {  	[tilespmem:s16+$0x10900] =	vst v1  }
0x4bb: {  	v1 =	vld.idx.msk [tilespmem:v2+s2+$0x0], $0xffff  }
0x4bc: {  	v2 =	vor.u32 $0x7, v0;
	_ =	sdelay $0x3  }
0x4bd: {  	[tilespmem:s16+$0x10A00] =	vst v1  }
0x4be: {  	v1 =	vld.idx.msk [tilespmem:v2+s2+$0x0], $0xffff  }
0x4bf: {  	v2 =	vor.u32 $0x8, v0;
	_ =	sdelay $0x3  }
0x4c0: {  	[tilespmem:s16+$0x10B00] =	vst v1  }
0x4c1: {  	v1 =	vld.idx.msk [tilespmem:v2+s2+$0x0], $0xffff  }
0x4c2: {  	v2 =	vor.u32 $0x9, v0;
	_ =	sdelay $0x3  }
0x4c3: {  	[tilespmem:s16+$0x10C00] =	vst v1  }
0x4c4: {  	v1 =	vld.idx.msk [tilespmem:v2+s2+$0x0], $0xffff  }
0x4c5: {  	v2 =	vor.u32 $0xA, v0;
	_ =	sdelay $0x3  }
0x4c6: {  	[tilespmem:s16+$0x10D00] =	vst v1  }
0x4c7: {  	v1 =	vld.idx.msk [tilespmem:v2+s2+$0x0], $0xffff  }
0x4c8: {  	v2 =	vor.u32 $0xB, v0;
	_ =	sdelay $0x3  }
0x4c9: {  	[tilespmem:s16+$0x10E00] =	vst v1  }
0x4ca: {  	v1 =	vld.idx.msk [tilespmem:v2+s2+$0x0], $0xffff  }
0x4cb: {  	v2 =	vor.u32 $0xC, v0;
	_ =	sdelay $0x3  }
0x4cc: {  	[tilespmem:s16+$0x10F00] =	vst v1  }
0x4cd: {  	v1 =	vld.idx.msk [tilespmem:v2+s2+$0x0], $0xffff  }
0x4ce: {  	v2 =	vor.u32 $0xD, v0;
	_ =	sdelay $0x3  }
0x4cf: {  	[tilespmem:s16+$0x11000] =	vst v1  }
0x4d0: {  	v1 =	vld.idx.msk [tilespmem:v2+s2+$0x0], $0xffff  }
0x4d1: {  	v2 =	vor.u32 $0xE, v0;
	_ =	sdelay $0x3  }
0x4d2: {  	[tilespmem:s16+$0x11100] =	vst v1  }
0x4d3: {  	v1 =	vld.idx.msk [tilespmem:v2+s2+$0x0], $0xffff  }
0x4d4: {  	v2 =	vor.u32 $0xF, v0;
	_ =	sdelay $0x3  }
0x4d5: {  	[tilespmem:s16+$0x11200] =	vst v1  }
0x4d6: {  	v1 =	vld.idx.msk [tilespmem:v2+s2+$0x0], $0xffff  }
0x4d7: {  	v2 =	vor.u32 $0x10, v0;
	_ =	sdelay $0x3  }
0x4d8: {  	[tilespmem:s16+$0x11300] =	vst v1  }
0x4d9: {  	v1 =	vld.idx.msk [tilespmem:v2+s2+$0x0], $0xffff  }
0x4da: {  	v2 =	vor.u32 $0x11, v0;
	_ =	sdelay $0x3  }
0x4db: {  	[tilespmem:s16+$0x11400] =	vst v1  }
0x4dc: {  	v1 =	vld.idx.msk [tilespmem:v2+s2+$0x0], $0xffff  }
0x4dd: {  	v2 =	vor.u32 $0x12, v0;
	_ =	sdelay $0x3  }
0x4de: {  	[tilespmem:s16+$0x11500] =	vst v1  }
0x4df: {  	v1 =	vld.idx.msk [tilespmem:v2+s2+$0x0], $0xffff  }
0x4e0: {  	v2 =	vor.u32 $0x13, v0;
	_ =	sdelay $0x3  }
0x4e1: {  	[tilespmem:s16+$0x11600] =	vst v1  }
0x4e2: {  	v1 =	vld.idx.msk [tilespmem:v2+s2+$0x0], $0xffff  }
0x4e3: {  	v2 =	vor.u32 $0x14, v0;
	_ =	sdelay $0x3  }
0x4e4: {  	[tilespmem:s16+$0x11700] =	vst v1  }
0x4e5: {  	v1 =	vld.idx.msk [tilespmem:v2+s2+$0x0], $0xffff  }
0x4e6: {  	v2 =	vor.u32 $0x15, v0;
	_ =	sdelay $0x3  }
0x4e7: {  	[tilespmem:s16+$0x11800] =	vst v1  }
0x4e8: {  	v1 =	vld.idx.msk [tilespmem:v2+s2+$0x0], $0xffff  }
0x4e9: {  	v2 =	vor.u32 $0x16, v0;
	_ =	sdelay $0x3  }
0x4ea: {  	[tilespmem:s16+$0x11900] =	vst v1  }
0x4eb: {  	v1 =	vld.idx.msk [tilespmem:v2+s2+$0x0], $0xffff  }
0x4ec: {  	v2 =	vor.u32 $0x17, v0;
	_ =	sdelay $0x3  }
0x4ed: {  	[tilespmem:s16+$0x11A00] =	vst v1  }
0x4ee: {  	v1 =	vld.idx.msk [tilespmem:v2+s2+$0x0], $0xffff  }
0x4ef: {  	v2 =	vor.u32 $0x18, v0;
	_ =	sdelay $0x3  }
0x4f0: {  	[tilespmem:s16+$0x11B00] =	vst v1  }
0x4f1: {  	v1 =	vld.idx.msk [tilespmem:v2+s2+$0x0], $0xffff  }
0x4f2: {  	v2 =	vor.u32 $0x19, v0;
	_ =	sdelay $0x3  }
0x4f3: {  	[tilespmem:s16+$0x11C00] =	vst v1  }
0x4f4: {  	v1 =	vld.idx.msk [tilespmem:v2+s2+$0x0], $0xffff  }
0x4f5: {  	v2 =	vor.u32 $0x1A, v0;
	_ =	sdelay $0x3  }
0x4f6: {  	[tilespmem:s16+$0x11D00] =	vst v1  }
0x4f7: {  	v1 =	vld.idx.msk [tilespmem:v2+s2+$0x0], $0xffff  }
0x4f8: {  	v2 =	vor.u32 $0x1B, v0;
	_ =	sdelay $0x3  }
0x4f9: {  	[tilespmem:s16+$0x11E00] =	vst v1  }
0x4fa: {  	v1 =	vld.idx.msk [tilespmem:v2+s2+$0x0], $0xffff  }
0x4fb: {  	v2 =	vor.u32 $0x1C, v0;
	_ =	sdelay $0x3  }
0x4fc: {  	[tilespmem:s16+$0x11F00] =	vst v1  }
0x4fd: {  	v1 =	vld.idx.msk [tilespmem:v2+s2+$0x0], $0xffff  }
0x4fe: {  	v2 =	vor.u32 $0x1D, v0;
	_ =	sdelay $0x3  }
0x4ff: {  	[tilespmem:s16+$0x12000] =	vst v1  }
0x500: {  	v1 =	vld.idx.msk [tilespmem:v2+s2+$0x0], $0xffff  }
0x501: {  	v2 =	vor.u32 $0x1E, v0;
	_ =	sdelay $0x3  }
0x502: {  	[tilespmem:s16+$0x12100] =	vst v1  }
0x503: {  	v1 =	vld.idx.msk [tilespmem:v2+s2+$0x0], $0xffff  }
0x504: {  	v2 =	vor.u32 $0x1F, v0;
	_ =	sdelay $0x3  }
0x505: {  	[tilespmem:s16+$0x12200] =	vst v1  }
0x506: {  	v1 =	vld.idx.msk [tilespmem:v2+s2+$0x0], $0xffff  }
0x507: {  	v2 =	vor.u32 $0x20, v0;
	_ =	sdelay $0x3  }
0x508: {  	[tilespmem:s16+$0x12300] =	vst v1  }
0x509: {  	v1 =	vld.idx.msk [tilespmem:v2+s2+$0x0], $0xffff  }
0x50a: {  	v2 =	vor.u32 $0x21, v0;
	_ =	sdelay $0x3  }
0x50b: {  	[tilespmem:s16+$0x12400] =	vst v1  }
0x50c: {  	v1 =	vld.idx.msk [tilespmem:v2+s2+$0x0], $0xffff  }
0x50d: {  	v2 =	vor.u32 $0x22, v0;
	_ =	sdelay $0x3  }
0x50e: {  	[tilespmem:s16+$0x12500] =	vst v1  }
0x50f: {  	v1 =	vld.idx.msk [tilespmem:v2+s2+$0x0], $0xffff  }
0x510: {  	v2 =	vor.u32 $0x23, v0;
	_ =	sdelay $0x3  }
0x511: {  	[tilespmem:s16+$0x12600] =	vst v1  }
0x512: {  	v1 =	vld.idx.msk [tilespmem:v2+s2+$0x0], $0xffff  }
0x513: {  	v2 =	vor.u32 $0x24, v0;
	_ =	sdelay $0x3  }
0x514: {  	[tilespmem:s16+$0x12700] =	vst v1  }
0x515: {  	v1 =	vld.idx.msk [tilespmem:v2+s2+$0x0], $0xffff  }
0x516: {  	v2 =	vor.u32 $0x25, v0;
	_ =	sdelay $0x3  }
0x517: {  	[tilespmem:s16+$0x12800] =	vst v1  }
0x518: {  	v1 =	vld.idx.msk [tilespmem:v2+s2+$0x0], $0xffff  }
0x519: {  	v2 =	vor.u32 $0x26, v0;
	_ =	sdelay $0x3  }
0x51a: {  	[tilespmem:s16+$0x12900] =	vst v1  }
0x51b: {  	v1 =	vld.idx.msk [tilespmem:v2+s2+$0x0], $0xffff  }
0x51c: {  	v2 =	vor.u32 $0x27, v0;
	_ =	sdelay $0x3  }
0x51d: {  	[tilespmem:s16+$0x12A00] =	vst v1  }
0x51e: {  	v1 =	vld.idx.msk [tilespmem:v2+s2+$0x0], $0xffff  }
0x51f: {  	v2 =	vor.u32 $0x28, v0;
	_ =	sdelay $0x3  }
0x520: {  	[tilespmem:s16+$0x12B00] =	vst v1  }
0x521: {  	v1 =	vld.idx.msk [tilespmem:v2+s2+$0x0], $0xffff  }
0x522: {  	v2 =	vor.u32 $0x29, v0;
	_ =	sdelay $0x3  }
0x523: {  	[tilespmem:s16+$0x12C00] =	vst v1  }
0x524: {  	v1 =	vld.idx.msk [tilespmem:v2+s2+$0x0], $0xffff  }
0x525: {  	v2 =	vor.u32 $0x2A, v0;
	_ =	sdelay $0x3  }
0x526: {  	[tilespmem:s16+$0x12D00] =	vst v1  }
0x527: {  	v1 =	vld.idx.msk [tilespmem:v2+s2+$0x0], $0xffff  }
0x528: {  	v2 =	vor.u32 $0x2B, v0;
	_ =	sdelay $0x3  }
0x529: {  	[tilespmem:s16+$0x12E00] =	vst v1  }
0x52a: {  	v1 =	vld.idx.msk [tilespmem:v2+s2+$0x0], $0xffff  }
0x52b: {  	v2 =	vor.u32 $0x2C, v0;
	_ =	sdelay $0x3  }
0x52c: {  	[tilespmem:s16+$0x12F00] =	vst v1  }
0x52d: {  	v1 =	vld.idx.msk [tilespmem:v2+s2+$0x0], $0xffff  }
0x52e: {  	v2 =	vor.u32 $0x2D, v0;
	_ =	sdelay $0x3  }
0x52f: {  	[tilespmem:s16+$0x13000] =	vst v1  }
0x530: {  	v1 =	vld.idx.msk [tilespmem:v2+s2+$0x0], $0xffff  }
0x531: {  	v2 =	vor.u32 $0x2E, v0;
	_ =	sdelay $0x3  }
0x532: {  	[tilespmem:s16+$0x13100] =	vst v1  }
0x533: {  	v1 =	vld.idx.msk [tilespmem:v2+s2+$0x0], $0xffff  }
0x534: {  	v2 =	vor.u32 $0x2F, v0;
	_ =	sdelay $0x3  }
0x535: {  	[tilespmem:s16+$0x13200] =	vst v1  }
0x536: {  	v1 =	vld.idx.msk [tilespmem:v2+s2+$0x0], $0xffff  }
0x537: {  	v2 =	vor.u32 $0x30, v0;
	_ =	sdelay $0x3  }
0x538: {  	[tilespmem:s16+$0x13300] =	vst v1  }
0x539: {  	v1 =	vld.idx.msk [tilespmem:v2+s2+$0x0], $0xffff  }
0x53a: {  	v2 =	vor.u32 $0x31, v0;
	_ =	sdelay $0x3  }
0x53b: {  	[tilespmem:s16+$0x13400] =	vst v1  }
0x53c: {  	v1 =	vld.idx.msk [tilespmem:v2+s2+$0x0], $0xffff  }
0x53d: {  	v2 =	vor.u32 $0x32, v0;
	_ =	sdelay $0x3  }
0x53e: {  	[tilespmem:s16+$0x13500] =	vst v1  }
0x53f: {  	v1 =	vld.idx.msk [tilespmem:v2+s2+$0x0], $0xffff  }
0x540: {  	v2 =	vor.u32 $0x33, v0;
	_ =	sdelay $0x3  }
0x541: {  	[tilespmem:s16+$0x13600] =	vst v1  }
0x542: {  	v1 =	vld.idx.msk [tilespmem:v2+s2+$0x0], $0xffff  }
0x543: {  	v2 =	vor.u32 $0x34, v0;
	_ =	sdelay $0x3  }
0x544: {  	[tilespmem:s16+$0x13700] =	vst v1  }
0x545: {  	v1 =	vld.idx.msk [tilespmem:v2+s2+$0x0], $0xffff  }
0x546: {  	v2 =	vor.u32 $0x35, v0;
	_ =	sdelay $0x3  }
0x547: {  	[tilespmem:s16+$0x13800] =	vst v1  }
0x548: {  	v1 =	vld.idx.msk [tilespmem:v2+s2+$0x0], $0xffff  }
0x549: {  	v2 =	vor.u32 $0x36, v0;
	_ =	sdelay $0x3  }
0x54a: {  	[tilespmem:s16+$0x13900] =	vst v1  }
0x54b: {  	v1 =	vld.idx.msk [tilespmem:v2+s2+$0x0], $0xffff  }
0x54c: {  	v2 =	vor.u32 $0x37, v0;
	_ =	sdelay $0x3  }
0x54d: {  	[tilespmem:s16+$0x13A00] =	vst v1  }
0x54e: {  	v1 =	vld.idx.msk [tilespmem:v2+s2+$0x0], $0xffff  }
0x54f: {  	v2 =	vor.u32 $0x38, v0;
	_ =	sdelay $0x3  }
0x550: {  	[tilespmem:s16+$0x13B00] =	vst v1  }
0x551: {  	v1 =	vld.idx.msk [tilespmem:v2+s2+$0x0], $0xffff  }
0x552: {  	v2 =	vor.u32 $0x39, v0;
	_ =	sdelay $0x3  }
0x553: {  	[tilespmem:s16+$0x13C00] =	vst v1  }
0x554: {  	v1 =	vld.idx.msk [tilespmem:v2+s2+$0x0], $0xffff  }
0x555: {  	v2 =	vor.u32 $0x3A, v0;
	_ =	sdelay $0x3  }
0x556: {  	[tilespmem:s16+$0x13D00] =	vst v1  }
0x557: {  	v1 =	vld.idx.msk [tilespmem:v2+s2+$0x0], $0xffff  }
0x558: {  	v2 =	vor.u32 $0x3B, v0;
	_ =	sdelay $0x3  }
0x559: {  	[tilespmem:s16+$0x13E00] =	vst v1  }
0x55a: {  	v1 =	vld.idx.msk [tilespmem:v2+s2+$0x0], $0xffff  }
0x55b: {  	v2 =	vor.u32 $0x3C, v0;
	_ =	sdelay $0x3  }
0x55c: {  	[tilespmem:s16+$0x13F00] =	vst v1  }
0x55d: {  	v1 =	vld.idx.msk [tilespmem:v2+s2+$0x0], $0xffff  }
0x55e: {  	v2 =	vor.u32 $0x3D, v0;
	_ =	sdelay $0x3  }
0x55f: {  	[tilespmem:s16+$0x14000] =	vst v1  }
0x560: {  	v1 =	vld.idx.msk [tilespmem:v2+s2+$0x0], $0xffff  }
0x561: {  	v2 =	vor.u32 $0x3E, v0;
	_ =	sdelay $0x3  }
0x562: {  	[tilespmem:s16+$0x14100] =	vst v1  }
0x563: {  	v1 =	vld.idx.msk [tilespmem:v2+s2+$0x0], $0xffff  }
0x564: {  	v0 =	vor.u32 $0x3F, v0  }
0x565: {  	s17 =	simm.s32 $0x80;
	s18 =	simm.s32 $0x10  }
.LBB2_6:
0x566: {  	p0 =	sne.s32 s17, $0x3C0;
	v2 =	vld [tilespmem:s18+$0x10200];
	_ =	sdelay $0x1  }
0x567: {  	[tilespmem:s16+$0x14200] =	vst v1  }
0x568: {  	v1 =	vld.idx.msk [tilespmem:v0+s2+$0x0], $0xffff;
	_ =	sdelay $0x1  }
0x569: {  	v0 =	vshll.u32 v2, $0x6;
	_ =	sdelay $0x3  }
0x56a: {  	[tilespmem:s16+$0x14300] =	vst v1;
	s16 =	smov.u32 s18  }
0x56b: {  	v1 =	vld.idx.msk [tilespmem:v0+s2+$0x0], $0xffff;
	_ =	sdelay $0x1  }
0x56c: {  	v2 =	vor.u32 $0x1, v0;
	_ =	sdelay $0x3  }
0x56d: {  	[tilespmem:s16+$0x10400] =	vst v1  }
0x56e: {  	v1 =	vld.idx.msk [tilespmem:v2+s2+$0x0], $0xffff;
	_ =	sdelay $0x1  }
0x56f: {  	v2 =	vor.u32 $0x2, v0;
	_ =	sdelay $0x3  }
0x570: {  	[tilespmem:s16+$0x10500] =	vst v1  }
0x571: {  	v1 =	vld.idx.msk [tilespmem:v2+s2+$0x0], $0xffff;
	_ =	sdelay $0x1  }
0x572: {  	v2 =	vor.u32 $0x3, v0;
	_ =	sdelay $0x3  }
0x573: {  	[tilespmem:s16+$0x10600] =	vst v1  }
0x574: {  	v1 =	vld.idx.msk [tilespmem:v2+s2+$0x0], $0xffff;
	_ =	sdelay $0x1  }
0x575: {  	v2 =	vor.u32 $0x4, v0;
	_ =	sdelay $0x3  }
0x576: {  	[tilespmem:s16+$0x10700] =	vst v1  }
0x577: {  	v1 =	vld.idx.msk [tilespmem:v2+s2+$0x0], $0xffff;
	_ =	sdelay $0x1  }
0x578: {  	v2 =	vor.u32 $0x5, v0;
	_ =	sdelay $0x3  }
0x579: {  	[tilespmem:s16+$0x10800] =	vst v1  }
0x57a: {  	v1 =	vld.idx.msk [tilespmem:v2+s2+$0x0], $0xffff;
	_ =	sdelay $0x1  }
0x57b: {  	v2 =	vor.u32 $0x6, v0;
	_ =	sdelay $0x3  }
0x57c: {  	[tilespmem:s16+$0x10900] =	vst v1  }
0x57d: {  	v1 =	vld.idx.msk [tilespmem:v2+s2+$0x0], $0xffff;
	_ =	sdelay $0x1  }
0x57e: {  	v2 =	vor.u32 $0x7, v0;
	_ =	sdelay $0x3  }
0x57f: {  	[tilespmem:s16+$0x10A00] =	vst v1  }
0x580: {  	v1 =	vld.idx.msk [tilespmem:v2+s2+$0x0], $0xffff;
	_ =	sdelay $0x1  }
0x581: {  	v2 =	vor.u32 $0x8, v0;
	_ =	sdelay $0x3  }
0x582: {  	[tilespmem:s16+$0x10B00] =	vst v1  }
0x583: {  	v1 =	vld.idx.msk [tilespmem:v2+s2+$0x0], $0xffff;
	_ =	sdelay $0x1  }
0x584: {  	v2 =	vor.u32 $0x9, v0;
	_ =	sdelay $0x3  }
0x585: {  	[tilespmem:s16+$0x10C00] =	vst v1  }
0x586: {  	v1 =	vld.idx.msk [tilespmem:v2+s2+$0x0], $0xffff;
	_ =	sdelay $0x1  }
0x587: {  	v2 =	vor.u32 $0xA, v0;
	_ =	sdelay $0x3  }
0x588: {  	[tilespmem:s16+$0x10D00] =	vst v1  }
0x589: {  	v1 =	vld.idx.msk [tilespmem:v2+s2+$0x0], $0xffff;
	_ =	sdelay $0x1  }
0x58a: {  	v2 =	vor.u32 $0xB, v0;
	_ =	sdelay $0x3  }
0x58b: {  	[tilespmem:s16+$0x10E00] =	vst v1  }
0x58c: {  	v1 =	vld.idx.msk [tilespmem:v2+s2+$0x0], $0xffff;
	_ =	sdelay $0x1  }
0x58d: {  	v2 =	vor.u32 $0xC, v0;
	_ =	sdelay $0x3  }
0x58e: {  	[tilespmem:s16+$0x10F00] =	vst v1  }
0x58f: {  	v1 =	vld.idx.msk [tilespmem:v2+s2+$0x0], $0xffff;
	_ =	sdelay $0x1  }
0x590: {  	v2 =	vor.u32 $0xD, v0;
	_ =	sdelay $0x3  }
0x591: {  	[tilespmem:s16+$0x11000] =	vst v1  }
0x592: {  	v1 =	vld.idx.msk [tilespmem:v2+s2+$0x0], $0xffff;
	_ =	sdelay $0x1  }
0x593: {  	v2 =	vor.u32 $0xE, v0;
	_ =	sdelay $0x3  }
0x594: {  	[tilespmem:s16+$0x11100] =	vst v1  }
0x595: {  	v1 =	vld.idx.msk [tilespmem:v2+s2+$0x0], $0xffff;
	_ =	sdelay $0x1  }
0x596: {  	v2 =	vor.u32 $0xF, v0;
	_ =	sdelay $0x3  }
0x597: {  	[tilespmem:s16+$0x11200] =	vst v1  }
0x598: {  	v1 =	vld.idx.msk [tilespmem:v2+s2+$0x0], $0xffff;
	_ =	sdelay $0x1  }
0x599: {  	v2 =	vor.u32 $0x10, v0;
	_ =	sdelay $0x3  }
0x59a: {  	[tilespmem:s16+$0x11300] =	vst v1  }
0x59b: {  	v1 =	vld.idx.msk [tilespmem:v2+s2+$0x0], $0xffff;
	_ =	sdelay $0x1  }
0x59c: {  	v2 =	vor.u32 $0x11, v0;
	_ =	sdelay $0x3  }
0x59d: {  	[tilespmem:s16+$0x11400] =	vst v1  }
0x59e: {  	v1 =	vld.idx.msk [tilespmem:v2+s2+$0x0], $0xffff;
	_ =	sdelay $0x1  }
0x59f: {  	v2 =	vor.u32 $0x12, v0;
	_ =	sdelay $0x3  }
0x5a0: {  	[tilespmem:s16+$0x11500] =	vst v1  }
0x5a1: {  	v1 =	vld.idx.msk [tilespmem:v2+s2+$0x0], $0xffff;
	_ =	sdelay $0x1  }
0x5a2: {  	v2 =	vor.u32 $0x13, v0;
	_ =	sdelay $0x3  }
0x5a3: {  	[tilespmem:s16+$0x11600] =	vst v1  }
0x5a4: {  	v1 =	vld.idx.msk [tilespmem:v2+s2+$0x0], $0xffff;
	_ =	sdelay $0x1  }
0x5a5: {  	v2 =	vor.u32 $0x14, v0;
	_ =	sdelay $0x3  }
0x5a6: {  	[tilespmem:s16+$0x11700] =	vst v1  }
0x5a7: {  	v1 =	vld.idx.msk [tilespmem:v2+s2+$0x0], $0xffff;
	_ =	sdelay $0x1  }
0x5a8: {  	v2 =	vor.u32 $0x15, v0;
	_ =	sdelay $0x3  }
0x5a9: {  	[tilespmem:s16+$0x11800] =	vst v1  }
0x5aa: {  	v1 =	vld.idx.msk [tilespmem:v2+s2+$0x0], $0xffff;
	_ =	sdelay $0x1  }
0x5ab: {  	v2 =	vor.u32 $0x16, v0;
	_ =	sdelay $0x3  }
0x5ac: {  	[tilespmem:s16+$0x11900] =	vst v1  }
0x5ad: {  	v1 =	vld.idx.msk [tilespmem:v2+s2+$0x0], $0xffff;
	_ =	sdelay $0x1  }
0x5ae: {  	v2 =	vor.u32 $0x17, v0;
	_ =	sdelay $0x3  }
0x5af: {  	[tilespmem:s16+$0x11A00] =	vst v1  }
0x5b0: {  	v1 =	vld.idx.msk [tilespmem:v2+s2+$0x0], $0xffff;
	_ =	sdelay $0x1  }
0x5b1: {  	v2 =	vor.u32 $0x18, v0;
	_ =	sdelay $0x3  }
0x5b2: {  	[tilespmem:s16+$0x11B00] =	vst v1  }
0x5b3: {  	v1 =	vld.idx.msk [tilespmem:v2+s2+$0x0], $0xffff;
	_ =	sdelay $0x1  }
0x5b4: {  	v2 =	vor.u32 $0x19, v0;
	_ =	sdelay $0x3  }
0x5b5: {  	[tilespmem:s16+$0x11C00] =	vst v1  }
0x5b6: {  	v1 =	vld.idx.msk [tilespmem:v2+s2+$0x0], $0xffff;
	_ =	sdelay $0x1  }
0x5b7: {  	v2 =	vor.u32 $0x1A, v0;
	_ =	sdelay $0x3  }
0x5b8: {  	[tilespmem:s16+$0x11D00] =	vst v1  }
0x5b9: {  	v1 =	vld.idx.msk [tilespmem:v2+s2+$0x0], $0xffff;
	_ =	sdelay $0x1  }
0x5ba: {  	v2 =	vor.u32 $0x1B, v0;
	_ =	sdelay $0x3  }
0x5bb: {  	[tilespmem:s16+$0x11E00] =	vst v1  }
0x5bc: {  	v1 =	vld.idx.msk [tilespmem:v2+s2+$0x0], $0xffff;
	_ =	sdelay $0x1  }
0x5bd: {  	v2 =	vor.u32 $0x1C, v0;
	_ =	sdelay $0x3  }
0x5be: {  	[tilespmem:s16+$0x11F00] =	vst v1  }
0x5bf: {  	v1 =	vld.idx.msk [tilespmem:v2+s2+$0x0], $0xffff;
	_ =	sdelay $0x1  }
0x5c0: {  	v2 =	vor.u32 $0x1D, v0;
	_ =	sdelay $0x3  }
0x5c1: {  	[tilespmem:s16+$0x12000] =	vst v1  }
0x5c2: {  	v1 =	vld.idx.msk [tilespmem:v2+s2+$0x0], $0xffff;
	_ =	sdelay $0x1  }
0x5c3: {  	v2 =	vor.u32 $0x1E, v0;
	_ =	sdelay $0x3  }
0x5c4: {  	[tilespmem:s16+$0x12100] =	vst v1  }
0x5c5: {  	v1 =	vld.idx.msk [tilespmem:v2+s2+$0x0], $0xffff;
	_ =	sdelay $0x1  }
0x5c6: {  	v2 =	vor.u32 $0x1F, v0;
	_ =	sdelay $0x3  }
0x5c7: {  	[tilespmem:s16+$0x12200] =	vst v1  }
0x5c8: {  	v1 =	vld.idx.msk [tilespmem:v2+s2+$0x0], $0xffff;
	_ =	sdelay $0x1  }
0x5c9: {  	v2 =	vor.u32 $0x20, v0;
	_ =	sdelay $0x3  }
0x5ca: {  	[tilespmem:s16+$0x12300] =	vst v1  }
0x5cb: {  	v1 =	vld.idx.msk [tilespmem:v2+s2+$0x0], $0xffff;
	_ =	sdelay $0x1  }
0x5cc: {  	v2 =	vor.u32 $0x21, v0;
	_ =	sdelay $0x3  }
0x5cd: {  	[tilespmem:s16+$0x12400] =	vst v1  }
0x5ce: {  	v1 =	vld.idx.msk [tilespmem:v2+s2+$0x0], $0xffff;
	_ =	sdelay $0x1  }
0x5cf: {  	v2 =	vor.u32 $0x22, v0;
	_ =	sdelay $0x3  }
0x5d0: {  	[tilespmem:s16+$0x12500] =	vst v1  }
0x5d1: {  	v1 =	vld.idx.msk [tilespmem:v2+s2+$0x0], $0xffff;
	_ =	sdelay $0x1  }
0x5d2: {  	v2 =	vor.u32 $0x23, v0;
	_ =	sdelay $0x3  }
0x5d3: {  	[tilespmem:s16+$0x12600] =	vst v1  }
0x5d4: {  	v1 =	vld.idx.msk [tilespmem:v2+s2+$0x0], $0xffff;
	_ =	sdelay $0x1  }
0x5d5: {  	v2 =	vor.u32 $0x24, v0;
	_ =	sdelay $0x3  }
0x5d6: {  	[tilespmem:s16+$0x12700] =	vst v1  }
0x5d7: {  	v1 =	vld.idx.msk [tilespmem:v2+s2+$0x0], $0xffff;
	_ =	sdelay $0x1  }
0x5d8: {  	v2 =	vor.u32 $0x25, v0;
	_ =	sdelay $0x3  }
0x5d9: {  	[tilespmem:s16+$0x12800] =	vst v1  }
0x5da: {  	v1 =	vld.idx.msk [tilespmem:v2+s2+$0x0], $0xffff;
	_ =	sdelay $0x1  }
0x5db: {  	v2 =	vor.u32 $0x26, v0;
	_ =	sdelay $0x3  }
0x5dc: {  	[tilespmem:s16+$0x12900] =	vst v1  }
0x5dd: {  	v1 =	vld.idx.msk [tilespmem:v2+s2+$0x0], $0xffff;
	_ =	sdelay $0x1  }
0x5de: {  	v2 =	vor.u32 $0x27, v0;
	_ =	sdelay $0x3  }
0x5df: {  	[tilespmem:s16+$0x12A00] =	vst v1  }
0x5e0: {  	v1 =	vld.idx.msk [tilespmem:v2+s2+$0x0], $0xffff;
	_ =	sdelay $0x1  }
0x5e1: {  	v2 =	vor.u32 $0x28, v0;
	_ =	sdelay $0x3  }
0x5e2: {  	[tilespmem:s16+$0x12B00] =	vst v1  }
0x5e3: {  	v1 =	vld.idx.msk [tilespmem:v2+s2+$0x0], $0xffff;
	_ =	sdelay $0x1  }
0x5e4: {  	v2 =	vor.u32 $0x29, v0;
	_ =	sdelay $0x3  }
0x5e5: {  	[tilespmem:s16+$0x12C00] =	vst v1  }
0x5e6: {  	v1 =	vld.idx.msk [tilespmem:v2+s2+$0x0], $0xffff;
	_ =	sdelay $0x1  }
0x5e7: {  	v2 =	vor.u32 $0x2A, v0;
	_ =	sdelay $0x3  }
0x5e8: {  	[tilespmem:s16+$0x12D00] =	vst v1  }
0x5e9: {  	v1 =	vld.idx.msk [tilespmem:v2+s2+$0x0], $0xffff;
	_ =	sdelay $0x1  }
0x5ea: {  	v2 =	vor.u32 $0x2B, v0;
	_ =	sdelay $0x3  }
0x5eb: {  	[tilespmem:s16+$0x12E00] =	vst v1  }
0x5ec: {  	v1 =	vld.idx.msk [tilespmem:v2+s2+$0x0], $0xffff;
	_ =	sdelay $0x1  }
0x5ed: {  	v2 =	vor.u32 $0x2C, v0;
	_ =	sdelay $0x3  }
0x5ee: {  	[tilespmem:s16+$0x12F00] =	vst v1  }
0x5ef: {  	v1 =	vld.idx.msk [tilespmem:v2+s2+$0x0], $0xffff;
	_ =	sdelay $0x1  }
0x5f0: {  	v2 =	vor.u32 $0x2D, v0;
	_ =	sdelay $0x3  }
0x5f1: {  	[tilespmem:s16+$0x13000] =	vst v1  }
0x5f2: {  	v1 =	vld.idx.msk [tilespmem:v2+s2+$0x0], $0xffff;
	_ =	sdelay $0x1  }
0x5f3: {  	v2 =	vor.u32 $0x2E, v0;
	_ =	sdelay $0x3  }
0x5f4: {  	[tilespmem:s16+$0x13100] =	vst v1  }
0x5f5: {  	v1 =	vld.idx.msk [tilespmem:v2+s2+$0x0], $0xffff;
	_ =	sdelay $0x1  }
0x5f6: {  	v2 =	vor.u32 $0x2F, v0;
	_ =	sdelay $0x3  }
0x5f7: {  	[tilespmem:s16+$0x13200] =	vst v1  }
0x5f8: {  	v1 =	vld.idx.msk [tilespmem:v2+s2+$0x0], $0xffff;
	_ =	sdelay $0x1  }
0x5f9: {  	v2 =	vor.u32 $0x30, v0;
	_ =	sdelay $0x3  }
0x5fa: {  	[tilespmem:s16+$0x13300] =	vst v1  }
0x5fb: {  	v1 =	vld.idx.msk [tilespmem:v2+s2+$0x0], $0xffff;
	_ =	sdelay $0x1  }
0x5fc: {  	v2 =	vor.u32 $0x31, v0;
	_ =	sdelay $0x3  }
0x5fd: {  	[tilespmem:s16+$0x13400] =	vst v1  }
0x5fe: {  	v1 =	vld.idx.msk [tilespmem:v2+s2+$0x0], $0xffff;
	_ =	sdelay $0x1  }
0x5ff: {  	v2 =	vor.u32 $0x32, v0;
	_ =	sdelay $0x3  }
0x600: {  	[tilespmem:s16+$0x13500] =	vst v1  }
0x601: {  	v1 =	vld.idx.msk [tilespmem:v2+s2+$0x0], $0xffff;
	_ =	sdelay $0x1  }
0x602: {  	v2 =	vor.u32 $0x33, v0;
	_ =	sdelay $0x3  }
0x603: {  	[tilespmem:s16+$0x13600] =	vst v1  }
0x604: {  	v1 =	vld.idx.msk [tilespmem:v2+s2+$0x0], $0xffff;
	_ =	sdelay $0x1  }
0x605: {  	v2 =	vor.u32 $0x34, v0;
	_ =	sdelay $0x3  }
0x606: {  	[tilespmem:s16+$0x13700] =	vst v1  }
0x607: {  	v1 =	vld.idx.msk [tilespmem:v2+s2+$0x0], $0xffff;
	_ =	sdelay $0x1  }
0x608: {  	v2 =	vor.u32 $0x35, v0;
	_ =	sdelay $0x3  }
0x609: {  	[tilespmem:s16+$0x13800] =	vst v1  }
0x60a: {  	v1 =	vld.idx.msk [tilespmem:v2+s2+$0x0], $0xffff;
	_ =	sdelay $0x1  }
0x60b: {  	v2 =	vor.u32 $0x36, v0;
	_ =	sdelay $0x3  }
0x60c: {  	[tilespmem:s16+$0x13900] =	vst v1  }
0x60d: {  	v1 =	vld.idx.msk [tilespmem:v2+s2+$0x0], $0xffff;
	_ =	sdelay $0x1  }
0x60e: {  	v2 =	vor.u32 $0x37, v0;
	_ =	sdelay $0x3  }
0x60f: {  	[tilespmem:s16+$0x13A00] =	vst v1  }
0x610: {  	v1 =	vld.idx.msk [tilespmem:v2+s2+$0x0], $0xffff;
	_ =	sdelay $0x1  }
0x611: {  	v2 =	vor.u32 $0x38, v0;
	_ =	sdelay $0x3  }
0x612: {  	[tilespmem:s16+$0x13B00] =	vst v1  }
0x613: {  	v1 =	vld.idx.msk [tilespmem:v2+s2+$0x0], $0xffff;
	_ =	sdelay $0x1  }
0x614: {  	v2 =	vor.u32 $0x39, v0;
	_ =	sdelay $0x3  }
0x615: {  	[tilespmem:s16+$0x13C00] =	vst v1  }
0x616: {  	v1 =	vld.idx.msk [tilespmem:v2+s2+$0x0], $0xffff;
	_ =	sdelay $0x1  }
0x617: {  	v2 =	vor.u32 $0x3A, v0;
	_ =	sdelay $0x3  }
0x618: {  	[tilespmem:s16+$0x13D00] =	vst v1  }
0x619: {  	v1 =	vld.idx.msk [tilespmem:v2+s2+$0x0], $0xffff;
	_ =	sdelay $0x1  }
0x61a: {  	v2 =	vor.u32 $0x3B, v0;
	_ =	sdelay $0x3  }
0x61b: {  	[tilespmem:s16+$0x13E00] =	vst v1  }
0x61c: {  	v1 =	vld.idx.msk [tilespmem:v2+s2+$0x0], $0xffff;
	_ =	sdelay $0x1  }
0x61d: {  	v2 =	vor.u32 $0x3C, v0;
	_ =	sdelay $0x3  }
0x61e: {  	[tilespmem:s16+$0x13F00] =	vst v1  }
0x61f: {  	v1 =	vld.idx.msk [tilespmem:v2+s2+$0x0], $0xffff;
	_ =	sdelay $0x1  }
0x620: {  	v2 =	vor.u32 $0x3D, v0;
	_ =	sdelay $0x3  }
0x621: {  	[tilespmem:s16+$0x14000] =	vst v1  }
0x622: {  	v1 =	vld.idx.msk [tilespmem:v2+s2+$0x0], $0xffff;
	_ =	sdelay $0x1  }
0x623: {  	v2 =	vor.u32 $0x3E, v0;
	_ =	sdelay $0x3  }
.Ltmp2:
0x624: {  	[tilespmem:s16+$0x14100] =	vst v1;
	(pc) =	sbr.rel @p0 .LBB2_6-.Ltmp2, $3  }
0x625: {  	v1 =	vld.idx.msk [tilespmem:v2+s2+$0x0], $0xffff;
	_ =	sdelay $0x1  }
0x626: {  	v0 =	vor.u32 $0x3F, v0  }
0x627: {  	s18 =	sshra.s32 s17, $0x2;
	s17 =	sadd.s32 $0x40, s17  }
0x628: {  	v2 =	vld [tilespmem:s18+$0x10200];
	_ =	sdelay $0x2  }
0x629: {  	[tilespmem:s16+$0x14200] =	vst v1  }
0x62a: {  	v1 =	vld.idx.msk [tilespmem:v0+s2+$0x0], $0xffff  }
0x62b: {  	v0 =	vshll.u32 v2, $0x6;
	_ =	sdelay $0x3  }
0x62c: {  	[tilespmem:s16+$0x14300] =	vst v1  }
0x62d: {  	v1 =	vld.idx.msk [tilespmem:v0+s2+$0x0], $0xffff  }
0x62e: {  	v2 =	vor.u32 $0x1, v0;
	_ =	sdelay $0x3  }
0x62f: {  	[tilespmem:s18+$0x10400] =	vst v1  }
0x630: {  	v1 =	vld.idx.msk [tilespmem:v2+s2+$0x0], $0xffff  }
0x631: {  	v2 =	vor.u32 $0x2, v0;
	_ =	sdelay $0x3  }
0x632: {  	[tilespmem:s18+$0x10500] =	vst v1  }
0x633: {  	v1 =	vld.idx.msk [tilespmem:v2+s2+$0x0], $0xffff  }
0x634: {  	v2 =	vor.u32 $0x3, v0;
	_ =	sdelay $0x3  }
0x635: {  	[tilespmem:s18+$0x10600] =	vst v1  }
0x636: {  	v1 =	vld.idx.msk [tilespmem:v2+s2+$0x0], $0xffff  }
0x637: {  	v2 =	vor.u32 $0x4, v0;
	_ =	sdelay $0x3  }
0x638: {  	[tilespmem:s18+$0x10700] =	vst v1  }
0x639: {  	v1 =	vld.idx.msk [tilespmem:v2+s2+$0x0], $0xffff  }
0x63a: {  	v2 =	vor.u32 $0x5, v0;
	_ =	sdelay $0x3  }
0x63b: {  	[tilespmem:s18+$0x10800] =	vst v1  }
0x63c: {  	v1 =	vld.idx.msk [tilespmem:v2+s2+$0x0], $0xffff  }
0x63d: {  	v2 =	vor.u32 $0x6, v0;
	_ =	sdelay $0x3  }
0x63e: {  	[tilespmem:s18+$0x10900] =	vst v1  }
0x63f: {  	v1 =	vld.idx.msk [tilespmem:v2+s2+$0x0], $0xffff  }
0x640: {  	v2 =	vor.u32 $0x7, v0;
	_ =	sdelay $0x3  }
0x641: {  	[tilespmem:s18+$0x10A00] =	vst v1  }
0x642: {  	v1 =	vld.idx.msk [tilespmem:v2+s2+$0x0], $0xffff  }
0x643: {  	v2 =	vor.u32 $0x8, v0;
	_ =	sdelay $0x3  }
0x644: {  	[tilespmem:s18+$0x10B00] =	vst v1  }
0x645: {  	v1 =	vld.idx.msk [tilespmem:v2+s2+$0x0], $0xffff  }
0x646: {  	v2 =	vor.u32 $0x9, v0;
	_ =	sdelay $0x3  }
0x647: {  	[tilespmem:s18+$0x10C00] =	vst v1  }
0x648: {  	v1 =	vld.idx.msk [tilespmem:v2+s2+$0x0], $0xffff  }
0x649: {  	v2 =	vor.u32 $0xA, v0;
	_ =	sdelay $0x3  }
0x64a: {  	[tilespmem:s18+$0x10D00] =	vst v1  }
0x64b: {  	v1 =	vld.idx.msk [tilespmem:v2+s2+$0x0], $0xffff  }
0x64c: {  	v2 =	vor.u32 $0xB, v0;
	_ =	sdelay $0x3  }
0x64d: {  	[tilespmem:s18+$0x10E00] =	vst v1  }
0x64e: {  	v1 =	vld.idx.msk [tilespmem:v2+s2+$0x0], $0xffff  }
0x64f: {  	v2 =	vor.u32 $0xC, v0;
	_ =	sdelay $0x3  }
0x650: {  	[tilespmem:s18+$0x10F00] =	vst v1  }
0x651: {  	v1 =	vld.idx.msk [tilespmem:v2+s2+$0x0], $0xffff  }
0x652: {  	v2 =	vor.u32 $0xD, v0;
	_ =	sdelay $0x3  }
0x653: {  	[tilespmem:s18+$0x11000] =	vst v1  }
0x654: {  	v1 =	vld.idx.msk [tilespmem:v2+s2+$0x0], $0xffff  }
0x655: {  	v2 =	vor.u32 $0xE, v0;
	_ =	sdelay $0x3  }
0x656: {  	[tilespmem:s18+$0x11100] =	vst v1  }
0x657: {  	v1 =	vld.idx.msk [tilespmem:v2+s2+$0x0], $0xffff  }
0x658: {  	v2 =	vor.u32 $0xF, v0;
	_ =	sdelay $0x3  }
0x659: {  	[tilespmem:s18+$0x11200] =	vst v1  }
0x65a: {  	v1 =	vld.idx.msk [tilespmem:v2+s2+$0x0], $0xffff  }
0x65b: {  	v2 =	vor.u32 $0x10, v0;
	_ =	sdelay $0x3  }
0x65c: {  	[tilespmem:s18+$0x11300] =	vst v1  }
0x65d: {  	v1 =	vld.idx.msk [tilespmem:v2+s2+$0x0], $0xffff  }
0x65e: {  	v2 =	vor.u32 $0x11, v0;
	_ =	sdelay $0x3  }
0x65f: {  	[tilespmem:s18+$0x11400] =	vst v1  }
0x660: {  	v1 =	vld.idx.msk [tilespmem:v2+s2+$0x0], $0xffff  }
0x661: {  	v2 =	vor.u32 $0x12, v0;
	_ =	sdelay $0x3  }
0x662: {  	[tilespmem:s18+$0x11500] =	vst v1  }
0x663: {  	v1 =	vld.idx.msk [tilespmem:v2+s2+$0x0], $0xffff  }
0x664: {  	v2 =	vor.u32 $0x13, v0;
	_ =	sdelay $0x3  }
0x665: {  	[tilespmem:s18+$0x11600] =	vst v1  }
0x666: {  	v1 =	vld.idx.msk [tilespmem:v2+s2+$0x0], $0xffff  }
0x667: {  	v2 =	vor.u32 $0x14, v0;
	_ =	sdelay $0x3  }
0x668: {  	[tilespmem:s18+$0x11700] =	vst v1  }
0x669: {  	v1 =	vld.idx.msk [tilespmem:v2+s2+$0x0], $0xffff  }
0x66a: {  	v2 =	vor.u32 $0x15, v0;
	_ =	sdelay $0x3  }
0x66b: {  	[tilespmem:s18+$0x11800] =	vst v1  }
0x66c: {  	v1 =	vld.idx.msk [tilespmem:v2+s2+$0x0], $0xffff  }
0x66d: {  	v2 =	vor.u32 $0x16, v0;
	_ =	sdelay $0x3  }
0x66e: {  	[tilespmem:s18+$0x11900] =	vst v1  }
0x66f: {  	v1 =	vld.idx.msk [tilespmem:v2+s2+$0x0], $0xffff  }
0x670: {  	v2 =	vor.u32 $0x17, v0;
	_ =	sdelay $0x3  }
0x671: {  	[tilespmem:s18+$0x11A00] =	vst v1  }
0x672: {  	v1 =	vld.idx.msk [tilespmem:v2+s2+$0x0], $0xffff  }
0x673: {  	v2 =	vor.u32 $0x18, v0;
	_ =	sdelay $0x3  }
0x674: {  	[tilespmem:s18+$0x11B00] =	vst v1  }
0x675: {  	v1 =	vld.idx.msk [tilespmem:v2+s2+$0x0], $0xffff  }
0x676: {  	v2 =	vor.u32 $0x19, v0;
	_ =	sdelay $0x3  }
0x677: {  	[tilespmem:s18+$0x11C00] =	vst v1  }
0x678: {  	v1 =	vld.idx.msk [tilespmem:v2+s2+$0x0], $0xffff  }
0x679: {  	v2 =	vor.u32 $0x1A, v0;
	_ =	sdelay $0x3  }
0x67a: {  	[tilespmem:s18+$0x11D00] =	vst v1  }
0x67b: {  	v1 =	vld.idx.msk [tilespmem:v2+s2+$0x0], $0xffff  }
0x67c: {  	v2 =	vor.u32 $0x1B, v0;
	_ =	sdelay $0x3  }
0x67d: {  	[tilespmem:s18+$0x11E00] =	vst v1  }
0x67e: {  	v1 =	vld.idx.msk [tilespmem:v2+s2+$0x0], $0xffff  }
0x67f: {  	v2 =	vor.u32 $0x1C, v0;
	_ =	sdelay $0x3  }
0x680: {  	[tilespmem:s18+$0x11F00] =	vst v1  }
0x681: {  	v1 =	vld.idx.msk [tilespmem:v2+s2+$0x0], $0xffff  }
0x682: {  	v2 =	vor.u32 $0x1D, v0;
	_ =	sdelay $0x3  }
0x683: {  	[tilespmem:s18+$0x12000] =	vst v1  }
0x684: {  	v1 =	vld.idx.msk [tilespmem:v2+s2+$0x0], $0xffff  }
0x685: {  	v2 =	vor.u32 $0x1E, v0;
	_ =	sdelay $0x3  }
0x686: {  	[tilespmem:s18+$0x12100] =	vst v1  }
0x687: {  	v1 =	vld.idx.msk [tilespmem:v2+s2+$0x0], $0xffff  }
0x688: {  	v2 =	vor.u32 $0x1F, v0;
	_ =	sdelay $0x3  }
0x689: {  	[tilespmem:s18+$0x12200] =	vst v1  }
0x68a: {  	v1 =	vld.idx.msk [tilespmem:v2+s2+$0x0], $0xffff  }
0x68b: {  	v2 =	vor.u32 $0x20, v0;
	_ =	sdelay $0x3  }
0x68c: {  	[tilespmem:s18+$0x12300] =	vst v1  }
0x68d: {  	v1 =	vld.idx.msk [tilespmem:v2+s2+$0x0], $0xffff  }
0x68e: {  	v2 =	vor.u32 $0x21, v0;
	_ =	sdelay $0x3  }
0x68f: {  	[tilespmem:s18+$0x12400] =	vst v1  }
0x690: {  	v1 =	vld.idx.msk [tilespmem:v2+s2+$0x0], $0xffff  }
0x691: {  	v2 =	vor.u32 $0x22, v0;
	_ =	sdelay $0x3  }
0x692: {  	[tilespmem:s18+$0x12500] =	vst v1  }
0x693: {  	v1 =	vld.idx.msk [tilespmem:v2+s2+$0x0], $0xffff  }
0x694: {  	v2 =	vor.u32 $0x23, v0;
	_ =	sdelay $0x3  }
0x695: {  	[tilespmem:s18+$0x12600] =	vst v1  }
0x696: {  	v1 =	vld.idx.msk [tilespmem:v2+s2+$0x0], $0xffff  }
0x697: {  	v2 =	vor.u32 $0x24, v0;
	_ =	sdelay $0x3  }
0x698: {  	[tilespmem:s18+$0x12700] =	vst v1  }
0x699: {  	v1 =	vld.idx.msk [tilespmem:v2+s2+$0x0], $0xffff  }
0x69a: {  	v2 =	vor.u32 $0x25, v0;
	_ =	sdelay $0x3  }
0x69b: {  	[tilespmem:s18+$0x12800] =	vst v1  }
0x69c: {  	v1 =	vld.idx.msk [tilespmem:v2+s2+$0x0], $0xffff  }
0x69d: {  	v2 =	vor.u32 $0x26, v0;
	_ =	sdelay $0x3  }
0x69e: {  	[tilespmem:s18+$0x12900] =	vst v1  }
0x69f: {  	v1 =	vld.idx.msk [tilespmem:v2+s2+$0x0], $0xffff  }
0x6a0: {  	v2 =	vor.u32 $0x27, v0;
	_ =	sdelay $0x3  }
0x6a1: {  	[tilespmem:s18+$0x12A00] =	vst v1  }
0x6a2: {  	v1 =	vld.idx.msk [tilespmem:v2+s2+$0x0], $0xffff  }
0x6a3: {  	v2 =	vor.u32 $0x28, v0;
	_ =	sdelay $0x3  }
0x6a4: {  	[tilespmem:s18+$0x12B00] =	vst v1  }
0x6a5: {  	v1 =	vld.idx.msk [tilespmem:v2+s2+$0x0], $0xffff  }
0x6a6: {  	v2 =	vor.u32 $0x29, v0;
	_ =	sdelay $0x3  }
0x6a7: {  	[tilespmem:s18+$0x12C00] =	vst v1  }
0x6a8: {  	v1 =	vld.idx.msk [tilespmem:v2+s2+$0x0], $0xffff  }
0x6a9: {  	v2 =	vor.u32 $0x2A, v0;
	_ =	sdelay $0x3  }
0x6aa: {  	[tilespmem:s18+$0x12D00] =	vst v1  }
0x6ab: {  	v1 =	vld.idx.msk [tilespmem:v2+s2+$0x0], $0xffff  }
0x6ac: {  	v2 =	vor.u32 $0x2B, v0;
	_ =	sdelay $0x3  }
0x6ad: {  	[tilespmem:s18+$0x12E00] =	vst v1  }
0x6ae: {  	v1 =	vld.idx.msk [tilespmem:v2+s2+$0x0], $0xffff  }
0x6af: {  	v2 =	vor.u32 $0x2C, v0;
	_ =	sdelay $0x3  }
0x6b0: {  	[tilespmem:s18+$0x12F00] =	vst v1  }
0x6b1: {  	v1 =	vld.idx.msk [tilespmem:v2+s2+$0x0], $0xffff  }
0x6b2: {  	v2 =	vor.u32 $0x2D, v0;
	_ =	sdelay $0x3  }
0x6b3: {  	[tilespmem:s18+$0x13000] =	vst v1  }
0x6b4: {  	v1 =	vld.idx.msk [tilespmem:v2+s2+$0x0], $0xffff  }
0x6b5: {  	v2 =	vor.u32 $0x2E, v0;
	_ =	sdelay $0x3  }
0x6b6: {  	[tilespmem:s18+$0x13100] =	vst v1  }
0x6b7: {  	v1 =	vld.idx.msk [tilespmem:v2+s2+$0x0], $0xffff  }
0x6b8: {  	v2 =	vor.u32 $0x2F, v0;
	_ =	sdelay $0x3  }
0x6b9: {  	[tilespmem:s18+$0x13200] =	vst v1  }
0x6ba: {  	v1 =	vld.idx.msk [tilespmem:v2+s2+$0x0], $0xffff  }
0x6bb: {  	v2 =	vor.u32 $0x30, v0;
	_ =	sdelay $0x3  }
0x6bc: {  	[tilespmem:s18+$0x13300] =	vst v1  }
0x6bd: {  	v1 =	vld.idx.msk [tilespmem:v2+s2+$0x0], $0xffff  }
0x6be: {  	v2 =	vor.u32 $0x31, v0;
	_ =	sdelay $0x3  }
0x6bf: {  	[tilespmem:s18+$0x13400] =	vst v1  }
0x6c0: {  	v1 =	vld.idx.msk [tilespmem:v2+s2+$0x0], $0xffff  }
0x6c1: {  	v2 =	vor.u32 $0x32, v0;
	_ =	sdelay $0x3  }
0x6c2: {  	[tilespmem:s18+$0x13500] =	vst v1  }
0x6c3: {  	v1 =	vld.idx.msk [tilespmem:v2+s2+$0x0], $0xffff  }
0x6c4: {  	v2 =	vor.u32 $0x33, v0;
	_ =	sdelay $0x3  }
0x6c5: {  	[tilespmem:s18+$0x13600] =	vst v1  }
0x6c6: {  	v1 =	vld.idx.msk [tilespmem:v2+s2+$0x0], $0xffff  }
0x6c7: {  	v2 =	vor.u32 $0x34, v0;
	_ =	sdelay $0x3  }
0x6c8: {  	[tilespmem:s18+$0x13700] =	vst v1  }
0x6c9: {  	v1 =	vld.idx.msk [tilespmem:v2+s2+$0x0], $0xffff  }
0x6ca: {  	v2 =	vor.u32 $0x35, v0;
	_ =	sdelay $0x3  }
0x6cb: {  	[tilespmem:s18+$0x13800] =	vst v1  }
0x6cc: {  	v1 =	vld.idx.msk [tilespmem:v2+s2+$0x0], $0xffff  }
0x6cd: {  	v2 =	vor.u32 $0x36, v0;
	_ =	sdelay $0x3  }
0x6ce: {  	[tilespmem:s18+$0x13900] =	vst v1  }
0x6cf: {  	v1 =	vld.idx.msk [tilespmem:v2+s2+$0x0], $0xffff  }
0x6d0: {  	v2 =	vor.u32 $0x37, v0;
	_ =	sdelay $0x3  }
0x6d1: {  	[tilespmem:s18+$0x13A00] =	vst v1  }
0x6d2: {  	v1 =	vld.idx.msk [tilespmem:v2+s2+$0x0], $0xffff  }
0x6d3: {  	v2 =	vor.u32 $0x38, v0;
	_ =	sdelay $0x3  }
0x6d4: {  	[tilespmem:s18+$0x13B00] =	vst v1  }
0x6d5: {  	v1 =	vld.idx.msk [tilespmem:v2+s2+$0x0], $0xffff  }
0x6d6: {  	v2 =	vor.u32 $0x39, v0;
	_ =	sdelay $0x3  }
0x6d7: {  	[tilespmem:s18+$0x13C00] =	vst v1  }
0x6d8: {  	v1 =	vld.idx.msk [tilespmem:v2+s2+$0x0], $0xffff  }
0x6d9: {  	v2 =	vor.u32 $0x3A, v0;
	_ =	sdelay $0x3  }
0x6da: {  	[tilespmem:s18+$0x13D00] =	vst v1  }
0x6db: {  	v1 =	vld.idx.msk [tilespmem:v2+s2+$0x0], $0xffff  }
0x6dc: {  	v2 =	vor.u32 $0x3B, v0;
	_ =	sdelay $0x3  }
0x6dd: {  	[tilespmem:s18+$0x13E00] =	vst v1  }
0x6de: {  	v1 =	vld.idx.msk [tilespmem:v2+s2+$0x0], $0xffff  }
0x6df: {  	v2 =	vor.u32 $0x3C, v0;
	_ =	sdelay $0x3  }
0x6e0: {  	[tilespmem:s18+$0x13F00] =	vst v1  }
0x6e1: {  	v1 =	vld.idx.msk [tilespmem:v2+s2+$0x0], $0xffff  }
0x6e2: {  	v2 =	vor.u32 $0x3D, v0;
	_ =	sdelay $0x3  }
0x6e3: {  	[tilespmem:s18+$0x14000] =	vst v1  }
0x6e4: {  	v1 =	vld.idx.msk [tilespmem:v2+s2+$0x0], $0xffff  }
0x6e5: {  	v2 =	vor.u32 $0x3E, v0;
	_ =	sdelay $0x3  }
0x6e6: {  	[tilespmem:s18+$0x14100] =	vst v1  }
0x6e7: {  	v1 =	vld.idx.msk [tilespmem:v2+s2+$0x0], $0xffff  }
0x6e8: {  	v0 =	vor.u32 $0x3F, v0;
	_ =	sdelay $0x3  }
0x6e9: {  	[tilespmem:s18+$0x14200] =	vst v1  }
0x6ea: {  	v0 =	vld.idx.msk [tilespmem:v0+s2+$0x0], $0xffff;
	_ =	sdelay $0x4  }
0x6eb: {  	[tilespmem:s18+$0x14300] =	vst v0  }
0x6ec: {  	[hbm4b:s7+s12] =	stream.strided.scatter [tilespmem:s14], [sflag:$0x1], $0x4000, s13, s12, $0x38;
	[tilespmem:$0x14400] =	vst v63  }
0x6ed: {  	_ =	swait.ge [sflag:s10], $0x4000  }
0x6ee: {  	[sflag:s10] =	ssyncset.done $0x0  }
0x6ef: {  	s16 =	simm.s32 $0x0;
	[sflag:s10] =	ssyncadd.s32 $0xFFFFC000  }
0x6f0: {  	v0 =	vld [tilespmem:s16+$0x10300];
	_ =	sdelay $0x4  }
0x6f1: {  	v0 =	vshll.u32 v0, $0x6;
	_ =	sdelay $0x4  }
0x6f2: {  	v1 =	vld.idx.msk [tilespmem:v0+s2+$0x0], $0xffff  }
0x6f3: {  	v2 =	vor.u32 $0x1, v0;
	_ =	sdelay $0x3  }
0x6f4: {  	[tilespmem:s16+$0x10400] =	vst v1  }
0x6f5: {  	v1 =	vld.idx.msk [tilespmem:v2+s2+$0x0], $0xffff  }
0x6f6: {  	v2 =	vor.u32 $0x2, v0;
	_ =	sdelay $0x3  }
0x6f7: {  	[tilespmem:s16+$0x10500] =	vst v1  }
0x6f8: {  	v1 =	vld.idx.msk [tilespmem:v2+s2+$0x0], $0xffff  }
0x6f9: {  	v2 =	vor.u32 $0x3, v0;
	_ =	sdelay $0x3  }
0x6fa: {  	[tilespmem:s16+$0x10600] =	vst v1  }
0x6fb: {  	v1 =	vld.idx.msk [tilespmem:v2+s2+$0x0], $0xffff  }
0x6fc: {  	v2 =	vor.u32 $0x4, v0;
	_ =	sdelay $0x3  }
0x6fd: {  	[tilespmem:s16+$0x10700] =	vst v1  }
0x6fe: {  	v1 =	vld.idx.msk [tilespmem:v2+s2+$0x0], $0xffff  }
0x6ff: {  	v2 =	vor.u32 $0x5, v0;
	_ =	sdelay $0x3  }
0x700: {  	[tilespmem:s16+$0x10800] =	vst v1  }
0x701: {  	v1 =	vld.idx.msk [tilespmem:v2+s2+$0x0], $0xffff  }
0x702: {  	v2 =	vor.u32 $0x6, v0;
	_ =	sdelay $0x3  }
0x703: {  	[tilespmem:s16+$0x10900] =	vst v1  }
0x704: {  	v1 =	vld.idx.msk [tilespmem:v2+s2+$0x0], $0xffff  }
0x705: {  	v2 =	vor.u32 $0x7, v0;
	_ =	sdelay $0x3  }
0x706: {  	[tilespmem:s16+$0x10A00] =	vst v1  }
0x707: {  	v1 =	vld.idx.msk [tilespmem:v2+s2+$0x0], $0xffff  }
0x708: {  	v2 =	vor.u32 $0x8, v0;
	_ =	sdelay $0x3  }
0x709: {  	[tilespmem:s16+$0x10B00] =	vst v1  }
0x70a: {  	v1 =	vld.idx.msk [tilespmem:v2+s2+$0x0], $0xffff  }
0x70b: {  	v2 =	vor.u32 $0x9, v0;
	_ =	sdelay $0x3  }
0x70c: {  	[tilespmem:s16+$0x10C00] =	vst v1  }
0x70d: {  	v1 =	vld.idx.msk [tilespmem:v2+s2+$0x0], $0xffff  }
0x70e: {  	v2 =	vor.u32 $0xA, v0;
	_ =	sdelay $0x3  }
0x70f: {  	[tilespmem:s16+$0x10D00] =	vst v1  }
0x710: {  	v1 =	vld.idx.msk [tilespmem:v2+s2+$0x0], $0xffff  }
0x711: {  	v2 =	vor.u32 $0xB, v0;
	_ =	sdelay $0x3  }
0x712: {  	[tilespmem:s16+$0x10E00] =	vst v1  }
0x713: {  	v1 =	vld.idx.msk [tilespmem:v2+s2+$0x0], $0xffff  }
0x714: {  	v2 =	vor.u32 $0xC, v0;
	_ =	sdelay $0x3  }
0x715: {  	[tilespmem:s16+$0x10F00] =	vst v1  }
0x716: {  	v1 =	vld.idx.msk [tilespmem:v2+s2+$0x0], $0xffff  }
0x717: {  	v2 =	vor.u32 $0xD, v0;
	_ =	sdelay $0x3  }
0x718: {  	[tilespmem:s16+$0x11000] =	vst v1  }
0x719: {  	v1 =	vld.idx.msk [tilespmem:v2+s2+$0x0], $0xffff  }
0x71a: {  	v2 =	vor.u32 $0xE, v0;
	_ =	sdelay $0x3  }
0x71b: {  	[tilespmem:s16+$0x11100] =	vst v1  }
0x71c: {  	v1 =	vld.idx.msk [tilespmem:v2+s2+$0x0], $0xffff  }
0x71d: {  	v2 =	vor.u32 $0xF, v0;
	_ =	sdelay $0x3  }
0x71e: {  	[tilespmem:s16+$0x11200] =	vst v1  }
0x71f: {  	v1 =	vld.idx.msk [tilespmem:v2+s2+$0x0], $0xffff  }
0x720: {  	v2 =	vor.u32 $0x10, v0;
	_ =	sdelay $0x3  }
0x721: {  	[tilespmem:s16+$0x11300] =	vst v1  }
0x722: {  	v1 =	vld.idx.msk [tilespmem:v2+s2+$0x0], $0xffff  }
0x723: {  	v2 =	vor.u32 $0x11, v0;
	_ =	sdelay $0x3  }
0x724: {  	[tilespmem:s16+$0x11400] =	vst v1  }
0x725: {  	v1 =	vld.idx.msk [tilespmem:v2+s2+$0x0], $0xffff  }
0x726: {  	v2 =	vor.u32 $0x12, v0;
	_ =	sdelay $0x3  }
0x727: {  	[tilespmem:s16+$0x11500] =	vst v1  }
0x728: {  	v1 =	vld.idx.msk [tilespmem:v2+s2+$0x0], $0xffff  }
0x729: {  	v2 =	vor.u32 $0x13, v0;
	_ =	sdelay $0x3  }
0x72a: {  	[tilespmem:s16+$0x11600] =	vst v1  }
0x72b: {  	v1 =	vld.idx.msk [tilespmem:v2+s2+$0x0], $0xffff  }
0x72c: {  	v2 =	vor.u32 $0x14, v0;
	_ =	sdelay $0x3  }
0x72d: {  	[tilespmem:s16+$0x11700] =	vst v1  }
0x72e: {  	v1 =	vld.idx.msk [tilespmem:v2+s2+$0x0], $0xffff  }
0x72f: {  	v2 =	vor.u32 $0x15, v0;
	_ =	sdelay $0x3  }
0x730: {  	[tilespmem:s16+$0x11800] =	vst v1  }
0x731: {  	v1 =	vld.idx.msk [tilespmem:v2+s2+$0x0], $0xffff  }
0x732: {  	v2 =	vor.u32 $0x16, v0;
	_ =	sdelay $0x3  }
0x733: {  	[tilespmem:s16+$0x11900] =	vst v1  }
0x734: {  	v1 =	vld.idx.msk [tilespmem:v2+s2+$0x0], $0xffff  }
0x735: {  	v2 =	vor.u32 $0x17, v0;
	_ =	sdelay $0x3  }
0x736: {  	[tilespmem:s16+$0x11A00] =	vst v1  }
0x737: {  	v1 =	vld.idx.msk [tilespmem:v2+s2+$0x0], $0xffff  }
0x738: {  	v2 =	vor.u32 $0x18, v0;
	_ =	sdelay $0x3  }
0x739: {  	[tilespmem:s16+$0x11B00] =	vst v1  }
0x73a: {  	v1 =	vld.idx.msk [tilespmem:v2+s2+$0x0], $0xffff  }
0x73b: {  	v2 =	vor.u32 $0x19, v0;
	_ =	sdelay $0x3  }
0x73c: {  	[tilespmem:s16+$0x11C00] =	vst v1  }
0x73d: {  	v1 =	vld.idx.msk [tilespmem:v2+s2+$0x0], $0xffff  }
0x73e: {  	v2 =	vor.u32 $0x1A, v0;
	_ =	sdelay $0x3  }
0x73f: {  	[tilespmem:s16+$0x11D00] =	vst v1  }
0x740: {  	v1 =	vld.idx.msk [tilespmem:v2+s2+$0x0], $0xffff  }
0x741: {  	v2 =	vor.u32 $0x1B, v0;
	_ =	sdelay $0x3  }
0x742: {  	[tilespmem:s16+$0x11E00] =	vst v1  }
0x743: {  	v1 =	vld.idx.msk [tilespmem:v2+s2+$0x0], $0xffff  }
0x744: {  	v2 =	vor.u32 $0x1C, v0;
	_ =	sdelay $0x3  }
0x745: {  	[tilespmem:s16+$0x11F00] =	vst v1  }
0x746: {  	v1 =	vld.idx.msk [tilespmem:v2+s2+$0x0], $0xffff  }
0x747: {  	v2 =	vor.u32 $0x1D, v0;
	_ =	sdelay $0x3  }
0x748: {  	[tilespmem:s16+$0x12000] =	vst v1  }
0x749: {  	v1 =	vld.idx.msk [tilespmem:v2+s2+$0x0], $0xffff  }
0x74a: {  	v2 =	vor.u32 $0x1E, v0;
	_ =	sdelay $0x3  }
0x74b: {  	[tilespmem:s16+$0x12100] =	vst v1  }
0x74c: {  	v1 =	vld.idx.msk [tilespmem:v2+s2+$0x0], $0xffff  }
0x74d: {  	v2 =	vor.u32 $0x1F, v0;
	_ =	sdelay $0x3  }
0x74e: {  	[tilespmem:s16+$0x12200] =	vst v1  }
0x74f: {  	v1 =	vld.idx.msk [tilespmem:v2+s2+$0x0], $0xffff  }
0x750: {  	v2 =	vor.u32 $0x20, v0;
	_ =	sdelay $0x3  }
0x751: {  	[tilespmem:s16+$0x12300] =	vst v1  }
0x752: {  	v1 =	vld.idx.msk [tilespmem:v2+s2+$0x0], $0xffff  }
0x753: {  	v2 =	vor.u32 $0x21, v0;
	_ =	sdelay $0x3  }
0x754: {  	[tilespmem:s16+$0x12400] =	vst v1  }
0x755: {  	v1 =	vld.idx.msk [tilespmem:v2+s2+$0x0], $0xffff  }
0x756: {  	v2 =	vor.u32 $0x22, v0;
	_ =	sdelay $0x3  }
0x757: {  	[tilespmem:s16+$0x12500] =	vst v1  }
0x758: {  	v1 =	vld.idx.msk [tilespmem:v2+s2+$0x0], $0xffff  }
0x759: {  	v2 =	vor.u32 $0x23, v0;
	_ =	sdelay $0x3  }
0x75a: {  	[tilespmem:s16+$0x12600] =	vst v1  }
0x75b: {  	v1 =	vld.idx.msk [tilespmem:v2+s2+$0x0], $0xffff  }
0x75c: {  	v2 =	vor.u32 $0x24, v0;
	_ =	sdelay $0x3  }
0x75d: {  	[tilespmem:s16+$0x12700] =	vst v1  }
0x75e: {  	v1 =	vld.idx.msk [tilespmem:v2+s2+$0x0], $0xffff  }
0x75f: {  	v2 =	vor.u32 $0x25, v0;
	_ =	sdelay $0x3  }
0x760: {  	[tilespmem:s16+$0x12800] =	vst v1  }
0x761: {  	v1 =	vld.idx.msk [tilespmem:v2+s2+$0x0], $0xffff  }
0x762: {  	v2 =	vor.u32 $0x26, v0;
	_ =	sdelay $0x3  }
0x763: {  	[tilespmem:s16+$0x12900] =	vst v1  }
0x764: {  	v1 =	vld.idx.msk [tilespmem:v2+s2+$0x0], $0xffff  }
0x765: {  	v2 =	vor.u32 $0x27, v0;
	_ =	sdelay $0x3  }
0x766: {  	[tilespmem:s16+$0x12A00] =	vst v1  }
0x767: {  	v1 =	vld.idx.msk [tilespmem:v2+s2+$0x0], $0xffff  }
0x768: {  	v2 =	vor.u32 $0x28, v0;
	_ =	sdelay $0x3  }
0x769: {  	[tilespmem:s16+$0x12B00] =	vst v1  }
0x76a: {  	v1 =	vld.idx.msk [tilespmem:v2+s2+$0x0], $0xffff  }
0x76b: {  	v2 =	vor.u32 $0x29, v0;
	_ =	sdelay $0x3  }
0x76c: {  	[tilespmem:s16+$0x12C00] =	vst v1  }
0x76d: {  	v1 =	vld.idx.msk [tilespmem:v2+s2+$0x0], $0xffff  }
0x76e: {  	v2 =	vor.u32 $0x2A, v0;
	_ =	sdelay $0x3  }
0x76f: {  	[tilespmem:s16+$0x12D00] =	vst v1  }
0x770: {  	v1 =	vld.idx.msk [tilespmem:v2+s2+$0x0], $0xffff  }
0x771: {  	v2 =	vor.u32 $0x2B, v0;
	_ =	sdelay $0x3  }
0x772: {  	[tilespmem:s16+$0x12E00] =	vst v1  }
0x773: {  	v1 =	vld.idx.msk [tilespmem:v2+s2+$0x0], $0xffff  }
0x774: {  	v2 =	vor.u32 $0x2C, v0;
	_ =	sdelay $0x3  }
0x775: {  	[tilespmem:s16+$0x12F00] =	vst v1  }
0x776: {  	v1 =	vld.idx.msk [tilespmem:v2+s2+$0x0], $0xffff  }
0x777: {  	v2 =	vor.u32 $0x2D, v0;
	_ =	sdelay $0x3  }
0x778: {  	[tilespmem:s16+$0x13000] =	vst v1  }
0x779: {  	v1 =	vld.idx.msk [tilespmem:v2+s2+$0x0], $0xffff  }
0x77a: {  	v2 =	vor.u32 $0x2E, v0;
	_ =	sdelay $0x3  }
0x77b: {  	[tilespmem:s16+$0x13100] =	vst v1  }
0x77c: {  	v1 =	vld.idx.msk [tilespmem:v2+s2+$0x0], $0xffff  }
0x77d: {  	v2 =	vor.u32 $0x2F, v0;
	_ =	sdelay $0x3  }
0x77e: {  	[tilespmem:s16+$0x13200] =	vst v1  }
0x77f: {  	v1 =	vld.idx.msk [tilespmem:v2+s2+$0x0], $0xffff  }
0x780: {  	v2 =	vor.u32 $0x30, v0;
	_ =	sdelay $0x3  }
0x781: {  	[tilespmem:s16+$0x13300] =	vst v1  }
0x782: {  	v1 =	vld.idx.msk [tilespmem:v2+s2+$0x0], $0xffff  }
0x783: {  	v2 =	vor.u32 $0x31, v0;
	_ =	sdelay $0x3  }
0x784: {  	[tilespmem:s16+$0x13400] =	vst v1  }
0x785: {  	v1 =	vld.idx.msk [tilespmem:v2+s2+$0x0], $0xffff  }
0x786: {  	v2 =	vor.u32 $0x32, v0;
	_ =	sdelay $0x3  }
0x787: {  	[tilespmem:s16+$0x13500] =	vst v1  }
0x788: {  	v1 =	vld.idx.msk [tilespmem:v2+s2+$0x0], $0xffff  }
0x789: {  	v2 =	vor.u32 $0x33, v0;
	_ =	sdelay $0x3  }
0x78a: {  	[tilespmem:s16+$0x13600] =	vst v1  }
0x78b: {  	v1 =	vld.idx.msk [tilespmem:v2+s2+$0x0], $0xffff  }
0x78c: {  	v2 =	vor.u32 $0x34, v0;
	_ =	sdelay $0x3  }
0x78d: {  	[tilespmem:s16+$0x13700] =	vst v1  }
0x78e: {  	v1 =	vld.idx.msk [tilespmem:v2+s2+$0x0], $0xffff  }
0x78f: {  	v2 =	vor.u32 $0x35, v0;
	_ =	sdelay $0x3  }
0x790: {  	[tilespmem:s16+$0x13800] =	vst v1  }
0x791: {  	v1 =	vld.idx.msk [tilespmem:v2+s2+$0x0], $0xffff  }
0x792: {  	v2 =	vor.u32 $0x36, v0;
	_ =	sdelay $0x3  }
0x793: {  	[tilespmem:s16+$0x13900] =	vst v1  }
0x794: {  	v1 =	vld.idx.msk [tilespmem:v2+s2+$0x0], $0xffff  }
0x795: {  	v2 =	vor.u32 $0x37, v0;
	_ =	sdelay $0x3  }
0x796: {  	[tilespmem:s16+$0x13A00] =	vst v1  }
0x797: {  	v1 =	vld.idx.msk [tilespmem:v2+s2+$0x0], $0xffff  }
0x798: {  	v2 =	vor.u32 $0x38, v0;
	_ =	sdelay $0x3  }
0x799: {  	[tilespmem:s16+$0x13B00] =	vst v1  }
0x79a: {  	v1 =	vld.idx.msk [tilespmem:v2+s2+$0x0], $0xffff  }
0x79b: {  	v2 =	vor.u32 $0x39, v0;
	_ =	sdelay $0x3  }
0x79c: {  	[tilespmem:s16+$0x13C00] =	vst v1  }
0x79d: {  	v1 =	vld.idx.msk [tilespmem:v2+s2+$0x0], $0xffff  }
0x79e: {  	v2 =	vor.u32 $0x3A, v0;
	_ =	sdelay $0x3  }
0x79f: {  	[tilespmem:s16+$0x13D00] =	vst v1  }
0x7a0: {  	v1 =	vld.idx.msk [tilespmem:v2+s2+$0x0], $0xffff  }
0x7a1: {  	v2 =	vor.u32 $0x3B, v0;
	_ =	sdelay $0x3  }
0x7a2: {  	[tilespmem:s16+$0x13E00] =	vst v1  }
0x7a3: {  	v1 =	vld.idx.msk [tilespmem:v2+s2+$0x0], $0xffff  }
0x7a4: {  	v2 =	vor.u32 $0x3C, v0;
	_ =	sdelay $0x3  }
0x7a5: {  	[tilespmem:s16+$0x13F00] =	vst v1  }
0x7a6: {  	v1 =	vld.idx.msk [tilespmem:v2+s2+$0x0], $0xffff  }
0x7a7: {  	v2 =	vor.u32 $0x3D, v0;
	_ =	sdelay $0x3  }
0x7a8: {  	[tilespmem:s16+$0x14000] =	vst v1  }
0x7a9: {  	v1 =	vld.idx.msk [tilespmem:v2+s2+$0x0], $0xffff  }
0x7aa: {  	v2 =	vor.u32 $0x3E, v0;
	_ =	sdelay $0x3  }
0x7ab: {  	[tilespmem:s16+$0x14100] =	vst v1  }
0x7ac: {  	v1 =	vld.idx.msk [tilespmem:v2+s2+$0x0], $0xffff  }
0x7ad: {  	v0 =	vor.u32 $0x3F, v0  }
0x7ae: {  	s17 =	simm.s32 $0x80;
	s18 =	simm.s32 $0x10  }
.LBB2_8:
0x7af: {  	p0 =	sne.s32 s17, $0x3C0;
	v2 =	vld [tilespmem:s18+$0x10300];
	_ =	sdelay $0x1  }
0x7b0: {  	[tilespmem:s16+$0x14200] =	vst v1  }
0x7b1: {  	v1 =	vld.idx.msk [tilespmem:v0+s2+$0x0], $0xffff;
	_ =	sdelay $0x1  }
0x7b2: {  	v0 =	vshll.u32 v2, $0x6;
	_ =	sdelay $0x3  }
0x7b3: {  	[tilespmem:s16+$0x14300] =	vst v1;
	s16 =	smov.u32 s18  }
0x7b4: {  	v1 =	vld.idx.msk [tilespmem:v0+s2+$0x0], $0xffff;
	_ =	sdelay $0x1  }
0x7b5: {  	v2 =	vor.u32 $0x1, v0;
	_ =	sdelay $0x3  }
0x7b6: {  	[tilespmem:s16+$0x10400] =	vst v1  }
0x7b7: {  	v1 =	vld.idx.msk [tilespmem:v2+s2+$0x0], $0xffff;
	_ =	sdelay $0x1  }
0x7b8: {  	v2 =	vor.u32 $0x2, v0;
	_ =	sdelay $0x3  }
0x7b9: {  	[tilespmem:s16+$0x10500] =	vst v1  }
0x7ba: {  	v1 =	vld.idx.msk [tilespmem:v2+s2+$0x0], $0xffff;
	_ =	sdelay $0x1  }
0x7bb: {  	v2 =	vor.u32 $0x3, v0;
	_ =	sdelay $0x3  }
0x7bc: {  	[tilespmem:s16+$0x10600] =	vst v1  }
0x7bd: {  	v1 =	vld.idx.msk [tilespmem:v2+s2+$0x0], $0xffff;
	_ =	sdelay $0x1  }
0x7be: {  	v2 =	vor.u32 $0x4, v0;
	_ =	sdelay $0x3  }
0x7bf: {  	[tilespmem:s16+$0x10700] =	vst v1  }
0x7c0: {  	v1 =	vld.idx.msk [tilespmem:v2+s2+$0x0], $0xffff;
	_ =	sdelay $0x1  }
0x7c1: {  	v2 =	vor.u32 $0x5, v0;
	_ =	sdelay $0x3  }
0x7c2: {  	[tilespmem:s16+$0x10800] =	vst v1  }
0x7c3: {  	v1 =	vld.idx.msk [tilespmem:v2+s2+$0x0], $0xffff;
	_ =	sdelay $0x1  }
0x7c4: {  	v2 =	vor.u32 $0x6, v0;
	_ =	sdelay $0x3  }
0x7c5: {  	[tilespmem:s16+$0x10900] =	vst v1  }
0x7c6: {  	v1 =	vld.idx.msk [tilespmem:v2+s2+$0x0], $0xffff;
	_ =	sdelay $0x1  }
0x7c7: {  	v2 =	vor.u32 $0x7, v0;
	_ =	sdelay $0x3  }
0x7c8: {  	[tilespmem:s16+$0x10A00] =	vst v1  }
0x7c9: {  	v1 =	vld.idx.msk [tilespmem:v2+s2+$0x0], $0xffff;
	_ =	sdelay $0x1  }
0x7ca: {  	v2 =	vor.u32 $0x8, v0;
	_ =	sdelay $0x3  }
0x7cb: {  	[tilespmem:s16+$0x10B00] =	vst v1  }
0x7cc: {  	v1 =	vld.idx.msk [tilespmem:v2+s2+$0x0], $0xffff;
	_ =	sdelay $0x1  }
0x7cd: {  	v2 =	vor.u32 $0x9, v0;
	_ =	sdelay $0x3  }
0x7ce: {  	[tilespmem:s16+$0x10C00] =	vst v1  }
0x7cf: {  	v1 =	vld.idx.msk [tilespmem:v2+s2+$0x0], $0xffff;
	_ =	sdelay $0x1  }
0x7d0: {  	v2 =	vor.u32 $0xA, v0;
	_ =	sdelay $0x3  }
0x7d1: {  	[tilespmem:s16+$0x10D00] =	vst v1  }
0x7d2: {  	v1 =	vld.idx.msk [tilespmem:v2+s2+$0x0], $0xffff;
	_ =	sdelay $0x1  }
0x7d3: {  	v2 =	vor.u32 $0xB, v0;
	_ =	sdelay $0x3  }
0x7d4: {  	[tilespmem:s16+$0x10E00] =	vst v1  }
0x7d5: {  	v1 =	vld.idx.msk [tilespmem:v2+s2+$0x0], $0xffff;
	_ =	sdelay $0x1  }
0x7d6: {  	v2 =	vor.u32 $0xC, v0;
	_ =	sdelay $0x3  }
0x7d7: {  	[tilespmem:s16+$0x10F00] =	vst v1  }
0x7d8: {  	v1 =	vld.idx.msk [tilespmem:v2+s2+$0x0], $0xffff;
	_ =	sdelay $0x1  }
0x7d9: {  	v2 =	vor.u32 $0xD, v0;
	_ =	sdelay $0x3  }
0x7da: {  	[tilespmem:s16+$0x11000] =	vst v1  }
0x7db: {  	v1 =	vld.idx.msk [tilespmem:v2+s2+$0x0], $0xffff;
	_ =	sdelay $0x1  }
0x7dc: {  	v2 =	vor.u32 $0xE, v0;
	_ =	sdelay $0x3  }
0x7dd: {  	[tilespmem:s16+$0x11100] =	vst v1  }
0x7de: {  	v1 =	vld.idx.msk [tilespmem:v2+s2+$0x0], $0xffff;
	_ =	sdelay $0x1  }
0x7df: {  	v2 =	vor.u32 $0xF, v0;
	_ =	sdelay $0x3  }
0x7e0: {  	[tilespmem:s16+$0x11200] =	vst v1  }
0x7e1: {  	v1 =	vld.idx.msk [tilespmem:v2+s2+$0x0], $0xffff;
	_ =	sdelay $0x1  }
0x7e2: {  	v2 =	vor.u32 $0x10, v0;
	_ =	sdelay $0x3  }
0x7e3: {  	[tilespmem:s16+$0x11300] =	vst v1  }
0x7e4: {  	v1 =	vld.idx.msk [tilespmem:v2+s2+$0x0], $0xffff;
	_ =	sdelay $0x1  }
0x7e5: {  	v2 =	vor.u32 $0x11, v0;
	_ =	sdelay $0x3  }
0x7e6: {  	[tilespmem:s16+$0x11400] =	vst v1  }
0x7e7: {  	v1 =	vld.idx.msk [tilespmem:v2+s2+$0x0], $0xffff;
	_ =	sdelay $0x1  }
0x7e8: {  	v2 =	vor.u32 $0x12, v0;
	_ =	sdelay $0x3  }
0x7e9: {  	[tilespmem:s16+$0x11500] =	vst v1  }
0x7ea: {  	v1 =	vld.idx.msk [tilespmem:v2+s2+$0x0], $0xffff;
	_ =	sdelay $0x1  }
0x7eb: {  	v2 =	vor.u32 $0x13, v0;
	_ =	sdelay $0x3  }
0x7ec: {  	[tilespmem:s16+$0x11600] =	vst v1  }
0x7ed: {  	v1 =	vld.idx.msk [tilespmem:v2+s2+$0x0], $0xffff;
	_ =	sdelay $0x1  }
0x7ee: {  	v2 =	vor.u32 $0x14, v0;
	_ =	sdelay $0x3  }
0x7ef: {  	[tilespmem:s16+$0x11700] =	vst v1  }
0x7f0: {  	v1 =	vld.idx.msk [tilespmem:v2+s2+$0x0], $0xffff;
	_ =	sdelay $0x1  }
0x7f1: {  	v2 =	vor.u32 $0x15, v0;
	_ =	sdelay $0x3  }
0x7f2: {  	[tilespmem:s16+$0x11800] =	vst v1  }
0x7f3: {  	v1 =	vld.idx.msk [tilespmem:v2+s2+$0x0], $0xffff;
	_ =	sdelay $0x1  }
0x7f4: {  	v2 =	vor.u32 $0x16, v0;
	_ =	sdelay $0x3  }
0x7f5: {  	[tilespmem:s16+$0x11900] =	vst v1  }
0x7f6: {  	v1 =	vld.idx.msk [tilespmem:v2+s2+$0x0], $0xffff;
	_ =	sdelay $0x1  }
0x7f7: {  	v2 =	vor.u32 $0x17, v0;
	_ =	sdelay $0x3  }
0x7f8: {  	[tilespmem:s16+$0x11A00] =	vst v1  }
0x7f9: {  	v1 =	vld.idx.msk [tilespmem:v2+s2+$0x0], $0xffff;
	_ =	sdelay $0x1  }
0x7fa: {  	v2 =	vor.u32 $0x18, v0;
	_ =	sdelay $0x3  }
0x7fb: {  	[tilespmem:s16+$0x11B00] =	vst v1  }
0x7fc: {  	v1 =	vld.idx.msk [tilespmem:v2+s2+$0x0], $0xffff;
	_ =	sdelay $0x1  }
0x7fd: {  	v2 =	vor.u32 $0x19, v0;
	_ =	sdelay $0x3  }
0x7fe: {  	[tilespmem:s16+$0x11C00] =	vst v1  }
0x7ff: {  	v1 =	vld.idx.msk [tilespmem:v2+s2+$0x0], $0xffff;
	_ =	sdelay $0x1  }
0x800: {  	v2 =	vor.u32 $0x1A, v0;
	_ =	sdelay $0x3  }
0x801: {  	[tilespmem:s16+$0x11D00] =	vst v1  }
0x802: {  	v1 =	vld.idx.msk [tilespmem:v2+s2+$0x0], $0xffff;
	_ =	sdelay $0x1  }
0x803: {  	v2 =	vor.u32 $0x1B, v0;
	_ =	sdelay $0x3  }
0x804: {  	[tilespmem:s16+$0x11E00] =	vst v1  }
0x805: {  	v1 =	vld.idx.msk [tilespmem:v2+s2+$0x0], $0xffff;
	_ =	sdelay $0x1  }
0x806: {  	v2 =	vor.u32 $0x1C, v0;
	_ =	sdelay $0x3  }
0x807: {  	[tilespmem:s16+$0x11F00] =	vst v1  }
0x808: {  	v1 =	vld.idx.msk [tilespmem:v2+s2+$0x0], $0xffff;
	_ =	sdelay $0x1  }
0x809: {  	v2 =	vor.u32 $0x1D, v0;
	_ =	sdelay $0x3  }
0x80a: {  	[tilespmem:s16+$0x12000] =	vst v1  }
0x80b: {  	v1 =	vld.idx.msk [tilespmem:v2+s2+$0x0], $0xffff;
	_ =	sdelay $0x1  }
0x80c: {  	v2 =	vor.u32 $0x1E, v0;
	_ =	sdelay $0x3  }
0x80d: {  	[tilespmem:s16+$0x12100] =	vst v1  }
0x80e: {  	v1 =	vld.idx.msk [tilespmem:v2+s2+$0x0], $0xffff;
	_ =	sdelay $0x1  }
0x80f: {  	v2 =	vor.u32 $0x1F, v0;
	_ =	sdelay $0x3  }
0x810: {  	[tilespmem:s16+$0x12200] =	vst v1  }
0x811: {  	v1 =	vld.idx.msk [tilespmem:v2+s2+$0x0], $0xffff;
	_ =	sdelay $0x1  }
0x812: {  	v2 =	vor.u32 $0x20, v0;
	_ =	sdelay $0x3  }
0x813: {  	[tilespmem:s16+$0x12300] =	vst v1  }
0x814: {  	v1 =	vld.idx.msk [tilespmem:v2+s2+$0x0], $0xffff;
	_ =	sdelay $0x1  }
0x815: {  	v2 =	vor.u32 $0x21, v0;
	_ =	sdelay $0x3  }
0x816: {  	[tilespmem:s16+$0x12400] =	vst v1  }
0x817: {  	v1 =	vld.idx.msk [tilespmem:v2+s2+$0x0], $0xffff;
	_ =	sdelay $0x1  }
0x818: {  	v2 =	vor.u32 $0x22, v0;
	_ =	sdelay $0x3  }
0x819: {  	[tilespmem:s16+$0x12500] =	vst v1  }
0x81a: {  	v1 =	vld.idx.msk [tilespmem:v2+s2+$0x0], $0xffff;
	_ =	sdelay $0x1  }
0x81b: {  	v2 =	vor.u32 $0x23, v0;
	_ =	sdelay $0x3  }
0x81c: {  	[tilespmem:s16+$0x12600] =	vst v1  }
0x81d: {  	v1 =	vld.idx.msk [tilespmem:v2+s2+$0x0], $0xffff;
	_ =	sdelay $0x1  }
0x81e: {  	v2 =	vor.u32 $0x24, v0;
	_ =	sdelay $0x3  }
0x81f: {  	[tilespmem:s16+$0x12700] =	vst v1  }
0x820: {  	v1 =	vld.idx.msk [tilespmem:v2+s2+$0x0], $0xffff;
	_ =	sdelay $0x1  }
0x821: {  	v2 =	vor.u32 $0x25, v0;
	_ =	sdelay $0x3  }
0x822: {  	[tilespmem:s16+$0x12800] =	vst v1  }
0x823: {  	v1 =	vld.idx.msk [tilespmem:v2+s2+$0x0], $0xffff;
	_ =	sdelay $0x1  }
0x824: {  	v2 =	vor.u32 $0x26, v0;
	_ =	sdelay $0x3  }
0x825: {  	[tilespmem:s16+$0x12900] =	vst v1  }
0x826: {  	v1 =	vld.idx.msk [tilespmem:v2+s2+$0x0], $0xffff;
	_ =	sdelay $0x1  }
0x827: {  	v2 =	vor.u32 $0x27, v0;
	_ =	sdelay $0x3  }
0x828: {  	[tilespmem:s16+$0x12A00] =	vst v1  }
0x829: {  	v1 =	vld.idx.msk [tilespmem:v2+s2+$0x0], $0xffff;
	_ =	sdelay $0x1  }
0x82a: {  	v2 =	vor.u32 $0x28, v0;
	_ =	sdelay $0x3  }
0x82b: {  	[tilespmem:s16+$0x12B00] =	vst v1  }
0x82c: {  	v1 =	vld.idx.msk [tilespmem:v2+s2+$0x0], $0xffff;
	_ =	sdelay $0x1  }
0x82d: {  	v2 =	vor.u32 $0x29, v0;
	_ =	sdelay $0x3  }
0x82e: {  	[tilespmem:s16+$0x12C00] =	vst v1  }
0x82f: {  	v1 =	vld.idx.msk [tilespmem:v2+s2+$0x0], $0xffff;
	_ =	sdelay $0x1  }
0x830: {  	v2 =	vor.u32 $0x2A, v0;
	_ =	sdelay $0x3  }
0x831: {  	[tilespmem:s16+$0x12D00] =	vst v1  }
0x832: {  	v1 =	vld.idx.msk [tilespmem:v2+s2+$0x0], $0xffff;
	_ =	sdelay $0x1  }
0x833: {  	v2 =	vor.u32 $0x2B, v0;
	_ =	sdelay $0x3  }
0x834: {  	[tilespmem:s16+$0x12E00] =	vst v1  }
0x835: {  	v1 =	vld.idx.msk [tilespmem:v2+s2+$0x0], $0xffff;
	_ =	sdelay $0x1  }
0x836: {  	v2 =	vor.u32 $0x2C, v0;
	_ =	sdelay $0x3  }
0x837: {  	[tilespmem:s16+$0x12F00] =	vst v1  }
0x838: {  	v1 =	vld.idx.msk [tilespmem:v2+s2+$0x0], $0xffff;
	_ =	sdelay $0x1  }
0x839: {  	v2 =	vor.u32 $0x2D, v0;
	_ =	sdelay $0x3  }
0x83a: {  	[tilespmem:s16+$0x13000] =	vst v1  }
0x83b: {  	v1 =	vld.idx.msk [tilespmem:v2+s2+$0x0], $0xffff;
	_ =	sdelay $0x1  }
0x83c: {  	v2 =	vor.u32 $0x2E, v0;
	_ =	sdelay $0x3  }
0x83d: {  	[tilespmem:s16+$0x13100] =	vst v1  }
0x83e: {  	v1 =	vld.idx.msk [tilespmem:v2+s2+$0x0], $0xffff;
	_ =	sdelay $0x1  }
0x83f: {  	v2 =	vor.u32 $0x2F, v0;
	_ =	sdelay $0x3  }
0x840: {  	[tilespmem:s16+$0x13200] =	vst v1  }
0x841: {  	v1 =	vld.idx.msk [tilespmem:v2+s2+$0x0], $0xffff;
	_ =	sdelay $0x1  }
0x842: {  	v2 =	vor.u32 $0x30, v0;
	_ =	sdelay $0x3  }
0x843: {  	[tilespmem:s16+$0x13300] =	vst v1  }
0x844: {  	v1 =	vld.idx.msk [tilespmem:v2+s2+$0x0], $0xffff;
	_ =	sdelay $0x1  }
0x845: {  	v2 =	vor.u32 $0x31, v0;
	_ =	sdelay $0x3  }
0x846: {  	[tilespmem:s16+$0x13400] =	vst v1  }
0x847: {  	v1 =	vld.idx.msk [tilespmem:v2+s2+$0x0], $0xffff;
	_ =	sdelay $0x1  }
0x848: {  	v2 =	vor.u32 $0x32, v0;
	_ =	sdelay $0x3  }
0x849: {  	[tilespmem:s16+$0x13500] =	vst v1  }
0x84a: {  	v1 =	vld.idx.msk [tilespmem:v2+s2+$0x0], $0xffff;
	_ =	sdelay $0x1  }
0x84b: {  	v2 =	vor.u32 $0x33, v0;
	_ =	sdelay $0x3  }
0x84c: {  	[tilespmem:s16+$0x13600] =	vst v1  }
0x84d: {  	v1 =	vld.idx.msk [tilespmem:v2+s2+$0x0], $0xffff;
	_ =	sdelay $0x1  }
0x84e: {  	v2 =	vor.u32 $0x34, v0;
	_ =	sdelay $0x3  }
0x84f: {  	[tilespmem:s16+$0x13700] =	vst v1  }
0x850: {  	v1 =	vld.idx.msk [tilespmem:v2+s2+$0x0], $0xffff;
	_ =	sdelay $0x1  }
0x851: {  	v2 =	vor.u32 $0x35, v0;
	_ =	sdelay $0x3  }
0x852: {  	[tilespmem:s16+$0x13800] =	vst v1  }
0x853: {  	v1 =	vld.idx.msk [tilespmem:v2+s2+$0x0], $0xffff;
	_ =	sdelay $0x1  }
0x854: {  	v2 =	vor.u32 $0x36, v0;
	_ =	sdelay $0x3  }
0x855: {  	[tilespmem:s16+$0x13900] =	vst v1  }
0x856: {  	v1 =	vld.idx.msk [tilespmem:v2+s2+$0x0], $0xffff;
	_ =	sdelay $0x1  }
0x857: {  	v2 =	vor.u32 $0x37, v0;
	_ =	sdelay $0x3  }
0x858: {  	[tilespmem:s16+$0x13A00] =	vst v1  }
0x859: {  	v1 =	vld.idx.msk [tilespmem:v2+s2+$0x0], $0xffff;
	_ =	sdelay $0x1  }
0x85a: {  	v2 =	vor.u32 $0x38, v0;
	_ =	sdelay $0x3  }
0x85b: {  	[tilespmem:s16+$0x13B00] =	vst v1  }
0x85c: {  	v1 =	vld.idx.msk [tilespmem:v2+s2+$0x0], $0xffff;
	_ =	sdelay $0x1  }
0x85d: {  	v2 =	vor.u32 $0x39, v0;
	_ =	sdelay $0x3  }
0x85e: {  	[tilespmem:s16+$0x13C00] =	vst v1  }
0x85f: {  	v1 =	vld.idx.msk [tilespmem:v2+s2+$0x0], $0xffff;
	_ =	sdelay $0x1  }
0x860: {  	v2 =	vor.u32 $0x3A, v0;
	_ =	sdelay $0x3  }
0x861: {  	[tilespmem:s16+$0x13D00] =	vst v1  }
0x862: {  	v1 =	vld.idx.msk [tilespmem:v2+s2+$0x0], $0xffff;
	_ =	sdelay $0x1  }
0x863: {  	v2 =	vor.u32 $0x3B, v0;
	_ =	sdelay $0x3  }
0x864: {  	[tilespmem:s16+$0x13E00] =	vst v1  }
0x865: {  	v1 =	vld.idx.msk [tilespmem:v2+s2+$0x0], $0xffff;
	_ =	sdelay $0x1  }
0x866: {  	v2 =	vor.u32 $0x3C, v0;
	_ =	sdelay $0x3  }
0x867: {  	[tilespmem:s16+$0x13F00] =	vst v1  }
0x868: {  	v1 =	vld.idx.msk [tilespmem:v2+s2+$0x0], $0xffff;
	_ =	sdelay $0x1  }
0x869: {  	v2 =	vor.u32 $0x3D, v0;
	_ =	sdelay $0x3  }
0x86a: {  	[tilespmem:s16+$0x14000] =	vst v1  }
0x86b: {  	v1 =	vld.idx.msk [tilespmem:v2+s2+$0x0], $0xffff;
	_ =	sdelay $0x1  }
0x86c: {  	v2 =	vor.u32 $0x3E, v0;
	_ =	sdelay $0x3  }
.Ltmp3:
0x86d: {  	[tilespmem:s16+$0x14100] =	vst v1;
	(pc) =	sbr.rel @p0 .LBB2_8-.Ltmp3, $3  }
0x86e: {  	v1 =	vld.idx.msk [tilespmem:v2+s2+$0x0], $0xffff;
	_ =	sdelay $0x1  }
0x86f: {  	v0 =	vor.u32 $0x3F, v0  }
0x870: {  	s18 =	sshra.s32 s17, $0x2;
	s17 =	sadd.s32 $0x40, s17  }
0x871: {  	v2 =	vld [tilespmem:s18+$0x10300];
	_ =	sdelay $0x2  }
0x872: {  	[tilespmem:s16+$0x14200] =	vst v1  }
0x873: {  	v1 =	vld.idx.msk [tilespmem:v0+s2+$0x0], $0xffff  }
0x874: {  	v0 =	vshll.u32 v2, $0x6;
	_ =	sdelay $0x3  }
0x875: {  	[tilespmem:s16+$0x14300] =	vst v1  }
0x876: {  	v1 =	vld.idx.msk [tilespmem:v0+s2+$0x0], $0xffff  }
0x877: {  	v2 =	vor.u32 $0x1, v0;
	_ =	sdelay $0x3  }
0x878: {  	[tilespmem:s18+$0x10400] =	vst v1  }
0x879: {  	v1 =	vld.idx.msk [tilespmem:v2+s2+$0x0], $0xffff  }
0x87a: {  	v63 =	vor.u32 $0x2, v0;
	_ =	sdelay $0x3  }
0x87b: {  	[tilespmem:s18+$0x10500] =	vst v1  }
0x87c: {  	v1 =	vld.idx.msk [tilespmem:v63+s2+$0x0], $0xffff  }
0x87d: {  	v4 =	vor.u32 $0x3, v0;
	_ =	sdelay $0x3  }
0x87e: {  	[tilespmem:s18+$0x10600] =	vst v1  }
0x87f: {  	v1 =	vld.idx.msk [tilespmem:v4+s2+$0x0], $0xffff  }
0x880: {  	v5 =	vor.u32 $0x4, v0;
	_ =	sdelay $0x3  }
0x881: {  	[tilespmem:s18+$0x10700] =	vst v1  }
0x882: {  	v1 =	vld.idx.msk [tilespmem:v5+s2+$0x0], $0xffff  }
0x883: {  	v6 =	vor.u32 $0x5, v0;
	_ =	sdelay $0x3  }
0x884: {  	[tilespmem:s18+$0x10800] =	vst v1  }
0x885: {  	v1 =	vld.idx.msk [tilespmem:v6+s2+$0x0], $0xffff  }
0x886: {  	v7 =	vor.u32 $0x6, v0;
	_ =	sdelay $0x3  }
0x887: {  	[tilespmem:s18+$0x10900] =	vst v1  }
0x888: {  	v1 =	vld.idx.msk [tilespmem:v7+s2+$0x0], $0xffff  }
0x889: {  	v8 =	vor.u32 $0x7, v0;
	_ =	sdelay $0x3  }
0x88a: {  	[tilespmem:s18+$0x10A00] =	vst v1  }
0x88b: {  	v1 =	vld.idx.msk [tilespmem:v8+s2+$0x0], $0xffff  }
0x88c: {  	v9 =	vor.u32 $0x8, v0;
	_ =	sdelay $0x3  }
0x88d: {  	[tilespmem:s18+$0x10B00] =	vst v1  }
0x88e: {  	v1 =	vld.idx.msk [tilespmem:v9+s2+$0x0], $0xffff  }
0x88f: {  	v10 =	vor.u32 $0x9, v0;
	_ =	sdelay $0x3  }
0x890: {  	[tilespmem:s18+$0x10C00] =	vst v1  }
0x891: {  	v1 =	vld.idx.msk [tilespmem:v10+s2+$0x0], $0xffff  }
0x892: {  	v11 =	vor.u32 $0xA, v0;
	_ =	sdelay $0x3  }
0x893: {  	[tilespmem:s18+$0x10D00] =	vst v1  }
0x894: {  	v1 =	vld.idx.msk [tilespmem:v11+s2+$0x0], $0xffff  }
0x895: {  	v12 =	vor.u32 $0xB, v0;
	_ =	sdelay $0x3  }
0x896: {  	[tilespmem:s18+$0x10E00] =	vst v1  }
0x897: {  	v1 =	vld.idx.msk [tilespmem:v12+s2+$0x0], $0xffff  }
0x898: {  	v13 =	vor.u32 $0xC, v0;
	_ =	sdelay $0x3  }
0x899: {  	[tilespmem:s18+$0x10F00] =	vst v1  }
0x89a: {  	v1 =	vld.idx.msk [tilespmem:v13+s2+$0x0], $0xffff  }
0x89b: {  	v14 =	vor.u32 $0xD, v0;
	_ =	sdelay $0x3  }
0x89c: {  	[tilespmem:s18+$0x11000] =	vst v1  }
0x89d: {  	v1 =	vld.idx.msk [tilespmem:v14+s2+$0x0], $0xffff  }
0x89e: {  	v15 =	vor.u32 $0xE, v0;
	_ =	sdelay $0x3  }
0x89f: {  	[tilespmem:s18+$0x11100] =	vst v1  }
0x8a0: {  	v1 =	vld.idx.msk [tilespmem:v15+s2+$0x0], $0xffff  }
0x8a1: {  	v16 =	vor.u32 $0xF, v0;
	_ =	sdelay $0x3  }
0x8a2: {  	[tilespmem:s18+$0x11200] =	vst v1  }
0x8a3: {  	v1 =	vld.idx.msk [tilespmem:v16+s2+$0x0], $0xffff  }
0x8a4: {  	v17 =	vor.u32 $0x10, v0;
	_ =	sdelay $0x3  }
0x8a5: {  	[tilespmem:s18+$0x11300] =	vst v1  }
0x8a6: {  	v1 =	vld.idx.msk [tilespmem:v17+s2+$0x0], $0xffff  }
0x8a7: {  	v18 =	vor.u32 $0x11, v0;
	_ =	sdelay $0x3  }
0x8a8: {  	[tilespmem:s18+$0x11400] =	vst v1  }
0x8a9: {  	v1 =	vld.idx.msk [tilespmem:v18+s2+$0x0], $0xffff  }
0x8aa: {  	v19 =	vor.u32 $0x12, v0;
	_ =	sdelay $0x3  }
0x8ab: {  	[tilespmem:s18+$0x11500] =	vst v1  }
0x8ac: {  	v1 =	vld.idx.msk [tilespmem:v19+s2+$0x0], $0xffff  }
0x8ad: {  	v20 =	vor.u32 $0x13, v0;
	_ =	sdelay $0x3  }
0x8ae: {  	[tilespmem:s18+$0x11600] =	vst v1  }
0x8af: {  	v1 =	vld.idx.msk [tilespmem:v20+s2+$0x0], $0xffff  }
0x8b0: {  	v21 =	vor.u32 $0x14, v0;
	_ =	sdelay $0x3  }
0x8b1: {  	[tilespmem:s18+$0x11700] =	vst v1  }
0x8b2: {  	v1 =	vld.idx.msk [tilespmem:v21+s2+$0x0], $0xffff  }
0x8b3: {  	v22 =	vor.u32 $0x15, v0;
	_ =	sdelay $0x3  }
0x8b4: {  	[tilespmem:s18+$0x11800] =	vst v1  }
0x8b5: {  	v1 =	vld.idx.msk [tilespmem:v22+s2+$0x0], $0xffff  }
0x8b6: {  	v23 =	vor.u32 $0x16, v0;
	_ =	sdelay $0x3  }
0x8b7: {  	[tilespmem:s18+$0x11900] =	vst v1  }
0x8b8: {  	v1 =	vld.idx.msk [tilespmem:v23+s2+$0x0], $0xffff  }
0x8b9: {  	v24 =	vor.u32 $0x17, v0;
	_ =	sdelay $0x3  }
0x8ba: {  	[tilespmem:s18+$0x11A00] =	vst v1  }
0x8bb: {  	v1 =	vld.idx.msk [tilespmem:v24+s2+$0x0], $0xffff  }
0x8bc: {  	v25 =	vor.u32 $0x18, v0;
	_ =	sdelay $0x3  }
0x8bd: {  	[tilespmem:s18+$0x11B00] =	vst v1  }
0x8be: {  	v1 =	vld.idx.msk [tilespmem:v25+s2+$0x0], $0xffff  }
0x8bf: {  	v26 =	vor.u32 $0x19, v0;
	_ =	sdelay $0x3  }
0x8c0: {  	[tilespmem:s18+$0x11C00] =	vst v1  }
0x8c1: {  	v1 =	vld.idx.msk [tilespmem:v26+s2+$0x0], $0xffff  }
0x8c2: {  	v27 =	vor.u32 $0x1A, v0;
	_ =	sdelay $0x3  }
0x8c3: {  	[tilespmem:s18+$0x11D00] =	vst v1  }
0x8c4: {  	v1 =	vld.idx.msk [tilespmem:v27+s2+$0x0], $0xffff  }
0x8c5: {  	v28 =	vor.u32 $0x1B, v0;
	_ =	sdelay $0x3  }
0x8c6: {  	[tilespmem:s18+$0x11E00] =	vst v1  }
0x8c7: {  	v1 =	vld.idx.msk [tilespmem:v28+s2+$0x0], $0xffff  }
0x8c8: {  	v29 =	vor.u32 $0x1C, v0;
	_ =	sdelay $0x3  }
0x8c9: {  	[tilespmem:s18+$0x11F00] =	vst v1  }
0x8ca: {  	v1 =	vld.idx.msk [tilespmem:v29+s2+$0x0], $0xffff  }
0x8cb: {  	v30 =	vor.u32 $0x1D, v0;
	_ =	sdelay $0x3  }
0x8cc: {  	[tilespmem:s18+$0x12000] =	vst v1  }
0x8cd: {  	v1 =	vld.idx.msk [tilespmem:v30+s2+$0x0], $0xffff  }
0x8ce: {  	v31 =	vor.u32 $0x1E, v0;
	_ =	sdelay $0x3  }
0x8cf: {  	[tilespmem:s18+$0x12100] =	vst v1  }
0x8d0: {  	v1 =	vld.idx.msk [tilespmem:v31+s2+$0x0], $0xffff  }
0x8d1: {  	v32 =	vor.u32 $0x1F, v0;
	_ =	sdelay $0x3  }
0x8d2: {  	[tilespmem:s18+$0x12200] =	vst v1  }
0x8d3: {  	v1 =	vld.idx.msk [tilespmem:v32+s2+$0x0], $0xffff  }
0x8d4: {  	v33 =	vor.u32 $0x20, v0;
	_ =	sdelay $0x3  }
0x8d5: {  	[tilespmem:s18+$0x12300] =	vst v1  }
0x8d6: {  	v1 =	vld.idx.msk [tilespmem:v33+s2+$0x0], $0xffff  }
0x8d7: {  	v34 =	vor.u32 $0x21, v0;
	_ =	sdelay $0x3  }
0x8d8: {  	[tilespmem:s18+$0x12400] =	vst v1  }
0x8d9: {  	v1 =	vld.idx.msk [tilespmem:v34+s2+$0x0], $0xffff  }
0x8da: {  	v35 =	vor.u32 $0x22, v0;
	_ =	sdelay $0x3  }
0x8db: {  	[tilespmem:s18+$0x12500] =	vst v1  }
0x8dc: {  	v1 =	vld.idx.msk [tilespmem:v35+s2+$0x0], $0xffff  }
0x8dd: {  	v36 =	vor.u32 $0x23, v0;
	_ =	sdelay $0x3  }
0x8de: {  	[tilespmem:s18+$0x12600] =	vst v1  }
0x8df: {  	v1 =	vld.idx.msk [tilespmem:v36+s2+$0x0], $0xffff  }
0x8e0: {  	v37 =	vor.u32 $0x24, v0;
	_ =	sdelay $0x3  }
0x8e1: {  	[tilespmem:s18+$0x12700] =	vst v1  }
0x8e2: {  	v1 =	vld.idx.msk [tilespmem:v37+s2+$0x0], $0xffff  }
0x8e3: {  	v38 =	vor.u32 $0x25, v0;
	_ =	sdelay $0x3  }
0x8e4: {  	[tilespmem:s18+$0x12800] =	vst v1  }
0x8e5: {  	v1 =	vld.idx.msk [tilespmem:v38+s2+$0x0], $0xffff  }
0x8e6: {  	v39 =	vor.u32 $0x26, v0;
	_ =	sdelay $0x3  }
0x8e7: {  	[tilespmem:s18+$0x12900] =	vst v1  }
0x8e8: {  	v1 =	vld.idx.msk [tilespmem:v39+s2+$0x0], $0xffff  }
0x8e9: {  	v40 =	vor.u32 $0x27, v0;
	_ =	sdelay $0x3  }
0x8ea: {  	[tilespmem:s18+$0x12A00] =	vst v1  }
0x8eb: {  	v1 =	vld.idx.msk [tilespmem:v40+s2+$0x0], $0xffff  }
0x8ec: {  	v41 =	vor.u32 $0x28, v0;
	_ =	sdelay $0x3  }
0x8ed: {  	[tilespmem:s18+$0x12B00] =	vst v1  }
0x8ee: {  	v1 =	vld.idx.msk [tilespmem:v41+s2+$0x0], $0xffff  }
0x8ef: {  	v42 =	vor.u32 $0x29, v0;
	_ =	sdelay $0x3  }
0x8f0: {  	[tilespmem:s18+$0x12C00] =	vst v1  }
0x8f1: {  	v1 =	vld.idx.msk [tilespmem:v42+s2+$0x0], $0xffff  }
0x8f2: {  	v43 =	vor.u32 $0x2A, v0;
	_ =	sdelay $0x3  }
0x8f3: {  	[tilespmem:s18+$0x12D00] =	vst v1  }
0x8f4: {  	v1 =	vld.idx.msk [tilespmem:v43+s2+$0x0], $0xffff  }
0x8f5: {  	v44 =	vor.u32 $0x2B, v0;
	_ =	sdelay $0x3  }
0x8f6: {  	[tilespmem:s18+$0x12E00] =	vst v1  }
0x8f7: {  	v1 =	vld.idx.msk [tilespmem:v44+s2+$0x0], $0xffff  }
0x8f8: {  	v45 =	vor.u32 $0x2C, v0;
	_ =	sdelay $0x3  }
0x8f9: {  	[tilespmem:s18+$0x12F00] =	vst v1  }
0x8fa: {  	v1 =	vld.idx.msk [tilespmem:v45+s2+$0x0], $0xffff  }
0x8fb: {  	v46 =	vor.u32 $0x2D, v0;
	_ =	sdelay $0x3  }
0x8fc: {  	[tilespmem:s18+$0x13000] =	vst v1  }
0x8fd: {  	v1 =	vld.idx.msk [tilespmem:v46+s2+$0x0], $0xffff  }
0x8fe: {  	v47 =	vor.u32 $0x2E, v0;
	_ =	sdelay $0x3  }
0x8ff: {  	[tilespmem:s18+$0x13100] =	vst v1  }
0x900: {  	v1 =	vld.idx.msk [tilespmem:v47+s2+$0x0], $0xffff  }
0x901: {  	v48 =	vor.u32 $0x2F, v0;
	_ =	sdelay $0x3  }
0x902: {  	[tilespmem:s18+$0x13200] =	vst v1  }
0x903: {  	v1 =	vld.idx.msk [tilespmem:v48+s2+$0x0], $0xffff  }
0x904: {  	v49 =	vor.u32 $0x30, v0;
	_ =	sdelay $0x3  }
0x905: {  	[tilespmem:s18+$0x13300] =	vst v1  }
0x906: {  	v1 =	vld.idx.msk [tilespmem:v49+s2+$0x0], $0xffff  }
0x907: {  	v50 =	vor.u32 $0x31, v0;
	_ =	sdelay $0x3  }
0x908: {  	[tilespmem:s18+$0x13400] =	vst v1  }
0x909: {  	v1 =	vld.idx.msk [tilespmem:v50+s2+$0x0], $0xffff  }
0x90a: {  	v51 =	vor.u32 $0x32, v0;
	_ =	sdelay $0x3  }
0x90b: {  	[tilespmem:s18+$0x13500] =	vst v1  }
0x90c: {  	v1 =	vld.idx.msk [tilespmem:v51+s2+$0x0], $0xffff  }
0x90d: {  	v52 =	vor.u32 $0x33, v0;
	_ =	sdelay $0x3  }
0x90e: {  	[tilespmem:s18+$0x13600] =	vst v1  }
0x90f: {  	v1 =	vld.idx.msk [tilespmem:v52+s2+$0x0], $0xffff  }
0x910: {  	v53 =	vor.u32 $0x34, v0;
	_ =	sdelay $0x3  }
0x911: {  	[tilespmem:s18+$0x13700] =	vst v1  }
0x912: {  	v1 =	vld.idx.msk [tilespmem:v53+s2+$0x0], $0xffff  }
0x913: {  	v54 =	vor.u32 $0x35, v0;
	_ =	sdelay $0x3  }
0x914: {  	[tilespmem:s18+$0x13800] =	vst v1  }
0x915: {  	v1 =	vld.idx.msk [tilespmem:v54+s2+$0x0], $0xffff  }
0x916: {  	v55 =	vor.u32 $0x36, v0;
	_ =	sdelay $0x3  }
0x917: {  	[tilespmem:s18+$0x13900] =	vst v1  }
0x918: {  	v1 =	vld.idx.msk [tilespmem:v55+s2+$0x0], $0xffff  }
0x919: {  	v56 =	vor.u32 $0x37, v0;
	_ =	sdelay $0x3  }
0x91a: {  	[tilespmem:s18+$0x13A00] =	vst v1  }
0x91b: {  	v1 =	vld.idx.msk [tilespmem:v56+s2+$0x0], $0xffff  }
0x91c: {  	v57 =	vor.u32 $0x38, v0;
	_ =	sdelay $0x3  }
0x91d: {  	[tilespmem:s18+$0x13B00] =	vst v1  }
0x91e: {  	v1 =	vld.idx.msk [tilespmem:v57+s2+$0x0], $0xffff  }
0x91f: {  	v58 =	vor.u32 $0x39, v0;
	_ =	sdelay $0x3  }
0x920: {  	[tilespmem:s18+$0x13C00] =	vst v1  }
0x921: {  	v1 =	vld.idx.msk [tilespmem:v58+s2+$0x0], $0xffff  }
0x922: {  	v59 =	vor.u32 $0x3A, v0;
	_ =	sdelay $0x3  }
0x923: {  	[tilespmem:s18+$0x13D00] =	vst v1  }
0x924: {  	v1 =	vld.idx.msk [tilespmem:v59+s2+$0x0], $0xffff  }
0x925: {  	v60 =	vor.u32 $0x3B, v0;
	_ =	sdelay $0x3  }
0x926: {  	[tilespmem:s18+$0x13E00] =	vst v1  }
0x927: {  	v1 =	vld.idx.msk [tilespmem:v60+s2+$0x0], $0xffff  }
0x928: {  	v61 =	vor.u32 $0x3C, v0;
	_ =	sdelay $0x3  }
0x929: {  	[tilespmem:s18+$0x13F00] =	vst v1  }
0x92a: {  	v1 =	vld.idx.msk [tilespmem:v61+s2+$0x0], $0xffff  }
0x92b: {  	v62 =	vor.u32 $0x3D, v0;
	_ =	sdelay $0x3  }
0x92c: {  	[tilespmem:s18+$0x14000] =	vst v1  }
0x92d: {  	v1 =	vld.idx.msk [tilespmem:v62+s2+$0x0], $0xffff  }
0x92e: {  	v63 =	vor.u32 $0x3E, v0;
	_ =	sdelay $0x3  }
0x92f: {  	[tilespmem:s18+$0x14100] =	vst v1  }
0x930: {  	v1 =	vld.idx.msk [tilespmem:v63+s2+$0x0], $0xffff  }
0x931: {  	v0 =	vor.u32 $0x3F, v0;
	_ =	sdelay $0x3  }
0x932: {  	[tilespmem:s18+$0x14200] =	vst v1  }
0x933: {  	v0 =	vld.idx.msk [tilespmem:v0+s2+$0x0], $0xffff;
	_ =	sdelay $0x2  }
0x934: {  	s15 =	sadd.s32 $0x1, s15  }
0x935: {  	p0 =	sne.s32 s15, s9  }
.Ltmp4:
0x936: {  	[tilespmem:s18+$0x14300] =	vst v0;
	(pc) =	sbr.rel @p0 .LBB2_1-.Ltmp4, $4  }
0x937: {  	[hbm4b:s8+s12] =	stream.strided.scatter [tilespmem:s14], [sflag:$0x1], $0x4000, s13, s12, $0x38;
	[tilespmem:$0x14400] =	vst v63  }
0x938: {  	_ =	swait.ge [sflag:s10], $0x4000  }
0x939: {  	[sflag:s10] =	ssyncset.done $0x0  }
0x93a: {  	[sflag:s10] =	ssyncadd.s32 $0xFFFFC000  }
0x93b: {  	_ =	sfence.sel $0x180000  }
0x93c: {  	[bflag:$0x0] =	sbarrier.arrive $0xFFFF  }
0x93d: {  	p0 =	sne.s32 s1, $0x0;
	_ =	strace $0x90000047  }
0x93e: {  	s0 =	sadd.s32 @!p0 $0x100000, s0;
	[bflag:$0x2] =	sbarrier.arrive $0xFFFF  }
0x93f: {  	[sflag:s0] =	ssyncadd.tile.s32 @!p0 $0x1;
	_ =	shalt  }
.Lfunc_end2:
_tile_overlayer_lowered:
.L_overlay_start_2:
0x940: {  	(tag) =	ssettag $0x2  }
0x941: {  	s0 =	rddreg [dreg:$0x0];
	s2 =	stileid.u32  }
0x942: {  	s1 =	rddreg [dreg:$0x1];
	p0 =	sne.s32 s2, $0x0  }
0x943: {  	s3 =	rddreg [dreg:$0x2];
	[bflag:$0x3] =	sbarrier.arrive $0xFFFF;
	s2 =	simm.s32 @!p0 $0x1C01  }
0x944: {  	[timem:s3], [sflag:s2] =	dma.local @!p0 [hbm:s0], s1  }
0x945: {  	s0 =	simm.s32 @!p0 $0x1  }
0x946: {  	_ =	swait.ge @!p0 [sflag:s0], s1  }
0x947: {  	s1 =	ssub.s32 @!p0 $0x0, s1;
	[sflag:s0] =	ssyncset.done @!p0 $0x0  }
0x948: {  	[sflag:s0] =	ssyncadd.s32 @!p0 s1  }
0x949: {  	[bflag:$0x3] =	sbarrier.arrive $0xFFFF  }
0x94a: {  	_ =	shalt  }

</sc_bundles>
